<compile_context>
chip_gen: v7x
topology: tpu7x:2x2x1
jax: 0.10.2.dev20260603
libtpu: 0.0.44.dev20260713+nightly
codegen_flags: <defaults>
</compile_context>

<pallas_src>
import functools

import jax
import jax.numpy as jnp
from jax import lax
from jax.experimental import pallas as pl
from jax.experimental.pallas import tpu as pltpu
from jax.experimental.pallas import tpu_sc as plsc

N_NODES = 10000
N_PAD = 10240
NC, NS = 2, 16
NW = NC * NS
CHUNK = 128
RB = 512
MAX_DEG = 5


NRING = 2


def _make_seg_sum(D, cpt0, cpt1):
  groups0, groups1 = cpt0 // NRING, cpt1 // NRING
  rows_per_tile = N_PAD // NS
  mesh = plsc.VectorSubcoreMesh(
      core_axis_name="c", subcore_axis_name="s", num_cores=NC, num_subcores=NS)

  @functools.partial(
      pl.kernel,
      out_type=(jax.ShapeDtypeStruct((N_PAD, D), jnp.float32),
                jax.ShapeDtypeStruct((N_PAD, D), jnp.float32)),
      mesh=mesh,
      compiler_params=pltpu.CompilerParams(use_tc_tiling_on_sc=False),
      scratch_types=[
          pltpu.VMEM_SHARED((N_PAD, D), jnp.float32),
          pltpu.VMEM((2, NRING, CHUNK), jnp.int32),
          pltpu.VMEM((2, NRING, CHUNK), jnp.int32),
          pltpu.VMEM((NRING, CHUNK, D), jnp.float32),
          pltpu.SemaphoreType.DMA,
          pltpu.SemaphoreType.DMA,
          pltpu.SemaphoreType.DMA,
      ],
  )
  def seg(x_hbm, src_hbm, dst_hbm, zero_hbm, h0_hbm, h1_hbm,
          hsh, sidx, didx, ring, gsem, ssem, isem):
    c = lax.axis_index("c")
    s = lax.axis_index("s")
    r0 = s * rows_per_tile
    g0row = jnp.where(c == 0, s * cpt0, NS * cpt0 + s * cpt1)
    groups = jnp.where(c == 0, groups0, groups1)

    pltpu.sync_copy(zero_hbm.at[pl.ds(r0, rows_per_tile)],
                    hsh.at[pl.ds(r0, rows_per_tile)])
    plsc.subcore_barrier()

    def idx_fetch(g, buf):
      row = g0row + g * NRING
      pltpu.async_copy(src_hbm.at[pl.ds(row, NRING)], sidx.at[buf], isem)
      pltpu.async_copy(dst_hbm.at[pl.ds(row, NRING)], didx.at[buf], isem)

    def idx_wait(buf):
      pltpu.make_async_copy(src_hbm.at[pl.ds(g0row, NRING)],
                            sidx.at[buf], isem).wait()
      pltpu.make_async_copy(dst_hbm.at[pl.ds(g0row, NRING)],
                            didx.at[buf], isem).wait()

    def gather(buf, j):
      pltpu.async_copy(x_hbm.at[sidx.at[buf, j]], ring.at[j], gsem)

    def gather_wait(j):
      pltpu.make_async_copy(x_hbm.at[sidx.at[0, 0]], ring.at[j], gsem).wait()

    def scat(buf, j):
      pltpu.async_copy(ring.at[j], hsh.at[didx.at[buf, j]], ssem, add=True)

    def scat_wait(j):
      pltpu.make_async_copy(ring.at[j], hsh.at[didx.at[0, 0]], ssem).wait()

    idx_fetch(0, 0)
    idx_wait(0)
    for j in range(NRING):
      gather(0, j)
    idx_fetch(1, 1)

    def body(g, carry):
      cb = lax.rem(g, 2)
      nb = 1 - cb
      for j in range(NRING):
        gather_wait(j)
        scat(cb, j)

      @pl.when(g + 1 < groups)
      def _():
        idx_wait(nb)
        for j in range(NRING):
          scat_wait(j)
          gather(nb, j)

        @pl.when(g + 2 < groups)
        def _():
          idx_fetch(g + 2, cb)

      return carry

    lax.fori_loop(0, groups, body, 0)
    for j in range(NRING):
      scat_wait(j)
    plsc.subcore_barrier()

    @pl.when(c == 0)
    def _():
      pltpu.sync_copy(hsh.at[pl.ds(r0, rows_per_tile)],
                      h0_hbm.at[pl.ds(r0, rows_per_tile)])

    @pl.when(c == 1)
    def _():
      pltpu.sync_copy(hsh.at[pl.ds(r0, rows_per_tile)],
                      h1_hbm.at[pl.ds(r0, rows_per_tile)])

  return seg


def _bucketed(h, x, degb, wl_ref, bl_ref, wr_ref):
  acc = jnp.zeros((h.shape[0], wl_ref.shape[2]), jnp.float32)
  for d in range(MAX_DEG + 1):
    r = (jnp.dot(h, wl_ref[d], preferred_element_type=jnp.float32)
         + jnp.dot(x, wr_ref[d], preferred_element_type=jnp.float32)
         + bl_ref[d][None, :])
    acc = jnp.where(degb == float(d), r, acc)
  return acc


def _layer1_body(h0, h1, xp, wl, bl, wr, out, degb_out):
  h = h0[...] + h1[...]
  degf = jnp.minimum(h[:, 29:30], float(MAX_DEG))
  degb = jnp.broadcast_to(degf, (h.shape[0], 128))
  out[...] = _bucketed(h, xp[...], degb, wl, bl, wr)
  degb_out[...] = degb


def _layer_mid_body(h0, h1, x, degb, wl, bl, wr, out):
  h = h0[...] + h1[...]
  out[...] = _bucketed(h, x[...], degb[...], wl, bl, wr)


def _layer4_body(h0, h1, x, degb, res2, wl, bl, wr, w1, b1, w2p, b2p, out):
  h = h0[...] + h1[...]
  res = _bucketed(h, x[...], degb[...], wl, bl, wr) + x[...] + res2[...]
  t = jnp.maximum(
      jnp.dot(res, w1[...], preferred_element_type=jnp.float32) + b1[...], 0.0)
  out[...] = (jnp.dot(t, w2p[...], preferred_element_type=jnp.float32)
              + b2p[...])


def _row_spec(dcols):
  return pl.BlockSpec((RB, dcols), lambda g: (g, 0))


def _full_spec(shape):
  nd = len(shape)
  return pl.BlockSpec(shape, lambda g: (0,) * nd)


def _tc_layer1(h0, h1, xp, wl, bl, wr):
  grid = (N_PAD // RB,)
  return pl.pallas_call(
      _layer1_body,
      grid=grid,
      in_specs=[_row_spec(32), _row_spec(32), _row_spec(32),
                _full_spec(wl.shape), _full_spec(bl.shape),
                _full_spec(wr.shape)],
      out_specs=[_row_spec(128), _row_spec(128)],
      out_shape=[jax.ShapeDtypeStruct((N_PAD, 128), jnp.float32)] * 2,
  )(h0, h1, xp, wl, bl, wr)


def _tc_layer_mid(h0, h1, x, degb, wl, bl, wr):
  grid = (N_PAD // RB,)
  return pl.pallas_call(
      _layer_mid_body,
      grid=grid,
      in_specs=[_row_spec(128)] * 4 + [_full_spec(wl.shape),
                                       _full_spec(bl.shape),
                                       _full_spec(wr.shape)],
      out_specs=_row_spec(128),
      out_shape=jax.ShapeDtypeStruct((N_PAD, 128), jnp.float32),
  )(h0, h1, x, degb, wl, bl, wr)


def _tc_layer4(h0, h1, x, degb, res2, wl, bl, wr, w1, b1, w2p, b2p):
  grid = (N_PAD // RB,)
  return pl.pallas_call(
      _layer4_body,
      grid=grid,
      in_specs=[_row_spec(128)] * 5 + [
          _full_spec(wl.shape), _full_spec(bl.shape), _full_spec(wr.shape),
          _full_spec(w1.shape), _full_spec(b1.shape), _full_spec(w2p.shape),
          _full_spec(b2p.shape)],
      out_specs=_row_spec(128),
      out_shape=jax.ShapeDtypeStruct((N_PAD, 128), jnp.float32),
  )(h0, h1, x, degb, res2, wl, bl, wr, w1, b1, w2p, b2p)


def kernel(x, edge_index, params):
  n, in_feat = x.shape
  e = edge_index.shape[1]
  t_chunks = -(-e // CHUNK)

  def split(f0):
    cpt0 = int(round(f0 * t_chunks / NS / NRING)) * NRING
    cpt1 = -(-(t_chunks - NS * cpt0) // (NS * NRING)) * NRING
    return cpt0, cpt1

  xp = jnp.zeros((N_PAD, 32), jnp.float32)
  xp = xp.at[:n, :in_feat].set(x)
  xp = xp.at[:n, 29].set(1.0)

  cpt0a, cpt1a = split(0.60)
  cpt0b, cpt1b = split(0.71)
  rows = NS * max(cpt0a + cpt1a, cpt0b + cpt1b)
  e_pad = rows * CHUNK
  src = jnp.concatenate(
      [edge_index[0], jnp.zeros((e_pad - e,), jnp.int32)]).reshape(-1, CHUNK)
  dst = jnp.concatenate(
      [edge_index[1], jnp.full((e_pad - e,), N_NODES, jnp.int32)]
  ).reshape(-1, CHUNK)

  z32 = jnp.zeros((N_PAD, 32), jnp.float32)
  z128 = jnp.zeros((N_PAD, 128), jnp.float32)

  def pad_wl1(w):
    return jnp.zeros((MAX_DEG + 1, 32, 128), jnp.float32).at[:, :in_feat].set(w)

  p1, p2, p3, p4 = (params["conv1"], params["conv2"], params["conv3"],
                    params["conv4"])
  wl1, wr1 = pad_wl1(p1["Wl"]), pad_wl1(p1["Wr"])
  w1, b1 = params["lin1"]
  w2, b2 = params["lin2"]
  w2p = jnp.zeros((128, 128), jnp.float32).at[:, :2].set(w2)
  b2p = jnp.zeros((1, 128), jnp.float32).at[0, :2].set(b2)
  b1r = b1.reshape(1, 128)

  seg32 = _make_seg_sum(32, cpt0a, cpt1a)
  seg128 = _make_seg_sum(128, cpt0b, cpt1b)

  h0, h1 = seg32(xp, src, dst, z32)
  out1, degb = _tc_layer1(h0, h1, xp, wl1, p1["bl"], wr1)

  h0, h1 = seg128(out1, src, dst, z128)
  out2 = _tc_layer_mid(h0, h1, out1, degb, p2["Wl"], p2["bl"], p2["Wr"])

  h0, h1 = seg128(out2, src, dst, z128)
  out3 = _tc_layer_mid(h0, h1, out2, degb, p3["Wl"], p3["bl"], p3["Wr"])

  h0, h1 = seg128(out3, src, dst, z128)
  y = _tc_layer4(h0, h1, out3, degb, out2, p4["Wl"], p4["bl"], p4["Wr"],
                 w1, b1r, w2p, b2p)

  return y[:n, :2]

# --- scband reference (transcript-rebuilt; emitter-appended) ---
"""Pipeline reference for scband-model-37520834298624 (READ-ONLY COPY).

The authoritative reference and input builder live on the scoring server;
editing this copy changes nothing except your own understanding.
"""

import jax, jax.numpy as jnp
import numpy as np

N_NODES = 10000
N_EDGES = 640000
IN_FEAT = 29
HID = 128
CLS_HID = 128
NUM_CLASSES = 2
MAX_DEG = 5

def _lin(key, fi, fo, bias=True):
    k1, k2 = jax.random.split(key)
    bound = 1.0 / np.sqrt(fi)
    W = jax.random.uniform(k1, (fi, fo), minval=-bound, maxval=bound, dtype=jnp.float32)
    if bias:
        b = jax.random.uniform(k2, (fo,), minval=-bound, maxval=bound, dtype=jnp.float32)
        return W, b
    return W

def _mf_params(key, fi, fo):
    ks = jax.random.split(key, 2 * (MAX_DEG + 1))
    Wl, bl, Wr = [], [], []
    for d in range(MAX_DEG + 1):
        W, b = _lin(ks[2 * d], fi, fo)
        Wl.append(W)
        bl.append(b)
        Wr.append(_lin(ks[2 * d + 1], fi, fo, bias=False))
    return {"Wl": jnp.stack(Wl), "bl": jnp.stack(bl), "Wr": jnp.stack(Wr)}

def setup_inputs(seed: int = 0):
    key = jax.random.key(seed)
    ks = jax.random.split(key, 8)
    x = jax.random.normal(ks[0], (N_NODES, IN_FEAT), dtype=jnp.float32)
    edge_index = jax.random.randint(ks[1], (2, N_EDGES), 0, N_NODES, dtype=jnp.int32)
    params = {
        "conv1": _mf_params(ks[2], IN_FEAT, HID),
        "conv2": _mf_params(ks[3], HID, HID),
        "conv3": _mf_params(ks[4], HID, HID),
        "conv4": _mf_params(ks[5], HID, HID),
        "lin1": _lin(ks[6], HID, CLS_HID),
        "lin2": _lin(ks[7], CLS_HID, NUM_CLASSES),
    }
    return {"x": x, "edge_index": edge_index, "params": params}

def _mfconv(x, src, dst, deg, p):
    N = x.shape[0]
    h = jax.ops.segment_sum(x[src], dst, num_segments=N)
    out = jnp.zeros((N, p["Wl"].shape[2]), dtype=x.dtype)
    for d in range(MAX_DEG + 1):
        r = h @ p["Wl"][d] + p["bl"][d] + x @ p["Wr"][d]
        out = jnp.where((deg == d)[:, None], r, out)
    return out

def reference(x, edge_index, params):
    src, dst = edge_index[0], edge_index[1]
    deg = jnp.clip(jnp.bincount(dst, length=N_NODES), 0, MAX_DEG)
    res = _mfconv(x, src, dst, deg, params["conv1"])
    res = _mfconv(res, src, dst, deg, params["conv2"])
    res2 = res
    res = _mfconv(res, src, dst, deg, params["conv3"])
    res3 = res
    res = _mfconv(res, src, dst, deg, params["conv4"])
    res = res + res3 + res2
    W1, b1 = params["lin1"]
    res = jax.nn.relu(res @ W1 + b1)
    W2, b2 = params["lin2"]
    return res @ W2 + b2

if __name__ == "__main__":
    import jax
    _d = setup_inputs()
    print(jax.jit(kernel)(*tuple(_d.values())))

</pallas_src>

<mosaic_0001>
#map = affine_map<(d0, d1) -> (0, 0)>
module attributes {stable_mosaic.version = 14 : i64} {
  func.func @seg(%arg0: i32, %arg1: i32, %arg2: memref<10240x128xf32, #tpu.memory_space<hbm>>, %arg3: memref<5024x128xi32, #tpu.memory_space<hbm>>, %arg4: memref<5024x128xi32, #tpu.memory_space<hbm>>, %arg5: memref<10240x128xf32, #tpu.memory_space<hbm>>, %arg6: memref<10240x128xf32, #tpu.memory_space<hbm>>, %arg7: memref<10240x128xf32, #tpu.memory_space<hbm>>, %arg8: memref<10240x128xf32, #tpu.memory_space<vmem_shared>>, %arg9: memref<2x2x128xi32, #tpu.memory_space<vmem>>, %arg10: memref<2x2x128xi32, #tpu.memory_space<vmem>>, %arg11: memref<2x128x128xf32, #tpu.memory_space<vmem>>, %arg12: memref<!tpu.dma_semaphore, #tpu.memory_space<semaphore_mem>>, %arg13: memref<!tpu.dma_semaphore, #tpu.memory_space<semaphore_mem>>, %arg14: memref<!tpu.dma_semaphore, #tpu.memory_space<semaphore_mem>>) attributes {dimension_semantics = [#tpu.dimension_semantics<core_parallel>, #tpu.dimension_semantics<subcore_parallel>], iteration_bounds = array<i64: 2, 16>, scalar_prefetch = 0 : i64, scratch_operands = 7 : i64, tpu.core_type = #tpu.core_type<sc_vector_subcore>, window_params = [{transform_indices = #map}, {transform_indices = #map}, {transform_indices = #map}, {transform_indices = #map}, {transform_indices = #map}, {transform_indices = #map}]} {
    %mul3A = arith.constant 640 : i32
    %mul3A_0 = arith.muli %arg1, %mul3A : i32
    %eq3A = arith.constant 0 : i32
    %eq3A_1 = arith.cmpi eq, %arg0, %eq3A : i32
    %mul3A_2 = arith.constant 222 : i32
    %mul3A_3 = arith.muli %arg1, %mul3A_2 : i32
    %mul3A_4 = arith.constant 92 : i32
    %mul3A_5 = arith.muli %arg1, %mul3A_4 : i32
    %add3A = arith.constant 3552 : i32
    %add3A_6 = arith.addi %add3A, %mul3A_5 : i32
    %select_n3A = arith.select %eq3A_1, %mul3A_3, %add3A_6 : i32
    %eq3A_7 = arith.constant 0 : i32
    %eq3A_8 = arith.cmpi eq, %arg0, %eq3A_7 : i32
    %jit3A = arith.constant 111 : i32
    %jit3A_9 = arith.constant 46 : i32
    %select_n3A_10 = arith.select %eq3A_8, %jit3A, %jit3A_9 : i32
    "tpu.region"() ({
      %run_scoped3A = tpu.sem_alloc : memref<!tpu.dma_semaphore, #tpu.memory_space<semaphore_mem>>
      %dma_start3A_161 = arith.constant 0 : i32
      %dma_start3A_162 = tpu.memref_slice %arg8[%mul3A_0, %dma_start3A_161] : memref<10240x128xf32, #tpu.memory_space<vmem_shared>> -> memref<640x128xf32, #tpu.memory_space<vmem_shared>>
      %dma_start3A_163 = arith.constant 0 : i32
      %dma_start3A_164 = tpu.memref_slice %arg5[%mul3A_0, %dma_start3A_163] : memref<10240x128xf32, #tpu.memory_space<hbm>> -> memref<640x128xf32, #tpu.memory_space<hbm>>
      tpu.enqueue_dma source(%dma_start3A_164 : memref<640x128xf32, #tpu.memory_space<hbm>>) target(%dma_start3A_162 : memref<640x128xf32, #tpu.memory_space<vmem_shared>>) target_semaphore(%run_scoped3A : memref<!tpu.dma_semaphore, #tpu.memory_space<semaphore_mem>>)
      %dma_wait3A_165 = arith.constant 0 : i32
      %dma_wait3A_166 = tpu.memref_slice %arg8[%mul3A_0, %dma_wait3A_165] : memref<10240x128xf32, #tpu.memory_space<vmem_shared>> -> memref<640x128xf32, #tpu.memory_space<vmem_shared>>
      %dma_wait3A_167 = arith.constant 0 : i32
      %dma_wait3A_168 = tpu.memref_slice %arg5[%mul3A_0, %dma_wait3A_167] : memref<10240x128xf32, #tpu.memory_space<hbm>> -> memref<640x128xf32, #tpu.memory_space<hbm>>
      tpu.wait_dma2 semaphore(%run_scoped3A : memref<!tpu.dma_semaphore, #tpu.memory_space<semaphore_mem>>) src(%dma_wait3A_168 : memref<640x128xf32, #tpu.memory_space<hbm>>) dst(%dma_wait3A_166 : memref<640x128xf32, #tpu.memory_space<vmem_shared>>)
      tpu.yield
    }) : () -> ()
    %barrier3A = arith.constant 0 : index
    tpu.barrier barrier_id(%barrier3A)
    %add3A_11 = arith.constant 0 : i32
    %add3A_12 = arith.addi %select_n3A, %add3A_11 : i32
    %dma_start3A = arith.constant 0 : i32
    %dma_start3A_13 = arith.constant 0 : i32
    %dma_start3A_14 = arith.constant 0 : i32
    %dma_start3A_15 = tpu.memref_slice %arg9[%dma_start3A, %dma_start3A_13, %dma_start3A_14] : memref<2x2x128xi32, #tpu.memory_space<vmem>> -> memref<1x2x128xi32, #tpu.memory_space<vmem>>
    %dma_start3A_16 = tpu.memref_squeeze %dma_start3A_15 : memref<1x2x128xi32, #tpu.memory_space<vmem>> -> memref<2x128xi32, #tpu.memory_space<vmem>>
    %dma_start3A_17 = arith.constant 0 : i32
    %dma_start3A_18 = tpu.memref_slice %arg3[%add3A_12, %dma_start3A_17] : memref<5024x128xi32, #tpu.memory_space<hbm>> -> memref<2x128xi32, #tpu.memory_space<hbm>>
    %dma_start3A_19 = arith.constant 0 : i32
    %dma_start3A_20 = arith.constant 0 : i32
    %dma_start3A_21 = tpu.memref_slice %arg9[%dma_start3A, %dma_start3A_19, %dma_start3A_20] : memref<2x2x128xi32, #tpu.memory_space<vmem>> -> memref<1x2x128xi32, #tpu.memory_space<vmem>>
    %dma_start3A_22 = tpu.memref_squeeze %dma_start3A_21 : memref<1x2x128xi32, #tpu.memory_space<vmem>> -> memref<2x128xi32, #tpu.memory_space<vmem>>
    %dma_start3A_23 = arith.constant 0 : i32
    %dma_start3A_24 = tpu.memref_slice %arg3[%add3A_12, %dma_start3A_23] : memref<5024x128xi32, #tpu.memory_space<hbm>> -> memref<2x128xi32, #tpu.memory_space<hbm>>
    tpu.enqueue_dma source(%dma_start3A_24 : memref<2x128xi32, #tpu.memory_space<hbm>>) target(%dma_start3A_22 : memref<2x128xi32, #tpu.memory_space<vmem>>) target_semaphore(%arg14 : memref<!tpu.dma_semaphore, #tpu.memory_space<semaphore_mem>>)
    %dma_start3A_25 = arith.constant 0 : i32
    %dma_start3A_26 = arith.constant 0 : i32
    %dma_start3A_27 = arith.constant 0 : i32
    %dma_start3A_28 = tpu.memref_slice %arg10[%dma_start3A_25, %dma_start3A_26, %dma_start3A_27] : memref<2x2x128xi32, #tpu.memory_space<vmem>> -> memref<1x2x128xi32, #tpu.memory_space<vmem>>
    %dma_start3A_29 = tpu.memref_squeeze %dma_start3A_28 : memref<1x2x128xi32, #tpu.memory_space<vmem>> -> memref<2x128xi32, #tpu.memory_space<vmem>>
    %dma_start3A_30 = arith.constant 0 : i32
    %dma_start3A_31 = tpu.memref_slice %arg4[%add3A_12, %dma_start3A_30] : memref<5024x128xi32, #tpu.memory_space<hbm>> -> memref<2x128xi32, #tpu.memory_space<hbm>>
    %dma_start3A_32 = arith.constant 0 : i32
    %dma_start3A_33 = arith.constant 0 : i32
    %dma_start3A_34 = tpu.memref_slice %arg10[%dma_start3A_25, %dma_start3A_32, %dma_start3A_33] : memref<2x2x128xi32, #tpu.memory_space<vmem>> -> memref<1x2x128xi32, #tpu.memory_space<vmem>>
    %dma_start3A_35 = tpu.memref_squeeze %dma_start3A_34 : memref<1x2x128xi32, #tpu.memory_space<vmem>> -> memref<2x128xi32, #tpu.memory_space<vmem>>
    %dma_start3A_36 = arith.constant 0 : i32
    %dma_start3A_37 = tpu.memref_slice %arg4[%add3A_12, %dma_start3A_36] : memref<5024x128xi32, #tpu.memory_space<hbm>> -> memref<2x128xi32, #tpu.memory_space<hbm>>
    tpu.enqueue_dma source(%dma_start3A_37 : memref<2x128xi32, #tpu.memory_space<hbm>>) target(%dma_start3A_35 : memref<2x128xi32, #tpu.memory_space<vmem>>) target_semaphore(%arg14 : memref<!tpu.dma_semaphore, #tpu.memory_space<semaphore_mem>>)
    %dma_wait3A = arith.constant 0 : i32
    %dma_wait3A_38 = arith.constant 0 : i32
    %dma_wait3A_39 = arith.constant 0 : i32
    %dma_wait3A_40 = tpu.memref_slice %arg9[%dma_wait3A, %dma_wait3A_38, %dma_wait3A_39] : memref<2x2x128xi32, #tpu.memory_space<vmem>> -> memref<1x2x128xi32, #tpu.memory_space<vmem>>
    %dma_wait3A_41 = tpu.memref_squeeze %dma_wait3A_40 : memref<1x2x128xi32, #tpu.memory_space<vmem>> -> memref<2x128xi32, #tpu.memory_space<vmem>>
    %dma_wait3A_42 = arith.constant 0 : i32
    %dma_wait3A_43 = tpu.memref_slice %arg3[%select_n3A, %dma_wait3A_42] : memref<5024x128xi32, #tpu.memory_space<hbm>> -> memref<2x128xi32, #tpu.memory_space<hbm>>
    %dma_wait3A_44 = arith.constant 0 : i32
    %dma_wait3A_45 = arith.constant 0 : i32
    %dma_wait3A_46 = tpu.memref_slice %arg9[%dma_wait3A, %dma_wait3A_44, %dma_wait3A_45] : memref<2x2x128xi32, #tpu.memory_space<vmem>> -> memref<1x2x128xi32, #tpu.memory_space<vmem>>
    %dma_wait3A_47 = tpu.memref_squeeze %dma_wait3A_46 : memref<1x2x128xi32, #tpu.memory_space<vmem>> -> memref<2x128xi32, #tpu.memory_space<vmem>>
    %dma_wait3A_48 = arith.constant 0 : i32
    %dma_wait3A_49 = tpu.memref_slice %arg3[%select_n3A, %dma_wait3A_48] : memref<5024x128xi32, #tpu.memory_space<hbm>> -> memref<2x128xi32, #tpu.memory_space<hbm>>
    tpu.wait_dma2 semaphore(%arg14 : memref<!tpu.dma_semaphore, #tpu.memory_space<semaphore_mem>>) src(%dma_wait3A_49 : memref<2x128xi32, #tpu.memory_space<hbm>>) dst(%dma_wait3A_47 : memref<2x128xi32, #tpu.memory_space<vmem>>)
    %dma_wait3A_50 = arith.constant 0 : i32
    %dma_wait3A_51 = arith.constant 0 : i32
    %dma_wait3A_52 = arith.constant 0 : i32
    %dma_wait3A_53 = tpu.memref_slice %arg10[%dma_wait3A_50, %dma_wait3A_51, %dma_wait3A_52] : memref<2x2x128xi32, #tpu.memory_space<vmem>> -> memref<1x2x128xi32, #tpu.memory_space<vmem>>
    %dma_wait3A_54 = tpu.memref_squeeze %dma_wait3A_53 : memref<1x2x128xi32, #tpu.memory_space<vmem>> -> memref<2x128xi32, #tpu.memory_space<vmem>>
    %dma_wait3A_55 = arith.constant 0 : i32
    %dma_wait3A_56 = tpu.memref_slice %arg4[%select_n3A, %dma_wait3A_55] : memref<5024x128xi32, #tpu.memory_space<hbm>> -> memref<2x128xi32, #tpu.memory_space<hbm>>
    %dma_wait3A_57 = arith.constant 0 : i32
    %dma_wait3A_58 = arith.constant 0 : i32
    %dma_wait3A_59 = tpu.memref_slice %arg10[%dma_wait3A_50, %dma_wait3A_57, %dma_wait3A_58] : memref<2x2x128xi32, #tpu.memory_space<vmem>> -> memref<1x2x128xi32, #tpu.memory_space<vmem>>
    %dma_wait3A_60 = tpu.memref_squeeze %dma_wait3A_59 : memref<1x2x128xi32, #tpu.memory_space<vmem>> -> memref<2x128xi32, #tpu.memory_space<vmem>>
    %dma_wait3A_61 = arith.constant 0 : i32
    %dma_wait3A_62 = tpu.memref_slice %arg4[%select_n3A, %dma_wait3A_61] : memref<5024x128xi32, #tpu.memory_space<hbm>> -> memref<2x128xi32, #tpu.memory_space<hbm>>
    tpu.wait_dma2 semaphore(%arg14 : memref<!tpu.dma_semaphore, #tpu.memory_space<semaphore_mem>>) src(%dma_wait3A_62 : memref<2x128xi32, #tpu.memory_space<hbm>>) dst(%dma_wait3A_60 : memref<2x128xi32, #tpu.memory_space<vmem>>)
    %dma_start3A_63 = arith.constant 0 : i32
    %dma_start3A_64 = arith.constant 0 : i32
    %dma_start3A_65 = arith.constant 0 : i32
    %dma_start3A_66 = arith.constant 0 : i32
    %dma_start3A_67 = arith.constant 0 : i32
    %dma_start3A_68 = tpu.memref_slice %arg11[%dma_start3A_65, %dma_start3A_66, %dma_start3A_67] : memref<2x128x128xf32, #tpu.memory_space<vmem>> -> memref<1x128x128xf32, #tpu.memory_space<vmem>>
    %dma_start3A_69 = tpu.memref_squeeze %dma_start3A_68 : memref<1x128x128xf32, #tpu.memory_space<vmem>> -> memref<128x128xf32, #tpu.memory_space<vmem>>
    %dma_start3A_70 = arith.constant 0 : i32
    %dma_start3A_71 = tpu.memref_slice %arg9[%dma_start3A_63, %dma_start3A_64, %dma_start3A_70] : memref<2x2x128xi32, #tpu.memory_space<vmem>> -> memref<1x1x128xi32, #tpu.memory_space<vmem>>
    %dma_start3A_72 = tpu.memref_squeeze %dma_start3A_71 : memref<1x1x128xi32, #tpu.memory_space<vmem>> -> memref<128xi32, #tpu.memory_space<vmem>>
    %dma_start3A_73 = arith.constant 0 : i32
    %dma_start3A_74 = arith.constant 0 : i32
    %dma_start3A_75 = tpu.memref_slice %arg2[%dma_start3A_73, %dma_start3A_74] : memref<10240x128xf32, #tpu.memory_space<hbm>> -> memref<10240x128xf32, #tpu.memory_space<hbm>>
    tpu.enqueue_indirect_dma source(%dma_start3A_75 : memref<10240x128xf32, #tpu.memory_space<hbm>>) target(%dma_start3A_69 : memref<128x128xf32, #tpu.memory_space<vmem>>) offsets(%dma_start3A_72 : memref<128xi32, #tpu.memory_space<vmem>>) semaphore(%arg12 : memref<!tpu.dma_semaphore, #tpu.memory_space<semaphore_mem>>)
    %dma_start3A_76 = arith.constant 0 : i32
    %dma_start3A_77 = arith.constant 1 : i32
    %dma_start3A_78 = arith.constant 1 : i32
    %dma_start3A_79 = arith.constant 0 : i32
    %dma_start3A_80 = arith.constant 0 : i32
    %dma_start3A_81 = tpu.memref_slice %arg11[%dma_start3A_78, %dma_start3A_79, %dma_start3A_80] : memref<2x128x128xf32, #tpu.memory_space<vmem>> -> memref<1x128x128xf32, #tpu.memory_space<vmem>>
    %dma_start3A_82 = tpu.memref_squeeze %dma_start3A_81 : memref<1x128x128xf32, #tpu.memory_space<vmem>> -> memref<128x128xf32, #tpu.memory_space<vmem>>
    %dma_start3A_83 = arith.constant 0 : i32
    %dma_start3A_84 = tpu.memref_slice %arg9[%dma_start3A_76, %dma_start3A_77, %dma_start3A_83] : memref<2x2x128xi32, #tpu.memory_space<vmem>> -> memref<1x1x128xi32, #tpu.memory_space<vmem>>
    %dma_start3A_85 = tpu.memref_squeeze %dma_start3A_84 : memref<1x1x128xi32, #tpu.memory_space<vmem>> -> memref<128xi32, #tpu.memory_space<vmem>>
    %dma_start3A_86 = arith.constant 0 : i32
    %dma_start3A_87 = arith.constant 0 : i32
    %dma_start3A_88 = tpu.memref_slice %arg2[%dma_start3A_86, %dma_start3A_87] : memref<10240x128xf32, #tpu.memory_space<hbm>> -> memref<10240x128xf32, #tpu.memory_space<hbm>>
    tpu.enqueue_indirect_dma source(%dma_start3A_88 : memref<10240x128xf32, #tpu.memory_space<hbm>>) target(%dma_start3A_82 : memref<128x128xf32, #tpu.memory_space<vmem>>) offsets(%dma_start3A_85 : memref<128xi32, #tpu.memory_space<vmem>>) semaphore(%arg12 : memref<!tpu.dma_semaphore, #tpu.memory_space<semaphore_mem>>)
    %add3A_89 = arith.constant 2 : i32
    %add3A_90 = arith.addi %select_n3A, %add3A_89 : i32
    %dma_start3A_91 = arith.constant 1 : i32
    %dma_start3A_92 = arith.constant 0 : i32
    %dma_start3A_93 = arith.constant 0 : i32
    %dma_start3A_94 = tpu.memref_slice %arg9[%dma_start3A_91, %dma_start3A_92, %dma_start3A_93] : memref<2x2x128xi32, #tpu.memory_space<vmem>> -> memref<1x2x128xi32, #tpu.memory_space<vmem>>
    %dma_start3A_95 = tpu.memref_squeeze %dma_start3A_94 : memref<1x2x128xi32, #tpu.memory_space<vmem>> -> memref<2x128xi32, #tpu.memory_space<vmem>>
    %dma_start3A_96 = arith.constant 0 : i32
    %dma_start3A_97 = tpu.memref_slice %arg3[%add3A_90, %dma_start3A_96] : memref<5024x128xi32, #tpu.memory_space<hbm>> -> memref<2x128xi32, #tpu.memory_space<hbm>>
    %dma_start3A_98 = arith.constant 0 : i32
    %dma_start3A_99 = arith.constant 0 : i32
    %dma_start3A_100 = tpu.memref_slice %arg9[%dma_start3A_91, %dma_start3A_98, %dma_start3A_99] : memref<2x2x128xi32, #tpu.memory_space<vmem>> -> memref<1x2x128xi32, #tpu.memory_space<vmem>>
    %dma_start3A_101 = tpu.memref_squeeze %dma_start3A_100 : memref<1x2x128xi32, #tpu.memory_space<vmem>> -> memref<2x128xi32, #tpu.memory_space<vmem>>
    %dma_start3A_102 = arith.constant 0 : i32
    %dma_start3A_103 = tpu.memref_slice %arg3[%add3A_90, %dma_start3A_102] : memref<5024x128xi32, #tpu.memory_space<hbm>> -> memref<2x128xi32, #tpu.memory_space<hbm>>
    tpu.enqueue_dma source(%dma_start3A_103 : memref<2x128xi32, #tpu.memory_space<hbm>>) target(%dma_start3A_101 : memref<2x128xi32, #tpu.memory_space<vmem>>) target_semaphore(%arg14 : memref<!tpu.dma_semaphore, #tpu.memory_space<semaphore_mem>>)
    %dma_start3A_104 = arith.constant 1 : i32
    %dma_start3A_105 = arith.constant 0 : i32
    %dma_start3A_106 = arith.constant 0 : i32
    %dma_start3A_107 = tpu.memref_slice %arg10[%dma_start3A_104, %dma_start3A_105, %dma_start3A_106] : memref<2x2x128xi32, #tpu.memory_space<vmem>> -> memref<1x2x128xi32, #tpu.memory_space<vmem>>
    %dma_start3A_108 = tpu.memref_squeeze %dma_start3A_107 : memref<1x2x128xi32, #tpu.memory_space<vmem>> -> memref<2x128xi32, #tpu.memory_space<vmem>>
    %dma_start3A_109 = arith.constant 0 : i32
    %dma_start3A_110 = tpu.memref_slice %arg4[%add3A_90, %dma_start3A_109] : memref<5024x128xi32, #tpu.memory_space<hbm>> -> memref<2x128xi32, #tpu.memory_space<hbm>>
    %dma_start3A_111 = arith.constant 0 : i32
    %dma_start3A_112 = arith.constant 0 : i32
    %dma_start3A_113 = tpu.memref_slice %arg10[%dma_start3A_104, %dma_start3A_111, %dma_start3A_112] : memref<2x2x128xi32, #tpu.memory_space<vmem>> -> memref<1x2x128xi32, #tpu.memory_space<vmem>>
    %dma_start3A_114 = tpu.memref_squeeze %dma_start3A_113 : memref<1x2x128xi32, #tpu.memory_space<vmem>> -> memref<2x128xi32, #tpu.memory_space<vmem>>
    %dma_start3A_115 = arith.constant 0 : i32
    %dma_start3A_116 = tpu.memref_slice %arg4[%add3A_90, %dma_start3A_115] : memref<5024x128xi32, #tpu.memory_space<hbm>> -> memref<2x128xi32, #tpu.memory_space<hbm>>
    tpu.enqueue_dma source(%dma_start3A_116 : memref<2x128xi32, #tpu.memory_space<hbm>>) target(%dma_start3A_114 : memref<2x128xi32, #tpu.memory_space<vmem>>) target_semaphore(%arg14 : memref<!tpu.dma_semaphore, #tpu.memory_space<semaphore_mem>>)
    %while3A = arith.constant 0 : i32
    %while3A_117 = arith.constant 0 : i32
    %while3A_118 = arith.subi %select_n3A_10, %while3A_117 : i32
    %while3A_119 = arith.addi %while3A_117, %while3A_118 : i32
    %while3A_120 = arith.constant 1 : i32
    %while3A_121 = arith.divsi %while3A_118, %while3A_120 : i32
    %while3A_122 = arith.muli %while3A_121, %while3A_120 : i32
    %while3A_123 = arith.addi %while3A_117, %while3A_122 : i32
    %while3A_124 = arith.constant 1 : i32
    scf.for %while3A_161 = %while3A_117 to %while3A_123 step %while3A_124  : i32 {
      %rem3A = arith.constant 2 : i32
      %rem3A_162 = arith.remsi %while3A_161, %rem3A : i32
      %sub3A = arith.constant 1 : i32
      %sub3A_163 = arith.subi %sub3A, %rem3A_162 : i32
      %dma_wait3A_164 = arith.constant 0 : i32
      %dma_wait3A_165 = arith.constant 0 : i32
      %dma_wait3A_166 = arith.constant 0 : i32
      %dma_wait3A_167 = arith.constant 0 : i32
      %dma_wait3A_168 = arith.constant 0 : i32
      %dma_wait3A_169 = tpu.memref_slice %arg11[%dma_wait3A_166, %dma_wait3A_167, %dma_wait3A_168] : memref<2x128x128xf32, #tpu.memory_space<vmem>> -> memref<1x128x128xf32, #tpu.memory_space<vmem>>
      %dma_wait3A_170 = tpu.memref_squeeze %dma_wait3A_169 : memref<1x128x128xf32, #tpu.memory_space<vmem>> -> memref<128x128xf32, #tpu.memory_space<vmem>>
      %dma_wait3A_171 = arith.constant 0 : i32
      %dma_wait3A_172 = tpu.memref_slice %arg9[%dma_wait3A_164, %dma_wait3A_165, %dma_wait3A_171] : memref<2x2x128xi32, #tpu.memory_space<vmem>> -> memref<1x1x128xi32, #tpu.memory_space<vmem>>
      %dma_wait3A_173 = tpu.memref_squeeze %dma_wait3A_172 : memref<1x1x128xi32, #tpu.memory_space<vmem>> -> memref<128xi32, #tpu.memory_space<vmem>>
      %dma_wait3A_174 = arith.constant 0 : i32
      %dma_wait3A_175 = arith.constant 0 : i32
      %dma_wait3A_176 = tpu.memref_slice %arg2[%dma_wait3A_174, %dma_wait3A_175] : memref<10240x128xf32, #tpu.memory_space<hbm>> -> memref<10240x128xf32, #tpu.memory_space<hbm>>
      tpu.wait_indirect_dma semaphore(%arg12 : memref<!tpu.dma_semaphore, #tpu.memory_space<semaphore_mem>>) src(%dma_wait3A_176 : memref<10240x128xf32, #tpu.memory_space<hbm>>) dst(%dma_wait3A_170 : memref<128x128xf32, #tpu.memory_space<vmem>>)
      %dma_start3A_177 = arith.constant 0 : i32
      %dma_start3A_178 = arith.constant 0 : i32
      %dma_start3A_179 = arith.constant 0 : i32
      %dma_start3A_180 = arith.constant 0 : i32
      %dma_start3A_181 = tpu.memref_slice %arg11[%dma_start3A_177, %dma_start3A_179, %dma_start3A_180] : memref<2x128x128xf32, #tpu.memory_space<vmem>> -> memref<1x128x128xf32, #tpu.memory_space<vmem>>
      %dma_start3A_182 = tpu.memref_squeeze %dma_start3A_181 : memref<1x128x128xf32, #tpu.memory_space<vmem>> -> memref<128x128xf32, #tpu.memory_space<vmem>>
      %dma_start3A_183 = arith.constant 0 : i32
      %dma_start3A_184 = tpu.memref_slice %arg10[%rem3A_162, %dma_start3A_178, %dma_start3A_183] : memref<2x2x128xi32, #tpu.memory_space<vmem>> -> memref<1x1x128xi32, #tpu.memory_space<vmem>>
      %dma_start3A_185 = tpu.memref_squeeze %dma_start3A_184 : memref<1x1x128xi32, #tpu.memory_space<vmem>> -> memref<128xi32, #tpu.memory_space<vmem>>
      %dma_start3A_186 = arith.constant 0 : i32
      %dma_start3A_187 = arith.constant 0 : i32
      %dma_start3A_188 = tpu.memref_slice %arg8[%dma_start3A_186, %dma_start3A_187] : memref<10240x128xf32, #tpu.memory_space<vmem_shared>> -> memref<10240x128xf32, #tpu.memory_space<vmem_shared>>
      tpu.enqueue_indirect_dma source(%dma_start3A_182 : memref<128x128xf32, #tpu.memory_space<vmem>>) target(%dma_start3A_188 : memref<10240x128xf32, #tpu.memory_space<vmem_shared>>) offsets(%dma_start3A_185 : memref<128xi32, #tpu.memory_space<vmem>>) semaphore(%arg13 : memref<!tpu.dma_semaphore, #tpu.memory_space<semaphore_mem>>) {add = true}
      %dma_wait3A_189 = arith.constant 0 : i32
      %dma_wait3A_190 = arith.constant 0 : i32
      %dma_wait3A_191 = arith.constant 1 : i32
      %dma_wait3A_192 = arith.constant 0 : i32
      %dma_wait3A_193 = arith.constant 0 : i32
      %dma_wait3A_194 = tpu.memref_slice %arg11[%dma_wait3A_191, %dma_wait3A_192, %dma_wait3A_193] : memref<2x128x128xf32, #tpu.memory_space<vmem>> -> memref<1x128x128xf32, #tpu.memory_space<vmem>>
      %dma_wait3A_195 = tpu.memref_squeeze %dma_wait3A_194 : memref<1x128x128xf32, #tpu.memory_space<vmem>> -> memref<128x128xf32, #tpu.memory_space<vmem>>
      %dma_wait3A_196 = arith.constant 0 : i32
      %dma_wait3A_197 = tpu.memref_slice %arg9[%dma_wait3A_189, %dma_wait3A_190, %dma_wait3A_196] : memref<2x2x128xi32, #tpu.memory_space<vmem>> -> memref<1x1x128xi32, #tpu.memory_space<vmem>>
      %dma_wait3A_198 = tpu.memref_squeeze %dma_wait3A_197 : memref<1x1x128xi32, #tpu.memory_space<vmem>> -> memref<128xi32, #tpu.memory_space<vmem>>
      %dma_wait3A_199 = arith.constant 0 : i32
      %dma_wait3A_200 = arith.constant 0 : i32
      %dma_wait3A_201 = tpu.memref_slice %arg2[%dma_wait3A_199, %dma_wait3A_200] : memref<10240x128xf32, #tpu.memory_space<hbm>> -> memref<10240x128xf32, #tpu.memory_space<hbm>>
      tpu.wait_indirect_dma semaphore(%arg12 : memref<!tpu.dma_semaphore, #tpu.memory_space<semaphore_mem>>) src(%dma_wait3A_201 : memref<10240x128xf32, #tpu.memory_space<hbm>>) dst(%dma_wait3A_195 : memref<128x128xf32, #tpu.memory_space<vmem>>)
      %dma_start3A_202 = arith.constant 1 : i32
      %dma_start3A_203 = arith.constant 1 : i32
      %dma_start3A_204 = arith.constant 0 : i32
      %dma_start3A_205 = arith.constant 0 : i32
      %dma_start3A_206 = tpu.memref_slice %arg11[%dma_start3A_202, %dma_start3A_204, %dma_start3A_205] : memref<2x128x128xf32, #tpu.memory_space<vmem>> -> memref<1x128x128xf32, #tpu.memory_space<vmem>>
      %dma_start3A_207 = tpu.memref_squeeze %dma_start3A_206 : memref<1x128x128xf32, #tpu.memory_space<vmem>> -> memref<128x128xf32, #tpu.memory_space<vmem>>
      %dma_start3A_208 = arith.constant 0 : i32
      %dma_start3A_209 = tpu.memref_slice %arg10[%rem3A_162, %dma_start3A_203, %dma_start3A_208] : memref<2x2x128xi32, #tpu.memory_space<vmem>> -> memref<1x1x128xi32, #tpu.memory_space<vmem>>
      %dma_start3A_210 = tpu.memref_squeeze %dma_start3A_209 : memref<1x1x128xi32, #tpu.memory_space<vmem>> -> memref<128xi32, #tpu.memory_space<vmem>>
      %dma_start3A_211 = arith.constant 0 : i32
      %dma_start3A_212 = arith.constant 0 : i32
      %dma_start3A_213 = tpu.memref_slice %arg8[%dma_start3A_211, %dma_start3A_212] : memref<10240x128xf32, #tpu.memory_space<vmem_shared>> -> memref<10240x128xf32, #tpu.memory_space<vmem_shared>>
      tpu.enqueue_indirect_dma source(%dma_start3A_207 : memref<128x128xf32, #tpu.memory_space<vmem>>) target(%dma_start3A_213 : memref<10240x128xf32, #tpu.memory_space<vmem_shared>>) offsets(%dma_start3A_210 : memref<128xi32, #tpu.memory_space<vmem>>) semaphore(%arg13 : memref<!tpu.dma_semaphore, #tpu.memory_space<semaphore_mem>>) {add = true}
      %add3A_214 = arith.constant 1 : i32
      %add3A_215 = arith.addi %while3A_161, %add3A_214 : i32
      %lt3A = arith.cmpi slt, %add3A_215, %select_n3A_10 : i32
      %convert_element_type3A_216 = arith.extui %lt3A : i1 to i32
      %cond3A_217 = arith.constant 0 : i32
      %cond3A_218 = arith.cmpi ne, %convert_element_type3A_216, %cond3A_217 : i32
      scf.if %cond3A_218 {
        %dma_wait3A_219 = arith.constant 0 : i32
        %dma_wait3A_220 = arith.constant 0 : i32
        %dma_wait3A_221 = tpu.memref_slice %arg9[%sub3A_163, %dma_wait3A_219, %dma_wait3A_220] : memref<2x2x128xi32, #tpu.memory_space<vmem>> -> memref<1x2x128xi32, #tpu.memory_space<vmem>>
        %dma_wait3A_222 = tpu.memref_squeeze %dma_wait3A_221 : memref<1x2x128xi32, #tpu.memory_space<vmem>> -> memref<2x128xi32, #tpu.memory_space<vmem>>
        %dma_wait3A_223 = arith.constant 0 : i32
        %dma_wait3A_224 = tpu.memref_slice %arg3[%select_n3A, %dma_wait3A_223] : memref<5024x128xi32, #tpu.memory_space<hbm>> -> memref<2x128xi32, #tpu.memory_space<hbm>>
        %dma_wait3A_225 = arith.constant 0 : i32
        %dma_wait3A_226 = arith.constant 0 : i32
        %dma_wait3A_227 = tpu.memref_slice %arg9[%sub3A_163, %dma_wait3A_225, %dma_wait3A_226] : memref<2x2x128xi32, #tpu.memory_space<vmem>> -> memref<1x2x128xi32, #tpu.memory_space<vmem>>
        %dma_wait3A_228 = tpu.memref_squeeze %dma_wait3A_227 : memref<1x2x128xi32, #tpu.memory_space<vmem>> -> memref<2x128xi32, #tpu.memory_space<vmem>>
        %dma_wait3A_229 = arith.constant 0 : i32
        %dma_wait3A_230 = tpu.memref_slice %arg3[%select_n3A, %dma_wait3A_229] : memref<5024x128xi32, #tpu.memory_space<hbm>> -> memref<2x128xi32, #tpu.memory_space<hbm>>
        tpu.wait_dma2 semaphore(%arg14 : memref<!tpu.dma_semaphore, #tpu.memory_space<semaphore_mem>>) src(%dma_wait3A_230 : memref<2x128xi32, #tpu.memory_space<hbm>>) dst(%dma_wait3A_228 : memref<2x128xi32, #tpu.memory_space<vmem>>)
        %dma_wait3A_231 = arith.constant 0 : i32
        %dma_wait3A_232 = arith.constant 0 : i32
        %dma_wait3A_233 = tpu.memref_slice %arg10[%sub3A_163, %dma_wait3A_231, %dma_wait3A_232] : memref<2x2x128xi32, #tpu.memory_space<vmem>> -> memref<1x2x128xi32, #tpu.memory_space<vmem>>
        %dma_wait3A_234 = tpu.memref_squeeze %dma_wait3A_233 : memref<1x2x128xi32, #tpu.memory_space<vmem>> -> memref<2x128xi32, #tpu.memory_space<vmem>>
        %dma_wait3A_235 = arith.constant 0 : i32
        %dma_wait3A_236 = tpu.memref_slice %arg4[%select_n3A, %dma_wait3A_235] : memref<5024x128xi32, #tpu.memory_space<hbm>> -> memref<2x128xi32, #tpu.memory_space<hbm>>
        %dma_wait3A_237 = arith.constant 0 : i32
        %dma_wait3A_238 = arith.constant 0 : i32
        %dma_wait3A_239 = tpu.memref_slice %arg10[%sub3A_163, %dma_wait3A_237, %dma_wait3A_238] : memref<2x2x128xi32, #tpu.memory_space<vmem>> -> memref<1x2x128xi32, #tpu.memory_space<vmem>>
        %dma_wait3A_240 = tpu.memref_squeeze %dma_wait3A_239 : memref<1x2x128xi32, #tpu.memory_space<vmem>> -> memref<2x128xi32, #tpu.memory_space<vmem>>
        %dma_wait3A_241 = arith.constant 0 : i32
        %dma_wait3A_242 = tpu.memref_slice %arg4[%select_n3A, %dma_wait3A_241] : memref<5024x128xi32, #tpu.memory_space<hbm>> -> memref<2x128xi32, #tpu.memory_space<hbm>>
        tpu.wait_dma2 semaphore(%arg14 : memref<!tpu.dma_semaphore, #tpu.memory_space<semaphore_mem>>) src(%dma_wait3A_242 : memref<2x128xi32, #tpu.memory_space<hbm>>) dst(%dma_wait3A_240 : memref<2x128xi32, #tpu.memory_space<vmem>>)
        %dma_wait3A_243 = arith.constant 0 : i32
        %dma_wait3A_244 = arith.constant 0 : i32
        %dma_wait3A_245 = arith.constant 0 : i32
        %dma_wait3A_246 = arith.constant 0 : i32
        %dma_wait3A_247 = arith.constant 0 : i32
        %dma_wait3A_248 = tpu.memref_slice %arg11[%dma_wait3A_243, %dma_wait3A_246, %dma_wait3A_247] : memref<2x128x128xf32, #tpu.memory_space<vmem>> -> memref<1x128x128xf32, #tpu.memory_space<vmem>>
        %dma_wait3A_249 = tpu.memref_squeeze %dma_wait3A_248 : memref<1x128x128xf32, #tpu.memory_space<vmem>> -> memref<128x128xf32, #tpu.memory_space<vmem>>
        %dma_wait3A_250 = arith.constant 0 : i32
        %dma_wait3A_251 = tpu.memref_slice %arg10[%dma_wait3A_244, %dma_wait3A_245, %dma_wait3A_250] : memref<2x2x128xi32, #tpu.memory_space<vmem>> -> memref<1x1x128xi32, #tpu.memory_space<vmem>>
        %dma_wait3A_252 = tpu.memref_squeeze %dma_wait3A_251 : memref<1x1x128xi32, #tpu.memory_space<vmem>> -> memref<128xi32, #tpu.memory_space<vmem>>
        %dma_wait3A_253 = arith.constant 0 : i32
        %dma_wait3A_254 = arith.constant 0 : i32
        %dma_wait3A_255 = tpu.memref_slice %arg8[%dma_wait3A_253, %dma_wait3A_254] : memref<10240x128xf32, #tpu.memory_space<vmem_shared>> -> memref<10240x128xf32, #tpu.memory_space<vmem_shared>>
        tpu.wait_indirect_dma semaphore(%arg13 : memref<!tpu.dma_semaphore, #tpu.memory_space<semaphore_mem>>) src(%dma_wait3A_249 : memref<128x128xf32, #tpu.memory_space<vmem>>) dst(%dma_wait3A_255 : memref<10240x128xf32, #tpu.memory_space<vmem_shared>>)
        %dma_start3A_256 = arith.constant 0 : i32
        %dma_start3A_257 = arith.constant 0 : i32
        %dma_start3A_258 = arith.constant 0 : i32
        %dma_start3A_259 = arith.constant 0 : i32
        %dma_start3A_260 = tpu.memref_slice %arg11[%dma_start3A_257, %dma_start3A_258, %dma_start3A_259] : memref<2x128x128xf32, #tpu.memory_space<vmem>> -> memref<1x128x128xf32, #tpu.memory_space<vmem>>
        %dma_start3A_261 = tpu.memref_squeeze %dma_start3A_260 : memref<1x128x128xf32, #tpu.memory_space<vmem>> -> memref<128x128xf32, #tpu.memory_space<vmem>>
        %dma_start3A_262 = arith.constant 0 : i32
        %dma_start3A_263 = tpu.memref_slice %arg9[%sub3A_163, %dma_start3A_256, %dma_start3A_262] : memref<2x2x128xi32, #tpu.memory_space<vmem>> -> memref<1x1x128xi32, #tpu.memory_space<vmem>>
        %dma_start3A_264 = tpu.memref_squeeze %dma_start3A_263 : memref<1x1x128xi32, #tpu.memory_space<vmem>> -> memref<128xi32, #tpu.memory_space<vmem>>
        %dma_start3A_265 = arith.constant 0 : i32
        %dma_start3A_266 = arith.constant 0 : i32
        %dma_start3A_267 = tpu.memref_slice %arg2[%dma_start3A_265, %dma_start3A_266] : memref<10240x128xf32, #tpu.memory_space<hbm>> -> memref<10240x128xf32, #tpu.memory_space<hbm>>
        tpu.enqueue_indirect_dma source(%dma_start3A_267 : memref<10240x128xf32, #tpu.memory_space<hbm>>) target(%dma_start3A_261 : memref<128x128xf32, #tpu.memory_space<vmem>>) offsets(%dma_start3A_264 : memref<128xi32, #tpu.memory_space<vmem>>) semaphore(%arg12 : memref<!tpu.dma_semaphore, #tpu.memory_space<semaphore_mem>>)
        %dma_wait3A_268 = arith.constant 1 : i32
        %dma_wait3A_269 = arith.constant 0 : i32
        %dma_wait3A_270 = arith.constant 0 : i32
        %dma_wait3A_271 = arith.constant 0 : i32
        %dma_wait3A_272 = arith.constant 0 : i32
        %dma_wait3A_273 = tpu.memref_slice %arg11[%dma_wait3A_268, %dma_wait3A_271, %dma_wait3A_272] : memref<2x128x128xf32, #tpu.memory_space<vmem>> -> memref<1x128x128xf32, #tpu.memory_space<vmem>>
        %dma_wait3A_274 = tpu.memref_squeeze %dma_wait3A_273 : memref<1x128x128xf32, #tpu.memory_space<vmem>> -> memref<128x128xf32, #tpu.memory_space<vmem>>
        %dma_wait3A_275 = arith.constant 0 : i32
        %dma_wait3A_276 = tpu.memref_slice %arg10[%dma_wait3A_269, %dma_wait3A_270, %dma_wait3A_275] : memref<2x2x128xi32, #tpu.memory_space<vmem>> -> memref<1x1x128xi32, #tpu.memory_space<vmem>>
        %dma_wait3A_277 = tpu.memref_squeeze %dma_wait3A_276 : memref<1x1x128xi32, #tpu.memory_space<vmem>> -> memref<128xi32, #tpu.memory_space<vmem>>
        %dma_wait3A_278 = arith.constant 0 : i32
        %dma_wait3A_279 = arith.constant 0 : i32
        %dma_wait3A_280 = tpu.memref_slice %arg8[%dma_wait3A_278, %dma_wait3A_279] : memref<10240x128xf32, #tpu.memory_space<vmem_shared>> -> memref<10240x128xf32, #tpu.memory_space<vmem_shared>>
        tpu.wait_indirect_dma semaphore(%arg13 : memref<!tpu.dma_semaphore, #tpu.memory_space<semaphore_mem>>) src(%dma_wait3A_274 : memref<128x128xf32, #tpu.memory_space<vmem>>) dst(%dma_wait3A_280 : memref<10240x128xf32, #tpu.memory_space<vmem_shared>>)
        %dma_start3A_281 = arith.constant 1 : i32
        %dma_start3A_282 = arith.constant 1 : i32
        %dma_start3A_283 = arith.constant 0 : i32
        %dma_start3A_284 = arith.constant 0 : i32
        %dma_start3A_285 = tpu.memref_slice %arg11[%dma_start3A_282, %dma_start3A_283, %dma_start3A_284] : memref<2x128x128xf32, #tpu.memory_space<vmem>> -> memref<1x128x128xf32, #tpu.memory_space<vmem>>
        %dma_start3A_286 = tpu.memref_squeeze %dma_start3A_285 : memref<1x128x128xf32, #tpu.memory_space<vmem>> -> memref<128x128xf32, #tpu.memory_space<vmem>>
        %dma_start3A_287 = arith.constant 0 : i32
        %dma_start3A_288 = tpu.memref_slice %arg9[%sub3A_163, %dma_start3A_281, %dma_start3A_287] : memref<2x2x128xi32, #tpu.memory_space<vmem>> -> memref<1x1x128xi32, #tpu.memory_space<vmem>>
        %dma_start3A_289 = tpu.memref_squeeze %dma_start3A_288 : memref<1x1x128xi32, #tpu.memory_space<vmem>> -> memref<128xi32, #tpu.memory_space<vmem>>
        %dma_start3A_290 = arith.constant 0 : i32
        %dma_start3A_291 = arith.constant 0 : i32
        %dma_start3A_292 = tpu.memref_slice %arg2[%dma_start3A_290, %dma_start3A_291] : memref<10240x128xf32, #tpu.memory_space<hbm>> -> memref<10240x128xf32, #tpu.memory_space<hbm>>
        tpu.enqueue_indirect_dma source(%dma_start3A_292 : memref<10240x128xf32, #tpu.memory_space<hbm>>) target(%dma_start3A_286 : memref<128x128xf32, #tpu.memory_space<vmem>>) offsets(%dma_start3A_289 : memref<128xi32, #tpu.memory_space<vmem>>) semaphore(%arg12 : memref<!tpu.dma_semaphore, #tpu.memory_space<semaphore_mem>>)
        %add3A_293 = arith.constant 2 : i32
        %add3A_294 = arith.addi %while3A_161, %add3A_293 : i32
        %lt3A_295 = arith.cmpi slt, %add3A_294, %select_n3A_10 : i32
        %convert_element_type3A_296 = arith.extui %lt3A_295 : i1 to i32
        %cond3A_297 = arith.constant 0 : i32
        %cond3A_298 = arith.cmpi ne, %convert_element_type3A_296, %cond3A_297 : i32
        scf.if %cond3A_298 {
          %add3A_299 = arith.constant 2 : i32
          %add3A_300 = arith.addi %while3A_161, %add3A_299 : i32
          %mul3A_301 = arith.constant 2 : i32
          %mul3A_302 = arith.muli %add3A_300, %mul3A_301 : i32
          %add3A_303 = arith.addi %select_n3A, %mul3A_302 : i32
          %dma_start3A_304 = arith.constant 0 : i32
          %dma_start3A_305 = arith.constant 0 : i32
          %dma_start3A_306 = tpu.memref_slice %arg9[%rem3A_162, %dma_start3A_304, %dma_start3A_305] : memref<2x2x128xi32, #tpu.memory_space<vmem>> -> memref<1x2x128xi32, #tpu.memory_space<vmem>>
          %dma_start3A_307 = tpu.memref_squeeze %dma_start3A_306 : memref<1x2x128xi32, #tpu.memory_space<vmem>> -> memref<2x128xi32, #tpu.memory_space<vmem>>
          %dma_start3A_308 = arith.constant 0 : i32
          %dma_start3A_309 = tpu.memref_slice %arg3[%add3A_303, %dma_start3A_308] : memref<5024x128xi32, #tpu.memory_space<hbm>> -> memref<2x128xi32, #tpu.memory_space<hbm>>
          %dma_start3A_310 = arith.constant 0 : i32
          %dma_start3A_311 = arith.constant 0 : i32
          %dma_start3A_312 = tpu.memref_slice %arg9[%rem3A_162, %dma_start3A_310, %dma_start3A_311] : memref<2x2x128xi32, #tpu.memory_space<vmem>> -> memref<1x2x128xi32, #tpu.memory_space<vmem>>
          %dma_start3A_313 = tpu.memref_squeeze %dma_start3A_312 : memref<1x2x128xi32, #tpu.memory_space<vmem>> -> memref<2x128xi32, #tpu.memory_space<vmem>>
          %dma_start3A_314 = arith.constant 0 : i32
          %dma_start3A_315 = tpu.memref_slice %arg3[%add3A_303, %dma_start3A_314] : memref<5024x128xi32, #tpu.memory_space<hbm>> -> memref<2x128xi32, #tpu.memory_space<hbm>>
          tpu.enqueue_dma source(%dma_start3A_315 : memref<2x128xi32, #tpu.memory_space<hbm>>) target(%dma_start3A_313 : memref<2x128xi32, #tpu.memory_space<vmem>>) target_semaphore(%arg14 : memref<!tpu.dma_semaphore, #tpu.memory_space<semaphore_mem>>)
          %dma_start3A_316 = arith.constant 0 : i32
          %dma_start3A_317 = arith.constant 0 : i32
          %dma_start3A_318 = tpu.memref_slice %arg10[%rem3A_162, %dma_start3A_316, %dma_start3A_317] : memref<2x2x128xi32, #tpu.memory_space<vmem>> -> memref<1x2x128xi32, #tpu.memory_space<vmem>>
          %dma_start3A_319 = tpu.memref_squeeze %dma_start3A_318 : memref<1x2x128xi32, #tpu.memory_space<vmem>> -> memref<2x128xi32, #tpu.memory_space<vmem>>
          %dma_start3A_320 = arith.constant 0 : i32
          %dma_start3A_321 = tpu.memref_slice %arg4[%add3A_303, %dma_start3A_320] : memref<5024x128xi32, #tpu.memory_space<hbm>> -> memref<2x128xi32, #tpu.memory_space<hbm>>
          %dma_start3A_322 = arith.constant 0 : i32
          %dma_start3A_323 = arith.constant 0 : i32
          %dma_start3A_324 = tpu.memref_slice %arg10[%rem3A_162, %dma_start3A_322, %dma_start3A_323] : memref<2x2x128xi32, #tpu.memory_space<vmem>> -> memref<1x2x128xi32, #tpu.memory_space<vmem>>
          %dma_start3A_325 = tpu.memref_squeeze %dma_start3A_324 : memref<1x2x128xi32, #tpu.memory_space<vmem>> -> memref<2x128xi32, #tpu.memory_space<vmem>>
          %dma_start3A_326 = arith.constant 0 : i32
          %dma_start3A_327 = tpu.memref_slice %arg4[%add3A_303, %dma_start3A_326] : memref<5024x128xi32, #tpu.memory_space<hbm>> -> memref<2x128xi32, #tpu.memory_space<hbm>>
          tpu.enqueue_dma source(%dma_start3A_327 : memref<2x128xi32, #tpu.memory_space<hbm>>) target(%dma_start3A_325 : memref<2x128xi32, #tpu.memory_space<vmem>>) target_semaphore(%arg14 : memref<!tpu.dma_semaphore, #tpu.memory_space<semaphore_mem>>)
        } else {
        }
      } else {
      }
    }
    %while3A_125 = arith.constant 1 : i32
    scf.for %while3A_161 = %while3A_123 to %while3A_119 step %while3A_125  : i32 {
      %rem3A = arith.constant 2 : i32
      %rem3A_162 = arith.remsi %while3A_161, %rem3A : i32
      %sub3A = arith.constant 1 : i32
      %sub3A_163 = arith.subi %sub3A, %rem3A_162 : i32
      %dma_wait3A_164 = arith.constant 0 : i32
      %dma_wait3A_165 = arith.constant 0 : i32
      %dma_wait3A_166 = arith.constant 0 : i32
      %dma_wait3A_167 = arith.constant 0 : i32
      %dma_wait3A_168 = arith.constant 0 : i32
      %dma_wait3A_169 = tpu.memref_slice %arg11[%dma_wait3A_166, %dma_wait3A_167, %dma_wait3A_168] : memref<2x128x128xf32, #tpu.memory_space<vmem>> -> memref<1x128x128xf32, #tpu.memory_space<vmem>>
      %dma_wait3A_170 = tpu.memref_squeeze %dma_wait3A_169 : memref<1x128x128xf32, #tpu.memory_space<vmem>> -> memref<128x128xf32, #tpu.memory_space<vmem>>
      %dma_wait3A_171 = arith.constant 0 : i32
      %dma_wait3A_172 = tpu.memref_slice %arg9[%dma_wait3A_164, %dma_wait3A_165, %dma_wait3A_171] : memref<2x2x128xi32, #tpu.memory_space<vmem>> -> memref<1x1x128xi32, #tpu.memory_space<vmem>>
      %dma_wait3A_173 = tpu.memref_squeeze %dma_wait3A_172 : memref<1x1x128xi32, #tpu.memory_space<vmem>> -> memref<128xi32, #tpu.memory_space<vmem>>
      %dma_wait3A_174 = arith.constant 0 : i32
      %dma_wait3A_175 = arith.constant 0 : i32
      %dma_wait3A_176 = tpu.memref_slice %arg2[%dma_wait3A_174, %dma_wait3A_175] : memref<10240x128xf32, #tpu.memory_space<hbm>> -> memref<10240x128xf32, #tpu.memory_space<hbm>>
      tpu.wait_indirect_dma semaphore(%arg12 : memref<!tpu.dma_semaphore, #tpu.memory_space<semaphore_mem>>) src(%dma_wait3A_176 : memref<10240x128xf32, #tpu.memory_space<hbm>>) dst(%dma_wait3A_170 : memref<128x128xf32, #tpu.memory_space<vmem>>)
      %dma_start3A_177 = arith.constant 0 : i32
      %dma_start3A_178 = arith.constant 0 : i32
      %dma_start3A_179 = arith.constant 0 : i32
      %dma_start3A_180 = arith.constant 0 : i32
      %dma_start3A_181 = tpu.memref_slice %arg11[%dma_start3A_177, %dma_start3A_179, %dma_start3A_180] : memref<2x128x128xf32, #tpu.memory_space<vmem>> -> memref<1x128x128xf32, #tpu.memory_space<vmem>>
      %dma_start3A_182 = tpu.memref_squeeze %dma_start3A_181 : memref<1x128x128xf32, #tpu.memory_space<vmem>> -> memref<128x128xf32, #tpu.memory_space<vmem>>
      %dma_start3A_183 = arith.constant 0 : i32
      %dma_start3A_184 = tpu.memref_slice %arg10[%rem3A_162, %dma_start3A_178, %dma_start3A_183] : memref<2x2x128xi32, #tpu.memory_space<vmem>> -> memref<1x1x128xi32, #tpu.memory_space<vmem>>
      %dma_start3A_185 = tpu.memref_squeeze %dma_start3A_184 : memref<1x1x128xi32, #tpu.memory_space<vmem>> -> memref<128xi32, #tpu.memory_space<vmem>>
      %dma_start3A_186 = arith.constant 0 : i32
      %dma_start3A_187 = arith.constant 0 : i32
      %dma_start3A_188 = tpu.memref_slice %arg8[%dma_start3A_186, %dma_start3A_187] : memref<10240x128xf32, #tpu.memory_space<vmem_shared>> -> memref<10240x128xf32, #tpu.memory_space<vmem_shared>>
      tpu.enqueue_indirect_dma source(%dma_start3A_182 : memref<128x128xf32, #tpu.memory_space<vmem>>) target(%dma_start3A_188 : memref<10240x128xf32, #tpu.memory_space<vmem_shared>>) offsets(%dma_start3A_185 : memref<128xi32, #tpu.memory_space<vmem>>) semaphore(%arg13 : memref<!tpu.dma_semaphore, #tpu.memory_space<semaphore_mem>>) {add = true}
      %dma_wait3A_189 = arith.constant 0 : i32
      %dma_wait3A_190 = arith.constant 0 : i32
      %dma_wait3A_191 = arith.constant 1 : i32
      %dma_wait3A_192 = arith.constant 0 : i32
      %dma_wait3A_193 = arith.constant 0 : i32
      %dma_wait3A_194 = tpu.memref_slice %arg11[%dma_wait3A_191, %dma_wait3A_192, %dma_wait3A_193] : memref<2x128x128xf32, #tpu.memory_space<vmem>> -> memref<1x128x128xf32, #tpu.memory_space<vmem>>
      %dma_wait3A_195 = tpu.memref_squeeze %dma_wait3A_194 : memref<1x128x128xf32, #tpu.memory_space<vmem>> -> memref<128x128xf32, #tpu.memory_space<vmem>>
      %dma_wait3A_196 = arith.constant 0 : i32
      %dma_wait3A_197 = tpu.memref_slice %arg9[%dma_wait3A_189, %dma_wait3A_190, %dma_wait3A_196] : memref<2x2x128xi32, #tpu.memory_space<vmem>> -> memref<1x1x128xi32, #tpu.memory_space<vmem>>
      %dma_wait3A_198 = tpu.memref_squeeze %dma_wait3A_197 : memref<1x1x128xi32, #tpu.memory_space<vmem>> -> memref<128xi32, #tpu.memory_space<vmem>>
      %dma_wait3A_199 = arith.constant 0 : i32
      %dma_wait3A_200 = arith.constant 0 : i32
      %dma_wait3A_201 = tpu.memref_slice %arg2[%dma_wait3A_199, %dma_wait3A_200] : memref<10240x128xf32, #tpu.memory_space<hbm>> -> memref<10240x128xf32, #tpu.memory_space<hbm>>
      tpu.wait_indirect_dma semaphore(%arg12 : memref<!tpu.dma_semaphore, #tpu.memory_space<semaphore_mem>>) src(%dma_wait3A_201 : memref<10240x128xf32, #tpu.memory_space<hbm>>) dst(%dma_wait3A_195 : memref<128x128xf32, #tpu.memory_space<vmem>>)
      %dma_start3A_202 = arith.constant 1 : i32
      %dma_start3A_203 = arith.constant 1 : i32
      %dma_start3A_204 = arith.constant 0 : i32
      %dma_start3A_205 = arith.constant 0 : i32
      %dma_start3A_206 = tpu.memref_slice %arg11[%dma_start3A_202, %dma_start3A_204, %dma_start3A_205] : memref<2x128x128xf32, #tpu.memory_space<vmem>> -> memref<1x128x128xf32, #tpu.memory_space<vmem>>
      %dma_start3A_207 = tpu.memref_squeeze %dma_start3A_206 : memref<1x128x128xf32, #tpu.memory_space<vmem>> -> memref<128x128xf32, #tpu.memory_space<vmem>>
      %dma_start3A_208 = arith.constant 0 : i32
      %dma_start3A_209 = tpu.memref_slice %arg10[%rem3A_162, %dma_start3A_203, %dma_start3A_208] : memref<2x2x128xi32, #tpu.memory_space<vmem>> -> memref<1x1x128xi32, #tpu.memory_space<vmem>>
      %dma_start3A_210 = tpu.memref_squeeze %dma_start3A_209 : memref<1x1x128xi32, #tpu.memory_space<vmem>> -> memref<128xi32, #tpu.memory_space<vmem>>
      %dma_start3A_211 = arith.constant 0 : i32
      %dma_start3A_212 = arith.constant 0 : i32
      %dma_start3A_213 = tpu.memref_slice %arg8[%dma_start3A_211, %dma_start3A_212] : memref<10240x128xf32, #tpu.memory_space<vmem_shared>> -> memref<10240x128xf32, #tpu.memory_space<vmem_shared>>
      tpu.enqueue_indirect_dma source(%dma_start3A_207 : memref<128x128xf32, #tpu.memory_space<vmem>>) target(%dma_start3A_213 : memref<10240x128xf32, #tpu.memory_space<vmem_shared>>) offsets(%dma_start3A_210 : memref<128xi32, #tpu.memory_space<vmem>>) semaphore(%arg13 : memref<!tpu.dma_semaphore, #tpu.memory_space<semaphore_mem>>) {add = true}
      %add3A_214 = arith.constant 1 : i32
      %add3A_215 = arith.addi %while3A_161, %add3A_214 : i32
      %lt3A = arith.cmpi slt, %add3A_215, %select_n3A_10 : i32
      %convert_element_type3A_216 = arith.extui %lt3A : i1 to i32
      %cond3A_217 = arith.constant 0 : i32
      %cond3A_218 = arith.cmpi ne, %convert_element_type3A_216, %cond3A_217 : i32
      scf.if %cond3A_218 {
        %dma_wait3A_219 = arith.constant 0 : i32
        %dma_wait3A_220 = arith.constant 0 : i32
        %dma_wait3A_221 = tpu.memref_slice %arg9[%sub3A_163, %dma_wait3A_219, %dma_wait3A_220] : memref<2x2x128xi32, #tpu.memory_space<vmem>> -> memref<1x2x128xi32, #tpu.memory_space<vmem>>
        %dma_wait3A_222 = tpu.memref_squeeze %dma_wait3A_221 : memref<1x2x128xi32, #tpu.memory_space<vmem>> -> memref<2x128xi32, #tpu.memory_space<vmem>>
        %dma_wait3A_223 = arith.constant 0 : i32
        %dma_wait3A_224 = tpu.memref_slice %arg3[%select_n3A, %dma_wait3A_223] : memref<5024x128xi32, #tpu.memory_space<hbm>> -> memref<2x128xi32, #tpu.memory_space<hbm>>
        %dma_wait3A_225 = arith.constant 0 : i32
        %dma_wait3A_226 = arith.constant 0 : i32
        %dma_wait3A_227 = tpu.memref_slice %arg9[%sub3A_163, %dma_wait3A_225, %dma_wait3A_226] : memref<2x2x128xi32, #tpu.memory_space<vmem>> -> memref<1x2x128xi32, #tpu.memory_space<vmem>>
        %dma_wait3A_228 = tpu.memref_squeeze %dma_wait3A_227 : memref<1x2x128xi32, #tpu.memory_space<vmem>> -> memref<2x128xi32, #tpu.memory_space<vmem>>
        %dma_wait3A_229 = arith.constant 0 : i32
        %dma_wait3A_230 = tpu.memref_slice %arg3[%select_n3A, %dma_wait3A_229] : memref<5024x128xi32, #tpu.memory_space<hbm>> -> memref<2x128xi32, #tpu.memory_space<hbm>>
        tpu.wait_dma2 semaphore(%arg14 : memref<!tpu.dma_semaphore, #tpu.memory_space<semaphore_mem>>) src(%dma_wait3A_230 : memref<2x128xi32, #tpu.memory_space<hbm>>) dst(%dma_wait3A_228 : memref<2x128xi32, #tpu.memory_space<vmem>>)
        %dma_wait3A_231 = arith.constant 0 : i32
        %dma_wait3A_232 = arith.constant 0 : i32
        %dma_wait3A_233 = tpu.memref_slice %arg10[%sub3A_163, %dma_wait3A_231, %dma_wait3A_232] : memref<2x2x128xi32, #tpu.memory_space<vmem>> -> memref<1x2x128xi32, #tpu.memory_space<vmem>>
        %dma_wait3A_234 = tpu.memref_squeeze %dma_wait3A_233 : memref<1x2x128xi32, #tpu.memory_space<vmem>> -> memref<2x128xi32, #tpu.memory_space<vmem>>
        %dma_wait3A_235 = arith.constant 0 : i32
        %dma_wait3A_236 = tpu.memref_slice %arg4[%select_n3A, %dma_wait3A_235] : memref<5024x128xi32, #tpu.memory_space<hbm>> -> memref<2x128xi32, #tpu.memory_space<hbm>>
        %dma_wait3A_237 = arith.constant 0 : i32
        %dma_wait3A_238 = arith.constant 0 : i32
        %dma_wait3A_239 = tpu.memref_slice %arg10[%sub3A_163, %dma_wait3A_237, %dma_wait3A_238] : memref<2x2x128xi32, #tpu.memory_space<vmem>> -> memref<1x2x128xi32, #tpu.memory_space<vmem>>
        %dma_wait3A_240 = tpu.memref_squeeze %dma_wait3A_239 : memref<1x2x128xi32, #tpu.memory_space<vmem>> -> memref<2x128xi32, #tpu.memory_space<vmem>>
        %dma_wait3A_241 = arith.constant 0 : i32
        %dma_wait3A_242 = tpu.memref_slice %arg4[%select_n3A, %dma_wait3A_241] : memref<5024x128xi32, #tpu.memory_space<hbm>> -> memref<2x128xi32, #tpu.memory_space<hbm>>
        tpu.wait_dma2 semaphore(%arg14 : memref<!tpu.dma_semaphore, #tpu.memory_space<semaphore_mem>>) src(%dma_wait3A_242 : memref<2x128xi32, #tpu.memory_space<hbm>>) dst(%dma_wait3A_240 : memref<2x128xi32, #tpu.memory_space<vmem>>)
        %dma_wait3A_243 = arith.constant 0 : i32
        %dma_wait3A_244 = arith.constant 0 : i32
        %dma_wait3A_245 = arith.constant 0 : i32
        %dma_wait3A_246 = arith.constant 0 : i32
        %dma_wait3A_247 = arith.constant 0 : i32
        %dma_wait3A_248 = tpu.memref_slice %arg11[%dma_wait3A_243, %dma_wait3A_246, %dma_wait3A_247] : memref<2x128x128xf32, #tpu.memory_space<vmem>> -> memref<1x128x128xf32, #tpu.memory_space<vmem>>
        %dma_wait3A_249 = tpu.memref_squeeze %dma_wait3A_248 : memref<1x128x128xf32, #tpu.memory_space<vmem>> -> memref<128x128xf32, #tpu.memory_space<vmem>>
        %dma_wait3A_250 = arith.constant 0 : i32
        %dma_wait3A_251 = tpu.memref_slice %arg10[%dma_wait3A_244, %dma_wait3A_245, %dma_wait3A_250] : memref<2x2x128xi32, #tpu.memory_space<vmem>> -> memref<1x1x128xi32, #tpu.memory_space<vmem>>
        %dma_wait3A_252 = tpu.memref_squeeze %dma_wait3A_251 : memref<1x1x128xi32, #tpu.memory_space<vmem>> -> memref<128xi32, #tpu.memory_space<vmem>>
        %dma_wait3A_253 = arith.constant 0 : i32
        %dma_wait3A_254 = arith.constant 0 : i32
        %dma_wait3A_255 = tpu.memref_slice %arg8[%dma_wait3A_253, %dma_wait3A_254] : memref<10240x128xf32, #tpu.memory_space<vmem_shared>> -> memref<10240x128xf32, #tpu.memory_space<vmem_shared>>
        tpu.wait_indirect_dma semaphore(%arg13 : memref<!tpu.dma_semaphore, #tpu.memory_space<semaphore_mem>>) src(%dma_wait3A_249 : memref<128x128xf32, #tpu.memory_space<vmem>>) dst(%dma_wait3A_255 : memref<10240x128xf32, #tpu.memory_space<vmem_shared>>)
        %dma_start3A_256 = arith.constant 0 : i32
        %dma_start3A_257 = arith.constant 0 : i32
        %dma_start3A_258 = arith.constant 0 : i32
        %dma_start3A_259 = arith.constant 0 : i32
        %dma_start3A_260 = tpu.memref_slice %arg11[%dma_start3A_257, %dma_start3A_258, %dma_start3A_259] : memref<2x128x128xf32, #tpu.memory_space<vmem>> -> memref<1x128x128xf32, #tpu.memory_space<vmem>>
        %dma_start3A_261 = tpu.memref_squeeze %dma_start3A_260 : memref<1x128x128xf32, #tpu.memory_space<vmem>> -> memref<128x128xf32, #tpu.memory_space<vmem>>
        %dma_start3A_262 = arith.constant 0 : i32
        %dma_start3A_263 = tpu.memref_slice %arg9[%sub3A_163, %dma_start3A_256, %dma_start3A_262] : memref<2x2x128xi32, #tpu.memory_space<vmem>> -> memref<1x1x128xi32, #tpu.memory_space<vmem>>
        %dma_start3A_264 = tpu.memref_squeeze %dma_start3A_263 : memref<1x1x128xi32, #tpu.memory_space<vmem>> -> memref<128xi32, #tpu.memory_space<vmem>>
        %dma_start3A_265 = arith.constant 0 : i32
        %dma_start3A_266 = arith.constant 0 : i32
        %dma_start3A_267 = tpu.memref_slice %arg2[%dma_start3A_265, %dma_start3A_266] : memref<10240x128xf32, #tpu.memory_space<hbm>> -> memref<10240x128xf32, #tpu.memory_space<hbm>>
        tpu.enqueue_indirect_dma source(%dma_start3A_267 : memref<10240x128xf32, #tpu.memory_space<hbm>>) target(%dma_start3A_261 : memref<128x128xf32, #tpu.memory_space<vmem>>) offsets(%dma_start3A_264 : memref<128xi32, #tpu.memory_space<vmem>>) semaphore(%arg12 : memref<!tpu.dma_semaphore, #tpu.memory_space<semaphore_mem>>)
        %dma_wait3A_268 = arith.constant 1 : i32
        %dma_wait3A_269 = arith.constant 0 : i32
        %dma_wait3A_270 = arith.constant 0 : i32
        %dma_wait3A_271 = arith.constant 0 : i32
        %dma_wait3A_272 = arith.constant 0 : i32
        %dma_wait3A_273 = tpu.memref_slice %arg11[%dma_wait3A_268, %dma_wait3A_271, %dma_wait3A_272] : memref<2x128x128xf32, #tpu.memory_space<vmem>> -> memref<1x128x128xf32, #tpu.memory_space<vmem>>
        %dma_wait3A_274 = tpu.memref_squeeze %dma_wait3A_273 : memref<1x128x128xf32, #tpu.memory_space<vmem>> -> memref<128x128xf32, #tpu.memory_space<vmem>>
        %dma_wait3A_275 = arith.constant 0 : i32
        %dma_wait3A_276 = tpu.memref_slice %arg10[%dma_wait3A_269, %dma_wait3A_270, %dma_wait3A_275] : memref<2x2x128xi32, #tpu.memory_space<vmem>> -> memref<1x1x128xi32, #tpu.memory_space<vmem>>
        %dma_wait3A_277 = tpu.memref_squeeze %dma_wait3A_276 : memref<1x1x128xi32, #tpu.memory_space<vmem>> -> memref<128xi32, #tpu.memory_space<vmem>>
        %dma_wait3A_278 = arith.constant 0 : i32
        %dma_wait3A_279 = arith.constant 0 : i32
        %dma_wait3A_280 = tpu.memref_slice %arg8[%dma_wait3A_278, %dma_wait3A_279] : memref<10240x128xf32, #tpu.memory_space<vmem_shared>> -> memref<10240x128xf32, #tpu.memory_space<vmem_shared>>
        tpu.wait_indirect_dma semaphore(%arg13 : memref<!tpu.dma_semaphore, #tpu.memory_space<semaphore_mem>>) src(%dma_wait3A_274 : memref<128x128xf32, #tpu.memory_space<vmem>>) dst(%dma_wait3A_280 : memref<10240x128xf32, #tpu.memory_space<vmem_shared>>)
        %dma_start3A_281 = arith.constant 1 : i32
        %dma_start3A_282 = arith.constant 1 : i32
        %dma_start3A_283 = arith.constant 0 : i32
        %dma_start3A_284 = arith.constant 0 : i32
        %dma_start3A_285 = tpu.memref_slice %arg11[%dma_start3A_282, %dma_start3A_283, %dma_start3A_284] : memref<2x128x128xf32, #tpu.memory_space<vmem>> -> memref<1x128x128xf32, #tpu.memory_space<vmem>>
        %dma_start3A_286 = tpu.memref_squeeze %dma_start3A_285 : memref<1x128x128xf32, #tpu.memory_space<vmem>> -> memref<128x128xf32, #tpu.memory_space<vmem>>
        %dma_start3A_287 = arith.constant 0 : i32
        %dma_start3A_288 = tpu.memref_slice %arg9[%sub3A_163, %dma_start3A_281, %dma_start3A_287] : memref<2x2x128xi32, #tpu.memory_space<vmem>> -> memref<1x1x128xi32, #tpu.memory_space<vmem>>
        %dma_start3A_289 = tpu.memref_squeeze %dma_start3A_288 : memref<1x1x128xi32, #tpu.memory_space<vmem>> -> memref<128xi32, #tpu.memory_space<vmem>>
        %dma_start3A_290 = arith.constant 0 : i32
        %dma_start3A_291 = arith.constant 0 : i32
        %dma_start3A_292 = tpu.memref_slice %arg2[%dma_start3A_290, %dma_start3A_291] : memref<10240x128xf32, #tpu.memory_space<hbm>> -> memref<10240x128xf32, #tpu.memory_space<hbm>>
        tpu.enqueue_indirect_dma source(%dma_start3A_292 : memref<10240x128xf32, #tpu.memory_space<hbm>>) target(%dma_start3A_286 : memref<128x128xf32, #tpu.memory_space<vmem>>) offsets(%dma_start3A_289 : memref<128xi32, #tpu.memory_space<vmem>>) semaphore(%arg12 : memref<!tpu.dma_semaphore, #tpu.memory_space<semaphore_mem>>)
        %add3A_293 = arith.constant 2 : i32
        %add3A_294 = arith.addi %while3A_161, %add3A_293 : i32
        %lt3A_295 = arith.cmpi slt, %add3A_294, %select_n3A_10 : i32
        %convert_element_type3A_296 = arith.extui %lt3A_295 : i1 to i32
        %cond3A_297 = arith.constant 0 : i32
        %cond3A_298 = arith.cmpi ne, %convert_element_type3A_296, %cond3A_297 : i32
        scf.if %cond3A_298 {
          %add3A_299 = arith.constant 2 : i32
          %add3A_300 = arith.addi %while3A_161, %add3A_299 : i32
          %mul3A_301 = arith.constant 2 : i32
          %mul3A_302 = arith.muli %add3A_300, %mul3A_301 : i32
          %add3A_303 = arith.addi %select_n3A, %mul3A_302 : i32
          %dma_start3A_304 = arith.constant 0 : i32
          %dma_start3A_305 = arith.constant 0 : i32
          %dma_start3A_306 = tpu.memref_slice %arg9[%rem3A_162, %dma_start3A_304, %dma_start3A_305] : memref<2x2x128xi32, #tpu.memory_space<vmem>> -> memref<1x2x128xi32, #tpu.memory_space<vmem>>
          %dma_start3A_307 = tpu.memref_squeeze %dma_start3A_306 : memref<1x2x128xi32, #tpu.memory_space<vmem>> -> memref<2x128xi32, #tpu.memory_space<vmem>>
          %dma_start3A_308 = arith.constant 0 : i32
          %dma_start3A_309 = tpu.memref_slice %arg3[%add3A_303, %dma_start3A_308] : memref<5024x128xi32, #tpu.memory_space<hbm>> -> memref<2x128xi32, #tpu.memory_space<hbm>>
          %dma_start3A_310 = arith.constant 0 : i32
          %dma_start3A_311 = arith.constant 0 : i32
          %dma_start3A_312 = tpu.memref_slice %arg9[%rem3A_162, %dma_start3A_310, %dma_start3A_311] : memref<2x2x128xi32, #tpu.memory_space<vmem>> -> memref<1x2x128xi32, #tpu.memory_space<vmem>>
          %dma_start3A_313 = tpu.memref_squeeze %dma_start3A_312 : memref<1x2x128xi32, #tpu.memory_space<vmem>> -> memref<2x128xi32, #tpu.memory_space<vmem>>
          %dma_start3A_314 = arith.constant 0 : i32
          %dma_start3A_315 = tpu.memref_slice %arg3[%add3A_303, %dma_start3A_314] : memref<5024x128xi32, #tpu.memory_space<hbm>> -> memref<2x128xi32, #tpu.memory_space<hbm>>
          tpu.enqueue_dma source(%dma_start3A_315 : memref<2x128xi32, #tpu.memory_space<hbm>>) target(%dma_start3A_313 : memref<2x128xi32, #tpu.memory_space<vmem>>) target_semaphore(%arg14 : memref<!tpu.dma_semaphore, #tpu.memory_space<semaphore_mem>>)
          %dma_start3A_316 = arith.constant 0 : i32
          %dma_start3A_317 = arith.constant 0 : i32
          %dma_start3A_318 = tpu.memref_slice %arg10[%rem3A_162, %dma_start3A_316, %dma_start3A_317] : memref<2x2x128xi32, #tpu.memory_space<vmem>> -> memref<1x2x128xi32, #tpu.memory_space<vmem>>
          %dma_start3A_319 = tpu.memref_squeeze %dma_start3A_318 : memref<1x2x128xi32, #tpu.memory_space<vmem>> -> memref<2x128xi32, #tpu.memory_space<vmem>>
          %dma_start3A_320 = arith.constant 0 : i32
          %dma_start3A_321 = tpu.memref_slice %arg4[%add3A_303, %dma_start3A_320] : memref<5024x128xi32, #tpu.memory_space<hbm>> -> memref<2x128xi32, #tpu.memory_space<hbm>>
          %dma_start3A_322 = arith.constant 0 : i32
          %dma_start3A_323 = arith.constant 0 : i32
          %dma_start3A_324 = tpu.memref_slice %arg10[%rem3A_162, %dma_start3A_322, %dma_start3A_323] : memref<2x2x128xi32, #tpu.memory_space<vmem>> -> memref<1x2x128xi32, #tpu.memory_space<vmem>>
          %dma_start3A_325 = tpu.memref_squeeze %dma_start3A_324 : memref<1x2x128xi32, #tpu.memory_space<vmem>> -> memref<2x128xi32, #tpu.memory_space<vmem>>
          %dma_start3A_326 = arith.constant 0 : i32
          %dma_start3A_327 = tpu.memref_slice %arg4[%add3A_303, %dma_start3A_326] : memref<5024x128xi32, #tpu.memory_space<hbm>> -> memref<2x128xi32, #tpu.memory_space<hbm>>
          tpu.enqueue_dma source(%dma_start3A_327 : memref<2x128xi32, #tpu.memory_space<hbm>>) target(%dma_start3A_325 : memref<2x128xi32, #tpu.memory_space<vmem>>) target_semaphore(%arg14 : memref<!tpu.dma_semaphore, #tpu.memory_space<semaphore_mem>>)
        } else {
        }
      } else {
      }
    }
    %dma_wait3A_126 = arith.constant 0 : i32
    %dma_wait3A_127 = arith.constant 0 : i32
    %dma_wait3A_128 = arith.constant 0 : i32
    %dma_wait3A_129 = arith.constant 0 : i32
    %dma_wait3A_130 = arith.constant 0 : i32
    %dma_wait3A_131 = tpu.memref_slice %arg11[%dma_wait3A_126, %dma_wait3A_129, %dma_wait3A_130] : memref<2x128x128xf32, #tpu.memory_space<vmem>> -> memref<1x128x128xf32, #tpu.memory_space<vmem>>
    %dma_wait3A_132 = tpu.memref_squeeze %dma_wait3A_131 : memref<1x128x128xf32, #tpu.memory_space<vmem>> -> memref<128x128xf32, #tpu.memory_space<vmem>>
    %dma_wait3A_133 = arith.constant 0 : i32
    %dma_wait3A_134 = tpu.memref_slice %arg10[%dma_wait3A_127, %dma_wait3A_128, %dma_wait3A_133] : memref<2x2x128xi32, #tpu.memory_space<vmem>> -> memref<1x1x128xi32, #tpu.memory_space<vmem>>
    %dma_wait3A_135 = tpu.memref_squeeze %dma_wait3A_134 : memref<1x1x128xi32, #tpu.memory_space<vmem>> -> memref<128xi32, #tpu.memory_space<vmem>>
    %dma_wait3A_136 = arith.constant 0 : i32
    %dma_wait3A_137 = arith.constant 0 : i32
    %dma_wait3A_138 = tpu.memref_slice %arg8[%dma_wait3A_136, %dma_wait3A_137] : memref<10240x128xf32, #tpu.memory_space<vmem_shared>> -> memref<10240x128xf32, #tpu.memory_space<vmem_shared>>
    tpu.wait_indirect_dma semaphore(%arg13 : memref<!tpu.dma_semaphore, #tpu.memory_space<semaphore_mem>>) src(%dma_wait3A_132 : memref<128x128xf32, #tpu.memory_space<vmem>>) dst(%dma_wait3A_138 : memref<10240x128xf32, #tpu.memory_space<vmem_shared>>)
    %dma_wait3A_139 = arith.constant 1 : i32
    %dma_wait3A_140 = arith.constant 0 : i32
    %dma_wait3A_141 = arith.constant 0 : i32
    %dma_wait3A_142 = arith.constant 0 : i32
    %dma_wait3A_143 = arith.constant 0 : i32
    %dma_wait3A_144 = tpu.memref_slice %arg11[%dma_wait3A_139, %dma_wait3A_142, %dma_wait3A_143] : memref<2x128x128xf32, #tpu.memory_space<vmem>> -> memref<1x128x128xf32, #tpu.memory_space<vmem>>
    %dma_wait3A_145 = tpu.memref_squeeze %dma_wait3A_144 : memref<1x128x128xf32, #tpu.memory_space<vmem>> -> memref<128x128xf32, #tpu.memory_space<vmem>>
    %dma_wait3A_146 = arith.constant 0 : i32
    %dma_wait3A_147 = tpu.memref_slice %arg10[%dma_wait3A_140, %dma_wait3A_141, %dma_wait3A_146] : memref<2x2x128xi32, #tpu.memory_space<vmem>> -> memref<1x1x128xi32, #tpu.memory_space<vmem>>
    %dma_wait3A_148 = tpu.memref_squeeze %dma_wait3A_147 : memref<1x1x128xi32, #tpu.memory_space<vmem>> -> memref<128xi32, #tpu.memory_space<vmem>>
    %dma_wait3A_149 = arith.constant 0 : i32
    %dma_wait3A_150 = arith.constant 0 : i32
    %dma_wait3A_151 = tpu.memref_slice %arg8[%dma_wait3A_149, %dma_wait3A_150] : memref<10240x128xf32, #tpu.memory_space<vmem_shared>> -> memref<10240x128xf32, #tpu.memory_space<vmem_shared>>
    tpu.wait_indirect_dma semaphore(%arg13 : memref<!tpu.dma_semaphore, #tpu.memory_space<semaphore_mem>>) src(%dma_wait3A_145 : memref<128x128xf32, #tpu.memory_space<vmem>>) dst(%dma_wait3A_151 : memref<10240x128xf32, #tpu.memory_space<vmem_shared>>)
    %barrier3A_152 = arith.constant 0 : index
    tpu.barrier barrier_id(%barrier3A_152)
    %eq3A_153 = arith.constant 0 : i32
    %eq3A_154 = arith.cmpi eq, %arg0, %eq3A_153 : i32
    %convert_element_type3A = arith.extui %eq3A_154 : i1 to i32
    %cond3A = arith.constant 0 : i32
    %cond3A_155 = arith.cmpi ne, %convert_element_type3A, %cond3A : i32
    scf.if %cond3A_155 {
      "tpu.region"() ({
        %run_scoped3A = tpu.sem_alloc : memref<!tpu.dma_semaphore, #tpu.memory_space<semaphore_mem>>
        %dma_start3A_161 = arith.constant 0 : i32
        %dma_start3A_162 = tpu.memref_slice %arg6[%mul3A_0, %dma_start3A_161] : memref<10240x128xf32, #tpu.memory_space<hbm>> -> memref<640x128xf32, #tpu.memory_space<hbm>>
        %dma_start3A_163 = arith.constant 0 : i32
        %dma_start3A_164 = tpu.memref_slice %arg8[%mul3A_0, %dma_start3A_163] : memref<10240x128xf32, #tpu.memory_space<vmem_shared>> -> memref<640x128xf32, #tpu.memory_space<vmem_shared>>
        tpu.enqueue_dma source(%dma_start3A_164 : memref<640x128xf32, #tpu.memory_space<vmem_shared>>) target(%dma_start3A_162 : memref<640x128xf32, #tpu.memory_space<hbm>>) target_semaphore(%run_scoped3A : memref<!tpu.dma_semaphore, #tpu.memory_space<semaphore_mem>>)
        %dma_wait3A_165 = arith.constant 0 : i32
        %dma_wait3A_166 = tpu.memref_slice %arg6[%mul3A_0, %dma_wait3A_165] : memref<10240x128xf32, #tpu.memory_space<hbm>> -> memref<640x128xf32, #tpu.memory_space<hbm>>
        %dma_wait3A_167 = arith.constant 0 : i32
        %dma_wait3A_168 = tpu.memref_slice %arg8[%mul3A_0, %dma_wait3A_167] : memref<10240x128xf32, #tpu.memory_space<vmem_shared>> -> memref<640x128xf32, #tpu.memory_space<vmem_shared>>
        tpu.wait_dma2 semaphore(%run_scoped3A : memref<!tpu.dma_semaphore, #tpu.memory_space<semaphore_mem>>) src(%dma_wait3A_168 : memref<640x128xf32, #tpu.memory_space<vmem_shared>>) dst(%dma_wait3A_166 : memref<640x128xf32, #tpu.memory_space<hbm>>)
        tpu.yield
      }) : () -> ()
    } else {
    }
    %eq3A_156 = arith.constant 1 : i32
    %eq3A_157 = arith.cmpi eq, %arg0, %eq3A_156 : i32
    %convert_element_type3A_158 = arith.extui %eq3A_157 : i1 to i32
    %cond3A_159 = arith.constant 0 : i32
    %cond3A_160 = arith.cmpi ne, %convert_element_type3A_158, %cond3A_159 : i32
    scf.if %cond3A_160 {
      "tpu.region"() ({
        %run_scoped3A = tpu.sem_alloc : memref<!tpu.dma_semaphore, #tpu.memory_space<semaphore_mem>>
        %dma_start3A_161 = arith.constant 0 : i32
        %dma_start3A_162 = tpu.memref_slice %arg7[%mul3A_0, %dma_start3A_161] : memref<10240x128xf32, #tpu.memory_space<hbm>> -> memref<640x128xf32, #tpu.memory_space<hbm>>
        %dma_start3A_163 = arith.constant 0 : i32
        %dma_start3A_164 = tpu.memref_slice %arg8[%mul3A_0, %dma_start3A_163] : memref<10240x128xf32, #tpu.memory_space<vmem_shared>> -> memref<640x128xf32, #tpu.memory_space<vmem_shared>>
        tpu.enqueue_dma source(%dma_start3A_164 : memref<640x128xf32, #tpu.memory_space<vmem_shared>>) target(%dma_start3A_162 : memref<640x128xf32, #tpu.memory_space<hbm>>) target_semaphore(%run_scoped3A : memref<!tpu.dma_semaphore, #tpu.memory_space<semaphore_mem>>)
        %dma_wait3A_165 = arith.constant 0 : i32
        %dma_wait3A_166 = tpu.memref_slice %arg7[%mul3A_0, %dma_wait3A_165] : memref<10240x128xf32, #tpu.memory_space<hbm>> -> memref<640x128xf32, #tpu.memory_space<hbm>>
        %dma_wait3A_167 = arith.constant 0 : i32
        %dma_wait3A_168 = tpu.memref_slice %arg8[%mul3A_0, %dma_wait3A_167] : memref<10240x128xf32, #tpu.memory_space<vmem_shared>> -> memref<640x128xf32, #tpu.memory_space<vmem_shared>>
        tpu.wait_dma2 semaphore(%run_scoped3A : memref<!tpu.dma_semaphore, #tpu.memory_space<semaphore_mem>>) src(%dma_wait3A_168 : memref<640x128xf32, #tpu.memory_space<vmem_shared>>) dst(%dma_wait3A_166 : memref<640x128xf32, #tpu.memory_space<hbm>>)
        tpu.yield
      }) : () -> ()
    } else {
    }
    return
  }
}

#map = affine_map<(d0, d1) -> (0, 0)>
module attributes {stable_mosaic.version = 14 : i64} {
  func.func @seg(%arg0: i32, %arg1: i32, %arg2: memref<10240x128xf32, #tpu.memory_space<hbm>>, %arg3: memref<5024x128xi32, #tpu.memory_space<hbm>>, %arg4: memref<5024x128xi32, #tpu.memory_space<hbm>>, %arg5: memref<10240x128xf32, #tpu.memory_space<hbm>>, %arg6: memref<10240x128xf32, #tpu.memory_space<hbm>>, %arg7: memref<10240x128xf32, #tpu.memory_space<hbm>>, %arg8: memref<10240x128xf32, #tpu.memory_space<vmem_shared>>, %arg9: memref<2x2x128xi32, #tpu.memory_space<vmem>>, %arg10: memref<2x2x128xi32, #tpu.memory_space<vmem>>, %arg11: memref<2x128x128xf32, #tpu.memory_space<vmem>>, %arg12: memref<!tpu.dma_semaphore, #tpu.memory_space<semaphore_mem>>, %arg13: memref<!tpu.dma_semaphore, #tpu.memory_space<semaphore_mem>>, %arg14: memref<!tpu.dma_semaphore, #tpu.memory_space<semaphore_mem>>) attributes {dimension_semantics = [#tpu.dimension_semantics<core_parallel>, #tpu.dimension_semantics<subcore_parallel>], iteration_bounds = array<i64: 2, 16>, scalar_prefetch = 0 : i64, scratch_operands = 7 : i64, tpu.core_type = #tpu.core_type<sc_vector_subcore>, window_params = [{transform_indices = #map}, {transform_indices = #map}, {transform_indices = #map}, {transform_indices = #map}, {transform_indices = #map}, {transform_indices = #map}]} {
    %mul3A = arith.constant 640 : i32
    %mul3A_0 = arith.muli %arg1, %mul3A : i32
    %eq3A = arith.constant 0 : i32
    %eq3A_1 = arith.cmpi eq, %arg0, %eq3A : i32
    %mul3A_2 = arith.constant 222 : i32
    %mul3A_3 = arith.muli %arg1, %mul3A_2 : i32
    %mul3A_4 = arith.constant 92 : i32
    %mul3A_5 = arith.muli %arg1, %mul3A_4 : i32
    %add3A = arith.constant 3552 : i32
    %add3A_6 = arith.addi %add3A, %mul3A_5 : i32
    %select_n3A = arith.select %eq3A_1, %mul3A_3, %add3A_6 : i32
    %eq3A_7 = arith.constant 0 : i32
    %eq3A_8 = arith.cmpi eq, %arg0, %eq3A_7 : i32
    %jit3A = arith.constant 111 : i32
    %jit3A_9 = arith.constant 46 : i32
    %select_n3A_10 = arith.select %eq3A_8, %jit3A, %jit3A_9 : i32
    "tpu.region"() ({
      %run_scoped3A = tpu.sem_alloc : memref<!tpu.dma_semaphore, #tpu.memory_space<semaphore_mem>>
      %dma_start3A_161 = arith.constant 0 : i32
      %dma_start3A_162 = tpu.memref_slice %arg8[%mul3A_0, %dma_start3A_161] : memref<10240x128xf32, #tpu.memory_space<vmem_shared>> -> memref<640x128xf32, #tpu.memory_space<vmem_shared>>
      %dma_start3A_163 = arith.constant 0 : i32
      %dma_start3A_164 = tpu.memref_slice %arg5[%mul3A_0, %dma_start3A_163] : memref<10240x128xf32, #tpu.memory_space<hbm>> -> memref<640x128xf32, #tpu.memory_space<hbm>>
      tpu.enqueue_dma source(%dma_start3A_164 : memref<640x128xf32, #tpu.memory_space<hbm>>) target(%dma_start3A_162 : memref<640x128xf32, #tpu.memory_space<vmem_shared>>) target_semaphore(%run_scoped3A : memref<!tpu.dma_semaphore, #tpu.memory_space<semaphore_mem>>)
      %dma_wait3A_165 = arith.constant 0 : i32
      %dma_wait3A_166 = tpu.memref_slice %arg8[%mul3A_0, %dma_wait3A_165] : memref<10240x128xf32, #tpu.memory_space<vmem_shared>> -> memref<640x128xf32, #tpu.memory_space<vmem_shared>>
      %dma_wait3A_167 = arith.constant 0 : i32
      %dma_wait3A_168 = tpu.memref_slice %arg5[%mul3A_0, %dma_wait3A_167] : memref<10240x128xf32, #tpu.memory_space<hbm>> -> memref<640x128xf32, #tpu.memory_space<hbm>>
      tpu.wait_dma2 semaphore(%run_scoped3A : memref<!tpu.dma_semaphore, #tpu.memory_space<semaphore_mem>>) src(%dma_wait3A_168 : memref<640x128xf32, #tpu.memory_space<hbm>>) dst(%dma_wait3A_166 : memref<640x128xf32, #tpu.memory_space<vmem_shared>>)
      tpu.yield
    }) : () -> ()
    %barrier3A = arith.constant 0 : index
    tpu.barrier barrier_id(%barrier3A)
    %add3A_11 = arith.constant 0 : i32
    %add3A_12 = arith.addi %select_n3A, %add3A_11 : i32
    %dma_start3A = arith.constant 0 : i32
    %dma_start3A_13 = arith.constant 0 : i32
    %dma_start3A_14 = arith.constant 0 : i32
    %dma_start3A_15 = tpu.memref_slice %arg9[%dma_start3A, %dma_start3A_13, %dma_start3A_14] : memref<2x2x128xi32, #tpu.memory_space<vmem>> -> memref<1x2x128xi32, #tpu.memory_space<vmem>>
    %dma_start3A_16 = tpu.memref_squeeze %dma_start3A_15 : memref<1x2x128xi32, #tpu.memory_space<vmem>> -> memref<2x128xi32, #tpu.memory_space<vmem>>
    %dma_start3A_17 = arith.constant 0 : i32
    %dma_start3A_18 = tpu.memref_slice %arg3[%add3A_12, %dma_start3A_17] : memref<5024x128xi32, #tpu.memory_space<hbm>> -> memref<2x128xi32, #tpu.memory_space<hbm>>
    %dma_start3A_19 = arith.constant 0 : i32
    %dma_start3A_20 = arith.constant 0 : i32
    %dma_start3A_21 = tpu.memref_slice %arg9[%dma_start3A, %dma_start3A_19, %dma_start3A_20] : memref<2x2x128xi32, #tpu.memory_space<vmem>> -> memref<1x2x128xi32, #tpu.memory_space<vmem>>
    %dma_start3A_22 = tpu.memref_squeeze %dma_start3A_21 : memref<1x2x128xi32, #tpu.memory_space<vmem>> -> memref<2x128xi32, #tpu.memory_space<vmem>>
    %dma_start3A_23 = arith.constant 0 : i32
    %dma_start3A_24 = tpu.memref_slice %arg3[%add3A_12, %dma_start3A_23] : memref<5024x128xi32, #tpu.memory_space<hbm>> -> memref<2x128xi32, #tpu.memory_space<hbm>>
    tpu.enqueue_dma source(%dma_start3A_24 : memref<2x128xi32, #tpu.memory_space<hbm>>) target(%dma_start3A_22 : memref<2x128xi32, #tpu.memory_space<vmem>>) target_semaphore(%arg14 : memref<!tpu.dma_semaphore, #tpu.memory_space<semaphore_mem>>)
    %dma_start3A_25 = arith.constant 0 : i32
    %dma_start3A_26 = arith.constant 0 : i32
    %dma_start3A_27 = arith.constant 0 : i32
    %dma_start3A_28 = tpu.memref_slice %arg10[%dma_start3A_25, %dma_start3A_26, %dma_start3A_27] : memref<2x2x128xi32, #tpu.memory_space<vmem>> -> memref<1x2x128xi32, #tpu.memory_space<vmem>>
    %dma_start3A_29 = tpu.memref_squeeze %dma_start3A_28 : memref<1x2x128xi32, #tpu.memory_space<vmem>> -> memref<2x128xi32, #tpu.memory_space<vmem>>
    %dma_start3A_30 = arith.constant 0 : i32
    %dma_start3A_31 = tpu.memref_slice %arg4[%add3A_12, %dma_start3A_30] : memref<5024x128xi32, #tpu.memory_space<hbm>> -> memref<2x128xi32, #tpu.memory_space<hbm>>
    %dma_start3A_32 = arith.constant 0 : i32
    %dma_start3A_33 = arith.constant 0 : i32
    %dma_start3A_34 = tpu.memref_slice %arg10[%dma_start3A_25, %dma_start3A_32, %dma_start3A_33] : memref<2x2x128xi32, #tpu.memory_space<vmem>> -> memref<1x2x128xi32, #tpu.memory_space<vmem>>
    %dma_start3A_35 = tpu.memref_squeeze %dma_start3A_34 : memref<1x2x128xi32, #tpu.memory_space<vmem>> -> memref<2x128xi32, #tpu.memory_space<vmem>>
    %dma_start3A_36 = arith.constant 0 : i32
    %dma_start3A_37 = tpu.memref_slice %arg4[%add3A_12, %dma_start3A_36] : memref<5024x128xi32, #tpu.memory_space<hbm>> -> memref<2x128xi32, #tpu.memory_space<hbm>>
    tpu.enqueue_dma source(%dma_start3A_37 : memref<2x128xi32, #tpu.memory_space<hbm>>) target(%dma_start3A_35 : memref<2x128xi32, #tpu.memory_space<vmem>>) target_semaphore(%arg14 : memref<!tpu.dma_semaphore, #tpu.memory_space<semaphore_mem>>)
    %dma_wait3A = arith.constant 0 : i32
    %dma_wait3A_38 = arith.constant 0 : i32
    %dma_wait3A_39 = arith.constant 0 : i32
    %dma_wait3A_40 = tpu.memref_slice %arg9[%dma_wait3A, %dma_wait3A_38, %dma_wait3A_39] : memref<2x2x128xi32, #tpu.memory_space<vmem>> -> memref<1x2x128xi32, #tpu.memory_space<vmem>>
    %dma_wait3A_41 = tpu.memref_squeeze %dma_wait3A_40 : memref<1x2x128xi32, #tpu.memory_space<vmem>> -> memref<2x128xi32, #tpu.memory_space<vmem>>
    %dma_wait3A_42 = arith.constant 0 : i32
    %dma_wait3A_43 = tpu.memref_slice %arg3[%select_n3A, %dma_wait3A_42] : memref<5024x128xi32, #tpu.memory_space<hbm>> -> memref<2x128xi32, #tpu.memory_space<hbm>>
    %dma_wait3A_44 = arith.constant 0 : i32
    %dma_wait3A_45 = arith.constant 0 : i32
    %dma_wait3A_46 = tpu.memref_slice %arg9[%dma_wait3A, %dma_wait3A_44, %dma_wait3A_45] : memref<2x2x128xi32, #tpu.memory_space<vmem>> -> memref<1x2x128xi32, #tpu.memory_space<vmem>>
    %dma_wait3A_47 = tpu.memref_squeeze %dma_wait3A_46 : memref<1x2x128xi32, #tpu.memory_space<vmem>> -> memref<2x128xi32, #tpu.memory_space<vmem>>
    %dma_wait3A_48 = arith.constant 0 : i32
    %dma_wait3A_49 = tpu.memref_slice %arg3[%select_n3A, %dma_wait3A_48] : memref<5024x128xi32, #tpu.memory_space<hbm>> -> memref<2x128xi32, #tpu.memory_space<hbm>>
    tpu.wait_dma2 semaphore(%arg14 : memref<!tpu.dma_semaphore, #tpu.memory_space<semaphore_mem>>) src(%dma_wait3A_49 : memref<2x128xi32, #tpu.memory_space<hbm>>) dst(%dma_wait3A_47 : memref<2x128xi32, #tpu.memory_space<vmem>>)
    %dma_wait3A_50 = arith.constant 0 : i32
    %dma_wait3A_51 = arith.constant 0 : i32
    %dma_wait3A_52 = arith.constant 0 : i32
    %dma_wait3A_53 = tpu.memref_slice %arg10[%dma_wait3A_50, %dma_wait3A_51, %dma_wait3A_52] : memref<2x2x128xi32, #tpu.memory_space<vmem>> -> memref<1x2x128xi32, #tpu.memory_space<vmem>>
    %dma_wait3A_54 = tpu.memref_squeeze %dma_wait3A_53 : memref<1x2x128xi32, #tpu.memory_space<vmem>> -> memref<2x128xi32, #tpu.memory_space<vmem>>
    %dma_wait3A_55 = arith.constant 0 : i32
    %dma_wait3A_56 = tpu.memref_slice %arg4[%select_n3A, %dma_wait3A_55] : memref<5024x128xi32, #tpu.memory_space<hbm>> -> memref<2x128xi32, #tpu.memory_space<hbm>>
    %dma_wait3A_57 = arith.constant 0 : i32
    %dma_wait3A_58 = arith.constant 0 : i32
    %dma_wait3A_59 = tpu.memref_slice %arg10[%dma_wait3A_50, %dma_wait3A_57, %dma_wait3A_58] : memref<2x2x128xi32, #tpu.memory_space<vmem>> -> memref<1x2x128xi32, #tpu.memory_space<vmem>>
    %dma_wait3A_60 = tpu.memref_squeeze %dma_wait3A_59 : memref<1x2x128xi32, #tpu.memory_space<vmem>> -> memref<2x128xi32, #tpu.memory_space<vmem>>
    %dma_wait3A_61 = arith.constant 0 : i32
    %dma_wait3A_62 = tpu.memref_slice %arg4[%select_n3A, %dma_wait3A_61] : memref<5024x128xi32, #tpu.memory_space<hbm>> -> memref<2x128xi32, #tpu.memory_space<hbm>>
    tpu.wait_dma2 semaphore(%arg14 : memref<!tpu.dma_semaphore, #tpu.memory_space<semaphore_mem>>) src(%dma_wait3A_62 : memref<2x128xi32, #tpu.memory_space<hbm>>) dst(%dma_wait3A_60 : memref<2x128xi32, #tpu.memory_space<vmem>>)
    %dma_start3A_63 = arith.constant 0 : i32
    %dma_start3A_64 = arith.constant 0 : i32
    %dma_start3A_65 = arith.constant 0 : i32
    %dma_start3A_66 = arith.constant 0 : i32
    %dma_start3A_67 = arith.constant 0 : i32
    %dma_start3A_68 = tpu.memref_slice %arg11[%dma_start3A_65, %dma_start3A_66, %dma_start3A_67] : memref<2x128x128xf32, #tpu.memory_space<vmem>> -> memref<1x128x128xf32, #tpu.memory_space<vmem>>
    %dma_start3A_69 = tpu.memref_squeeze %dma_start3A_68 : memref<1x128x128xf32, #tpu.memory_space<vmem>> -> memref<128x128xf32, #tpu.memory_space<vmem>>
    %dma_start3A_70 = arith.constant 0 : i32
    %dma_start3A_71 = tpu.memref_slice %arg9[%dma_start3A_63, %dma_start3A_64, %dma_start3A_70] : memref<2x2x128xi32, #tpu.memory_space<vmem>> -> memref<1x1x128xi32, #tpu.memory_space<vmem>>
    %dma_start3A_72 = tpu.memref_squeeze %dma_start3A_71 : memref<1x1x128xi32, #tpu.memory_space<vmem>> -> memref<128xi32, #tpu.memory_space<vmem>>
    %dma_start3A_73 = arith.constant 0 : i32
    %dma_start3A_74 = arith.constant 0 : i32
    %dma_start3A_75 = tpu.memref_slice %arg2[%dma_start3A_73, %dma_start3A_74] : memref<10240x128xf32, #tpu.memory_space<hbm>> -> memref<10240x128xf32, #tpu.memory_space<hbm>>
    tpu.enqueue_indirect_dma source(%dma_start3A_75 : memref<10240x128xf32, #tpu.memory_space<hbm>>) target(%dma_start3A_69 : memref<128x128xf32, #tpu.memory_space<vmem>>) offsets(%dma_start3A_72 : memref<128xi32, #tpu.memory_space<vmem>>) semaphore(%arg12 : memref<!tpu.dma_semaphore, #tpu.memory_space<semaphore_mem>>)
    %dma_start3A_76 = arith.constant 0 : i32
    %dma_start3A_77 = arith.constant 1 : i32
    %dma_start3A_78 = arith.constant 1 : i32
    %dma_start3A_79 = arith.constant 0 : i32
    %dma_start3A_80 = arith.constant 0 : i32
    %dma_start3A_81 = tpu.memref_slice %arg11[%dma_start3A_78, %dma_start3A_79, %dma_start3A_80] : memref<2x128x128xf32, #tpu.memory_space<vmem>> -> memref<1x128x128xf32, #tpu.memory_space<vmem>>
    %dma_start3A_82 = tpu.memref_squeeze %dma_start3A_81 : memref<1x128x128xf32, #tpu.memory_space<vmem>> -> memref<128x128xf32, #tpu.memory_space<vmem>>
    %dma_start3A_83 = arith.constant 0 : i32
    %dma_start3A_84 = tpu.memref_slice %arg9[%dma_start3A_76, %dma_start3A_77, %dma_start3A_83] : memref<2x2x128xi32, #tpu.memory_space<vmem>> -> memref<1x1x128xi32, #tpu.memory_space<vmem>>
    %dma_start3A_85 = tpu.memref_squeeze %dma_start3A_84 : memref<1x1x128xi32, #tpu.memory_space<vmem>> -> memref<128xi32, #tpu.memory_space<vmem>>
    %dma_start3A_86 = arith.constant 0 : i32
    %dma_start3A_87 = arith.constant 0 : i32
    %dma_start3A_88 = tpu.memref_slice %arg2[%dma_start3A_86, %dma_start3A_87] : memref<10240x128xf32, #tpu.memory_space<hbm>> -> memref<10240x128xf32, #tpu.memory_space<hbm>>
    tpu.enqueue_indirect_dma source(%dma_start3A_88 : memref<10240x128xf32, #tpu.memory_space<hbm>>) target(%dma_start3A_82 : memref<128x128xf32, #tpu.memory_space<vmem>>) offsets(%dma_start3A_85 : memref<128xi32, #tpu.memory_space<vmem>>) semaphore(%arg12 : memref<!tpu.dma_semaphore, #tpu.memory_space<semaphore_mem>>)
    %add3A_89 = arith.constant 2 : i32
    %add3A_90 = arith.addi %select_n3A, %add3A_89 : i32
    %dma_start3A_91 = arith.constant 1 : i32
    %dma_start3A_92 = arith.constant 0 : i32
    %dma_start3A_93 = arith.constant 0 : i32
    %dma_start3A_94 = tpu.memref_slice %arg9[%dma_start3A_91, %dma_start3A_92, %dma_start3A_93] : memref<2x2x128xi32, #tpu.memory_space<vmem>> -> memref<1x2x128xi32, #tpu.memory_space<vmem>>
    %dma_start3A_95 = tpu.memref_squeeze %dma_start3A_94 : memref<1x2x128xi32, #tpu.memory_space<vmem>> -> memref<2x128xi32, #tpu.memory_space<vmem>>
    %dma_start3A_96 = arith.constant 0 : i32
    %dma_start3A_97 = tpu.memref_slice %arg3[%add3A_90, %dma_start3A_96] : memref<5024x128xi32, #tpu.memory_space<hbm>> -> memref<2x128xi32, #tpu.memory_space<hbm>>
    %dma_start3A_98 = arith.constant 0 : i32
    %dma_start3A_99 = arith.constant 0 : i32
    %dma_start3A_100 = tpu.memref_slice %arg9[%dma_start3A_91, %dma_start3A_98, %dma_start3A_99] : memref<2x2x128xi32, #tpu.memory_space<vmem>> -> memref<1x2x128xi32, #tpu.memory_space<vmem>>
    %dma_start3A_101 = tpu.memref_squeeze %dma_start3A_100 : memref<1x2x128xi32, #tpu.memory_space<vmem>> -> memref<2x128xi32, #tpu.memory_space<vmem>>
    %dma_start3A_102 = arith.constant 0 : i32
    %dma_start3A_103 = tpu.memref_slice %arg3[%add3A_90, %dma_start3A_102] : memref<5024x128xi32, #tpu.memory_space<hbm>> -> memref<2x128xi32, #tpu.memory_space<hbm>>
    tpu.enqueue_dma source(%dma_start3A_103 : memref<2x128xi32, #tpu.memory_space<hbm>>) target(%dma_start3A_101 : memref<2x128xi32, #tpu.memory_space<vmem>>) target_semaphore(%arg14 : memref<!tpu.dma_semaphore, #tpu.memory_space<semaphore_mem>>)
    %dma_start3A_104 = arith.constant 1 : i32
    %dma_start3A_105 = arith.constant 0 : i32
    %dma_start3A_106 = arith.constant 0 : i32
    %dma_start3A_107 = tpu.memref_slice %arg10[%dma_start3A_104, %dma_start3A_105, %dma_start3A_106] : memref<2x2x128xi32, #tpu.memory_space<vmem>> -> memref<1x2x128xi32, #tpu.memory_space<vmem>>
    %dma_start3A_108 = tpu.memref_squeeze %dma_start3A_107 : memref<1x2x128xi32, #tpu.memory_space<vmem>> -> memref<2x128xi32, #tpu.memory_space<vmem>>
    %dma_start3A_109 = arith.constant 0 : i32
    %dma_start3A_110 = tpu.memref_slice %arg4[%add3A_90, %dma_start3A_109] : memref<5024x128xi32, #tpu.memory_space<hbm>> -> memref<2x128xi32, #tpu.memory_space<hbm>>
    %dma_start3A_111 = arith.constant 0 : i32
    %dma_start3A_112 = arith.constant 0 : i32
    %dma_start3A_113 = tpu.memref_slice %arg10[%dma_start3A_104, %dma_start3A_111, %dma_start3A_112] : memref<2x2x128xi32, #tpu.memory_space<vmem>> -> memref<1x2x128xi32, #tpu.memory_space<vmem>>
    %dma_start3A_114 = tpu.memref_squeeze %dma_start3A_113 : memref<1x2x128xi32, #tpu.memory_space<vmem>> -> memref<2x128xi32, #tpu.memory_space<vmem>>
    %dma_start3A_115 = arith.constant 0 : i32
    %dma_start3A_116 = tpu.memref_slice %arg4[%add3A_90, %dma_start3A_115] : memref<5024x128xi32, #tpu.memory_space<hbm>> -> memref<2x128xi32, #tpu.memory_space<hbm>>
    tpu.enqueue_dma source(%dma_start3A_116 : memref<2x128xi32, #tpu.memory_space<hbm>>) target(%dma_start3A_114 : memref<2x128xi32, #tpu.memory_space<vmem>>) target_semaphore(%arg14 : memref<!tpu.dma_semaphore, #tpu.memory_space<semaphore_mem>>)
    %while3A = arith.constant 0 : i32
    %while3A_117 = arith.constant 0 : i32
    %while3A_118 = arith.subi %select_n3A_10, %while3A_117 : i32
    %while3A_119 = arith.addi %while3A_117, %while3A_118 : i32
    %while3A_120 = arith.constant 1 : i32
    %while3A_121 = arith.divsi %while3A_118, %while3A_120 : i32
    %while3A_122 = arith.muli %while3A_121, %while3A_120 : i32
    %while3A_123 = arith.addi %while3A_117, %while3A_122 : i32
    %while3A_124 = arith.constant 1 : i32
    scf.for %while3A_161 = %while3A_117 to %while3A_123 step %while3A_124  : i32 {
      %rem3A = arith.constant 2 : i32
      %rem3A_162 = arith.remsi %while3A_161, %rem3A : i32
      %sub3A = arith.constant 1 : i32
      %sub3A_163 = arith.subi %sub3A, %rem3A_162 : i32
      %dma_wait3A_164 = arith.constant 0 : i32
      %dma_wait3A_165 = arith.constant 0 : i32
      %dma_wait3A_166 = arith.constant 0 : i32
      %dma_wait3A_167 = arith.constant 0 : i32
      %dma_wait3A_168 = arith.constant 0 : i32
      %dma_wait3A_169 = tpu.memref_slice %arg11[%dma_wait3A_166, %dma_wait3A_167, %dma_wait3A_168] : memref<2x128x128xf32, #tpu.memory_space<vmem>> -> memref<1x128x128xf32, #tpu.memory_space<vmem>>
      %dma_wait3A_170 = tpu.memref_squeeze %dma_wait3A_169 : memref<1x128x128xf32, #tpu.memory_space<vmem>> -> memref<128x128xf32, #tpu.memory_space<vmem>>
      %dma_wait3A_171 = arith.constant 0 : i32
      %dma_wait3A_172 = tpu.memref_slice %arg9[%dma_wait3A_164, %dma_wait3A_165, %dma_wait3A_171] : memref<2x2x128xi32, #tpu.memory_space<vmem>> -> memref<1x1x128xi32, #tpu.memory_space<vmem>>
      %dma_wait3A_173 = tpu.memref_squeeze %dma_wait3A_172 : memref<1x1x128xi32, #tpu.memory_space<vmem>> -> memref<128xi32, #tpu.memory_space<vmem>>
      %dma_wait3A_174 = arith.constant 0 : i32
      %dma_wait3A_175 = arith.constant 0 : i32
      %dma_wait3A_176 = tpu.memref_slice %arg2[%dma_wait3A_174, %dma_wait3A_175] : memref<10240x128xf32, #tpu.memory_space<hbm>> -> memref<10240x128xf32, #tpu.memory_space<hbm>>
      tpu.wait_indirect_dma semaphore(%arg12 : memref<!tpu.dma_semaphore, #tpu.memory_space<semaphore_mem>>) src(%dma_wait3A_176 : memref<10240x128xf32, #tpu.memory_space<hbm>>) dst(%dma_wait3A_170 : memref<128x128xf32, #tpu.memory_space<vmem>>)
      %dma_start3A_177 = arith.constant 0 : i32
      %dma_start3A_178 = arith.constant 0 : i32
      %dma_start3A_179 = arith.constant 0 : i32
      %dma_start3A_180 = arith.constant 0 : i32
      %dma_start3A_181 = tpu.memref_slice %arg11[%dma_start3A_177, %dma_start3A_179, %dma_start3A_180] : memref<2x128x128xf32, #tpu.memory_space<vmem>> -> memref<1x128x128xf32, #tpu.memory_space<vmem>>
      %dma_start3A_182 = tpu.memref_squeeze %dma_start3A_181 : memref<1x128x128xf32, #tpu.memory_space<vmem>> -> memref<128x128xf32, #tpu.memory_space<vmem>>
      %dma_start3A_183 = arith.constant 0 : i32
      %dma_start3A_184 = tpu.memref_slice %arg10[%rem3A_162, %dma_start3A_178, %dma_start3A_183] : memref<2x2x128xi32, #tpu.memory_space<vmem>> -> memref<1x1x128xi32, #tpu.memory_space<vmem>>
      %dma_start3A_185 = tpu.memref_squeeze %dma_start3A_184 : memref<1x1x128xi32, #tpu.memory_space<vmem>> -> memref<128xi32, #tpu.memory_space<vmem>>
      %dma_start3A_186 = arith.constant 0 : i32
      %dma_start3A_187 = arith.constant 0 : i32
      %dma_start3A_188 = tpu.memref_slice %arg8[%dma_start3A_186, %dma_start3A_187] : memref<10240x128xf32, #tpu.memory_space<vmem_shared>> -> memref<10240x128xf32, #tpu.memory_space<vmem_shared>>
      tpu.enqueue_indirect_dma source(%dma_start3A_182 : memref<128x128xf32, #tpu.memory_space<vmem>>) target(%dma_start3A_188 : memref<10240x128xf32, #tpu.memory_space<vmem_shared>>) offsets(%dma_start3A_185 : memref<128xi32, #tpu.memory_space<vmem>>) semaphore(%arg13 : memref<!tpu.dma_semaphore, #tpu.memory_space<semaphore_mem>>) {add = true}
      %dma_wait3A_189 = arith.constant 0 : i32
      %dma_wait3A_190 = arith.constant 0 : i32
      %dma_wait3A_191 = arith.constant 1 : i32
      %dma_wait3A_192 = arith.constant 0 : i32
      %dma_wait3A_193 = arith.constant 0 : i32
      %dma_wait3A_194 = tpu.memref_slice %arg11[%dma_wait3A_191, %dma_wait3A_192, %dma_wait3A_193] : memref<2x128x128xf32, #tpu.memory_space<vmem>> -> memref<1x128x128xf32, #tpu.memory_space<vmem>>
      %dma_wait3A_195 = tpu.memref_squeeze %dma_wait3A_194 : memref<1x128x128xf32, #tpu.memory_space<vmem>> -> memref<128x128xf32, #tpu.memory_space<vmem>>
      %dma_wait3A_196 = arith.constant 0 : i32
      %dma_wait3A_197 = tpu.memref_slice %arg9[%dma_wait3A_189, %dma_wait3A_190, %dma_wait3A_196] : memref<2x2x128xi32, #tpu.memory_space<vmem>> -> memref<1x1x128xi32, #tpu.memory_space<vmem>>
      %dma_wait3A_198 = tpu.memref_squeeze %dma_wait3A_197 : memref<1x1x128xi32, #tpu.memory_space<vmem>> -> memref<128xi32, #tpu.memory_space<vmem>>
      %dma_wait3A_199 = arith.constant 0 : i32
      %dma_wait3A_200 = arith.constant 0 : i32
      %dma_wait3A_201 = tpu.memref_slice %arg2[%dma_wait3A_199, %dma_wait3A_200] : memref<10240x128xf32, #tpu.memory_space<hbm>> -> memref<10240x128xf32, #tpu.memory_space<hbm>>
      tpu.wait_indirect_dma semaphore(%arg12 : memref<!tpu.dma_semaphore, #tpu.memory_space<semaphore_mem>>) src(%dma_wait3A_201 : memref<10240x128xf32, #tpu.memory_space<hbm>>) dst(%dma_wait3A_195 : memref<128x128xf32, #tpu.memory_space<vmem>>)
      %dma_start3A_202 = arith.constant 1 : i32
      %dma_start3A_203 = arith.constant 1 : i32
      %dma_start3A_204 = arith.constant 0 : i32
      %dma_start3A_205 = arith.constant 0 : i32
      %dma_start3A_206 = tpu.memref_slice %arg11[%dma_start3A_202, %dma_start3A_204, %dma_start3A_205] : memref<2x128x128xf32, #tpu.memory_space<vmem>> -> memref<1x128x128xf32, #tpu.memory_space<vmem>>
      %dma_start3A_207 = tpu.memref_squeeze %dma_start3A_206 : memref<1x128x128xf32, #tpu.memory_space<vmem>> -> memref<128x128xf32, #tpu.memory_space<vmem>>
      %dma_start3A_208 = arith.constant 0 : i32
      %dma_start3A_209 = tpu.memref_slice %arg10[%rem3A_162, %dma_start3A_203, %dma_start3A_208] : memref<2x2x128xi32, #tpu.memory_space<vmem>> -> memref<1x1x128xi32, #tpu.memory_space<vmem>>
      %dma_start3A_210 = tpu.memref_squeeze %dma_start3A_209 : memref<1x1x128xi32, #tpu.memory_space<vmem>> -> memref<128xi32, #tpu.memory_space<vmem>>
      %dma_start3A_211 = arith.constant 0 : i32
      %dma_start3A_212 = arith.constant 0 : i32
      %dma_start3A_213 = tpu.memref_slice %arg8[%dma_start3A_211, %dma_start3A_212] : memref<10240x128xf32, #tpu.memory_space<vmem_shared>> -> memref<10240x128xf32, #tpu.memory_space<vmem_shared>>
      tpu.enqueue_indirect_dma source(%dma_start3A_207 : memref<128x128xf32, #tpu.memory_space<vmem>>) target(%dma_start3A_213 : memref<10240x128xf32, #tpu.memory_space<vmem_shared>>) offsets(%dma_start3A_210 : memref<128xi32, #tpu.memory_space<vmem>>) semaphore(%arg13 : memref<!tpu.dma_semaphore, #tpu.memory_space<semaphore_mem>>) {add = true}
      %add3A_214 = arith.constant 1 : i32
      %add3A_215 = arith.addi %while3A_161, %add3A_214 : i32
      %lt3A = arith.cmpi slt, %add3A_215, %select_n3A_10 : i32
      %convert_element_type3A_216 = arith.extui %lt3A : i1 to i32
      %cond3A_217 = arith.constant 0 : i32
      %cond3A_218 = arith.cmpi ne, %convert_element_type3A_216, %cond3A_217 : i32
      scf.if %cond3A_218 {
        %dma_wait3A_219 = arith.constant 0 : i32
        %dma_wait3A_220 = arith.constant 0 : i32
        %dma_wait3A_221 = tpu.memref_slice %arg9[%sub3A_163, %dma_wait3A_219, %dma_wait3A_220] : memref<2x2x128xi32, #tpu.memory_space<vmem>> -> memref<1x2x128xi32, #tpu.memory_space<vmem>>
        %dma_wait3A_222 = tpu.memref_squeeze %dma_wait3A_221 : memref<1x2x128xi32, #tpu.memory_space<vmem>> -> memref<2x128xi32, #tpu.memory_space<vmem>>
        %dma_wait3A_223 = arith.constant 0 : i32
        %dma_wait3A_224 = tpu.memref_slice %arg3[%select_n3A, %dma_wait3A_223] : memref<5024x128xi32, #tpu.memory_space<hbm>> -> memref<2x128xi32, #tpu.memory_space<hbm>>
        %dma_wait3A_225 = arith.constant 0 : i32
        %dma_wait3A_226 = arith.constant 0 : i32
        %dma_wait3A_227 = tpu.memref_slice %arg9[%sub3A_163, %dma_wait3A_225, %dma_wait3A_226] : memref<2x2x128xi32, #tpu.memory_space<vmem>> -> memref<1x2x128xi32, #tpu.memory_space<vmem>>
        %dma_wait3A_228 = tpu.memref_squeeze %dma_wait3A_227 : memref<1x2x128xi32, #tpu.memory_space<vmem>> -> memref<2x128xi32, #tpu.memory_space<vmem>>
        %dma_wait3A_229 = arith.constant 0 : i32
        %dma_wait3A_230 = tpu.memref_slice %arg3[%select_n3A, %dma_wait3A_229] : memref<5024x128xi32, #tpu.memory_space<hbm>> -> memref<2x128xi32, #tpu.memory_space<hbm>>
        tpu.wait_dma2 semaphore(%arg14 : memref<!tpu.dma_semaphore, #tpu.memory_space<semaphore_mem>>) src(%dma_wait3A_230 : memref<2x128xi32, #tpu.memory_space<hbm>>) dst(%dma_wait3A_228 : memref<2x128xi32, #tpu.memory_space<vmem>>)
        %dma_wait3A_231 = arith.constant 0 : i32
        %dma_wait3A_232 = arith.constant 0 : i32
        %dma_wait3A_233 = tpu.memref_slice %arg10[%sub3A_163, %dma_wait3A_231, %dma_wait3A_232] : memref<2x2x128xi32, #tpu.memory_space<vmem>> -> memref<1x2x128xi32, #tpu.memory_space<vmem>>
        %dma_wait3A_234 = tpu.memref_squeeze %dma_wait3A_233 : memref<1x2x128xi32, #tpu.memory_space<vmem>> -> memref<2x128xi32, #tpu.memory_space<vmem>>
        %dma_wait3A_235 = arith.constant 0 : i32
        %dma_wait3A_236 = tpu.memref_slice %arg4[%select_n3A, %dma_wait3A_235] : memref<5024x128xi32, #tpu.memory_space<hbm>> -> memref<2x128xi32, #tpu.memory_space<hbm>>
        %dma_wait3A_237 = arith.constant 0 : i32
        %dma_wait3A_238 = arith.constant 0 : i32
        %dma_wait3A_239 = tpu.memref_slice %arg10[%sub3A_163, %dma_wait3A_237, %dma_wait3A_238] : memref<2x2x128xi32, #tpu.memory_space<vmem>> -> memref<1x2x128xi32, #tpu.memory_space<vmem>>
        %dma_wait3A_240 = tpu.memref_squeeze %dma_wait3A_239 : memref<1x2x128xi32, #tpu.memory_space<vmem>> -> memref<2x128xi32, #tpu.memory_space<vmem>>
        %dma_wait3A_241 = arith.constant 0 : i32
        %dma_wait3A_242 = tpu.memref_slice %arg4[%select_n3A, %dma_wait3A_241] : memref<5024x128xi32, #tpu.memory_space<hbm>> -> memref<2x128xi32, #tpu.memory_space<hbm>>
        tpu.wait_dma2 semaphore(%arg14 : memref<!tpu.dma_semaphore, #tpu.memory_space<semaphore_mem>>) src(%dma_wait3A_242 : memref<2x128xi32, #tpu.memory_space<hbm>>) dst(%dma_wait3A_240 : memref<2x128xi32, #tpu.memory_space<vmem>>)
        %dma_wait3A_243 = arith.constant 0 : i32
        %dma_wait3A_244 = arith.constant 0 : i32
        %dma_wait3A_245 = arith.constant 0 : i32
        %dma_wait3A_246 = arith.constant 0 : i32
        %dma_wait3A_247 = arith.constant 0 : i32
        %dma_wait3A_248 = tpu.memref_slice %arg11[%dma_wait3A_243, %dma_wait3A_246, %dma_wait3A_247] : memref<2x128x128xf32, #tpu.memory_space<vmem>> -> memref<1x128x128xf32, #tpu.memory_space<vmem>>
        %dma_wait3A_249 = tpu.memref_squeeze %dma_wait3A_248 : memref<1x128x128xf32, #tpu.memory_space<vmem>> -> memref<128x128xf32, #tpu.memory_space<vmem>>
        %dma_wait3A_250 = arith.constant 0 : i32
        %dma_wait3A_251 = tpu.memref_slice %arg10[%dma_wait3A_244, %dma_wait3A_245, %dma_wait3A_250] : memref<2x2x128xi32, #tpu.memory_space<vmem>> -> memref<1x1x128xi32, #tpu.memory_space<vmem>>
        %dma_wait3A_252 = tpu.memref_squeeze %dma_wait3A_251 : memref<1x1x128xi32, #tpu.memory_space<vmem>> -> memref<128xi32, #tpu.memory_space<vmem>>
        %dma_wait3A_253 = arith.constant 0 : i32
        %dma_wait3A_254 = arith.constant 0 : i32
        %dma_wait3A_255 = tpu.memref_slice %arg8[%dma_wait3A_253, %dma_wait3A_254] : memref<10240x128xf32, #tpu.memory_space<vmem_shared>> -> memref<10240x128xf32, #tpu.memory_space<vmem_shared>>
        tpu.wait_indirect_dma semaphore(%arg13 : memref<!tpu.dma_semaphore, #tpu.memory_space<semaphore_mem>>) src(%dma_wait3A_249 : memref<128x128xf32, #tpu.memory_space<vmem>>) dst(%dma_wait3A_255 : memref<10240x128xf32, #tpu.memory_space<vmem_shared>>)
        %dma_start3A_256 = arith.constant 0 : i32
        %dma_start3A_257 = arith.constant 0 : i32
        %dma_start3A_258 = arith.constant 0 : i32
        %dma_start3A_259 = arith.constant 0 : i32
        %dma_start3A_260 = tpu.memref_slice %arg11[%dma_start3A_257, %dma_start3A_258, %dma_start3A_259] : memref<2x128x128xf32, #tpu.memory_space<vmem>> -> memref<1x128x128xf32, #tpu.memory_space<vmem>>
        %dma_start3A_261 = tpu.memref_squeeze %dma_start3A_260 : memref<1x128x128xf32, #tpu.memory_space<vmem>> -> memref<128x128xf32, #tpu.memory_space<vmem>>
        %dma_start3A_262 = arith.constant 0 : i32
        %dma_start3A_263 = tpu.memref_slice %arg9[%sub3A_163, %dma_start3A_256, %dma_start3A_262] : memref<2x2x128xi32, #tpu.memory_space<vmem>> -> memref<1x1x128xi32, #tpu.memory_space<vmem>>
        %dma_start3A_264 = tpu.memref_squeeze %dma_start3A_263 : memref<1x1x128xi32, #tpu.memory_space<vmem>> -> memref<128xi32, #tpu.memory_space<vmem>>
        %dma_start3A_265 = arith.constant 0 : i32
        %dma_start3A_266 = arith.constant 0 : i32
        %dma_start3A_267 = tpu.memref_slice %arg2[%dma_start3A_265, %dma_start3A_266] : memref<10240x128xf32, #tpu.memory_space<hbm>> -> memref<10240x128xf32, #tpu.memory_space<hbm>>
        tpu.enqueue_indirect_dma source(%dma_start3A_267 : memref<10240x128xf32, #tpu.memory_space<hbm>>) target(%dma_start3A_261 : memref<128x128xf32, #tpu.memory_space<vmem>>) offsets(%dma_start3A_264 : memref<128xi32, #tpu.memory_space<vmem>>) semaphore(%arg12 : memref<!tpu.dma_semaphore, #tpu.memory_space<semaphore_mem>>)
        %dma_wait3A_268 = arith.constant 1 : i32
        %dma_wait3A_269 = arith.constant 0 : i32
        %dma_wait3A_270 = arith.constant 0 : i32
        %dma_wait3A_271 = arith.constant 0 : i32
        %dma_wait3A_272 = arith.constant 0 : i32
        %dma_wait3A_273 = tpu.memref_slice %arg11[%dma_wait3A_268, %dma_wait3A_271, %dma_wait3A_272] : memref<2x128x128xf32, #tpu.memory_space<vmem>> -> memref<1x128x128xf32, #tpu.memory_space<vmem>>
        %dma_wait3A_274 = tpu.memref_squeeze %dma_wait3A_273 : memref<1x128x128xf32, #tpu.memory_space<vmem>> -> memref<128x128xf32, #tpu.memory_space<vmem>>
        %dma_wait3A_275 = arith.constant 0 : i32
        %dma_wait3A_276 = tpu.memref_slice %arg10[%dma_wait3A_269, %dma_wait3A_270, %dma_wait3A_275] : memref<2x2x128xi32, #tpu.memory_space<vmem>> -> memref<1x1x128xi32, #tpu.memory_space<vmem>>
        %dma_wait3A_277 = tpu.memref_squeeze %dma_wait3A_276 : memref<1x1x128xi32, #tpu.memory_space<vmem>> -> memref<128xi32, #tpu.memory_space<vmem>>
        %dma_wait3A_278 = arith.constant 0 : i32
        %dma_wait3A_279 = arith.constant 0 : i32
        %dma_wait3A_280 = tpu.memref_slice %arg8[%dma_wait3A_278, %dma_wait3A_279] : memref<10240x128xf32, #tpu.memory_space<vmem_shared>> -> memref<10240x128xf32, #tpu.memory_space<vmem_shared>>
        tpu.wait_indirect_dma semaphore(%arg13 : memref<!tpu.dma_semaphore, #tpu.memory_space<semaphore_mem>>) src(%dma_wait3A_274 : memref<128x128xf32, #tpu.memory_space<vmem>>) dst(%dma_wait3A_280 : memref<10240x128xf32, #tpu.memory_space<vmem_shared>>)
        %dma_start3A_281 = arith.constant 1 : i32
        %dma_start3A_282 = arith.constant 1 : i32
        %dma_start3A_283 = arith.constant 0 : i32
        %dma_start3A_284 = arith.constant 0 : i32
        %dma_start3A_285 = tpu.memref_slice %arg11[%dma_start3A_282, %dma_start3A_283, %dma_start3A_284] : memref<2x128x128xf32, #tpu.memory_space<vmem>> -> memref<1x128x128xf32, #tpu.memory_space<vmem>>
        %dma_start3A_286 = tpu.memref_squeeze %dma_start3A_285 : memref<1x128x128xf32, #tpu.memory_space<vmem>> -> memref<128x128xf32, #tpu.memory_space<vmem>>
        %dma_start3A_287 = arith.constant 0 : i32
        %dma_start3A_288 = tpu.memref_slice %arg9[%sub3A_163, %dma_start3A_281, %dma_start3A_287] : memref<2x2x128xi32, #tpu.memory_space<vmem>> -> memref<1x1x128xi32, #tpu.memory_space<vmem>>
        %dma_start3A_289 = tpu.memref_squeeze %dma_start3A_288 : memref<1x1x128xi32, #tpu.memory_space<vmem>> -> memref<128xi32, #tpu.memory_space<vmem>>
        %dma_start3A_290 = arith.constant 0 : i32
        %dma_start3A_291 = arith.constant 0 : i32
        %dma_start3A_292 = tpu.memref_slice %arg2[%dma_start3A_290, %dma_start3A_291] : memref<10240x128xf32, #tpu.memory_space<hbm>> -> memref<10240x128xf32, #tpu.memory_space<hbm>>
        tpu.enqueue_indirect_dma source(%dma_start3A_292 : memref<10240x128xf32, #tpu.memory_space<hbm>>) target(%dma_start3A_286 : memref<128x128xf32, #tpu.memory_space<vmem>>) offsets(%dma_start3A_289 : memref<128xi32, #tpu.memory_space<vmem>>) semaphore(%arg12 : memref<!tpu.dma_semaphore, #tpu.memory_space<semaphore_mem>>)
        %add3A_293 = arith.constant 2 : i32
        %add3A_294 = arith.addi %while3A_161, %add3A_293 : i32
        %lt3A_295 = arith.cmpi slt, %add3A_294, %select_n3A_10 : i32
        %convert_element_type3A_296 = arith.extui %lt3A_295 : i1 to i32
        %cond3A_297 = arith.constant 0 : i32
        %cond3A_298 = arith.cmpi ne, %convert_element_type3A_296, %cond3A_297 : i32
        scf.if %cond3A_298 {
          %add3A_299 = arith.constant 2 : i32
          %add3A_300 = arith.addi %while3A_161, %add3A_299 : i32
          %mul3A_301 = arith.constant 2 : i32
          %mul3A_302 = arith.muli %add3A_300, %mul3A_301 : i32
          %add3A_303 = arith.addi %select_n3A, %mul3A_302 : i32
          %dma_start3A_304 = arith.constant 0 : i32
          %dma_start3A_305 = arith.constant 0 : i32
          %dma_start3A_306 = tpu.memref_slice %arg9[%rem3A_162, %dma_start3A_304, %dma_start3A_305] : memref<2x2x128xi32, #tpu.memory_space<vmem>> -> memref<1x2x128xi32, #tpu.memory_space<vmem>>
          %dma_start3A_307 = tpu.memref_squeeze %dma_start3A_306 : memref<1x2x128xi32, #tpu.memory_space<vmem>> -> memref<2x128xi32, #tpu.memory_space<vmem>>
          %dma_start3A_308 = arith.constant 0 : i32
          %dma_start3A_309 = tpu.memref_slice %arg3[%add3A_303, %dma_start3A_308] : memref<5024x128xi32, #tpu.memory_space<hbm>> -> memref<2x128xi32, #tpu.memory_space<hbm>>
          %dma_start3A_310 = arith.constant 0 : i32
          %dma_start3A_311 = arith.constant 0 : i32
          %dma_start3A_312 = tpu.memref_slice %arg9[%rem3A_162, %dma_start3A_310, %dma_start3A_311] : memref<2x2x128xi32, #tpu.memory_space<vmem>> -> memref<1x2x128xi32, #tpu.memory_space<vmem>>
          %dma_start3A_313 = tpu.memref_squeeze %dma_start3A_312 : memref<1x2x128xi32, #tpu.memory_space<vmem>> -> memref<2x128xi32, #tpu.memory_space<vmem>>
          %dma_start3A_314 = arith.constant 0 : i32
          %dma_start3A_315 = tpu.memref_slice %arg3[%add3A_303, %dma_start3A_314] : memref<5024x128xi32, #tpu.memory_space<hbm>> -> memref<2x128xi32, #tpu.memory_space<hbm>>
          tpu.enqueue_dma source(%dma_start3A_315 : memref<2x128xi32, #tpu.memory_space<hbm>>) target(%dma_start3A_313 : memref<2x128xi32, #tpu.memory_space<vmem>>) target_semaphore(%arg14 : memref<!tpu.dma_semaphore, #tpu.memory_space<semaphore_mem>>)
          %dma_start3A_316 = arith.constant 0 : i32
          %dma_start3A_317 = arith.constant 0 : i32
          %dma_start3A_318 = tpu.memref_slice %arg10[%rem3A_162, %dma_start3A_316, %dma_start3A_317] : memref<2x2x128xi32, #tpu.memory_space<vmem>> -> memref<1x2x128xi32, #tpu.memory_space<vmem>>
          %dma_start3A_319 = tpu.memref_squeeze %dma_start3A_318 : memref<1x2x128xi32, #tpu.memory_space<vmem>> -> memref<2x128xi32, #tpu.memory_space<vmem>>
          %dma_start3A_320 = arith.constant 0 : i32
          %dma_start3A_321 = tpu.memref_slice %arg4[%add3A_303, %dma_start3A_320] : memref<5024x128xi32, #tpu.memory_space<hbm>> -> memref<2x128xi32, #tpu.memory_space<hbm>>
          %dma_start3A_322 = arith.constant 0 : i32
          %dma_start3A_323 = arith.constant 0 : i32
          %dma_start3A_324 = tpu.memref_slice %arg10[%rem3A_162, %dma_start3A_322, %dma_start3A_323] : memref<2x2x128xi32, #tpu.memory_space<vmem>> -> memref<1x2x128xi32, #tpu.memory_space<vmem>>
          %dma_start3A_325 = tpu.memref_squeeze %dma_start3A_324 : memref<1x2x128xi32, #tpu.memory_space<vmem>> -> memref<2x128xi32, #tpu.memory_space<vmem>>
          %dma_start3A_326 = arith.constant 0 : i32
          %dma_start3A_327 = tpu.memref_slice %arg4[%add3A_303, %dma_start3A_326] : memref<5024x128xi32, #tpu.memory_space<hbm>> -> memref<2x128xi32, #tpu.memory_space<hbm>>
          tpu.enqueue_dma source(%dma_start3A_327 : memref<2x128xi32, #tpu.memory_space<hbm>>) target(%dma_start3A_325 : memref<2x128xi32, #tpu.memory_space<vmem>>) target_semaphore(%arg14 : memref<!tpu.dma_semaphore, #tpu.memory_space<semaphore_mem>>)
        } else {
        }
      } else {
      }
    }
    %while3A_125 = arith.constant 1 : i32
    scf.for %while3A_161 = %while3A_123 to %while3A_119 step %while3A_125  : i32 {
      %rem3A = arith.constant 2 : i32
      %rem3A_162 = arith.remsi %while3A_161, %rem3A : i32
      %sub3A = arith.constant 1 : i32
      %sub3A_163 = arith.subi %sub3A, %rem3A_162 : i32
      %dma_wait3A_164 = arith.constant 0 : i32
      %dma_wait3A_165 = arith.constant 0 : i32
      %dma_wait3A_166 = arith.constant 0 : i32
      %dma_wait3A_167 = arith.constant 0 : i32
      %dma_wait3A_168 = arith.constant 0 : i32
      %dma_wait3A_169 = tpu.memref_slice %arg11[%dma_wait3A_166, %dma_wait3A_167, %dma_wait3A_168] : memref<2x128x128xf32, #tpu.memory_space<vmem>> -> memref<1x128x128xf32, #tpu.memory_space<vmem>>
      %dma_wait3A_170 = tpu.memref_squeeze %dma_wait3A_169 : memref<1x128x128xf32, #tpu.memory_space<vmem>> -> memref<128x128xf32, #tpu.memory_space<vmem>>
      %dma_wait3A_171 = arith.constant 0 : i32
      %dma_wait3A_172 = tpu.memref_slice %arg9[%dma_wait3A_164, %dma_wait3A_165, %dma_wait3A_171] : memref<2x2x128xi32, #tpu.memory_space<vmem>> -> memref<1x1x128xi32, #tpu.memory_space<vmem>>
      %dma_wait3A_173 = tpu.memref_squeeze %dma_wait3A_172 : memref<1x1x128xi32, #tpu.memory_space<vmem>> -> memref<128xi32, #tpu.memory_space<vmem>>
      %dma_wait3A_174 = arith.constant 0 : i32
      %dma_wait3A_175 = arith.constant 0 : i32
      %dma_wait3A_176 = tpu.memref_slice %arg2[%dma_wait3A_174, %dma_wait3A_175] : memref<10240x128xf32, #tpu.memory_space<hbm>> -> memref<10240x128xf32, #tpu.memory_space<hbm>>
      tpu.wait_indirect_dma semaphore(%arg12 : memref<!tpu.dma_semaphore, #tpu.memory_space<semaphore_mem>>) src(%dma_wait3A_176 : memref<10240x128xf32, #tpu.memory_space<hbm>>) dst(%dma_wait3A_170 : memref<128x128xf32, #tpu.memory_space<vmem>>)
      %dma_start3A_177 = arith.constant 0 : i32
      %dma_start3A_178 = arith.constant 0 : i32
      %dma_start3A_179 = arith.constant 0 : i32
      %dma_start3A_180 = arith.constant 0 : i32
      %dma_start3A_181 = tpu.memref_slice %arg11[%dma_start3A_177, %dma_start3A_179, %dma_start3A_180] : memref<2x128x128xf32, #tpu.memory_space<vmem>> -> memref<1x128x128xf32, #tpu.memory_space<vmem>>
      %dma_start3A_182 = tpu.memref_squeeze %dma_start3A_181 : memref<1x128x128xf32, #tpu.memory_space<vmem>> -> memref<128x128xf32, #tpu.memory_space<vmem>>
      %dma_start3A_183 = arith.constant 0 : i32
      %dma_start3A_184 = tpu.memref_slice %arg10[%rem3A_162, %dma_start3A_178, %dma_start3A_183] : memref<2x2x128xi32, #tpu.memory_space<vmem>> -> memref<1x1x128xi32, #tpu.memory_space<vmem>>
      %dma_start3A_185 = tpu.memref_squeeze %dma_start3A_184 : memref<1x1x128xi32, #tpu.memory_space<vmem>> -> memref<128xi32, #tpu.memory_space<vmem>>
      %dma_start3A_186 = arith.constant 0 : i32
      %dma_start3A_187 = arith.constant 0 : i32
      %dma_start3A_188 = tpu.memref_slice %arg8[%dma_start3A_186, %dma_start3A_187] : memref<10240x128xf32, #tpu.memory_space<vmem_shared>> -> memref<10240x128xf32, #tpu.memory_space<vmem_shared>>
      tpu.enqueue_indirect_dma source(%dma_start3A_182 : memref<128x128xf32, #tpu.memory_space<vmem>>) target(%dma_start3A_188 : memref<10240x128xf32, #tpu.memory_space<vmem_shared>>) offsets(%dma_start3A_185 : memref<128xi32, #tpu.memory_space<vmem>>) semaphore(%arg13 : memref<!tpu.dma_semaphore, #tpu.memory_space<semaphore_mem>>) {add = true}
      %dma_wait3A_189 = arith.constant 0 : i32
      %dma_wait3A_190 = arith.constant 0 : i32
      %dma_wait3A_191 = arith.constant 1 : i32
      %dma_wait3A_192 = arith.constant 0 : i32
      %dma_wait3A_193 = arith.constant 0 : i32
      %dma_wait3A_194 = tpu.memref_slice %arg11[%dma_wait3A_191, %dma_wait3A_192, %dma_wait3A_193] : memref<2x128x128xf32, #tpu.memory_space<vmem>> -> memref<1x128x128xf32, #tpu.memory_space<vmem>>
      %dma_wait3A_195 = tpu.memref_squeeze %dma_wait3A_194 : memref<1x128x128xf32, #tpu.memory_space<vmem>> -> memref<128x128xf32, #tpu.memory_space<vmem>>
      %dma_wait3A_196 = arith.constant 0 : i32
      %dma_wait3A_197 = tpu.memref_slice %arg9[%dma_wait3A_189, %dma_wait3A_190, %dma_wait3A_196] : memref<2x2x128xi32, #tpu.memory_space<vmem>> -> memref<1x1x128xi32, #tpu.memory_space<vmem>>
      %dma_wait3A_198 = tpu.memref_squeeze %dma_wait3A_197 : memref<1x1x128xi32, #tpu.memory_space<vmem>> -> memref<128xi32, #tpu.memory_space<vmem>>
      %dma_wait3A_199 = arith.constant 0 : i32
      %dma_wait3A_200 = arith.constant 0 : i32
      %dma_wait3A_201 = tpu.memref_slice %arg2[%dma_wait3A_199, %dma_wait3A_200] : memref<10240x128xf32, #tpu.memory_space<hbm>> -> memref<10240x128xf32, #tpu.memory_space<hbm>>
      tpu.wait_indirect_dma semaphore(%arg12 : memref<!tpu.dma_semaphore, #tpu.memory_space<semaphore_mem>>) src(%dma_wait3A_201 : memref<10240x128xf32, #tpu.memory_space<hbm>>) dst(%dma_wait3A_195 : memref<128x128xf32, #tpu.memory_space<vmem>>)
      %dma_start3A_202 = arith.constant 1 : i32
      %dma_start3A_203 = arith.constant 1 : i32
      %dma_start3A_204 = arith.constant 0 : i32
      %dma_start3A_205 = arith.constant 0 : i32
      %dma_start3A_206 = tpu.memref_slice %arg11[%dma_start3A_202, %dma_start3A_204, %dma_start3A_205] : memref<2x128x128xf32, #tpu.memory_space<vmem>> -> memref<1x128x128xf32, #tpu.memory_space<vmem>>
      %dma_start3A_207 = tpu.memref_squeeze %dma_start3A_206 : memref<1x128x128xf32, #tpu.memory_space<vmem>> -> memref<128x128xf32, #tpu.memory_space<vmem>>
      %dma_start3A_208 = arith.constant 0 : i32
      %dma_start3A_209 = tpu.memref_slice %arg10[%rem3A_162, %dma_start3A_203, %dma_start3A_208] : memref<2x2x128xi32, #tpu.memory_space<vmem>> -> memref<1x1x128xi32, #tpu.memory_space<vmem>>
      %dma_start3A_210 = tpu.memref_squeeze %dma_start3A_209 : memref<1x1x128xi32, #tpu.memory_space<vmem>> -> memref<128xi32, #tpu.memory_space<vmem>>
      %dma_start3A_211 = arith.constant 0 : i32
      %dma_start3A_212 = arith.constant 0 : i32
      %dma_start3A_213 = tpu.memref_slice %arg8[%dma_start3A_211, %dma_start3A_212] : memref<10240x128xf32, #tpu.memory_space<vmem_shared>> -> memref<10240x128xf32, #tpu.memory_space<vmem_shared>>
      tpu.enqueue_indirect_dma source(%dma_start3A_207 : memref<128x128xf32, #tpu.memory_space<vmem>>) target(%dma_start3A_213 : memref<10240x128xf32, #tpu.memory_space<vmem_shared>>) offsets(%dma_start3A_210 : memref<128xi32, #tpu.memory_space<vmem>>) semaphore(%arg13 : memref<!tpu.dma_semaphore, #tpu.memory_space<semaphore_mem>>) {add = true}
      %add3A_214 = arith.constant 1 : i32
      %add3A_215 = arith.addi %while3A_161, %add3A_214 : i32
      %lt3A = arith.cmpi slt, %add3A_215, %select_n3A_10 : i32
      %convert_element_type3A_216 = arith.extui %lt3A : i1 to i32
      %cond3A_217 = arith.constant 0 : i32
      %cond3A_218 = arith.cmpi ne, %convert_element_type3A_216, %cond3A_217 : i32
      scf.if %cond3A_218 {
        %dma_wait3A_219 = arith.constant 0 : i32
        %dma_wait3A_220 = arith.constant 0 : i32
        %dma_wait3A_221 = tpu.memref_slice %arg9[%sub3A_163, %dma_wait3A_219, %dma_wait3A_220] : memref<2x2x128xi32, #tpu.memory_space<vmem>> -> memref<1x2x128xi32, #tpu.memory_space<vmem>>
        %dma_wait3A_222 = tpu.memref_squeeze %dma_wait3A_221 : memref<1x2x128xi32, #tpu.memory_space<vmem>> -> memref<2x128xi32, #tpu.memory_space<vmem>>
        %dma_wait3A_223 = arith.constant 0 : i32
        %dma_wait3A_224 = tpu.memref_slice %arg3[%select_n3A, %dma_wait3A_223] : memref<5024x128xi32, #tpu.memory_space<hbm>> -> memref<2x128xi32, #tpu.memory_space<hbm>>
        %dma_wait3A_225 = arith.constant 0 : i32
        %dma_wait3A_226 = arith.constant 0 : i32
        %dma_wait3A_227 = tpu.memref_slice %arg9[%sub3A_163, %dma_wait3A_225, %dma_wait3A_226] : memref<2x2x128xi32, #tpu.memory_space<vmem>> -> memref<1x2x128xi32, #tpu.memory_space<vmem>>
        %dma_wait3A_228 = tpu.memref_squeeze %dma_wait3A_227 : memref<1x2x128xi32, #tpu.memory_space<vmem>> -> memref<2x128xi32, #tpu.memory_space<vmem>>
        %dma_wait3A_229 = arith.constant 0 : i32
        %dma_wait3A_230 = tpu.memref_slice %arg3[%select_n3A, %dma_wait3A_229] : memref<5024x128xi32, #tpu.memory_space<hbm>> -> memref<2x128xi32, #tpu.memory_space<hbm>>
        tpu.wait_dma2 semaphore(%arg14 : memref<!tpu.dma_semaphore, #tpu.memory_space<semaphore_mem>>) src(%dma_wait3A_230 : memref<2x128xi32, #tpu.memory_space<hbm>>) dst(%dma_wait3A_228 : memref<2x128xi32, #tpu.memory_space<vmem>>)
        %dma_wait3A_231 = arith.constant 0 : i32
        %dma_wait3A_232 = arith.constant 0 : i32
        %dma_wait3A_233 = tpu.memref_slice %arg10[%sub3A_163, %dma_wait3A_231, %dma_wait3A_232] : memref<2x2x128xi32, #tpu.memory_space<vmem>> -> memref<1x2x128xi32, #tpu.memory_space<vmem>>
        %dma_wait3A_234 = tpu.memref_squeeze %dma_wait3A_233 : memref<1x2x128xi32, #tpu.memory_space<vmem>> -> memref<2x128xi32, #tpu.memory_space<vmem>>
        %dma_wait3A_235 = arith.constant 0 : i32
        %dma_wait3A_236 = tpu.memref_slice %arg4[%select_n3A, %dma_wait3A_235] : memref<5024x128xi32, #tpu.memory_space<hbm>> -> memref<2x128xi32, #tpu.memory_space<hbm>>
        %dma_wait3A_237 = arith.constant 0 : i32
        %dma_wait3A_238 = arith.constant 0 : i32
        %dma_wait3A_239 = tpu.memref_slice %arg10[%sub3A_163, %dma_wait3A_237, %dma_wait3A_238] : memref<2x2x128xi32, #tpu.memory_space<vmem>> -> memref<1x2x128xi32, #tpu.memory_space<vmem>>
        %dma_wait3A_240 = tpu.memref_squeeze %dma_wait3A_239 : memref<1x2x128xi32, #tpu.memory_space<vmem>> -> memref<2x128xi32, #tpu.memory_space<vmem>>
        %dma_wait3A_241 = arith.constant 0 : i32
        %dma_wait3A_242 = tpu.memref_slice %arg4[%select_n3A, %dma_wait3A_241] : memref<5024x128xi32, #tpu.memory_space<hbm>> -> memref<2x128xi32, #tpu.memory_space<hbm>>
        tpu.wait_dma2 semaphore(%arg14 : memref<!tpu.dma_semaphore, #tpu.memory_space<semaphore_mem>>) src(%dma_wait3A_242 : memref<2x128xi32, #tpu.memory_space<hbm>>) dst(%dma_wait3A_240 : memref<2x128xi32, #tpu.memory_space<vmem>>)
        %dma_wait3A_243 = arith.constant 0 : i32
        %dma_wait3A_244 = arith.constant 0 : i32
        %dma_wait3A_245 = arith.constant 0 : i32
        %dma_wait3A_246 = arith.constant 0 : i32
        %dma_wait3A_247 = arith.constant 0 : i32
        %dma_wait3A_248 = tpu.memref_slice %arg11[%dma_wait3A_243, %dma_wait3A_246, %dma_wait3A_247] : memref<2x128x128xf32, #tpu.memory_space<vmem>> -> memref<1x128x128xf32, #tpu.memory_space<vmem>>
        %dma_wait3A_249 = tpu.memref_squeeze %dma_wait3A_248 : memref<1x128x128xf32, #tpu.memory_space<vmem>> -> memref<128x128xf32, #tpu.memory_space<vmem>>
        %dma_wait3A_250 = arith.constant 0 : i32
        %dma_wait3A_251 = tpu.memref_slice %arg10[%dma_wait3A_244, %dma_wait3A_245, %dma_wait3A_250] : memref<2x2x128xi32, #tpu.memory_space<vmem>> -> memref<1x1x128xi32, #tpu.memory_space<vmem>>
        %dma_wait3A_252 = tpu.memref_squeeze %dma_wait3A_251 : memref<1x1x128xi32, #tpu.memory_space<vmem>> -> memref<128xi32, #tpu.memory_space<vmem>>
        %dma_wait3A_253 = arith.constant 0 : i32
        %dma_wait3A_254 = arith.constant 0 : i32
        %dma_wait3A_255 = tpu.memref_slice %arg8[%dma_wait3A_253, %dma_wait3A_254] : memref<10240x128xf32, #tpu.memory_space<vmem_shared>> -> memref<10240x128xf32, #tpu.memory_space<vmem_shared>>
        tpu.wait_indirect_dma semaphore(%arg13 : memref<!tpu.dma_semaphore, #tpu.memory_space<semaphore_mem>>) src(%dma_wait3A_249 : memref<128x128xf32, #tpu.memory_space<vmem>>) dst(%dma_wait3A_255 : memref<10240x128xf32, #tpu.memory_space<vmem_shared>>)
        %dma_start3A_256 = arith.constant 0 : i32
        %dma_start3A_257 = arith.constant 0 : i32
        %dma_start3A_258 = arith.constant 0 : i32
        %dma_start3A_259 = arith.constant 0 : i32
        %dma_start3A_260 = tpu.memref_slice %arg11[%dma_start3A_257, %dma_start3A_258, %dma_start3A_259] : memref<2x128x128xf32, #tpu.memory_space<vmem>> -> memref<1x128x128xf32, #tpu.memory_space<vmem>>
        %dma_start3A_261 = tpu.memref_squeeze %dma_start3A_260 : memref<1x128x128xf32, #tpu.memory_space<vmem>> -> memref<128x128xf32, #tpu.memory_space<vmem>>
        %dma_start3A_262 = arith.constant 0 : i32
        %dma_start3A_263 = tpu.memref_slice %arg9[%sub3A_163, %dma_start3A_256, %dma_start3A_262] : memref<2x2x128xi32, #tpu.memory_space<vmem>> -> memref<1x1x128xi32, #tpu.memory_space<vmem>>
        %dma_start3A_264 = tpu.memref_squeeze %dma_start3A_263 : memref<1x1x128xi32, #tpu.memory_space<vmem>> -> memref<128xi32, #tpu.memory_space<vmem>>
        %dma_start3A_265 = arith.constant 0 : i32
        %dma_start3A_266 = arith.constant 0 : i32
        %dma_start3A_267 = tpu.memref_slice %arg2[%dma_start3A_265, %dma_start3A_266] : memref<10240x128xf32, #tpu.memory_space<hbm>> -> memref<10240x128xf32, #tpu.memory_space<hbm>>
        tpu.enqueue_indirect_dma source(%dma_start3A_267 : memref<10240x128xf32, #tpu.memory_space<hbm>>) target(%dma_start3A_261 : memref<128x128xf32, #tpu.memory_space<vmem>>) offsets(%dma_start3A_264 : memref<128xi32, #tpu.memory_space<vmem>>) semaphore(%arg12 : memref<!tpu.dma_semaphore, #tpu.memory_space<semaphore_mem>>)
        %dma_wait3A_268 = arith.constant 1 : i32
        %dma_wait3A_269 = arith.constant 0 : i32
        %dma_wait3A_270 = arith.constant 0 : i32
        %dma_wait3A_271 = arith.constant 0 : i32
        %dma_wait3A_272 = arith.constant 0 : i32
        %dma_wait3A_273 = tpu.memref_slice %arg11[%dma_wait3A_268, %dma_wait3A_271, %dma_wait3A_272] : memref<2x128x128xf32, #tpu.memory_space<vmem>> -> memref<1x128x128xf32, #tpu.memory_space<vmem>>
        %dma_wait3A_274 = tpu.memref_squeeze %dma_wait3A_273 : memref<1x128x128xf32, #tpu.memory_space<vmem>> -> memref<128x128xf32, #tpu.memory_space<vmem>>
        %dma_wait3A_275 = arith.constant 0 : i32
        %dma_wait3A_276 = tpu.memref_slice %arg10[%dma_wait3A_269, %dma_wait3A_270, %dma_wait3A_275] : memref<2x2x128xi32, #tpu.memory_space<vmem>> -> memref<1x1x128xi32, #tpu.memory_space<vmem>>
        %dma_wait3A_277 = tpu.memref_squeeze %dma_wait3A_276 : memref<1x1x128xi32, #tpu.memory_space<vmem>> -> memref<128xi32, #tpu.memory_space<vmem>>
        %dma_wait3A_278 = arith.constant 0 : i32
        %dma_wait3A_279 = arith.constant 0 : i32
        %dma_wait3A_280 = tpu.memref_slice %arg8[%dma_wait3A_278, %dma_wait3A_279] : memref<10240x128xf32, #tpu.memory_space<vmem_shared>> -> memref<10240x128xf32, #tpu.memory_space<vmem_shared>>
        tpu.wait_indirect_dma semaphore(%arg13 : memref<!tpu.dma_semaphore, #tpu.memory_space<semaphore_mem>>) src(%dma_wait3A_274 : memref<128x128xf32, #tpu.memory_space<vmem>>) dst(%dma_wait3A_280 : memref<10240x128xf32, #tpu.memory_space<vmem_shared>>)
        %dma_start3A_281 = arith.constant 1 : i32
        %dma_start3A_282 = arith.constant 1 : i32
        %dma_start3A_283 = arith.constant 0 : i32
        %dma_start3A_284 = arith.constant 0 : i32
        %dma_start3A_285 = tpu.memref_slice %arg11[%dma_start3A_282, %dma_start3A_283, %dma_start3A_284] : memref<2x128x128xf32, #tpu.memory_space<vmem>> -> memref<1x128x128xf32, #tpu.memory_space<vmem>>
        %dma_start3A_286 = tpu.memref_squeeze %dma_start3A_285 : memref<1x128x128xf32, #tpu.memory_space<vmem>> -> memref<128x128xf32, #tpu.memory_space<vmem>>
        %dma_start3A_287 = arith.constant 0 : i32
        %dma_start3A_288 = tpu.memref_slice %arg9[%sub3A_163, %dma_start3A_281, %dma_start3A_287] : memref<2x2x128xi32, #tpu.memory_space<vmem>> -> memref<1x1x128xi32, #tpu.memory_space<vmem>>
        %dma_start3A_289 = tpu.memref_squeeze %dma_start3A_288 : memref<1x1x128xi32, #tpu.memory_space<vmem>> -> memref<128xi32, #tpu.memory_space<vmem>>
        %dma_start3A_290 = arith.constant 0 : i32
        %dma_start3A_291 = arith.constant 0 : i32
        %dma_start3A_292 = tpu.memref_slice %arg2[%dma_start3A_290, %dma_start3A_291] : memref<10240x128xf32, #tpu.memory_space<hbm>> -> memref<10240x128xf32, #tpu.memory_space<hbm>>
        tpu.enqueue_indirect_dma source(%dma_start3A_292 : memref<10240x128xf32, #tpu.memory_space<hbm>>) target(%dma_start3A_286 : memref<128x128xf32, #tpu.memory_space<vmem>>) offsets(%dma_start3A_289 : memref<128xi32, #tpu.memory_space<vmem>>) semaphore(%arg12 : memref<!tpu.dma_semaphore, #tpu.memory_space<semaphore_mem>>)
        %add3A_293 = arith.constant 2 : i32
        %add3A_294 = arith.addi %while3A_161, %add3A_293 : i32
        %lt3A_295 = arith.cmpi slt, %add3A_294, %select_n3A_10 : i32
        %convert_element_type3A_296 = arith.extui %lt3A_295 : i1 to i32
        %cond3A_297 = arith.constant 0 : i32
        %cond3A_298 = arith.cmpi ne, %convert_element_type3A_296, %cond3A_297 : i32
        scf.if %cond3A_298 {
          %add3A_299 = arith.constant 2 : i32
          %add3A_300 = arith.addi %while3A_161, %add3A_299 : i32
          %mul3A_301 = arith.constant 2 : i32
          %mul3A_302 = arith.muli %add3A_300, %mul3A_301 : i32
          %add3A_303 = arith.addi %select_n3A, %mul3A_302 : i32
          %dma_start3A_304 = arith.constant 0 : i32
          %dma_start3A_305 = arith.constant 0 : i32
          %dma_start3A_306 = tpu.memref_slice %arg9[%rem3A_162, %dma_start3A_304, %dma_start3A_305] : memref<2x2x128xi32, #tpu.memory_space<vmem>> -> memref<1x2x128xi32, #tpu.memory_space<vmem>>
          %dma_start3A_307 = tpu.memref_squeeze %dma_start3A_306 : memref<1x2x128xi32, #tpu.memory_space<vmem>> -> memref<2x128xi32, #tpu.memory_space<vmem>>
          %dma_start3A_308 = arith.constant 0 : i32
          %dma_start3A_309 = tpu.memref_slice %arg3[%add3A_303, %dma_start3A_308] : memref<5024x128xi32, #tpu.memory_space<hbm>> -> memref<2x128xi32, #tpu.memory_space<hbm>>
          %dma_start3A_310 = arith.constant 0 : i32
          %dma_start3A_311 = arith.constant 0 : i32
          %dma_start3A_312 = tpu.memref_slice %arg9[%rem3A_162, %dma_start3A_310, %dma_start3A_311] : memref<2x2x128xi32, #tpu.memory_space<vmem>> -> memref<1x2x128xi32, #tpu.memory_space<vmem>>
          %dma_start3A_313 = tpu.memref_squeeze %dma_start3A_312 : memref<1x2x128xi32, #tpu.memory_space<vmem>> -> memref<2x128xi32, #tpu.memory_space<vmem>>
          %dma_start3A_314 = arith.constant 0 : i32
          %dma_start3A_315 = tpu.memref_slice %arg3[%add3A_303, %dma_start3A_314] : memref<5024x128xi32, #tpu.memory_space<hbm>> -> memref<2x128xi32, #tpu.memory_space<hbm>>
          tpu.enqueue_dma source(%dma_start3A_315 : memref<2x128xi32, #tpu.memory_space<hbm>>) target(%dma_start3A_313 : memref<2x128xi32, #tpu.memory_space<vmem>>) target_semaphore(%arg14 : memref<!tpu.dma_semaphore, #tpu.memory_space<semaphore_mem>>)
          %dma_start3A_316 = arith.constant 0 : i32
          %dma_start3A_317 = arith.constant 0 : i32
          %dma_start3A_318 = tpu.memref_slice %arg10[%rem3A_162, %dma_start3A_316, %dma_start3A_317] : memref<2x2x128xi32, #tpu.memory_space<vmem>> -> memref<1x2x128xi32, #tpu.memory_space<vmem>>
          %dma_start3A_319 = tpu.memref_squeeze %dma_start3A_318 : memref<1x2x128xi32, #tpu.memory_space<vmem>> -> memref<2x128xi32, #tpu.memory_space<vmem>>
          %dma_start3A_320 = arith.constant 0 : i32
          %dma_start3A_321 = tpu.memref_slice %arg4[%add3A_303, %dma_start3A_320] : memref<5024x128xi32, #tpu.memory_space<hbm>> -> memref<2x128xi32, #tpu.memory_space<hbm>>
          %dma_start3A_322 = arith.constant 0 : i32
          %dma_start3A_323 = arith.constant 0 : i32
          %dma_start3A_324 = tpu.memref_slice %arg10[%rem3A_162, %dma_start3A_322, %dma_start3A_323] : memref<2x2x128xi32, #tpu.memory_space<vmem>> -> memref<1x2x128xi32, #tpu.memory_space<vmem>>
          %dma_start3A_325 = tpu.memref_squeeze %dma_start3A_324 : memref<1x2x128xi32, #tpu.memory_space<vmem>> -> memref<2x128xi32, #tpu.memory_space<vmem>>
          %dma_start3A_326 = arith.constant 0 : i32
          %dma_start3A_327 = tpu.memref_slice %arg4[%add3A_303, %dma_start3A_326] : memref<5024x128xi32, #tpu.memory_space<hbm>> -> memref<2x128xi32, #tpu.memory_space<hbm>>
          tpu.enqueue_dma source(%dma_start3A_327 : memref<2x128xi32, #tpu.memory_space<hbm>>) target(%dma_start3A_325 : memref<2x128xi32, #tpu.memory_space<vmem>>) target_semaphore(%arg14 : memref<!tpu.dma_semaphore, #tpu.memory_space<semaphore_mem>>)
        } else {
        }
      } else {
      }
    }
    %dma_wait3A_126 = arith.constant 0 : i32
    %dma_wait3A_127 = arith.constant 0 : i32
    %dma_wait3A_128 = arith.constant 0 : i32
    %dma_wait3A_129 = arith.constant 0 : i32
    %dma_wait3A_130 = arith.constant 0 : i32
    %dma_wait3A_131 = tpu.memref_slice %arg11[%dma_wait3A_126, %dma_wait3A_129, %dma_wait3A_130] : memref<2x128x128xf32, #tpu.memory_space<vmem>> -> memref<1x128x128xf32, #tpu.memory_space<vmem>>
    %dma_wait3A_132 = tpu.memref_squeeze %dma_wait3A_131 : memref<1x128x128xf32, #tpu.memory_space<vmem>> -> memref<128x128xf32, #tpu.memory_space<vmem>>
    %dma_wait3A_133 = arith.constant 0 : i32
    %dma_wait3A_134 = tpu.memref_slice %arg10[%dma_wait3A_127, %dma_wait3A_128, %dma_wait3A_133] : memref<2x2x128xi32, #tpu.memory_space<vmem>> -> memref<1x1x128xi32, #tpu.memory_space<vmem>>
    %dma_wait3A_135 = tpu.memref_squeeze %dma_wait3A_134 : memref<1x1x128xi32, #tpu.memory_space<vmem>> -> memref<128xi32, #tpu.memory_space<vmem>>
    %dma_wait3A_136 = arith.constant 0 : i32
    %dma_wait3A_137 = arith.constant 0 : i32
    %dma_wait3A_138 = tpu.memref_slice %arg8[%dma_wait3A_136, %dma_wait3A_137] : memref<10240x128xf32, #tpu.memory_space<vmem_shared>> -> memref<10240x128xf32, #tpu.memory_space<vmem_shared>>
    tpu.wait_indirect_dma semaphore(%arg13 : memref<!tpu.dma_semaphore, #tpu.memory_space<semaphore_mem>>) src(%dma_wait3A_132 : memref<128x128xf32, #tpu.memory_space<vmem>>) dst(%dma_wait3A_138 : memref<10240x128xf32, #tpu.memory_space<vmem_shared>>)
    %dma_wait3A_139 = arith.constant 1 : i32
    %dma_wait3A_140 = arith.constant 0 : i32
    %dma_wait3A_141 = arith.constant 0 : i32
    %dma_wait3A_142 = arith.constant 0 : i32
    %dma_wait3A_143 = arith.constant 0 : i32
    %dma_wait3A_144 = tpu.memref_slice %arg11[%dma_wait3A_139, %dma_wait3A_142, %dma_wait3A_143] : memref<2x128x128xf32, #tpu.memory_space<vmem>> -> memref<1x128x128xf32, #tpu.memory_space<vmem>>
    %dma_wait3A_145 = tpu.memref_squeeze %dma_wait3A_144 : memref<1x128x128xf32, #tpu.memory_space<vmem>> -> memref<128x128xf32, #tpu.memory_space<vmem>>
    %dma_wait3A_146 = arith.constant 0 : i32
    %dma_wait3A_147 = tpu.memref_slice %arg10[%dma_wait3A_140, %dma_wait3A_141, %dma_wait3A_146] : memref<2x2x128xi32, #tpu.memory_space<vmem>> -> memref<1x1x128xi32, #tpu.memory_space<vmem>>
    %dma_wait3A_148 = tpu.memref_squeeze %dma_wait3A_147 : memref<1x1x128xi32, #tpu.memory_space<vmem>> -> memref<128xi32, #tpu.memory_space<vmem>>
    %dma_wait3A_149 = arith.constant 0 : i32
    %dma_wait3A_150 = arith.constant 0 : i32
    %dma_wait3A_151 = tpu.memref_slice %arg8[%dma_wait3A_149, %dma_wait3A_150] : memref<10240x128xf32, #tpu.memory_space<vmem_shared>> -> memref<10240x128xf32, #tpu.memory_space<vmem_shared>>
    tpu.wait_indirect_dma semaphore(%arg13 : memref<!tpu.dma_semaphore, #tpu.memory_space<semaphore_mem>>) src(%dma_wait3A_145 : memref<128x128xf32, #tpu.memory_space<vmem>>) dst(%dma_wait3A_151 : memref<10240x128xf32, #tpu.memory_space<vmem_shared>>)
    %barrier3A_152 = arith.constant 0 : index
    tpu.barrier barrier_id(%barrier3A_152)
    %eq3A_153 = arith.constant 0 : i32
    %eq3A_154 = arith.cmpi eq, %arg0, %eq3A_153 : i32
    %convert_element_type3A = arith.extui %eq3A_154 : i1 to i32
    %cond3A = arith.constant 0 : i32
    %cond3A_155 = arith.cmpi ne, %convert_element_type3A, %cond3A : i32
    scf.if %cond3A_155 {
      "tpu.region"() ({
        %run_scoped3A = tpu.sem_alloc : memref<!tpu.dma_semaphore, #tpu.memory_space<semaphore_mem>>
        %dma_start3A_161 = arith.constant 0 : i32
        %dma_start3A_162 = tpu.memref_slice %arg6[%mul3A_0, %dma_start3A_161] : memref<10240x128xf32, #tpu.memory_space<hbm>> -> memref<640x128xf32, #tpu.memory_space<hbm>>
        %dma_start3A_163 = arith.constant 0 : i32
        %dma_start3A_164 = tpu.memref_slice %arg8[%mul3A_0, %dma_start3A_163] : memref<10240x128xf32, #tpu.memory_space<vmem_shared>> -> memref<640x128xf32, #tpu.memory_space<vmem_shared>>
        tpu.enqueue_dma source(%dma_start3A_164 : memref<640x128xf32, #tpu.memory_space<vmem_shared>>) target(%dma_start3A_162 : memref<640x128xf32, #tpu.memory_space<hbm>>) target_semaphore(%run_scoped3A : memref<!tpu.dma_semaphore, #tpu.memory_space<semaphore_mem>>)
        %dma_wait3A_165 = arith.constant 0 : i32
        %dma_wait3A_166 = tpu.memref_slice %arg6[%mul3A_0, %dma_wait3A_165] : memref<10240x128xf32, #tpu.memory_space<hbm>> -> memref<640x128xf32, #tpu.memory_space<hbm>>
        %dma_wait3A_167 = arith.constant 0 : i32
        %dma_wait3A_168 = tpu.memref_slice %arg8[%mul3A_0, %dma_wait3A_167] : memref<10240x128xf32, #tpu.memory_space<vmem_shared>> -> memref<640x128xf32, #tpu.memory_space<vmem_shared>>
        tpu.wait_dma2 semaphore(%run_scoped3A : memref<!tpu.dma_semaphore, #tpu.memory_space<semaphore_mem>>) src(%dma_wait3A_168 : memref<640x128xf32, #tpu.memory_space<vmem_shared>>) dst(%dma_wait3A_166 : memref<640x128xf32, #tpu.memory_space<hbm>>)
        tpu.yield
      }) : () -> ()
    } else {
    }
    %eq3A_156 = arith.constant 1 : i32
    %eq3A_157 = arith.cmpi eq, %arg0, %eq3A_156 : i32
    %convert_element_type3A_158 = arith.extui %eq3A_157 : i1 to i32
    %cond3A_159 = arith.constant 0 : i32
    %cond3A_160 = arith.cmpi ne, %convert_element_type3A_158, %cond3A_159 : i32
    scf.if %cond3A_160 {
      "tpu.region"() ({
        %run_scoped3A = tpu.sem_alloc : memref<!tpu.dma_semaphore, #tpu.memory_space<semaphore_mem>>
        %dma_start3A_161 = arith.constant 0 : i32
        %dma_start3A_162 = tpu.memref_slice %arg7[%mul3A_0, %dma_start3A_161] : memref<10240x128xf32, #tpu.memory_space<hbm>> -> memref<640x128xf32, #tpu.memory_space<hbm>>
        %dma_start3A_163 = arith.constant 0 : i32
        %dma_start3A_164 = tpu.memref_slice %arg8[%mul3A_0, %dma_start3A_163] : memref<10240x128xf32, #tpu.memory_space<vmem_shared>> -> memref<640x128xf32, #tpu.memory_space<vmem_shared>>
        tpu.enqueue_dma source(%dma_start3A_164 : memref<640x128xf32, #tpu.memory_space<vmem_shared>>) target(%dma_start3A_162 : memref<640x128xf32, #tpu.memory_space<hbm>>) target_semaphore(%run_scoped3A : memref<!tpu.dma_semaphore, #tpu.memory_space<semaphore_mem>>)
        %dma_wait3A_165 = arith.constant 0 : i32
        %dma_wait3A_166 = tpu.memref_slice %arg7[%mul3A_0, %dma_wait3A_165] : memref<10240x128xf32, #tpu.memory_space<hbm>> -> memref<640x128xf32, #tpu.memory_space<hbm>>
        %dma_wait3A_167 = arith.constant 0 : i32
        %dma_wait3A_168 = tpu.memref_slice %arg8[%mul3A_0, %dma_wait3A_167] : memref<10240x128xf32, #tpu.memory_space<vmem_shared>> -> memref<640x128xf32, #tpu.memory_space<vmem_shared>>
        tpu.wait_dma2 semaphore(%run_scoped3A : memref<!tpu.dma_semaphore, #tpu.memory_space<semaphore_mem>>) src(%dma_wait3A_168 : memref<640x128xf32, #tpu.memory_space<vmem_shared>>) dst(%dma_wait3A_166 : memref<640x128xf32, #tpu.memory_space<hbm>>)
        tpu.yield
      }) : () -> ()
    } else {
    }
    return
  }
}

#map = affine_map<(d0, d1) -> (0, 0)>
module attributes {stable_mosaic.version = 14 : i64} {
  func.func @seg(%arg0: i32, %arg1: i32, %arg2: memref<10240x32xf32, #tpu.memory_space<hbm>>, %arg3: memref<5024x128xi32, #tpu.memory_space<hbm>>, %arg4: memref<5024x128xi32, #tpu.memory_space<hbm>>, %arg5: memref<10240x32xf32, #tpu.memory_space<hbm>>, %arg6: memref<10240x32xf32, #tpu.memory_space<hbm>>, %arg7: memref<10240x32xf32, #tpu.memory_space<hbm>>, %arg8: memref<10240x32xf32, #tpu.memory_space<vmem_shared>>, %arg9: memref<2x2x128xi32, #tpu.memory_space<vmem>>, %arg10: memref<2x2x128xi32, #tpu.memory_space<vmem>>, %arg11: memref<2x128x32xf32, #tpu.memory_space<vmem>>, %arg12: memref<!tpu.dma_semaphore, #tpu.memory_space<semaphore_mem>>, %arg13: memref<!tpu.dma_semaphore, #tpu.memory_space<semaphore_mem>>, %arg14: memref<!tpu.dma_semaphore, #tpu.memory_space<semaphore_mem>>) attributes {dimension_semantics = [#tpu.dimension_semantics<core_parallel>, #tpu.dimension_semantics<subcore_parallel>], iteration_bounds = array<i64: 2, 16>, scalar_prefetch = 0 : i64, scratch_operands = 7 : i64, tpu.core_type = #tpu.core_type<sc_vector_subcore>, window_params = [{transform_indices = #map}, {transform_indices = #map}, {transform_indices = #map}, {transform_indices = #map}, {transform_indices = #map}, {transform_indices = #map}]} {
    %mul3A = arith.constant 640 : i32
    %mul3A_0 = arith.muli %arg1, %mul3A : i32
    %eq3A = arith.constant 0 : i32
    %eq3A_1 = arith.cmpi eq, %arg0, %eq3A : i32
    %mul3A_2 = arith.constant 188 : i32
    %mul3A_3 = arith.muli %arg1, %mul3A_2 : i32
    %mul3A_4 = arith.constant 126 : i32
    %mul3A_5 = arith.muli %arg1, %mul3A_4 : i32
    %add3A = arith.constant 3008 : i32
    %add3A_6 = arith.addi %add3A, %mul3A_5 : i32
    %select_n3A = arith.select %eq3A_1, %mul3A_3, %add3A_6 : i32
    %eq3A_7 = arith.constant 0 : i32
    %eq3A_8 = arith.cmpi eq, %arg0, %eq3A_7 : i32
    %jit3A = arith.constant 94 : i32
    %jit3A_9 = arith.constant 63 : i32
    %select_n3A_10 = arith.select %eq3A_8, %jit3A, %jit3A_9 : i32
    "tpu.region"() ({
      %run_scoped3A = tpu.sem_alloc : memref<!tpu.dma_semaphore, #tpu.memory_space<semaphore_mem>>
      %dma_start3A_161 = arith.constant 0 : i32
      %dma_start3A_162 = tpu.memref_slice %arg8[%mul3A_0, %dma_start3A_161] : memref<10240x32xf32, #tpu.memory_space<vmem_shared>> -> memref<640x32xf32, #tpu.memory_space<vmem_shared>>
      %dma_start3A_163 = arith.constant 0 : i32
      %dma_start3A_164 = tpu.memref_slice %arg5[%mul3A_0, %dma_start3A_163] : memref<10240x32xf32, #tpu.memory_space<hbm>> -> memref<640x32xf32, #tpu.memory_space<hbm>>
      tpu.enqueue_dma source(%dma_start3A_164 : memref<640x32xf32, #tpu.memory_space<hbm>>) target(%dma_start3A_162 : memref<640x32xf32, #tpu.memory_space<vmem_shared>>) target_semaphore(%run_scoped3A : memref<!tpu.dma_semaphore, #tpu.memory_space<semaphore_mem>>)
      %dma_wait3A_165 = arith.constant 0 : i32
      %dma_wait3A_166 = tpu.memref_slice %arg8[%mul3A_0, %dma_wait3A_165] : memref<10240x32xf32, #tpu.memory_space<vmem_shared>> -> memref<640x32xf32, #tpu.memory_space<vmem_shared>>
      %dma_wait3A_167 = arith.constant 0 : i32
      %dma_wait3A_168 = tpu.memref_slice %arg5[%mul3A_0, %dma_wait3A_167] : memref<10240x32xf32, #tpu.memory_space<hbm>> -> memref<640x32xf32, #tpu.memory_space<hbm>>
      tpu.wait_dma2 semaphore(%run_scoped3A : memref<!tpu.dma_semaphore, #tpu.memory_space<semaphore_mem>>) src(%dma_wait3A_168 : memref<640x32xf32, #tpu.memory_space<hbm>>) dst(%dma_wait3A_166 : memref<640x32xf32, #tpu.memory_space<vmem_shared>>)
      tpu.yield
    }) : () -> ()
    %barrier3A = arith.constant 0 : index
    tpu.barrier barrier_id(%barrier3A)
    %add3A_11 = arith.constant 0 : i32
    %add3A_12 = arith.addi %select_n3A, %add3A_11 : i32
    %dma_start3A = arith.constant 0 : i32
    %dma_start3A_13 = arith.constant 0 : i32
    %dma_start3A_14 = arith.constant 0 : i32
    %dma_start3A_15 = tpu.memref_slice %arg9[%dma_start3A, %dma_start3A_13, %dma_start3A_14] : memref<2x2x128xi32, #tpu.memory_space<vmem>> -> memref<1x2x128xi32, #tpu.memory_space<vmem>>
    %dma_start3A_16 = tpu.memref_squeeze %dma_start3A_15 : memref<1x2x128xi32, #tpu.memory_space<vmem>> -> memref<2x128xi32, #tpu.memory_space<vmem>>
    %dma_start3A_17 = arith.constant 0 : i32
    %dma_start3A_18 = tpu.memref_slice %arg3[%add3A_12, %dma_start3A_17] : memref<5024x128xi32, #tpu.memory_space<hbm>> -> memref<2x128xi32, #tpu.memory_space<hbm>>
    %dma_start3A_19 = arith.constant 0 : i32
    %dma_start3A_20 = arith.constant 0 : i32
    %dma_start3A_21 = tpu.memref_slice %arg9[%dma_start3A, %dma_start3A_19, %dma_start3A_20] : memref<2x2x128xi32, #tpu.memory_space<vmem>> -> memref<1x2x128xi32, #tpu.memory_space<vmem>>
    %dma_start3A_22 = tpu.memref_squeeze %dma_start3A_21 : memref<1x2x128xi32, #tpu.memory_space<vmem>> -> memref<2x128xi32, #tpu.memory_space<vmem>>
    %dma_start3A_23 = arith.constant 0 : i32
    %dma_start3A_24 = tpu.memref_slice %arg3[%add3A_12, %dma_start3A_23] : memref<5024x128xi32, #tpu.memory_space<hbm>> -> memref<2x128xi32, #tpu.memory_space<hbm>>
    tpu.enqueue_dma source(%dma_start3A_24 : memref<2x128xi32, #tpu.memory_space<hbm>>) target(%dma_start3A_22 : memref<2x128xi32, #tpu.memory_space<vmem>>) target_semaphore(%arg14 : memref<!tpu.dma_semaphore, #tpu.memory_space<semaphore_mem>>)
    %dma_start3A_25 = arith.constant 0 : i32
    %dma_start3A_26 = arith.constant 0 : i32
    %dma_start3A_27 = arith.constant 0 : i32
    %dma_start3A_28 = tpu.memref_slice %arg10[%dma_start3A_25, %dma_start3A_26, %dma_start3A_27] : memref<2x2x128xi32, #tpu.memory_space<vmem>> -> memref<1x2x128xi32, #tpu.memory_space<vmem>>
    %dma_start3A_29 = tpu.memref_squeeze %dma_start3A_28 : memref<1x2x128xi32, #tpu.memory_space<vmem>> -> memref<2x128xi32, #tpu.memory_space<vmem>>
    %dma_start3A_30 = arith.constant 0 : i32
    %dma_start3A_31 = tpu.memref_slice %arg4[%add3A_12, %dma_start3A_30] : memref<5024x128xi32, #tpu.memory_space<hbm>> -> memref<2x128xi32, #tpu.memory_space<hbm>>
    %dma_start3A_32 = arith.constant 0 : i32
    %dma_start3A_33 = arith.constant 0 : i32
    %dma_start3A_34 = tpu.memref_slice %arg10[%dma_start3A_25, %dma_start3A_32, %dma_start3A_33] : memref<2x2x128xi32, #tpu.memory_space<vmem>> -> memref<1x2x128xi32, #tpu.memory_space<vmem>>
    %dma_start3A_35 = tpu.memref_squeeze %dma_start3A_34 : memref<1x2x128xi32, #tpu.memory_space<vmem>> -> memref<2x128xi32, #tpu.memory_space<vmem>>
    %dma_start3A_36 = arith.constant 0 : i32
    %dma_start3A_37 = tpu.memref_slice %arg4[%add3A_12, %dma_start3A_36] : memref<5024x128xi32, #tpu.memory_space<hbm>> -> memref<2x128xi32, #tpu.memory_space<hbm>>
    tpu.enqueue_dma source(%dma_start3A_37 : memref<2x128xi32, #tpu.memory_space<hbm>>) target(%dma_start3A_35 : memref<2x128xi32, #tpu.memory_space<vmem>>) target_semaphore(%arg14 : memref<!tpu.dma_semaphore, #tpu.memory_space<semaphore_mem>>)
    %dma_wait3A = arith.constant 0 : i32
    %dma_wait3A_38 = arith.constant 0 : i32
    %dma_wait3A_39 = arith.constant 0 : i32
    %dma_wait3A_40 = tpu.memref_slice %arg9[%dma_wait3A, %dma_wait3A_38, %dma_wait3A_39] : memref<2x2x128xi32, #tpu.memory_space<vmem>> -> memref<1x2x128xi32, #tpu.memory_space<vmem>>
    %dma_wait3A_41 = tpu.memref_squeeze %dma_wait3A_40 : memref<1x2x128xi32, #tpu.memory_space<vmem>> -> memref<2x128xi32, #tpu.memory_space<vmem>>
    %dma_wait3A_42 = arith.constant 0 : i32
    %dma_wait3A_43 = tpu.memref_slice %arg3[%select_n3A, %dma_wait3A_42] : memref<5024x128xi32, #tpu.memory_space<hbm>> -> memref<2x128xi32, #tpu.memory_space<hbm>>
    %dma_wait3A_44 = arith.constant 0 : i32
    %dma_wait3A_45 = arith.constant 0 : i32
    %dma_wait3A_46 = tpu.memref_slice %arg9[%dma_wait3A, %dma_wait3A_44, %dma_wait3A_45] : memref<2x2x128xi32, #tpu.memory_space<vmem>> -> memref<1x2x128xi32, #tpu.memory_space<vmem>>
    %dma_wait3A_47 = tpu.memref_squeeze %dma_wait3A_46 : memref<1x2x128xi32, #tpu.memory_space<vmem>> -> memref<2x128xi32, #tpu.memory_space<vmem>>
    %dma_wait3A_48 = arith.constant 0 : i32
    %dma_wait3A_49 = tpu.memref_slice %arg3[%select_n3A, %dma_wait3A_48] : memref<5024x128xi32, #tpu.memory_space<hbm>> -> memref<2x128xi32, #tpu.memory_space<hbm>>
    tpu.wait_dma2 semaphore(%arg14 : memref<!tpu.dma_semaphore, #tpu.memory_space<semaphore_mem>>) src(%dma_wait3A_49 : memref<2x128xi32, #tpu.memory_space<hbm>>) dst(%dma_wait3A_47 : memref<2x128xi32, #tpu.memory_space<vmem>>)
    %dma_wait3A_50 = arith.constant 0 : i32
    %dma_wait3A_51 = arith.constant 0 : i32
    %dma_wait3A_52 = arith.constant 0 : i32
    %dma_wait3A_53 = tpu.memref_slice %arg10[%dma_wait3A_50, %dma_wait3A_51, %dma_wait3A_52] : memref<2x2x128xi32, #tpu.memory_space<vmem>> -> memref<1x2x128xi32, #tpu.memory_space<vmem>>
    %dma_wait3A_54 = tpu.memref_squeeze %dma_wait3A_53 : memref<1x2x128xi32, #tpu.memory_space<vmem>> -> memref<2x128xi32, #tpu.memory_space<vmem>>
    %dma_wait3A_55 = arith.constant 0 : i32
    %dma_wait3A_56 = tpu.memref_slice %arg4[%select_n3A, %dma_wait3A_55] : memref<5024x128xi32, #tpu.memory_space<hbm>> -> memref<2x128xi32, #tpu.memory_space<hbm>>
    %dma_wait3A_57 = arith.constant 0 : i32
    %dma_wait3A_58 = arith.constant 0 : i32
    %dma_wait3A_59 = tpu.memref_slice %arg10[%dma_wait3A_50, %dma_wait3A_57, %dma_wait3A_58] : memref<2x2x128xi32, #tpu.memory_space<vmem>> -> memref<1x2x128xi32, #tpu.memory_space<vmem>>
    %dma_wait3A_60 = tpu.memref_squeeze %dma_wait3A_59 : memref<1x2x128xi32, #tpu.memory_space<vmem>> -> memref<2x128xi32, #tpu.memory_space<vmem>>
    %dma_wait3A_61 = arith.constant 0 : i32
    %dma_wait3A_62 = tpu.memref_slice %arg4[%select_n3A, %dma_wait3A_61] : memref<5024x128xi32, #tpu.memory_space<hbm>> -> memref<2x128xi32, #tpu.memory_space<hbm>>
    tpu.wait_dma2 semaphore(%arg14 : memref<!tpu.dma_semaphore, #tpu.memory_space<semaphore_mem>>) src(%dma_wait3A_62 : memref<2x128xi32, #tpu.memory_space<hbm>>) dst(%dma_wait3A_60 : memref<2x128xi32, #tpu.memory_space<vmem>>)
    %dma_start3A_63 = arith.constant 0 : i32
    %dma_start3A_64 = arith.constant 0 : i32
    %dma_start3A_65 = arith.constant 0 : i32
    %dma_start3A_66 = arith.constant 0 : i32
    %dma_start3A_67 = arith.constant 0 : i32
    %dma_start3A_68 = tpu.memref_slice %arg11[%dma_start3A_65, %dma_start3A_66, %dma_start3A_67] : memref<2x128x32xf32, #tpu.memory_space<vmem>> -> memref<1x128x32xf32, #tpu.memory_space<vmem>>
    %dma_start3A_69 = tpu.memref_squeeze %dma_start3A_68 : memref<1x128x32xf32, #tpu.memory_space<vmem>> -> memref<128x32xf32, #tpu.memory_space<vmem>>
    %dma_start3A_70 = arith.constant 0 : i32
    %dma_start3A_71 = tpu.memref_slice %arg9[%dma_start3A_63, %dma_start3A_64, %dma_start3A_70] : memref<2x2x128xi32, #tpu.memory_space<vmem>> -> memref<1x1x128xi32, #tpu.memory_space<vmem>>
    %dma_start3A_72 = tpu.memref_squeeze %dma_start3A_71 : memref<1x1x128xi32, #tpu.memory_space<vmem>> -> memref<128xi32, #tpu.memory_space<vmem>>
    %dma_start3A_73 = arith.constant 0 : i32
    %dma_start3A_74 = arith.constant 0 : i32
    %dma_start3A_75 = tpu.memref_slice %arg2[%dma_start3A_73, %dma_start3A_74] : memref<10240x32xf32, #tpu.memory_space<hbm>> -> memref<10240x32xf32, #tpu.memory_space<hbm>>
    tpu.enqueue_indirect_dma source(%dma_start3A_75 : memref<10240x32xf32, #tpu.memory_space<hbm>>) target(%dma_start3A_69 : memref<128x32xf32, #tpu.memory_space<vmem>>) offsets(%dma_start3A_72 : memref<128xi32, #tpu.memory_space<vmem>>) semaphore(%arg12 : memref<!tpu.dma_semaphore, #tpu.memory_space<semaphore_mem>>)
    %dma_start3A_76 = arith.constant 0 : i32
    %dma_start3A_77 = arith.constant 1 : i32
    %dma_start3A_78 = arith.constant 1 : i32
    %dma_start3A_79 = arith.constant 0 : i32
    %dma_start3A_80 = arith.constant 0 : i32
    %dma_start3A_81 = tpu.memref_slice %arg11[%dma_start3A_78, %dma_start3A_79, %dma_start3A_80] : memref<2x128x32xf32, #tpu.memory_space<vmem>> -> memref<1x128x32xf32, #tpu.memory_space<vmem>>
    %dma_start3A_82 = tpu.memref_squeeze %dma_start3A_81 : memref<1x128x32xf32, #tpu.memory_space<vmem>> -> memref<128x32xf32, #tpu.memory_space<vmem>>
    %dma_start3A_83 = arith.constant 0 : i32
    %dma_start3A_84 = tpu.memref_slice %arg9[%dma_start3A_76, %dma_start3A_77, %dma_start3A_83] : memref<2x2x128xi32, #tpu.memory_space<vmem>> -> memref<1x1x128xi32, #tpu.memory_space<vmem>>
    %dma_start3A_85 = tpu.memref_squeeze %dma_start3A_84 : memref<1x1x128xi32, #tpu.memory_space<vmem>> -> memref<128xi32, #tpu.memory_space<vmem>>
    %dma_start3A_86 = arith.constant 0 : i32
    %dma_start3A_87 = arith.constant 0 : i32
    %dma_start3A_88 = tpu.memref_slice %arg2[%dma_start3A_86, %dma_start3A_87] : memref<10240x32xf32, #tpu.memory_space<hbm>> -> memref<10240x32xf32, #tpu.memory_space<hbm>>
    tpu.enqueue_indirect_dma source(%dma_start3A_88 : memref<10240x32xf32, #tpu.memory_space<hbm>>) target(%dma_start3A_82 : memref<128x32xf32, #tpu.memory_space<vmem>>) offsets(%dma_start3A_85 : memref<128xi32, #tpu.memory_space<vmem>>) semaphore(%arg12 : memref<!tpu.dma_semaphore, #tpu.memory_space<semaphore_mem>>)
    %add3A_89 = arith.constant 2 : i32
    %add3A_90 = arith.addi %select_n3A, %add3A_89 : i32
    %dma_start3A_91 = arith.constant 1 : i32
    %dma_start3A_92 = arith.constant 0 : i32
    %dma_start3A_93 = arith.constant 0 : i32
    %dma_start3A_94 = tpu.memref_slice %arg9[%dma_start3A_91, %dma_start3A_92, %dma_start3A_93] : memref<2x2x128xi32, #tpu.memory_space<vmem>> -> memref<1x2x128xi32, #tpu.memory_space<vmem>>
    %dma_start3A_95 = tpu.memref_squeeze %dma_start3A_94 : memref<1x2x128xi32, #tpu.memory_space<vmem>> -> memref<2x128xi32, #tpu.memory_space<vmem>>
    %dma_start3A_96 = arith.constant 0 : i32
    %dma_start3A_97 = tpu.memref_slice %arg3[%add3A_90, %dma_start3A_96] : memref<5024x128xi32, #tpu.memory_space<hbm>> -> memref<2x128xi32, #tpu.memory_space<hbm>>
    %dma_start3A_98 = arith.constant 0 : i32
    %dma_start3A_99 = arith.constant 0 : i32
    %dma_start3A_100 = tpu.memref_slice %arg9[%dma_start3A_91, %dma_start3A_98, %dma_start3A_99] : memref<2x2x128xi32, #tpu.memory_space<vmem>> -> memref<1x2x128xi32, #tpu.memory_space<vmem>>
    %dma_start3A_101 = tpu.memref_squeeze %dma_start3A_100 : memref<1x2x128xi32, #tpu.memory_space<vmem>> -> memref<2x128xi32, #tpu.memory_space<vmem>>
    %dma_start3A_102 = arith.constant 0 : i32
    %dma_start3A_103 = tpu.memref_slice %arg3[%add3A_90, %dma_start3A_102] : memref<5024x128xi32, #tpu.memory_space<hbm>> -> memref<2x128xi32, #tpu.memory_space<hbm>>
    tpu.enqueue_dma source(%dma_start3A_103 : memref<2x128xi32, #tpu.memory_space<hbm>>) target(%dma_start3A_101 : memref<2x128xi32, #tpu.memory_space<vmem>>) target_semaphore(%arg14 : memref<!tpu.dma_semaphore, #tpu.memory_space<semaphore_mem>>)
    %dma_start3A_104 = arith.constant 1 : i32
    %dma_start3A_105 = arith.constant 0 : i32
    %dma_start3A_106 = arith.constant 0 : i32
    %dma_start3A_107 = tpu.memref_slice %arg10[%dma_start3A_104, %dma_start3A_105, %dma_start3A_106] : memref<2x2x128xi32, #tpu.memory_space<vmem>> -> memref<1x2x128xi32, #tpu.memory_space<vmem>>
    %dma_start3A_108 = tpu.memref_squeeze %dma_start3A_107 : memref<1x2x128xi32, #tpu.memory_space<vmem>> -> memref<2x128xi32, #tpu.memory_space<vmem>>
    %dma_start3A_109 = arith.constant 0 : i32
    %dma_start3A_110 = tpu.memref_slice %arg4[%add3A_90, %dma_start3A_109] : memref<5024x128xi32, #tpu.memory_space<hbm>> -> memref<2x128xi32, #tpu.memory_space<hbm>>
    %dma_start3A_111 = arith.constant 0 : i32
    %dma_start3A_112 = arith.constant 0 : i32
    %dma_start3A_113 = tpu.memref_slice %arg10[%dma_start3A_104, %dma_start3A_111, %dma_start3A_112] : memref<2x2x128xi32, #tpu.memory_space<vmem>> -> memref<1x2x128xi32, #tpu.memory_space<vmem>>
    %dma_start3A_114 = tpu.memref_squeeze %dma_start3A_113 : memref<1x2x128xi32, #tpu.memory_space<vmem>> -> memref<2x128xi32, #tpu.memory_space<vmem>>
    %dma_start3A_115 = arith.constant 0 : i32
    %dma_start3A_116 = tpu.memref_slice %arg4[%add3A_90, %dma_start3A_115] : memref<5024x128xi32, #tpu.memory_space<hbm>> -> memref<2x128xi32, #tpu.memory_space<hbm>>
    tpu.enqueue_dma source(%dma_start3A_116 : memref<2x128xi32, #tpu.memory_space<hbm>>) target(%dma_start3A_114 : memref<2x128xi32, #tpu.memory_space<vmem>>) target_semaphore(%arg14 : memref<!tpu.dma_semaphore, #tpu.memory_space<semaphore_mem>>)
    %while3A = arith.constant 0 : i32
    %while3A_117 = arith.constant 0 : i32
    %while3A_118 = arith.subi %select_n3A_10, %while3A_117 : i32
    %while3A_119 = arith.addi %while3A_117, %while3A_118 : i32
    %while3A_120 = arith.constant 1 : i32
    %while3A_121 = arith.divsi %while3A_118, %while3A_120 : i32
    %while3A_122 = arith.muli %while3A_121, %while3A_120 : i32
    %while3A_123 = arith.addi %while3A_117, %while3A_122 : i32
    %while3A_124 = arith.constant 1 : i32
    scf.for %while3A_161 = %while3A_117 to %while3A_123 step %while3A_124  : i32 {
      %rem3A = arith.constant 2 : i32
      %rem3A_162 = arith.remsi %while3A_161, %rem3A : i32
      %sub3A = arith.constant 1 : i32
      %sub3A_163 = arith.subi %sub3A, %rem3A_162 : i32
      %dma_wait3A_164 = arith.constant 0 : i32
      %dma_wait3A_165 = arith.constant 0 : i32
      %dma_wait3A_166 = arith.constant 0 : i32
      %dma_wait3A_167 = arith.constant 0 : i32
      %dma_wait3A_168 = arith.constant 0 : i32
      %dma_wait3A_169 = tpu.memref_slice %arg11[%dma_wait3A_166, %dma_wait3A_167, %dma_wait3A_168] : memref<2x128x32xf32, #tpu.memory_space<vmem>> -> memref<1x128x32xf32, #tpu.memory_space<vmem>>
      %dma_wait3A_170 = tpu.memref_squeeze %dma_wait3A_169 : memref<1x128x32xf32, #tpu.memory_space<vmem>> -> memref<128x32xf32, #tpu.memory_space<vmem>>
      %dma_wait3A_171 = arith.constant 0 : i32
      %dma_wait3A_172 = tpu.memref_slice %arg9[%dma_wait3A_164, %dma_wait3A_165, %dma_wait3A_171] : memref<2x2x128xi32, #tpu.memory_space<vmem>> -> memref<1x1x128xi32, #tpu.memory_space<vmem>>
      %dma_wait3A_173 = tpu.memref_squeeze %dma_wait3A_172 : memref<1x1x128xi32, #tpu.memory_space<vmem>> -> memref<128xi32, #tpu.memory_space<vmem>>
      %dma_wait3A_174 = arith.constant 0 : i32
      %dma_wait3A_175 = arith.constant 0 : i32
      %dma_wait3A_176 = tpu.memref_slice %arg2[%dma_wait3A_174, %dma_wait3A_175] : memref<10240x32xf32, #tpu.memory_space<hbm>> -> memref<10240x32xf32, #tpu.memory_space<hbm>>
      tpu.wait_indirect_dma semaphore(%arg12 : memref<!tpu.dma_semaphore, #tpu.memory_space<semaphore_mem>>) src(%dma_wait3A_176 : memref<10240x32xf32, #tpu.memory_space<hbm>>) dst(%dma_wait3A_170 : memref<128x32xf32, #tpu.memory_space<vmem>>)
      %dma_start3A_177 = arith.constant 0 : i32
      %dma_start3A_178 = arith.constant 0 : i32
      %dma_start3A_179 = arith.constant 0 : i32
      %dma_start3A_180 = arith.constant 0 : i32
      %dma_start3A_181 = tpu.memref_slice %arg11[%dma_start3A_177, %dma_start3A_179, %dma_start3A_180] : memref<2x128x32xf32, #tpu.memory_space<vmem>> -> memref<1x128x32xf32, #tpu.memory_space<vmem>>
      %dma_start3A_182 = tpu.memref_squeeze %dma_start3A_181 : memref<1x128x32xf32, #tpu.memory_space<vmem>> -> memref<128x32xf32, #tpu.memory_space<vmem>>
      %dma_start3A_183 = arith.constant 0 : i32
      %dma_start3A_184 = tpu.memref_slice %arg10[%rem3A_162, %dma_start3A_178, %dma_start3A_183] : memref<2x2x128xi32, #tpu.memory_space<vmem>> -> memref<1x1x128xi32, #tpu.memory_space<vmem>>
      %dma_start3A_185 = tpu.memref_squeeze %dma_start3A_184 : memref<1x1x128xi32, #tpu.memory_space<vmem>> -> memref<128xi32, #tpu.memory_space<vmem>>
      %dma_start3A_186 = arith.constant 0 : i32
      %dma_start3A_187 = arith.constant 0 : i32
      %dma_start3A_188 = tpu.memref_slice %arg8[%dma_start3A_186, %dma_start3A_187] : memref<10240x32xf32, #tpu.memory_space<vmem_shared>> -> memref<10240x32xf32, #tpu.memory_space<vmem_shared>>
      tpu.enqueue_indirect_dma source(%dma_start3A_182 : memref<128x32xf32, #tpu.memory_space<vmem>>) target(%dma_start3A_188 : memref<10240x32xf32, #tpu.memory_space<vmem_shared>>) offsets(%dma_start3A_185 : memref<128xi32, #tpu.memory_space<vmem>>) semaphore(%arg13 : memref<!tpu.dma_semaphore, #tpu.memory_space<semaphore_mem>>) {add = true}
      %dma_wait3A_189 = arith.constant 0 : i32
      %dma_wait3A_190 = arith.constant 0 : i32
      %dma_wait3A_191 = arith.constant 1 : i32
      %dma_wait3A_192 = arith.constant 0 : i32
      %dma_wait3A_193 = arith.constant 0 : i32
      %dma_wait3A_194 = tpu.memref_slice %arg11[%dma_wait3A_191, %dma_wait3A_192, %dma_wait3A_193] : memref<2x128x32xf32, #tpu.memory_space<vmem>> -> memref<1x128x32xf32, #tpu.memory_space<vmem>>
      %dma_wait3A_195 = tpu.memref_squeeze %dma_wait3A_194 : memref<1x128x32xf32, #tpu.memory_space<vmem>> -> memref<128x32xf32, #tpu.memory_space<vmem>>
      %dma_wait3A_196 = arith.constant 0 : i32
      %dma_wait3A_197 = tpu.memref_slice %arg9[%dma_wait3A_189, %dma_wait3A_190, %dma_wait3A_196] : memref<2x2x128xi32, #tpu.memory_space<vmem>> -> memref<1x1x128xi32, #tpu.memory_space<vmem>>
      %dma_wait3A_198 = tpu.memref_squeeze %dma_wait3A_197 : memref<1x1x128xi32, #tpu.memory_space<vmem>> -> memref<128xi32, #tpu.memory_space<vmem>>
      %dma_wait3A_199 = arith.constant 0 : i32
      %dma_wait3A_200 = arith.constant 0 : i32
      %dma_wait3A_201 = tpu.memref_slice %arg2[%dma_wait3A_199, %dma_wait3A_200] : memref<10240x32xf32, #tpu.memory_space<hbm>> -> memref<10240x32xf32, #tpu.memory_space<hbm>>
      tpu.wait_indirect_dma semaphore(%arg12 : memref<!tpu.dma_semaphore, #tpu.memory_space<semaphore_mem>>) src(%dma_wait3A_201 : memref<10240x32xf32, #tpu.memory_space<hbm>>) dst(%dma_wait3A_195 : memref<128x32xf32, #tpu.memory_space<vmem>>)
      %dma_start3A_202 = arith.constant 1 : i32
      %dma_start3A_203 = arith.constant 1 : i32
      %dma_start3A_204 = arith.constant 0 : i32
      %dma_start3A_205 = arith.constant 0 : i32
      %dma_start3A_206 = tpu.memref_slice %arg11[%dma_start3A_202, %dma_start3A_204, %dma_start3A_205] : memref<2x128x32xf32, #tpu.memory_space<vmem>> -> memref<1x128x32xf32, #tpu.memory_space<vmem>>
      %dma_start3A_207 = tpu.memref_squeeze %dma_start3A_206 : memref<1x128x32xf32, #tpu.memory_space<vmem>> -> memref<128x32xf32, #tpu.memory_space<vmem>>
      %dma_start3A_208 = arith.constant 0 : i32
      %dma_start3A_209 = tpu.memref_slice %arg10[%rem3A_162, %dma_start3A_203, %dma_start3A_208] : memref<2x2x128xi32, #tpu.memory_space<vmem>> -> memref<1x1x128xi32, #tpu.memory_space<vmem>>
      %dma_start3A_210 = tpu.memref_squeeze %dma_start3A_209 : memref<1x1x128xi32, #tpu.memory_space<vmem>> -> memref<128xi32, #tpu.memory_space<vmem>>
      %dma_start3A_211 = arith.constant 0 : i32
      %dma_start3A_212 = arith.constant 0 : i32
      %dma_start3A_213 = tpu.memref_slice %arg8[%dma_start3A_211, %dma_start3A_212] : memref<10240x32xf32, #tpu.memory_space<vmem_shared>> -> memref<10240x32xf32, #tpu.memory_space<vmem_shared>>
      tpu.enqueue_indirect_dma source(%dma_start3A_207 : memref<128x32xf32, #tpu.memory_space<vmem>>) target(%dma_start3A_213 : memref<10240x32xf32, #tpu.memory_space<vmem_shared>>) offsets(%dma_start3A_210 : memref<128xi32, #tpu.memory_space<vmem>>) semaphore(%arg13 : memref<!tpu.dma_semaphore, #tpu.memory_space<semaphore_mem>>) {add = true}
      %add3A_214 = arith.constant 1 : i32
      %add3A_215 = arith.addi %while3A_161, %add3A_214 : i32
      %lt3A = arith.cmpi slt, %add3A_215, %select_n3A_10 : i32
      %convert_element_type3A_216 = arith.extui %lt3A : i1 to i32
      %cond3A_217 = arith.constant 0 : i32
      %cond3A_218 = arith.cmpi ne, %convert_element_type3A_216, %cond3A_217 : i32
      scf.if %cond3A_218 {
        %dma_wait3A_219 = arith.constant 0 : i32
        %dma_wait3A_220 = arith.constant 0 : i32
        %dma_wait3A_221 = tpu.memref_slice %arg9[%sub3A_163, %dma_wait3A_219, %dma_wait3A_220] : memref<2x2x128xi32, #tpu.memory_space<vmem>> -> memref<1x2x128xi32, #tpu.memory_space<vmem>>
        %dma_wait3A_222 = tpu.memref_squeeze %dma_wait3A_221 : memref<1x2x128xi32, #tpu.memory_space<vmem>> -> memref<2x128xi32, #tpu.memory_space<vmem>>
        %dma_wait3A_223 = arith.constant 0 : i32
        %dma_wait3A_224 = tpu.memref_slice %arg3[%select_n3A, %dma_wait3A_223] : memref<5024x128xi32, #tpu.memory_space<hbm>> -> memref<2x128xi32, #tpu.memory_space<hbm>>
        %dma_wait3A_225 = arith.constant 0 : i32
        %dma_wait3A_226 = arith.constant 0 : i32
        %dma_wait3A_227 = tpu.memref_slice %arg9[%sub3A_163, %dma_wait3A_225, %dma_wait3A_226] : memref<2x2x128xi32, #tpu.memory_space<vmem>> -> memref<1x2x128xi32, #tpu.memory_space<vmem>>
        %dma_wait3A_228 = tpu.memref_squeeze %dma_wait3A_227 : memref<1x2x128xi32, #tpu.memory_space<vmem>> -> memref<2x128xi32, #tpu.memory_space<vmem>>
        %dma_wait3A_229 = arith.constant 0 : i32
        %dma_wait3A_230 = tpu.memref_slice %arg3[%select_n3A, %dma_wait3A_229] : memref<5024x128xi32, #tpu.memory_space<hbm>> -> memref<2x128xi32, #tpu.memory_space<hbm>>
        tpu.wait_dma2 semaphore(%arg14 : memref<!tpu.dma_semaphore, #tpu.memory_space<semaphore_mem>>) src(%dma_wait3A_230 : memref<2x128xi32, #tpu.memory_space<hbm>>) dst(%dma_wait3A_228 : memref<2x128xi32, #tpu.memory_space<vmem>>)
        %dma_wait3A_231 = arith.constant 0 : i32
        %dma_wait3A_232 = arith.constant 0 : i32
        %dma_wait3A_233 = tpu.memref_slice %arg10[%sub3A_163, %dma_wait3A_231, %dma_wait3A_232] : memref<2x2x128xi32, #tpu.memory_space<vmem>> -> memref<1x2x128xi32, #tpu.memory_space<vmem>>
        %dma_wait3A_234 = tpu.memref_squeeze %dma_wait3A_233 : memref<1x2x128xi32, #tpu.memory_space<vmem>> -> memref<2x128xi32, #tpu.memory_space<vmem>>
        %dma_wait3A_235 = arith.constant 0 : i32
        %dma_wait3A_236 = tpu.memref_slice %arg4[%select_n3A, %dma_wait3A_235] : memref<5024x128xi32, #tpu.memory_space<hbm>> -> memref<2x128xi32, #tpu.memory_space<hbm>>
        %dma_wait3A_237 = arith.constant 0 : i32
        %dma_wait3A_238 = arith.constant 0 : i32
        %dma_wait3A_239 = tpu.memref_slice %arg10[%sub3A_163, %dma_wait3A_237, %dma_wait3A_238] : memref<2x2x128xi32, #tpu.memory_space<vmem>> -> memref<1x2x128xi32, #tpu.memory_space<vmem>>
        %dma_wait3A_240 = tpu.memref_squeeze %dma_wait3A_239 : memref<1x2x128xi32, #tpu.memory_space<vmem>> -> memref<2x128xi32, #tpu.memory_space<vmem>>
        %dma_wait3A_241 = arith.constant 0 : i32
        %dma_wait3A_242 = tpu.memref_slice %arg4[%select_n3A, %dma_wait3A_241] : memref<5024x128xi32, #tpu.memory_space<hbm>> -> memref<2x128xi32, #tpu.memory_space<hbm>>
        tpu.wait_dma2 semaphore(%arg14 : memref<!tpu.dma_semaphore, #tpu.memory_space<semaphore_mem>>) src(%dma_wait3A_242 : memref<2x128xi32, #tpu.memory_space<hbm>>) dst(%dma_wait3A_240 : memref<2x128xi32, #tpu.memory_space<vmem>>)
        %dma_wait3A_243 = arith.constant 0 : i32
        %dma_wait3A_244 = arith.constant 0 : i32
        %dma_wait3A_245 = arith.constant 0 : i32
        %dma_wait3A_246 = arith.constant 0 : i32
        %dma_wait3A_247 = arith.constant 0 : i32
        %dma_wait3A_248 = tpu.memref_slice %arg11[%dma_wait3A_243, %dma_wait3A_246, %dma_wait3A_247] : memref<2x128x32xf32, #tpu.memory_space<vmem>> -> memref<1x128x32xf32, #tpu.memory_space<vmem>>
        %dma_wait3A_249 = tpu.memref_squeeze %dma_wait3A_248 : memref<1x128x32xf32, #tpu.memory_space<vmem>> -> memref<128x32xf32, #tpu.memory_space<vmem>>
        %dma_wait3A_250 = arith.constant 0 : i32
        %dma_wait3A_251 = tpu.memref_slice %arg10[%dma_wait3A_244, %dma_wait3A_245, %dma_wait3A_250] : memref<2x2x128xi32, #tpu.memory_space<vmem>> -> memref<1x1x128xi32, #tpu.memory_space<vmem>>
        %dma_wait3A_252 = tpu.memref_squeeze %dma_wait3A_251 : memref<1x1x128xi32, #tpu.memory_space<vmem>> -> memref<128xi32, #tpu.memory_space<vmem>>
        %dma_wait3A_253 = arith.constant 0 : i32
        %dma_wait3A_254 = arith.constant 0 : i32
        %dma_wait3A_255 = tpu.memref_slice %arg8[%dma_wait3A_253, %dma_wait3A_254] : memref<10240x32xf32, #tpu.memory_space<vmem_shared>> -> memref<10240x32xf32, #tpu.memory_space<vmem_shared>>
        tpu.wait_indirect_dma semaphore(%arg13 : memref<!tpu.dma_semaphore, #tpu.memory_space<semaphore_mem>>) src(%dma_wait3A_249 : memref<128x32xf32, #tpu.memory_space<vmem>>) dst(%dma_wait3A_255 : memref<10240x32xf32, #tpu.memory_space<vmem_shared>>)
        %dma_start3A_256 = arith.constant 0 : i32
        %dma_start3A_257 = arith.constant 0 : i32
        %dma_start3A_258 = arith.constant 0 : i32
        %dma_start3A_259 = arith.constant 0 : i32
        %dma_start3A_260 = tpu.memref_slice %arg11[%dma_start3A_257, %dma_start3A_258, %dma_start3A_259] : memref<2x128x32xf32, #tpu.memory_space<vmem>> -> memref<1x128x32xf32, #tpu.memory_space<vmem>>
        %dma_start3A_261 = tpu.memref_squeeze %dma_start3A_260 : memref<1x128x32xf32, #tpu.memory_space<vmem>> -> memref<128x32xf32, #tpu.memory_space<vmem>>
        %dma_start3A_262 = arith.constant 0 : i32
        %dma_start3A_263 = tpu.memref_slice %arg9[%sub3A_163, %dma_start3A_256, %dma_start3A_262] : memref<2x2x128xi32, #tpu.memory_space<vmem>> -> memref<1x1x128xi32, #tpu.memory_space<vmem>>
        %dma_start3A_264 = tpu.memref_squeeze %dma_start3A_263 : memref<1x1x128xi32, #tpu.memory_space<vmem>> -> memref<128xi32, #tpu.memory_space<vmem>>
        %dma_start3A_265 = arith.constant 0 : i32
        %dma_start3A_266 = arith.constant 0 : i32
        %dma_start3A_267 = tpu.memref_slice %arg2[%dma_start3A_265, %dma_start3A_266] : memref<10240x32xf32, #tpu.memory_space<hbm>> -> memref<10240x32xf32, #tpu.memory_space<hbm>>
        tpu.enqueue_indirect_dma source(%dma_start3A_267 : memref<10240x32xf32, #tpu.memory_space<hbm>>) target(%dma_start3A_261 : memref<128x32xf32, #tpu.memory_space<vmem>>) offsets(%dma_start3A_264 : memref<128xi32, #tpu.memory_space<vmem>>) semaphore(%arg12 : memref<!tpu.dma_semaphore, #tpu.memory_space<semaphore_mem>>)
        %dma_wait3A_268 = arith.constant 1 : i32
        %dma_wait3A_269 = arith.constant 0 : i32
        %dma_wait3A_270 = arith.constant 0 : i32
        %dma_wait3A_271 = arith.constant 0 : i32
        %dma_wait3A_272 = arith.constant 0 : i32
        %dma_wait3A_273 = tpu.memref_slice %arg11[%dma_wait3A_268, %dma_wait3A_271, %dma_wait3A_272] : memref<2x128x32xf32, #tpu.memory_space<vmem>> -> memref<1x128x32xf32, #tpu.memory_space<vmem>>
        %dma_wait3A_274 = tpu.memref_squeeze %dma_wait3A_273 : memref<1x128x32xf32, #tpu.memory_space<vmem>> -> memref<128x32xf32, #tpu.memory_space<vmem>>
        %dma_wait3A_275 = arith.constant 0 : i32
        %dma_wait3A_276 = tpu.memref_slice %arg10[%dma_wait3A_269, %dma_wait3A_270, %dma_wait3A_275] : memref<2x2x128xi32, #tpu.memory_space<vmem>> -> memref<1x1x128xi32, #tpu.memory_space<vmem>>
        %dma_wait3A_277 = tpu.memref_squeeze %dma_wait3A_276 : memref<1x1x128xi32, #tpu.memory_space<vmem>> -> memref<128xi32, #tpu.memory_space<vmem>>
        %dma_wait3A_278 = arith.constant 0 : i32
        %dma_wait3A_279 = arith.constant 0 : i32
        %dma_wait3A_280 = tpu.memref_slice %arg8[%dma_wait3A_278, %dma_wait3A_279] : memref<10240x32xf32, #tpu.memory_space<vmem_shared>> -> memref<10240x32xf32, #tpu.memory_space<vmem_shared>>
        tpu.wait_indirect_dma semaphore(%arg13 : memref<!tpu.dma_semaphore, #tpu.memory_space<semaphore_mem>>) src(%dma_wait3A_274 : memref<128x32xf32, #tpu.memory_space<vmem>>) dst(%dma_wait3A_280 : memref<10240x32xf32, #tpu.memory_space<vmem_shared>>)
        %dma_start3A_281 = arith.constant 1 : i32
        %dma_start3A_282 = arith.constant 1 : i32
        %dma_start3A_283 = arith.constant 0 : i32
        %dma_start3A_284 = arith.constant 0 : i32
        %dma_start3A_285 = tpu.memref_slice %arg11[%dma_start3A_282, %dma_start3A_283, %dma_start3A_284] : memref<2x128x32xf32, #tpu.memory_space<vmem>> -> memref<1x128x32xf32, #tpu.memory_space<vmem>>
        %dma_start3A_286 = tpu.memref_squeeze %dma_start3A_285 : memref<1x128x32xf32, #tpu.memory_space<vmem>> -> memref<128x32xf32, #tpu.memory_space<vmem>>
        %dma_start3A_287 = arith.constant 0 : i32
        %dma_start3A_288 = tpu.memref_slice %arg9[%sub3A_163, %dma_start3A_281, %dma_start3A_287] : memref<2x2x128xi32, #tpu.memory_space<vmem>> -> memref<1x1x128xi32, #tpu.memory_space<vmem>>
        %dma_start3A_289 = tpu.memref_squeeze %dma_start3A_288 : memref<1x1x128xi32, #tpu.memory_space<vmem>> -> memref<128xi32, #tpu.memory_space<vmem>>
        %dma_start3A_290 = arith.constant 0 : i32
        %dma_start3A_291 = arith.constant 0 : i32
        %dma_start3A_292 = tpu.memref_slice %arg2[%dma_start3A_290, %dma_start3A_291] : memref<10240x32xf32, #tpu.memory_space<hbm>> -> memref<10240x32xf32, #tpu.memory_space<hbm>>
        tpu.enqueue_indirect_dma source(%dma_start3A_292 : memref<10240x32xf32, #tpu.memory_space<hbm>>) target(%dma_start3A_286 : memref<128x32xf32, #tpu.memory_space<vmem>>) offsets(%dma_start3A_289 : memref<128xi32, #tpu.memory_space<vmem>>) semaphore(%arg12 : memref<!tpu.dma_semaphore, #tpu.memory_space<semaphore_mem>>)
        %add3A_293 = arith.constant 2 : i32
        %add3A_294 = arith.addi %while3A_161, %add3A_293 : i32
        %lt3A_295 = arith.cmpi slt, %add3A_294, %select_n3A_10 : i32
        %convert_element_type3A_296 = arith.extui %lt3A_295 : i1 to i32
        %cond3A_297 = arith.constant 0 : i32
        %cond3A_298 = arith.cmpi ne, %convert_element_type3A_296, %cond3A_297 : i32
        scf.if %cond3A_298 {
          %add3A_299 = arith.constant 2 : i32
          %add3A_300 = arith.addi %while3A_161, %add3A_299 : i32
          %mul3A_301 = arith.constant 2 : i32
          %mul3A_302 = arith.muli %add3A_300, %mul3A_301 : i32
          %add3A_303 = arith.addi %select_n3A, %mul3A_302 : i32
          %dma_start3A_304 = arith.constant 0 : i32
          %dma_start3A_305 = arith.constant 0 : i32
          %dma_start3A_306 = tpu.memref_slice %arg9[%rem3A_162, %dma_start3A_304, %dma_start3A_305] : memref<2x2x128xi32, #tpu.memory_space<vmem>> -> memref<1x2x128xi32, #tpu.memory_space<vmem>>
          %dma_start3A_307 = tpu.memref_squeeze %dma_start3A_306 : memref<1x2x128xi32, #tpu.memory_space<vmem>> -> memref<2x128xi32, #tpu.memory_space<vmem>>
          %dma_start3A_308 = arith.constant 0 : i32
          %dma_start3A_309 = tpu.memref_slice %arg3[%add3A_303, %dma_start3A_308] : memref<5024x128xi32, #tpu.memory_space<hbm>> -> memref<2x128xi32, #tpu.memory_space<hbm>>
          %dma_start3A_310 = arith.constant 0 : i32
          %dma_start3A_311 = arith.constant 0 : i32
          %dma_start3A_312 = tpu.memref_slice %arg9[%rem3A_162, %dma_start3A_310, %dma_start3A_311] : memref<2x2x128xi32, #tpu.memory_space<vmem>> -> memref<1x2x128xi32, #tpu.memory_space<vmem>>
          %dma_start3A_313 = tpu.memref_squeeze %dma_start3A_312 : memref<1x2x128xi32, #tpu.memory_space<vmem>> -> memref<2x128xi32, #tpu.memory_space<vmem>>
          %dma_start3A_314 = arith.constant 0 : i32
          %dma_start3A_315 = tpu.memref_slice %arg3[%add3A_303, %dma_start3A_314] : memref<5024x128xi32, #tpu.memory_space<hbm>> -> memref<2x128xi32, #tpu.memory_space<hbm>>
          tpu.enqueue_dma source(%dma_start3A_315 : memref<2x128xi32, #tpu.memory_space<hbm>>) target(%dma_start3A_313 : memref<2x128xi32, #tpu.memory_space<vmem>>) target_semaphore(%arg14 : memref<!tpu.dma_semaphore, #tpu.memory_space<semaphore_mem>>)
          %dma_start3A_316 = arith.constant 0 : i32
          %dma_start3A_317 = arith.constant 0 : i32
          %dma_start3A_318 = tpu.memref_slice %arg10[%rem3A_162, %dma_start3A_316, %dma_start3A_317] : memref<2x2x128xi32, #tpu.memory_space<vmem>> -> memref<1x2x128xi32, #tpu.memory_space<vmem>>
          %dma_start3A_319 = tpu.memref_squeeze %dma_start3A_318 : memref<1x2x128xi32, #tpu.memory_space<vmem>> -> memref<2x128xi32, #tpu.memory_space<vmem>>
          %dma_start3A_320 = arith.constant 0 : i32
          %dma_start3A_321 = tpu.memref_slice %arg4[%add3A_303, %dma_start3A_320] : memref<5024x128xi32, #tpu.memory_space<hbm>> -> memref<2x128xi32, #tpu.memory_space<hbm>>
          %dma_start3A_322 = arith.constant 0 : i32
          %dma_start3A_323 = arith.constant 0 : i32
          %dma_start3A_324 = tpu.memref_slice %arg10[%rem3A_162, %dma_start3A_322, %dma_start3A_323] : memref<2x2x128xi32, #tpu.memory_space<vmem>> -> memref<1x2x128xi32, #tpu.memory_space<vmem>>
          %dma_start3A_325 = tpu.memref_squeeze %dma_start3A_324 : memref<1x2x128xi32, #tpu.memory_space<vmem>> -> memref<2x128xi32, #tpu.memory_space<vmem>>
          %dma_start3A_326 = arith.constant 0 : i32
          %dma_start3A_327 = tpu.memref_slice %arg4[%add3A_303, %dma_start3A_326] : memref<5024x128xi32, #tpu.memory_space<hbm>> -> memref<2x128xi32, #tpu.memory_space<hbm>>
          tpu.enqueue_dma source(%dma_start3A_327 : memref<2x128xi32, #tpu.memory_space<hbm>>) target(%dma_start3A_325 : memref<2x128xi32, #tpu.memory_space<vmem>>) target_semaphore(%arg14 : memref<!tpu.dma_semaphore, #tpu.memory_space<semaphore_mem>>)
        } else {
        }
      } else {
      }
    }
    %while3A_125 = arith.constant 1 : i32
    scf.for %while3A_161 = %while3A_123 to %while3A_119 step %while3A_125  : i32 {
      %rem3A = arith.constant 2 : i32
      %rem3A_162 = arith.remsi %while3A_161, %rem3A : i32
      %sub3A = arith.constant 1 : i32
      %sub3A_163 = arith.subi %sub3A, %rem3A_162 : i32
      %dma_wait3A_164 = arith.constant 0 : i32
      %dma_wait3A_165 = arith.constant 0 : i32
      %dma_wait3A_166 = arith.constant 0 : i32
      %dma_wait3A_167 = arith.constant 0 : i32
      %dma_wait3A_168 = arith.constant 0 : i32
      %dma_wait3A_169 = tpu.memref_slice %arg11[%dma_wait3A_166, %dma_wait3A_167, %dma_wait3A_168] : memref<2x128x32xf32, #tpu.memory_space<vmem>> -> memref<1x128x32xf32, #tpu.memory_space<vmem>>
      %dma_wait3A_170 = tpu.memref_squeeze %dma_wait3A_169 : memref<1x128x32xf32, #tpu.memory_space<vmem>> -> memref<128x32xf32, #tpu.memory_space<vmem>>
      %dma_wait3A_171 = arith.constant 0 : i32
      %dma_wait3A_172 = tpu.memref_slice %arg9[%dma_wait3A_164, %dma_wait3A_165, %dma_wait3A_171] : memref<2x2x128xi32, #tpu.memory_space<vmem>> -> memref<1x1x128xi32, #tpu.memory_space<vmem>>
      %dma_wait3A_173 = tpu.memref_squeeze %dma_wait3A_172 : memref<1x1x128xi32, #tpu.memory_space<vmem>> -> memref<128xi32, #tpu.memory_space<vmem>>
      %dma_wait3A_174 = arith.constant 0 : i32
      %dma_wait3A_175 = arith.constant 0 : i32
      %dma_wait3A_176 = tpu.memref_slice %arg2[%dma_wait3A_174, %dma_wait3A_175] : memref<10240x32xf32, #tpu.memory_space<hbm>> -> memref<10240x32xf32, #tpu.memory_space<hbm>>
      tpu.wait_indirect_dma semaphore(%arg12 : memref<!tpu.dma_semaphore, #tpu.memory_space<semaphore_mem>>) src(%dma_wait3A_176 : memref<10240x32xf32, #tpu.memory_space<hbm>>) dst(%dma_wait3A_170 : memref<128x32xf32, #tpu.memory_space<vmem>>)
      %dma_start3A_177 = arith.constant 0 : i32
      %dma_start3A_178 = arith.constant 0 : i32
      %dma_start3A_179 = arith.constant 0 : i32
      %dma_start3A_180 = arith.constant 0 : i32
      %dma_start3A_181 = tpu.memref_slice %arg11[%dma_start3A_177, %dma_start3A_179, %dma_start3A_180] : memref<2x128x32xf32, #tpu.memory_space<vmem>> -> memref<1x128x32xf32, #tpu.memory_space<vmem>>
      %dma_start3A_182 = tpu.memref_squeeze %dma_start3A_181 : memref<1x128x32xf32, #tpu.memory_space<vmem>> -> memref<128x32xf32, #tpu.memory_space<vmem>>
      %dma_start3A_183 = arith.constant 0 : i32
      %dma_start3A_184 = tpu.memref_slice %arg10[%rem3A_162, %dma_start3A_178, %dma_start3A_183] : memref<2x2x128xi32, #tpu.memory_space<vmem>> -> memref<1x1x128xi32, #tpu.memory_space<vmem>>
      %dma_start3A_185 = tpu.memref_squeeze %dma_start3A_184 : memref<1x1x128xi32, #tpu.memory_space<vmem>> -> memref<128xi32, #tpu.memory_space<vmem>>
      %dma_start3A_186 = arith.constant 0 : i32
      %dma_start3A_187 = arith.constant 0 : i32
      %dma_start3A_188 = tpu.memref_slice %arg8[%dma_start3A_186, %dma_start3A_187] : memref<10240x32xf32, #tpu.memory_space<vmem_shared>> -> memref<10240x32xf32, #tpu.memory_space<vmem_shared>>
      tpu.enqueue_indirect_dma source(%dma_start3A_182 : memref<128x32xf32, #tpu.memory_space<vmem>>) target(%dma_start3A_188 : memref<10240x32xf32, #tpu.memory_space<vmem_shared>>) offsets(%dma_start3A_185 : memref<128xi32, #tpu.memory_space<vmem>>) semaphore(%arg13 : memref<!tpu.dma_semaphore, #tpu.memory_space<semaphore_mem>>) {add = true}
      %dma_wait3A_189 = arith.constant 0 : i32
      %dma_wait3A_190 = arith.constant 0 : i32
      %dma_wait3A_191 = arith.constant 1 : i32
      %dma_wait3A_192 = arith.constant 0 : i32
      %dma_wait3A_193 = arith.constant 0 : i32
      %dma_wait3A_194 = tpu.memref_slice %arg11[%dma_wait3A_191, %dma_wait3A_192, %dma_wait3A_193] : memref<2x128x32xf32, #tpu.memory_space<vmem>> -> memref<1x128x32xf32, #tpu.memory_space<vmem>>
      %dma_wait3A_195 = tpu.memref_squeeze %dma_wait3A_194 : memref<1x128x32xf32, #tpu.memory_space<vmem>> -> memref<128x32xf32, #tpu.memory_space<vmem>>
      %dma_wait3A_196 = arith.constant 0 : i32
      %dma_wait3A_197 = tpu.memref_slice %arg9[%dma_wait3A_189, %dma_wait3A_190, %dma_wait3A_196] : memref<2x2x128xi32, #tpu.memory_space<vmem>> -> memref<1x1x128xi32, #tpu.memory_space<vmem>>
      %dma_wait3A_198 = tpu.memref_squeeze %dma_wait3A_197 : memref<1x1x128xi32, #tpu.memory_space<vmem>> -> memref<128xi32, #tpu.memory_space<vmem>>
      %dma_wait3A_199 = arith.constant 0 : i32
      %dma_wait3A_200 = arith.constant 0 : i32
      %dma_wait3A_201 = tpu.memref_slice %arg2[%dma_wait3A_199, %dma_wait3A_200] : memref<10240x32xf32, #tpu.memory_space<hbm>> -> memref<10240x32xf32, #tpu.memory_space<hbm>>
      tpu.wait_indirect_dma semaphore(%arg12 : memref<!tpu.dma_semaphore, #tpu.memory_space<semaphore_mem>>) src(%dma_wait3A_201 : memref<10240x32xf32, #tpu.memory_space<hbm>>) dst(%dma_wait3A_195 : memref<128x32xf32, #tpu.memory_space<vmem>>)
      %dma_start3A_202 = arith.constant 1 : i32
      %dma_start3A_203 = arith.constant 1 : i32
      %dma_start3A_204 = arith.constant 0 : i32
      %dma_start3A_205 = arith.constant 0 : i32
      %dma_start3A_206 = tpu.memref_slice %arg11[%dma_start3A_202, %dma_start3A_204, %dma_start3A_205] : memref<2x128x32xf32, #tpu.memory_space<vmem>> -> memref<1x128x32xf32, #tpu.memory_space<vmem>>
      %dma_start3A_207 = tpu.memref_squeeze %dma_start3A_206 : memref<1x128x32xf32, #tpu.memory_space<vmem>> -> memref<128x32xf32, #tpu.memory_space<vmem>>
      %dma_start3A_208 = arith.constant 0 : i32
      %dma_start3A_209 = tpu.memref_slice %arg10[%rem3A_162, %dma_start3A_203, %dma_start3A_208] : memref<2x2x128xi32, #tpu.memory_space<vmem>> -> memref<1x1x128xi32, #tpu.memory_space<vmem>>
      %dma_start3A_210 = tpu.memref_squeeze %dma_start3A_209 : memref<1x1x128xi32, #tpu.memory_space<vmem>> -> memref<128xi32, #tpu.memory_space<vmem>>
      %dma_start3A_211 = arith.constant 0 : i32
      %dma_start3A_212 = arith.constant 0 : i32
      %dma_start3A_213 = tpu.memref_slice %arg8[%dma_start3A_211, %dma_start3A_212] : memref<10240x32xf32, #tpu.memory_space<vmem_shared>> -> memref<10240x32xf32, #tpu.memory_space<vmem_shared>>
      tpu.enqueue_indirect_dma source(%dma_start3A_207 : memref<128x32xf32, #tpu.memory_space<vmem>>) target(%dma_start3A_213 : memref<10240x32xf32, #tpu.memory_space<vmem_shared>>) offsets(%dma_start3A_210 : memref<128xi32, #tpu.memory_space<vmem>>) semaphore(%arg13 : memref<!tpu.dma_semaphore, #tpu.memory_space<semaphore_mem>>) {add = true}
      %add3A_214 = arith.constant 1 : i32
      %add3A_215 = arith.addi %while3A_161, %add3A_214 : i32
      %lt3A = arith.cmpi slt, %add3A_215, %select_n3A_10 : i32
      %convert_element_type3A_216 = arith.extui %lt3A : i1 to i32
      %cond3A_217 = arith.constant 0 : i32
      %cond3A_218 = arith.cmpi ne, %convert_element_type3A_216, %cond3A_217 : i32
      scf.if %cond3A_218 {
        %dma_wait3A_219 = arith.constant 0 : i32
        %dma_wait3A_220 = arith.constant 0 : i32
        %dma_wait3A_221 = tpu.memref_slice %arg9[%sub3A_163, %dma_wait3A_219, %dma_wait3A_220] : memref<2x2x128xi32, #tpu.memory_space<vmem>> -> memref<1x2x128xi32, #tpu.memory_space<vmem>>
        %dma_wait3A_222 = tpu.memref_squeeze %dma_wait3A_221 : memref<1x2x128xi32, #tpu.memory_space<vmem>> -> memref<2x128xi32, #tpu.memory_space<vmem>>
        %dma_wait3A_223 = arith.constant 0 : i32
        %dma_wait3A_224 = tpu.memref_slice %arg3[%select_n3A, %dma_wait3A_223] : memref<5024x128xi32, #tpu.memory_space<hbm>> -> memref<2x128xi32, #tpu.memory_space<hbm>>
        %dma_wait3A_225 = arith.constant 0 : i32
        %dma_wait3A_226 = arith.constant 0 : i32
        %dma_wait3A_227 = tpu.memref_slice %arg9[%sub3A_163, %dma_wait3A_225, %dma_wait3A_226] : memref<2x2x128xi32, #tpu.memory_space<vmem>> -> memref<1x2x128xi32, #tpu.memory_space<vmem>>
        %dma_wait3A_228 = tpu.memref_squeeze %dma_wait3A_227 : memref<1x2x128xi32, #tpu.memory_space<vmem>> -> memref<2x128xi32, #tpu.memory_space<vmem>>
        %dma_wait3A_229 = arith.constant 0 : i32
        %dma_wait3A_230 = tpu.memref_slice %arg3[%select_n3A, %dma_wait3A_229] : memref<5024x128xi32, #tpu.memory_space<hbm>> -> memref<2x128xi32, #tpu.memory_space<hbm>>
        tpu.wait_dma2 semaphore(%arg14 : memref<!tpu.dma_semaphore, #tpu.memory_space<semaphore_mem>>) src(%dma_wait3A_230 : memref<2x128xi32, #tpu.memory_space<hbm>>) dst(%dma_wait3A_228 : memref<2x128xi32, #tpu.memory_space<vmem>>)
        %dma_wait3A_231 = arith.constant 0 : i32
        %dma_wait3A_232 = arith.constant 0 : i32
        %dma_wait3A_233 = tpu.memref_slice %arg10[%sub3A_163, %dma_wait3A_231, %dma_wait3A_232] : memref<2x2x128xi32, #tpu.memory_space<vmem>> -> memref<1x2x128xi32, #tpu.memory_space<vmem>>
        %dma_wait3A_234 = tpu.memref_squeeze %dma_wait3A_233 : memref<1x2x128xi32, #tpu.memory_space<vmem>> -> memref<2x128xi32, #tpu.memory_space<vmem>>
        %dma_wait3A_235 = arith.constant 0 : i32
        %dma_wait3A_236 = tpu.memref_slice %arg4[%select_n3A, %dma_wait3A_235] : memref<5024x128xi32, #tpu.memory_space<hbm>> -> memref<2x128xi32, #tpu.memory_space<hbm>>
        %dma_wait3A_237 = arith.constant 0 : i32
        %dma_wait3A_238 = arith.constant 0 : i32
        %dma_wait3A_239 = tpu.memref_slice %arg10[%sub3A_163, %dma_wait3A_237, %dma_wait3A_238] : memref<2x2x128xi32, #tpu.memory_space<vmem>> -> memref<1x2x128xi32, #tpu.memory_space<vmem>>
        %dma_wait3A_240 = tpu.memref_squeeze %dma_wait3A_239 : memref<1x2x128xi32, #tpu.memory_space<vmem>> -> memref<2x128xi32, #tpu.memory_space<vmem>>
        %dma_wait3A_241 = arith.constant 0 : i32
        %dma_wait3A_242 = tpu.memref_slice %arg4[%select_n3A, %dma_wait3A_241] : memref<5024x128xi32, #tpu.memory_space<hbm>> -> memref<2x128xi32, #tpu.memory_space<hbm>>
        tpu.wait_dma2 semaphore(%arg14 : memref<!tpu.dma_semaphore, #tpu.memory_space<semaphore_mem>>) src(%dma_wait3A_242 : memref<2x128xi32, #tpu.memory_space<hbm>>) dst(%dma_wait3A_240 : memref<2x128xi32, #tpu.memory_space<vmem>>)
        %dma_wait3A_243 = arith.constant 0 : i32
        %dma_wait3A_244 = arith.constant 0 : i32
        %dma_wait3A_245 = arith.constant 0 : i32
        %dma_wait3A_246 = arith.constant 0 : i32
        %dma_wait3A_247 = arith.constant 0 : i32
        %dma_wait3A_248 = tpu.memref_slice %arg11[%dma_wait3A_243, %dma_wait3A_246, %dma_wait3A_247] : memref<2x128x32xf32, #tpu.memory_space<vmem>> -> memref<1x128x32xf32, #tpu.memory_space<vmem>>
        %dma_wait3A_249 = tpu.memref_squeeze %dma_wait3A_248 : memref<1x128x32xf32, #tpu.memory_space<vmem>> -> memref<128x32xf32, #tpu.memory_space<vmem>>
        %dma_wait3A_250 = arith.constant 0 : i32
        %dma_wait3A_251 = tpu.memref_slice %arg10[%dma_wait3A_244, %dma_wait3A_245, %dma_wait3A_250] : memref<2x2x128xi32, #tpu.memory_space<vmem>> -> memref<1x1x128xi32, #tpu.memory_space<vmem>>
        %dma_wait3A_252 = tpu.memref_squeeze %dma_wait3A_251 : memref<1x1x128xi32, #tpu.memory_space<vmem>> -> memref<128xi32, #tpu.memory_space<vmem>>
        %dma_wait3A_253 = arith.constant 0 : i32
        %dma_wait3A_254 = arith.constant 0 : i32
        %dma_wait3A_255 = tpu.memref_slice %arg8[%dma_wait3A_253, %dma_wait3A_254] : memref<10240x32xf32, #tpu.memory_space<vmem_shared>> -> memref<10240x32xf32, #tpu.memory_space<vmem_shared>>
        tpu.wait_indirect_dma semaphore(%arg13 : memref<!tpu.dma_semaphore, #tpu.memory_space<semaphore_mem>>) src(%dma_wait3A_249 : memref<128x32xf32, #tpu.memory_space<vmem>>) dst(%dma_wait3A_255 : memref<10240x32xf32, #tpu.memory_space<vmem_shared>>)
        %dma_start3A_256 = arith.constant 0 : i32
        %dma_start3A_257 = arith.constant 0 : i32
        %dma_start3A_258 = arith.constant 0 : i32
        %dma_start3A_259 = arith.constant 0 : i32
        %dma_start3A_260 = tpu.memref_slice %arg11[%dma_start3A_257, %dma_start3A_258, %dma_start3A_259] : memref<2x128x32xf32, #tpu.memory_space<vmem>> -> memref<1x128x32xf32, #tpu.memory_space<vmem>>
        %dma_start3A_261 = tpu.memref_squeeze %dma_start3A_260 : memref<1x128x32xf32, #tpu.memory_space<vmem>> -> memref<128x32xf32, #tpu.memory_space<vmem>>
        %dma_start3A_262 = arith.constant 0 : i32
        %dma_start3A_263 = tpu.memref_slice %arg9[%sub3A_163, %dma_start3A_256, %dma_start3A_262] : memref<2x2x128xi32, #tpu.memory_space<vmem>> -> memref<1x1x128xi32, #tpu.memory_space<vmem>>
        %dma_start3A_264 = tpu.memref_squeeze %dma_start3A_263 : memref<1x1x128xi32, #tpu.memory_space<vmem>> -> memref<128xi32, #tpu.memory_space<vmem>>
        %dma_start3A_265 = arith.constant 0 : i32
        %dma_start3A_266 = arith.constant 0 : i32
        %dma_start3A_267 = tpu.memref_slice %arg2[%dma_start3A_265, %dma_start3A_266] : memref<10240x32xf32, #tpu.memory_space<hbm>> -> memref<10240x32xf32, #tpu.memory_space<hbm>>
        tpu.enqueue_indirect_dma source(%dma_start3A_267 : memref<10240x32xf32, #tpu.memory_space<hbm>>) target(%dma_start3A_261 : memref<128x32xf32, #tpu.memory_space<vmem>>) offsets(%dma_start3A_264 : memref<128xi32, #tpu.memory_space<vmem>>) semaphore(%arg12 : memref<!tpu.dma_semaphore, #tpu.memory_space<semaphore_mem>>)
        %dma_wait3A_268 = arith.constant 1 : i32
        %dma_wait3A_269 = arith.constant 0 : i32
        %dma_wait3A_270 = arith.constant 0 : i32
        %dma_wait3A_271 = arith.constant 0 : i32
        %dma_wait3A_272 = arith.constant 0 : i32
        %dma_wait3A_273 = tpu.memref_slice %arg11[%dma_wait3A_268, %dma_wait3A_271, %dma_wait3A_272] : memref<2x128x32xf32, #tpu.memory_space<vmem>> -> memref<1x128x32xf32, #tpu.memory_space<vmem>>
        %dma_wait3A_274 = tpu.memref_squeeze %dma_wait3A_273 : memref<1x128x32xf32, #tpu.memory_space<vmem>> -> memref<128x32xf32, #tpu.memory_space<vmem>>
        %dma_wait3A_275 = arith.constant 0 : i32
        %dma_wait3A_276 = tpu.memref_slice %arg10[%dma_wait3A_269, %dma_wait3A_270, %dma_wait3A_275] : memref<2x2x128xi32, #tpu.memory_space<vmem>> -> memref<1x1x128xi32, #tpu.memory_space<vmem>>
        %dma_wait3A_277 = tpu.memref_squeeze %dma_wait3A_276 : memref<1x1x128xi32, #tpu.memory_space<vmem>> -> memref<128xi32, #tpu.memory_space<vmem>>
        %dma_wait3A_278 = arith.constant 0 : i32
        %dma_wait3A_279 = arith.constant 0 : i32
        %dma_wait3A_280 = tpu.memref_slice %arg8[%dma_wait3A_278, %dma_wait3A_279] : memref<10240x32xf32, #tpu.memory_space<vmem_shared>> -> memref<10240x32xf32, #tpu.memory_space<vmem_shared>>
        tpu.wait_indirect_dma semaphore(%arg13 : memref<!tpu.dma_semaphore, #tpu.memory_space<semaphore_mem>>) src(%dma_wait3A_274 : memref<128x32xf32, #tpu.memory_space<vmem>>) dst(%dma_wait3A_280 : memref<10240x32xf32, #tpu.memory_space<vmem_shared>>)
        %dma_start3A_281 = arith.constant 1 : i32
        %dma_start3A_282 = arith.constant 1 : i32
        %dma_start3A_283 = arith.constant 0 : i32
        %dma_start3A_284 = arith.constant 0 : i32
        %dma_start3A_285 = tpu.memref_slice %arg11[%dma_start3A_282, %dma_start3A_283, %dma_start3A_284] : memref<2x128x32xf32, #tpu.memory_space<vmem>> -> memref<1x128x32xf32, #tpu.memory_space<vmem>>
        %dma_start3A_286 = tpu.memref_squeeze %dma_start3A_285 : memref<1x128x32xf32, #tpu.memory_space<vmem>> -> memref<128x32xf32, #tpu.memory_space<vmem>>
        %dma_start3A_287 = arith.constant 0 : i32
        %dma_start3A_288 = tpu.memref_slice %arg9[%sub3A_163, %dma_start3A_281, %dma_start3A_287] : memref<2x2x128xi32, #tpu.memory_space<vmem>> -> memref<1x1x128xi32, #tpu.memory_space<vmem>>
        %dma_start3A_289 = tpu.memref_squeeze %dma_start3A_288 : memref<1x1x128xi32, #tpu.memory_space<vmem>> -> memref<128xi32, #tpu.memory_space<vmem>>
        %dma_start3A_290 = arith.constant 0 : i32
        %dma_start3A_291 = arith.constant 0 : i32
        %dma_start3A_292 = tpu.memref_slice %arg2[%dma_start3A_290, %dma_start3A_291] : memref<10240x32xf32, #tpu.memory_space<hbm>> -> memref<10240x32xf32, #tpu.memory_space<hbm>>
        tpu.enqueue_indirect_dma source(%dma_start3A_292 : memref<10240x32xf32, #tpu.memory_space<hbm>>) target(%dma_start3A_286 : memref<128x32xf32, #tpu.memory_space<vmem>>) offsets(%dma_start3A_289 : memref<128xi32, #tpu.memory_space<vmem>>) semaphore(%arg12 : memref<!tpu.dma_semaphore, #tpu.memory_space<semaphore_mem>>)
        %add3A_293 = arith.constant 2 : i32
        %add3A_294 = arith.addi %while3A_161, %add3A_293 : i32
        %lt3A_295 = arith.cmpi slt, %add3A_294, %select_n3A_10 : i32
        %convert_element_type3A_296 = arith.extui %lt3A_295 : i1 to i32
        %cond3A_297 = arith.constant 0 : i32
        %cond3A_298 = arith.cmpi ne, %convert_element_type3A_296, %cond3A_297 : i32
        scf.if %cond3A_298 {
          %add3A_299 = arith.constant 2 : i32
          %add3A_300 = arith.addi %while3A_161, %add3A_299 : i32
          %mul3A_301 = arith.constant 2 : i32
          %mul3A_302 = arith.muli %add3A_300, %mul3A_301 : i32
          %add3A_303 = arith.addi %select_n3A, %mul3A_302 : i32
          %dma_start3A_304 = arith.constant 0 : i32
          %dma_start3A_305 = arith.constant 0 : i32
          %dma_start3A_306 = tpu.memref_slice %arg9[%rem3A_162, %dma_start3A_304, %dma_start3A_305] : memref<2x2x128xi32, #tpu.memory_space<vmem>> -> memref<1x2x128xi32, #tpu.memory_space<vmem>>
          %dma_start3A_307 = tpu.memref_squeeze %dma_start3A_306 : memref<1x2x128xi32, #tpu.memory_space<vmem>> -> memref<2x128xi32, #tpu.memory_space<vmem>>
          %dma_start3A_308 = arith.constant 0 : i32
          %dma_start3A_309 = tpu.memref_slice %arg3[%add3A_303, %dma_start3A_308] : memref<5024x128xi32, #tpu.memory_space<hbm>> -> memref<2x128xi32, #tpu.memory_space<hbm>>
          %dma_start3A_310 = arith.constant 0 : i32
          %dma_start3A_311 = arith.constant 0 : i32
          %dma_start3A_312 = tpu.memref_slice %arg9[%rem3A_162, %dma_start3A_310, %dma_start3A_311] : memref<2x2x128xi32, #tpu.memory_space<vmem>> -> memref<1x2x128xi32, #tpu.memory_space<vmem>>
          %dma_start3A_313 = tpu.memref_squeeze %dma_start3A_312 : memref<1x2x128xi32, #tpu.memory_space<vmem>> -> memref<2x128xi32, #tpu.memory_space<vmem>>
          %dma_start3A_314 = arith.constant 0 : i32
          %dma_start3A_315 = tpu.memref_slice %arg3[%add3A_303, %dma_start3A_314] : memref<5024x128xi32, #tpu.memory_space<hbm>> -> memref<2x128xi32, #tpu.memory_space<hbm>>
          tpu.enqueue_dma source(%dma_start3A_315 : memref<2x128xi32, #tpu.memory_space<hbm>>) target(%dma_start3A_313 : memref<2x128xi32, #tpu.memory_space<vmem>>) target_semaphore(%arg14 : memref<!tpu.dma_semaphore, #tpu.memory_space<semaphore_mem>>)
          %dma_start3A_316 = arith.constant 0 : i32
          %dma_start3A_317 = arith.constant 0 : i32
          %dma_start3A_318 = tpu.memref_slice %arg10[%rem3A_162, %dma_start3A_316, %dma_start3A_317] : memref<2x2x128xi32, #tpu.memory_space<vmem>> -> memref<1x2x128xi32, #tpu.memory_space<vmem>>
          %dma_start3A_319 = tpu.memref_squeeze %dma_start3A_318 : memref<1x2x128xi32, #tpu.memory_space<vmem>> -> memref<2x128xi32, #tpu.memory_space<vmem>>
          %dma_start3A_320 = arith.constant 0 : i32
          %dma_start3A_321 = tpu.memref_slice %arg4[%add3A_303, %dma_start3A_320] : memref<5024x128xi32, #tpu.memory_space<hbm>> -> memref<2x128xi32, #tpu.memory_space<hbm>>
          %dma_start3A_322 = arith.constant 0 : i32
          %dma_start3A_323 = arith.constant 0 : i32
          %dma_start3A_324 = tpu.memref_slice %arg10[%rem3A_162, %dma_start3A_322, %dma_start3A_323] : memref<2x2x128xi32, #tpu.memory_space<vmem>> -> memref<1x2x128xi32, #tpu.memory_space<vmem>>
          %dma_start3A_325 = tpu.memref_squeeze %dma_start3A_324 : memref<1x2x128xi32, #tpu.memory_space<vmem>> -> memref<2x128xi32, #tpu.memory_space<vmem>>
          %dma_start3A_326 = arith.constant 0 : i32
          %dma_start3A_327 = tpu.memref_slice %arg4[%add3A_303, %dma_start3A_326] : memref<5024x128xi32, #tpu.memory_space<hbm>> -> memref<2x128xi32, #tpu.memory_space<hbm>>
          tpu.enqueue_dma source(%dma_start3A_327 : memref<2x128xi32, #tpu.memory_space<hbm>>) target(%dma_start3A_325 : memref<2x128xi32, #tpu.memory_space<vmem>>) target_semaphore(%arg14 : memref<!tpu.dma_semaphore, #tpu.memory_space<semaphore_mem>>)
        } else {
        }
      } else {
      }
    }
    %dma_wait3A_126 = arith.constant 0 : i32
    %dma_wait3A_127 = arith.constant 0 : i32
    %dma_wait3A_128 = arith.constant 0 : i32
    %dma_wait3A_129 = arith.constant 0 : i32
    %dma_wait3A_130 = arith.constant 0 : i32
    %dma_wait3A_131 = tpu.memref_slice %arg11[%dma_wait3A_126, %dma_wait3A_129, %dma_wait3A_130] : memref<2x128x32xf32, #tpu.memory_space<vmem>> -> memref<1x128x32xf32, #tpu.memory_space<vmem>>
    %dma_wait3A_132 = tpu.memref_squeeze %dma_wait3A_131 : memref<1x128x32xf32, #tpu.memory_space<vmem>> -> memref<128x32xf32, #tpu.memory_space<vmem>>
    %dma_wait3A_133 = arith.constant 0 : i32
    %dma_wait3A_134 = tpu.memref_slice %arg10[%dma_wait3A_127, %dma_wait3A_128, %dma_wait3A_133] : memref<2x2x128xi32, #tpu.memory_space<vmem>> -> memref<1x1x128xi32, #tpu.memory_space<vmem>>
    %dma_wait3A_135 = tpu.memref_squeeze %dma_wait3A_134 : memref<1x1x128xi32, #tpu.memory_space<vmem>> -> memref<128xi32, #tpu.memory_space<vmem>>
    %dma_wait3A_136 = arith.constant 0 : i32
    %dma_wait3A_137 = arith.constant 0 : i32
    %dma_wait3A_138 = tpu.memref_slice %arg8[%dma_wait3A_136, %dma_wait3A_137] : memref<10240x32xf32, #tpu.memory_space<vmem_shared>> -> memref<10240x32xf32, #tpu.memory_space<vmem_shared>>
    tpu.wait_indirect_dma semaphore(%arg13 : memref<!tpu.dma_semaphore, #tpu.memory_space<semaphore_mem>>) src(%dma_wait3A_132 : memref<128x32xf32, #tpu.memory_space<vmem>>) dst(%dma_wait3A_138 : memref<10240x32xf32, #tpu.memory_space<vmem_shared>>)
    %dma_wait3A_139 = arith.constant 1 : i32
    %dma_wait3A_140 = arith.constant 0 : i32
    %dma_wait3A_141 = arith.constant 0 : i32
    %dma_wait3A_142 = arith.constant 0 : i32
    %dma_wait3A_143 = arith.constant 0 : i32
    %dma_wait3A_144 = tpu.memref_slice %arg11[%dma_wait3A_139, %dma_wait3A_142, %dma_wait3A_143] : memref<2x128x32xf32, #tpu.memory_space<vmem>> -> memref<1x128x32xf32, #tpu.memory_space<vmem>>
    %dma_wait3A_145 = tpu.memref_squeeze %dma_wait3A_144 : memref<1x128x32xf32, #tpu.memory_space<vmem>> -> memref<128x32xf32, #tpu.memory_space<vmem>>
    %dma_wait3A_146 = arith.constant 0 : i32
    %dma_wait3A_147 = tpu.memref_slice %arg10[%dma_wait3A_140, %dma_wait3A_141, %dma_wait3A_146] : memref<2x2x128xi32, #tpu.memory_space<vmem>> -> memref<1x1x128xi32, #tpu.memory_space<vmem>>
    %dma_wait3A_148 = tpu.memref_squeeze %dma_wait3A_147 : memref<1x1x128xi32, #tpu.memory_space<vmem>> -> memref<128xi32, #tpu.memory_space<vmem>>
    %dma_wait3A_149 = arith.constant 0 : i32
    %dma_wait3A_150 = arith.constant 0 : i32
    %dma_wait3A_151 = tpu.memref_slice %arg8[%dma_wait3A_149, %dma_wait3A_150] : memref<10240x32xf32, #tpu.memory_space<vmem_shared>> -> memref<10240x32xf32, #tpu.memory_space<vmem_shared>>
    tpu.wait_indirect_dma semaphore(%arg13 : memref<!tpu.dma_semaphore, #tpu.memory_space<semaphore_mem>>) src(%dma_wait3A_145 : memref<128x32xf32, #tpu.memory_space<vmem>>) dst(%dma_wait3A_151 : memref<10240x32xf32, #tpu.memory_space<vmem_shared>>)
    %barrier3A_152 = arith.constant 0 : index
    tpu.barrier barrier_id(%barrier3A_152)
    %eq3A_153 = arith.constant 0 : i32
    %eq3A_154 = arith.cmpi eq, %arg0, %eq3A_153 : i32
    %convert_element_type3A = arith.extui %eq3A_154 : i1 to i32
    %cond3A = arith.constant 0 : i32
    %cond3A_155 = arith.cmpi ne, %convert_element_type3A, %cond3A : i32
    scf.if %cond3A_155 {
      "tpu.region"() ({
        %run_scoped3A = tpu.sem_alloc : memref<!tpu.dma_semaphore, #tpu.memory_space<semaphore_mem>>
        %dma_start3A_161 = arith.constant 0 : i32
        %dma_start3A_162 = tpu.memref_slice %arg6[%mul3A_0, %dma_start3A_161] : memref<10240x32xf32, #tpu.memory_space<hbm>> -> memref<640x32xf32, #tpu.memory_space<hbm>>
        %dma_start3A_163 = arith.constant 0 : i32
        %dma_start3A_164 = tpu.memref_slice %arg8[%mul3A_0, %dma_start3A_163] : memref<10240x32xf32, #tpu.memory_space<vmem_shared>> -> memref<640x32xf32, #tpu.memory_space<vmem_shared>>
        tpu.enqueue_dma source(%dma_start3A_164 : memref<640x32xf32, #tpu.memory_space<vmem_shared>>) target(%dma_start3A_162 : memref<640x32xf32, #tpu.memory_space<hbm>>) target_semaphore(%run_scoped3A : memref<!tpu.dma_semaphore, #tpu.memory_space<semaphore_mem>>)
        %dma_wait3A_165 = arith.constant 0 : i32
        %dma_wait3A_166 = tpu.memref_slice %arg6[%mul3A_0, %dma_wait3A_165] : memref<10240x32xf32, #tpu.memory_space<hbm>> -> memref<640x32xf32, #tpu.memory_space<hbm>>
        %dma_wait3A_167 = arith.constant 0 : i32
        %dma_wait3A_168 = tpu.memref_slice %arg8[%mul3A_0, %dma_wait3A_167] : memref<10240x32xf32, #tpu.memory_space<vmem_shared>> -> memref<640x32xf32, #tpu.memory_space<vmem_shared>>
        tpu.wait_dma2 semaphore(%run_scoped3A : memref<!tpu.dma_semaphore, #tpu.memory_space<semaphore_mem>>) src(%dma_wait3A_168 : memref<640x32xf32, #tpu.memory_space<vmem_shared>>) dst(%dma_wait3A_166 : memref<640x32xf32, #tpu.memory_space<hbm>>)
        tpu.yield
      }) : () -> ()
    } else {
    }
    %eq3A_156 = arith.constant 1 : i32
    %eq3A_157 = arith.cmpi eq, %arg0, %eq3A_156 : i32
    %convert_element_type3A_158 = arith.extui %eq3A_157 : i1 to i32
    %cond3A_159 = arith.constant 0 : i32
    %cond3A_160 = arith.cmpi ne, %convert_element_type3A_158, %cond3A_159 : i32
    scf.if %cond3A_160 {
      "tpu.region"() ({
        %run_scoped3A = tpu.sem_alloc : memref<!tpu.dma_semaphore, #tpu.memory_space<semaphore_mem>>
        %dma_start3A_161 = arith.constant 0 : i32
        %dma_start3A_162 = tpu.memref_slice %arg7[%mul3A_0, %dma_start3A_161] : memref<10240x32xf32, #tpu.memory_space<hbm>> -> memref<640x32xf32, #tpu.memory_space<hbm>>
        %dma_start3A_163 = arith.constant 0 : i32
        %dma_start3A_164 = tpu.memref_slice %arg8[%mul3A_0, %dma_start3A_163] : memref<10240x32xf32, #tpu.memory_space<vmem_shared>> -> memref<640x32xf32, #tpu.memory_space<vmem_shared>>
        tpu.enqueue_dma source(%dma_start3A_164 : memref<640x32xf32, #tpu.memory_space<vmem_shared>>) target(%dma_start3A_162 : memref<640x32xf32, #tpu.memory_space<hbm>>) target_semaphore(%run_scoped3A : memref<!tpu.dma_semaphore, #tpu.memory_space<semaphore_mem>>)
        %dma_wait3A_165 = arith.constant 0 : i32
        %dma_wait3A_166 = tpu.memref_slice %arg7[%mul3A_0, %dma_wait3A_165] : memref<10240x32xf32, #tpu.memory_space<hbm>> -> memref<640x32xf32, #tpu.memory_space<hbm>>
        %dma_wait3A_167 = arith.constant 0 : i32
        %dma_wait3A_168 = tpu.memref_slice %arg8[%mul3A_0, %dma_wait3A_167] : memref<10240x32xf32, #tpu.memory_space<vmem_shared>> -> memref<640x32xf32, #tpu.memory_space<vmem_shared>>
        tpu.wait_dma2 semaphore(%run_scoped3A : memref<!tpu.dma_semaphore, #tpu.memory_space<semaphore_mem>>) src(%dma_wait3A_168 : memref<640x32xf32, #tpu.memory_space<vmem_shared>>) dst(%dma_wait3A_166 : memref<640x32xf32, #tpu.memory_space<hbm>>)
        tpu.yield
      }) : () -> ()
    } else {
    }
    return
  }
}

#map = affine_map<(d0, d1) -> (0, 0)>
module attributes {stable_mosaic.version = 14 : i64} {
  func.func @seg(%arg0: i32, %arg1: i32, %arg2: memref<10240x128xf32, #tpu.memory_space<hbm>>, %arg3: memref<5024x128xi32, #tpu.memory_space<hbm>>, %arg4: memref<5024x128xi32, #tpu.memory_space<hbm>>, %arg5: memref<10240x128xf32, #tpu.memory_space<hbm>>, %arg6: memref<10240x128xf32, #tpu.memory_space<hbm>>, %arg7: memref<10240x128xf32, #tpu.memory_space<hbm>>, %arg8: memref<10240x128xf32, #tpu.memory_space<vmem_shared>>, %arg9: memref<2x2x128xi32, #tpu.memory_space<vmem>>, %arg10: memref<2x2x128xi32, #tpu.memory_space<vmem>>, %arg11: memref<2x128x128xf32, #tpu.memory_space<vmem>>, %arg12: memref<!tpu.dma_semaphore, #tpu.memory_space<semaphore_mem>>, %arg13: memref<!tpu.dma_semaphore, #tpu.memory_space<semaphore_mem>>, %arg14: memref<!tpu.dma_semaphore, #tpu.memory_space<semaphore_mem>>) attributes {dimension_semantics = [#tpu.dimension_semantics<core_parallel>, #tpu.dimension_semantics<subcore_parallel>], iteration_bounds = array<i64: 2, 16>, scalar_prefetch = 0 : i64, scratch_operands = 7 : i64, tpu.core_type = #tpu.core_type<sc_vector_subcore>, window_params = [{transform_indices = #map}, {transform_indices = #map}, {transform_indices = #map}, {transform_indices = #map}, {transform_indices = #map}, {transform_indices = #map}]} {
    %mul3A = arith.constant 640 : i32
    %mul3A_0 = arith.muli %arg1, %mul3A : i32
    %eq3A = arith.constant 0 : i32
    %eq3A_1 = arith.cmpi eq, %arg0, %eq3A : i32
    %mul3A_2 = arith.constant 222 : i32
    %mul3A_3 = arith.muli %arg1, %mul3A_2 : i32
    %mul3A_4 = arith.constant 92 : i32
    %mul3A_5 = arith.muli %arg1, %mul3A_4 : i32
    %add3A = arith.constant 3552 : i32
    %add3A_6 = arith.addi %add3A, %mul3A_5 : i32
    %select_n3A = arith.select %eq3A_1, %mul3A_3, %add3A_6 : i32
    %eq3A_7 = arith.constant 0 : i32
    %eq3A_8 = arith.cmpi eq, %arg0, %eq3A_7 : i32
    %jit3A = arith.constant 111 : i32
    %jit3A_9 = arith.constant 46 : i32
    %select_n3A_10 = arith.select %eq3A_8, %jit3A, %jit3A_9 : i32
    "tpu.region"() ({
      %run_scoped3A = tpu.sem_alloc : memref<!tpu.dma_semaphore, #tpu.memory_space<semaphore_mem>>
      %dma_start3A_161 = arith.constant 0 : i32
      %dma_start3A_162 = tpu.memref_slice %arg8[%mul3A_0, %dma_start3A_161] : memref<10240x128xf32, #tpu.memory_space<vmem_shared>> -> memref<640x128xf32, #tpu.memory_space<vmem_shared>>
      %dma_start3A_163 = arith.constant 0 : i32
      %dma_start3A_164 = tpu.memref_slice %arg5[%mul3A_0, %dma_start3A_163] : memref<10240x128xf32, #tpu.memory_space<hbm>> -> memref<640x128xf32, #tpu.memory_space<hbm>>
      tpu.enqueue_dma source(%dma_start3A_164 : memref<640x128xf32, #tpu.memory_space<hbm>>) target(%dma_start3A_162 : memref<640x128xf32, #tpu.memory_space<vmem_shared>>) target_semaphore(%run_scoped3A : memref<!tpu.dma_semaphore, #tpu.memory_space<semaphore_mem>>)
      %dma_wait3A_165 = arith.constant 0 : i32
      %dma_wait3A_166 = tpu.memref_slice %arg8[%mul3A_0, %dma_wait3A_165] : memref<10240x128xf32, #tpu.memory_space<vmem_shared>> -> memref<640x128xf32, #tpu.memory_space<vmem_shared>>
      %dma_wait3A_167 = arith.constant 0 : i32
      %dma_wait3A_168 = tpu.memref_slice %arg5[%mul3A_0, %dma_wait3A_167] : memref<10240x128xf32, #tpu.memory_space<hbm>> -> memref<640x128xf32, #tpu.memory_space<hbm>>
      tpu.wait_dma2 semaphore(%run_scoped3A : memref<!tpu.dma_semaphore, #tpu.memory_space<semaphore_mem>>) src(%dma_wait3A_168 : memref<640x128xf32, #tpu.memory_space<hbm>>) dst(%dma_wait3A_166 : memref<640x128xf32, #tpu.memory_space<vmem_shared>>)
      tpu.yield
    }) : () -> ()
    %barrier3A = arith.constant 0 : index
    tpu.barrier barrier_id(%barrier3A)
    %add3A_11 = arith.constant 0 : i32
    %add3A_12 = arith.addi %select_n3A, %add3A_11 : i32
    %dma_start3A = arith.constant 0 : i32
    %dma_start3A_13 = arith.constant 0 : i32
    %dma_start3A_14 = arith.constant 0 : i32
    %dma_start3A_15 = tpu.memref_slice %arg9[%dma_start3A, %dma_start3A_13, %dma_start3A_14] : memref<2x2x128xi32, #tpu.memory_space<vmem>> -> memref<1x2x128xi32, #tpu.memory_space<vmem>>
    %dma_start3A_16 = tpu.memref_squeeze %dma_start3A_15 : memref<1x2x128xi32, #tpu.memory_space<vmem>> -> memref<2x128xi32, #tpu.memory_space<vmem>>
    %dma_start3A_17 = arith.constant 0 : i32
    %dma_start3A_18 = tpu.memref_slice %arg3[%add3A_12, %dma_start3A_17] : memref<5024x128xi32, #tpu.memory_space<hbm>> -> memref<2x128xi32, #tpu.memory_space<hbm>>
    %dma_start3A_19 = arith.constant 0 : i32
    %dma_start3A_20 = arith.constant 0 : i32
    %dma_start3A_21 = tpu.memref_slice %arg9[%dma_start3A, %dma_start3A_19, %dma_start3A_20] : memref<2x2x128xi32, #tpu.memory_space<vmem>> -> memref<1x2x128xi32, #tpu.memory_space<vmem>>
    %dma_start3A_22 = tpu.memref_squeeze %dma_start3A_21 : memref<1x2x128xi32, #tpu.memory_space<vmem>> -> memref<2x128xi32, #tpu.memory_space<vmem>>
    %dma_start3A_23 = arith.constant 0 : i32
    %dma_start3A_24 = tpu.memref_slice %arg3[%add3A_12, %dma_start3A_23] : memref<5024x128xi32, #tpu.memory_space<hbm>> -> memref<2x128xi32, #tpu.memory_space<hbm>>
    tpu.enqueue_dma source(%dma_start3A_24 : memref<2x128xi32, #tpu.memory_space<hbm>>) target(%dma_start3A_22 : memref<2x128xi32, #tpu.memory_space<vmem>>) target_semaphore(%arg14 : memref<!tpu.dma_semaphore, #tpu.memory_space<semaphore_mem>>)
    %dma_start3A_25 = arith.constant 0 : i32
    %dma_start3A_26 = arith.constant 0 : i32
    %dma_start3A_27 = arith.constant 0 : i32
    %dma_start3A_28 = tpu.memref_slice %arg10[%dma_start3A_25, %dma_start3A_26, %dma_start3A_27] : memref<2x2x128xi32, #tpu.memory_space<vmem>> -> memref<1x2x128xi32, #tpu.memory_space<vmem>>
    %dma_start3A_29 = tpu.memref_squeeze %dma_start3A_28 : memref<1x2x128xi32, #tpu.memory_space<vmem>> -> memref<2x128xi32, #tpu.memory_space<vmem>>
    %dma_start3A_30 = arith.constant 0 : i32
    %dma_start3A_31 = tpu.memref_slice %arg4[%add3A_12, %dma_start3A_30] : memref<5024x128xi32, #tpu.memory_space<hbm>> -> memref<2x128xi32, #tpu.memory_space<hbm>>
    %dma_start3A_32 = arith.constant 0 : i32
    %dma_start3A_33 = arith.constant 0 : i32
    %dma_start3A_34 = tpu.memref_slice %arg10[%dma_start3A_25, %dma_start3A_32, %dma_start3A_33] : memref<2x2x128xi32, #tpu.memory_space<vmem>> -> memref<1x2x128xi32, #tpu.memory_space<vmem>>
    %dma_start3A_35 = tpu.memref_squeeze %dma_start3A_34 : memref<1x2x128xi32, #tpu.memory_space<vmem>> -> memref<2x128xi32, #tpu.memory_space<vmem>>
    %dma_start3A_36 = arith.constant 0 : i32
    %dma_start3A_37 = tpu.memref_slice %arg4[%add3A_12, %dma_start3A_36] : memref<5024x128xi32, #tpu.memory_space<hbm>> -> memref<2x128xi32, #tpu.memory_space<hbm>>
    tpu.enqueue_dma source(%dma_start3A_37 : memref<2x128xi32, #tpu.memory_space<hbm>>) target(%dma_start3A_35 : memref<2x128xi32, #tpu.memory_space<vmem>>) target_semaphore(%arg14 : memref<!tpu.dma_semaphore, #tpu.memory_space<semaphore_mem>>)
    %dma_wait3A = arith.constant 0 : i32
    %dma_wait3A_38 = arith.constant 0 : i32
    %dma_wait3A_39 = arith.constant 0 : i32
    %dma_wait3A_40 = tpu.memref_slice %arg9[%dma_wait3A, %dma_wait3A_38, %dma_wait3A_39] : memref<2x2x128xi32, #tpu.memory_space<vmem>> -> memref<1x2x128xi32, #tpu.memory_space<vmem>>
    %dma_wait3A_41 = tpu.memref_squeeze %dma_wait3A_40 : memref<1x2x128xi32, #tpu.memory_space<vmem>> -> memref<2x128xi32, #tpu.memory_space<vmem>>
    %dma_wait3A_42 = arith.constant 0 : i32
    %dma_wait3A_43 = tpu.memref_slice %arg3[%select_n3A, %dma_wait3A_42] : memref<5024x128xi32, #tpu.memory_space<hbm>> -> memref<2x128xi32, #tpu.memory_space<hbm>>
    %dma_wait3A_44 = arith.constant 0 : i32
    %dma_wait3A_45 = arith.constant 0 : i32
    %dma_wait3A_46 = tpu.memref_slice %arg9[%dma_wait3A, %dma_wait3A_44, %dma_wait3A_45] : memref<2x2x128xi32, #tpu.memory_space<vmem>> -> memref<1x2x128xi32, #tpu.memory_space<vmem>>
    %dma_wait3A_47 = tpu.memref_squeeze %dma_wait3A_46 : memref<1x2x128xi32, #tpu.memory_space<vmem>> -> memref<2x128xi32, #tpu.memory_space<vmem>>
    %dma_wait3A_48 = arith.constant 0 : i32
    %dma_wait3A_49 = tpu.memref_slice %arg3[%select_n3A, %dma_wait3A_48] : memref<5024x128xi32, #tpu.memory_space<hbm>> -> memref<2x128xi32, #tpu.memory_space<hbm>>
    tpu.wait_dma2 semaphore(%arg14 : memref<!tpu.dma_semaphore, #tpu.memory_space<semaphore_mem>>) src(%dma_wait3A_49 : memref<2x128xi32, #tpu.memory_space<hbm>>) dst(%dma_wait3A_47 : memref<2x128xi32, #tpu.memory_space<vmem>>)
    %dma_wait3A_50 = arith.constant 0 : i32
    %dma_wait3A_51 = arith.constant 0 : i32
    %dma_wait3A_52 = arith.constant 0 : i32
    %dma_wait3A_53 = tpu.memref_slice %arg10[%dma_wait3A_50, %dma_wait3A_51, %dma_wait3A_52] : memref<2x2x128xi32, #tpu.memory_space<vmem>> -> memref<1x2x128xi32, #tpu.memory_space<vmem>>
    %dma_wait3A_54 = tpu.memref_squeeze %dma_wait3A_53 : memref<1x2x128xi32, #tpu.memory_space<vmem>> -> memref<2x128xi32, #tpu.memory_space<vmem>>
    %dma_wait3A_55 = arith.constant 0 : i32
    %dma_wait3A_56 = tpu.memref_slice %arg4[%select_n3A, %dma_wait3A_55] : memref<5024x128xi32, #tpu.memory_space<hbm>> -> memref<2x128xi32, #tpu.memory_space<hbm>>
    %dma_wait3A_57 = arith.constant 0 : i32
    %dma_wait3A_58 = arith.constant 0 : i32
    %dma_wait3A_59 = tpu.memref_slice %arg10[%dma_wait3A_50, %dma_wait3A_57, %dma_wait3A_58] : memref<2x2x128xi32, #tpu.memory_space<vmem>> -> memref<1x2x128xi32, #tpu.memory_space<vmem>>
    %dma_wait3A_60 = tpu.memref_squeeze %dma_wait3A_59 : memref<1x2x128xi32, #tpu.memory_space<vmem>> -> memref<2x128xi32, #tpu.memory_space<vmem>>
    %dma_wait3A_61 = arith.constant 0 : i32
    %dma_wait3A_62 = tpu.memref_slice %arg4[%select_n3A, %dma_wait3A_61] : memref<5024x128xi32, #tpu.memory_space<hbm>> -> memref<2x128xi32, #tpu.memory_space<hbm>>
    tpu.wait_dma2 semaphore(%arg14 : memref<!tpu.dma_semaphore, #tpu.memory_space<semaphore_mem>>) src(%dma_wait3A_62 : memref<2x128xi32, #tpu.memory_space<hbm>>) dst(%dma_wait3A_60 : memref<2x128xi32, #tpu.memory_space<vmem>>)
    %dma_start3A_63 = arith.constant 0 : i32
    %dma_start3A_64 = arith.constant 0 : i32
    %dma_start3A_65 = arith.constant 0 : i32
    %dma_start3A_66 = arith.constant 0 : i32
    %dma_start3A_67 = arith.constant 0 : i32
    %dma_start3A_68 = tpu.memref_slice %arg11[%dma_start3A_65, %dma_start3A_66, %dma_start3A_67] : memref<2x128x128xf32, #tpu.memory_space<vmem>> -> memref<1x128x128xf32, #tpu.memory_space<vmem>>
    %dma_start3A_69 = tpu.memref_squeeze %dma_start3A_68 : memref<1x128x128xf32, #tpu.memory_space<vmem>> -> memref<128x128xf32, #tpu.memory_space<vmem>>
    %dma_start3A_70 = arith.constant 0 : i32
    %dma_start3A_71 = tpu.memref_slice %arg9[%dma_start3A_63, %dma_start3A_64, %dma_start3A_70] : memref<2x2x128xi32, #tpu.memory_space<vmem>> -> memref<1x1x128xi32, #tpu.memory_space<vmem>>
    %dma_start3A_72 = tpu.memref_squeeze %dma_start3A_71 : memref<1x1x128xi32, #tpu.memory_space<vmem>> -> memref<128xi32, #tpu.memory_space<vmem>>
    %dma_start3A_73 = arith.constant 0 : i32
    %dma_start3A_74 = arith.constant 0 : i32
    %dma_start3A_75 = tpu.memref_slice %arg2[%dma_start3A_73, %dma_start3A_74] : memref<10240x128xf32, #tpu.memory_space<hbm>> -> memref<10240x128xf32, #tpu.memory_space<hbm>>
    tpu.enqueue_indirect_dma source(%dma_start3A_75 : memref<10240x128xf32, #tpu.memory_space<hbm>>) target(%dma_start3A_69 : memref<128x128xf32, #tpu.memory_space<vmem>>) offsets(%dma_start3A_72 : memref<128xi32, #tpu.memory_space<vmem>>) semaphore(%arg12 : memref<!tpu.dma_semaphore, #tpu.memory_space<semaphore_mem>>)
    %dma_start3A_76 = arith.constant 0 : i32
    %dma_start3A_77 = arith.constant 1 : i32
    %dma_start3A_78 = arith.constant 1 : i32
    %dma_start3A_79 = arith.constant 0 : i32
    %dma_start3A_80 = arith.constant 0 : i32
    %dma_start3A_81 = tpu.memref_slice %arg11[%dma_start3A_78, %dma_start3A_79, %dma_start3A_80] : memref<2x128x128xf32, #tpu.memory_space<vmem>> -> memref<1x128x128xf32, #tpu.memory_space<vmem>>
    %dma_start3A_82 = tpu.memref_squeeze %dma_start3A_81 : memref<1x128x128xf32, #tpu.memory_space<vmem>> -> memref<128x128xf32, #tpu.memory_space<vmem>>
    %dma_start3A_83 = arith.constant 0 : i32
    %dma_start3A_84 = tpu.memref_slice %arg9[%dma_start3A_76, %dma_start3A_77, %dma_start3A_83] : memref<2x2x128xi32, #tpu.memory_space<vmem>> -> memref<1x1x128xi32, #tpu.memory_space<vmem>>
    %dma_start3A_85 = tpu.memref_squeeze %dma_start3A_84 : memref<1x1x128xi32, #tpu.memory_space<vmem>> -> memref<128xi32, #tpu.memory_space<vmem>>
    %dma_start3A_86 = arith.constant 0 : i32
    %dma_start3A_87 = arith.constant 0 : i32
    %dma_start3A_88 = tpu.memref_slice %arg2[%dma_start3A_86, %dma_start3A_87] : memref<10240x128xf32, #tpu.memory_space<hbm>> -> memref<10240x128xf32, #tpu.memory_space<hbm>>
    tpu.enqueue_indirect_dma source(%dma_start3A_88 : memref<10240x128xf32, #tpu.memory_space<hbm>>) target(%dma_start3A_82 : memref<128x128xf32, #tpu.memory_space<vmem>>) offsets(%dma_start3A_85 : memref<128xi32, #tpu.memory_space<vmem>>) semaphore(%arg12 : memref<!tpu.dma_semaphore, #tpu.memory_space<semaphore_mem>>)
    %add3A_89 = arith.constant 2 : i32
    %add3A_90 = arith.addi %select_n3A, %add3A_89 : i32
    %dma_start3A_91 = arith.constant 1 : i32
    %dma_start3A_92 = arith.constant 0 : i32
    %dma_start3A_93 = arith.constant 0 : i32
    %dma_start3A_94 = tpu.memref_slice %arg9[%dma_start3A_91, %dma_start3A_92, %dma_start3A_93] : memref<2x2x128xi32, #tpu.memory_space<vmem>> -> memref<1x2x128xi32, #tpu.memory_space<vmem>>
    %dma_start3A_95 = tpu.memref_squeeze %dma_start3A_94 : memref<1x2x128xi32, #tpu.memory_space<vmem>> -> memref<2x128xi32, #tpu.memory_space<vmem>>
    %dma_start3A_96 = arith.constant 0 : i32
    %dma_start3A_97 = tpu.memref_slice %arg3[%add3A_90, %dma_start3A_96] : memref<5024x128xi32, #tpu.memory_space<hbm>> -> memref<2x128xi32, #tpu.memory_space<hbm>>
    %dma_start3A_98 = arith.constant 0 : i32
    %dma_start3A_99 = arith.constant 0 : i32
    %dma_start3A_100 = tpu.memref_slice %arg9[%dma_start3A_91, %dma_start3A_98, %dma_start3A_99] : memref<2x2x128xi32, #tpu.memory_space<vmem>> -> memref<1x2x128xi32, #tpu.memory_space<vmem>>
    %dma_start3A_101 = tpu.memref_squeeze %dma_start3A_100 : memref<1x2x128xi32, #tpu.memory_space<vmem>> -> memref<2x128xi32, #tpu.memory_space<vmem>>
    %dma_start3A_102 = arith.constant 0 : i32
    %dma_start3A_103 = tpu.memref_slice %arg3[%add3A_90, %dma_start3A_102] : memref<5024x128xi32, #tpu.memory_space<hbm>> -> memref<2x128xi32, #tpu.memory_space<hbm>>
    tpu.enqueue_dma source(%dma_start3A_103 : memref<2x128xi32, #tpu.memory_space<hbm>>) target(%dma_start3A_101 : memref<2x128xi32, #tpu.memory_space<vmem>>) target_semaphore(%arg14 : memref<!tpu.dma_semaphore, #tpu.memory_space<semaphore_mem>>)
    %dma_start3A_104 = arith.constant 1 : i32
    %dma_start3A_105 = arith.constant 0 : i32
    %dma_start3A_106 = arith.constant 0 : i32
    %dma_start3A_107 = tpu.memref_slice %arg10[%dma_start3A_104, %dma_start3A_105, %dma_start3A_106] : memref<2x2x128xi32, #tpu.memory_space<vmem>> -> memref<1x2x128xi32, #tpu.memory_space<vmem>>
    %dma_start3A_108 = tpu.memref_squeeze %dma_start3A_107 : memref<1x2x128xi32, #tpu.memory_space<vmem>> -> memref<2x128xi32, #tpu.memory_space<vmem>>
    %dma_start3A_109 = arith.constant 0 : i32
    %dma_start3A_110 = tpu.memref_slice %arg4[%add3A_90, %dma_start3A_109] : memref<5024x128xi32, #tpu.memory_space<hbm>> -> memref<2x128xi32, #tpu.memory_space<hbm>>
    %dma_start3A_111 = arith.constant 0 : i32
    %dma_start3A_112 = arith.constant 0 : i32
    %dma_start3A_113 = tpu.memref_slice %arg10[%dma_start3A_104, %dma_start3A_111, %dma_start3A_112] : memref<2x2x128xi32, #tpu.memory_space<vmem>> -> memref<1x2x128xi32, #tpu.memory_space<vmem>>
    %dma_start3A_114 = tpu.memref_squeeze %dma_start3A_113 : memref<1x2x128xi32, #tpu.memory_space<vmem>> -> memref<2x128xi32, #tpu.memory_space<vmem>>
    %dma_start3A_115 = arith.constant 0 : i32
    %dma_start3A_116 = tpu.memref_slice %arg4[%add3A_90, %dma_start3A_115] : memref<5024x128xi32, #tpu.memory_space<hbm>> -> memref<2x128xi32, #tpu.memory_space<hbm>>
    tpu.enqueue_dma source(%dma_start3A_116 : memref<2x128xi32, #tpu.memory_space<hbm>>) target(%dma_start3A_114 : memref<2x128xi32, #tpu.memory_space<vmem>>) target_semaphore(%arg14 : memref<!tpu.dma_semaphore, #tpu.memory_space<semaphore_mem>>)
    %while3A = arith.constant 0 : i32
    %while3A_117 = arith.constant 0 : i32
    %while3A_118 = arith.subi %select_n3A_10, %while3A_117 : i32
    %while3A_119 = arith.addi %while3A_117, %while3A_118 : i32
    %while3A_120 = arith.constant 1 : i32
    %while3A_121 = arith.divsi %while3A_118, %while3A_120 : i32
    %while3A_122 = arith.muli %while3A_121, %while3A_120 : i32
    %while3A_123 = arith.addi %while3A_117, %while3A_122 : i32
    %while3A_124 = arith.constant 1 : i32
    scf.for %while3A_161 = %while3A_117 to %while3A_123 step %while3A_124  : i32 {
      %rem3A = arith.constant 2 : i32
      %rem3A_162 = arith.remsi %while3A_161, %rem3A : i32
      %sub3A = arith.constant 1 : i32
      %sub3A_163 = arith.subi %sub3A, %rem3A_162 : i32
      %dma_wait3A_164 = arith.constant 0 : i32
      %dma_wait3A_165 = arith.constant 0 : i32
      %dma_wait3A_166 = arith.constant 0 : i32
      %dma_wait3A_167 = arith.constant 0 : i32
      %dma_wait3A_168 = arith.constant 0 : i32
      %dma_wait3A_169 = tpu.memref_slice %arg11[%dma_wait3A_166, %dma_wait3A_167, %dma_wait3A_168] : memref<2x128x128xf32, #tpu.memory_space<vmem>> -> memref<1x128x128xf32, #tpu.memory_space<vmem>>
      %dma_wait3A_170 = tpu.memref_squeeze %dma_wait3A_169 : memref<1x128x128xf32, #tpu.memory_space<vmem>> -> memref<128x128xf32, #tpu.memory_space<vmem>>
      %dma_wait3A_171 = arith.constant 0 : i32
      %dma_wait3A_172 = tpu.memref_slice %arg9[%dma_wait3A_164, %dma_wait3A_165, %dma_wait3A_171] : memref<2x2x128xi32, #tpu.memory_space<vmem>> -> memref<1x1x128xi32, #tpu.memory_space<vmem>>
      %dma_wait3A_173 = tpu.memref_squeeze %dma_wait3A_172 : memref<1x1x128xi32, #tpu.memory_space<vmem>> -> memref<128xi32, #tpu.memory_space<vmem>>
      %dma_wait3A_174 = arith.constant 0 : i32
      %dma_wait3A_175 = arith.constant 0 : i32
      %dma_wait3A_176 = tpu.memref_slice %arg2[%dma_wait3A_174, %dma_wait3A_175] : memref<10240x128xf32, #tpu.memory_space<hbm>> -> memref<10240x128xf32, #tpu.memory_space<hbm>>
      tpu.wait_indirect_dma semaphore(%arg12 : memref<!tpu.dma_semaphore, #tpu.memory_space<semaphore_mem>>) src(%dma_wait3A_176 : memref<10240x128xf32, #tpu.memory_space<hbm>>) dst(%dma_wait3A_170 : memref<128x128xf32, #tpu.memory_space<vmem>>)
      %dma_start3A_177 = arith.constant 0 : i32
      %dma_start3A_178 = arith.constant 0 : i32
      %dma_start3A_179 = arith.constant 0 : i32
      %dma_start3A_180 = arith.constant 0 : i32
      %dma_start3A_181 = tpu.memref_slice %arg11[%dma_start3A_177, %dma_start3A_179, %dma_start3A_180] : memref<2x128x128xf32, #tpu.memory_space<vmem>> -> memref<1x128x128xf32, #tpu.memory_space<vmem>>
      %dma_start3A_182 = tpu.memref_squeeze %dma_start3A_181 : memref<1x128x128xf32, #tpu.memory_space<vmem>> -> memref<128x128xf32, #tpu.memory_space<vmem>>
      %dma_start3A_183 = arith.constant 0 : i32
      %dma_start3A_184 = tpu.memref_slice %arg10[%rem3A_162, %dma_start3A_178, %dma_start3A_183] : memref<2x2x128xi32, #tpu.memory_space<vmem>> -> memref<1x1x128xi32, #tpu.memory_space<vmem>>
      %dma_start3A_185 = tpu.memref_squeeze %dma_start3A_184 : memref<1x1x128xi32, #tpu.memory_space<vmem>> -> memref<128xi32, #tpu.memory_space<vmem>>
      %dma_start3A_186 = arith.constant 0 : i32
      %dma_start3A_187 = arith.constant 0 : i32
      %dma_start3A_188 = tpu.memref_slice %arg8[%dma_start3A_186, %dma_start3A_187] : memref<10240x128xf32, #tpu.memory_space<vmem_shared>> -> memref<10240x128xf32, #tpu.memory_space<vmem_shared>>
      tpu.enqueue_indirect_dma source(%dma_start3A_182 : memref<128x128xf32, #tpu.memory_space<vmem>>) target(%dma_start3A_188 : memref<10240x128xf32, #tpu.memory_space<vmem_shared>>) offsets(%dma_start3A_185 : memref<128xi32, #tpu.memory_space<vmem>>) semaphore(%arg13 : memref<!tpu.dma_semaphore, #tpu.memory_space<semaphore_mem>>) {add = true}
      %dma_wait3A_189 = arith.constant 0 : i32
      %dma_wait3A_190 = arith.constant 0 : i32
      %dma_wait3A_191 = arith.constant 1 : i32
      %dma_wait3A_192 = arith.constant 0 : i32
      %dma_wait3A_193 = arith.constant 0 : i32
      %dma_wait3A_194 = tpu.memref_slice %arg11[%dma_wait3A_191, %dma_wait3A_192, %dma_wait3A_193] : memref<2x128x128xf32, #tpu.memory_space<vmem>> -> memref<1x128x128xf32, #tpu.memory_space<vmem>>
      %dma_wait3A_195 = tpu.memref_squeeze %dma_wait3A_194 : memref<1x128x128xf32, #tpu.memory_space<vmem>> -> memref<128x128xf32, #tpu.memory_space<vmem>>
      %dma_wait3A_196 = arith.constant 0 : i32
      %dma_wait3A_197 = tpu.memref_slice %arg9[%dma_wait3A_189, %dma_wait3A_190, %dma_wait3A_196] : memref<2x2x128xi32, #tpu.memory_space<vmem>> -> memref<1x1x128xi32, #tpu.memory_space<vmem>>
      %dma_wait3A_198 = tpu.memref_squeeze %dma_wait3A_197 : memref<1x1x128xi32, #tpu.memory_space<vmem>> -> memref<128xi32, #tpu.memory_space<vmem>>
      %dma_wait3A_199 = arith.constant 0 : i32
      %dma_wait3A_200 = arith.constant 0 : i32
      %dma_wait3A_201 = tpu.memref_slice %arg2[%dma_wait3A_199, %dma_wait3A_200] : memref<10240x128xf32, #tpu.memory_space<hbm>> -> memref<10240x128xf32, #tpu.memory_space<hbm>>
      tpu.wait_indirect_dma semaphore(%arg12 : memref<!tpu.dma_semaphore, #tpu.memory_space<semaphore_mem>>) src(%dma_wait3A_201 : memref<10240x128xf32, #tpu.memory_space<hbm>>) dst(%dma_wait3A_195 : memref<128x128xf32, #tpu.memory_space<vmem>>)
      %dma_start3A_202 = arith.constant 1 : i32
      %dma_start3A_203 = arith.constant 1 : i32
      %dma_start3A_204 = arith.constant 0 : i32
      %dma_start3A_205 = arith.constant 0 : i32
      %dma_start3A_206 = tpu.memref_slice %arg11[%dma_start3A_202, %dma_start3A_204, %dma_start3A_205] : memref<2x128x128xf32, #tpu.memory_space<vmem>> -> memref<1x128x128xf32, #tpu.memory_space<vmem>>
      %dma_start3A_207 = tpu.memref_squeeze %dma_start3A_206 : memref<1x128x128xf32, #tpu.memory_space<vmem>> -> memref<128x128xf32, #tpu.memory_space<vmem>>
      %dma_start3A_208 = arith.constant 0 : i32
      %dma_start3A_209 = tpu.memref_slice %arg10[%rem3A_162, %dma_start3A_203, %dma_start3A_208] : memref<2x2x128xi32, #tpu.memory_space<vmem>> -> memref<1x1x128xi32, #tpu.memory_space<vmem>>
      %dma_start3A_210 = tpu.memref_squeeze %dma_start3A_209 : memref<1x1x128xi32, #tpu.memory_space<vmem>> -> memref<128xi32, #tpu.memory_space<vmem>>
      %dma_start3A_211 = arith.constant 0 : i32
      %dma_start3A_212 = arith.constant 0 : i32
      %dma_start3A_213 = tpu.memref_slice %arg8[%dma_start3A_211, %dma_start3A_212] : memref<10240x128xf32, #tpu.memory_space<vmem_shared>> -> memref<10240x128xf32, #tpu.memory_space<vmem_shared>>
      tpu.enqueue_indirect_dma source(%dma_start3A_207 : memref<128x128xf32, #tpu.memory_space<vmem>>) target(%dma_start3A_213 : memref<10240x128xf32, #tpu.memory_space<vmem_shared>>) offsets(%dma_start3A_210 : memref<128xi32, #tpu.memory_space<vmem>>) semaphore(%arg13 : memref<!tpu.dma_semaphore, #tpu.memory_space<semaphore_mem>>) {add = true}
      %add3A_214 = arith.constant 1 : i32
      %add3A_215 = arith.addi %while3A_161, %add3A_214 : i32
      %lt3A = arith.cmpi slt, %add3A_215, %select_n3A_10 : i32
      %convert_element_type3A_216 = arith.extui %lt3A : i1 to i32
      %cond3A_217 = arith.constant 0 : i32
      %cond3A_218 = arith.cmpi ne, %convert_element_type3A_216, %cond3A_217 : i32
      scf.if %cond3A_218 {
        %dma_wait3A_219 = arith.constant 0 : i32
        %dma_wait3A_220 = arith.constant 0 : i32
        %dma_wait3A_221 = tpu.memref_slice %arg9[%sub3A_163, %dma_wait3A_219, %dma_wait3A_220] : memref<2x2x128xi32, #tpu.memory_space<vmem>> -> memref<1x2x128xi32, #tpu.memory_space<vmem>>
        %dma_wait3A_222 = tpu.memref_squeeze %dma_wait3A_221 : memref<1x2x128xi32, #tpu.memory_space<vmem>> -> memref<2x128xi32, #tpu.memory_space<vmem>>
        %dma_wait3A_223 = arith.constant 0 : i32
        %dma_wait3A_224 = tpu.memref_slice %arg3[%select_n3A, %dma_wait3A_223] : memref<5024x128xi32, #tpu.memory_space<hbm>> -> memref<2x128xi32, #tpu.memory_space<hbm>>
        %dma_wait3A_225 = arith.constant 0 : i32
        %dma_wait3A_226 = arith.constant 0 : i32
        %dma_wait3A_227 = tpu.memref_slice %arg9[%sub3A_163, %dma_wait3A_225, %dma_wait3A_226] : memref<2x2x128xi32, #tpu.memory_space<vmem>> -> memref<1x2x128xi32, #tpu.memory_space<vmem>>
        %dma_wait3A_228 = tpu.memref_squeeze %dma_wait3A_227 : memref<1x2x128xi32, #tpu.memory_space<vmem>> -> memref<2x128xi32, #tpu.memory_space<vmem>>
        %dma_wait3A_229 = arith.constant 0 : i32
        %dma_wait3A_230 = tpu.memref_slice %arg3[%select_n3A, %dma_wait3A_229] : memref<5024x128xi32, #tpu.memory_space<hbm>> -> memref<2x128xi32, #tpu.memory_space<hbm>>
        tpu.wait_dma2 semaphore(%arg14 : memref<!tpu.dma_semaphore, #tpu.memory_space<semaphore_mem>>) src(%dma_wait3A_230 : memref<2x128xi32, #tpu.memory_space<hbm>>) dst(%dma_wait3A_228 : memref<2x128xi32, #tpu.memory_space<vmem>>)
        %dma_wait3A_231 = arith.constant 0 : i32
        %dma_wait3A_232 = arith.constant 0 : i32
        %dma_wait3A_233 = tpu.memref_slice %arg10[%sub3A_163, %dma_wait3A_231, %dma_wait3A_232] : memref<2x2x128xi32, #tpu.memory_space<vmem>> -> memref<1x2x128xi32, #tpu.memory_space<vmem>>
        %dma_wait3A_234 = tpu.memref_squeeze %dma_wait3A_233 : memref<1x2x128xi32, #tpu.memory_space<vmem>> -> memref<2x128xi32, #tpu.memory_space<vmem>>
        %dma_wait3A_235 = arith.constant 0 : i32
        %dma_wait3A_236 = tpu.memref_slice %arg4[%select_n3A, %dma_wait3A_235] : memref<5024x128xi32, #tpu.memory_space<hbm>> -> memref<2x128xi32, #tpu.memory_space<hbm>>
        %dma_wait3A_237 = arith.constant 0 : i32
        %dma_wait3A_238 = arith.constant 0 : i32
        %dma_wait3A_239 = tpu.memref_slice %arg10[%sub3A_163, %dma_wait3A_237, %dma_wait3A_238] : memref<2x2x128xi32, #tpu.memory_space<vmem>> -> memref<1x2x128xi32, #tpu.memory_space<vmem>>
        %dma_wait3A_240 = tpu.memref_squeeze %dma_wait3A_239 : memref<1x2x128xi32, #tpu.memory_space<vmem>> -> memref<2x128xi32, #tpu.memory_space<vmem>>
        %dma_wait3A_241 = arith.constant 0 : i32
        %dma_wait3A_242 = tpu.memref_slice %arg4[%select_n3A, %dma_wait3A_241] : memref<5024x128xi32, #tpu.memory_space<hbm>> -> memref<2x128xi32, #tpu.memory_space<hbm>>
        tpu.wait_dma2 semaphore(%arg14 : memref<!tpu.dma_semaphore, #tpu.memory_space<semaphore_mem>>) src(%dma_wait3A_242 : memref<2x128xi32, #tpu.memory_space<hbm>>) dst(%dma_wait3A_240 : memref<2x128xi32, #tpu.memory_space<vmem>>)
        %dma_wait3A_243 = arith.constant 0 : i32
        %dma_wait3A_244 = arith.constant 0 : i32
        %dma_wait3A_245 = arith.constant 0 : i32
        %dma_wait3A_246 = arith.constant 0 : i32
        %dma_wait3A_247 = arith.constant 0 : i32
        %dma_wait3A_248 = tpu.memref_slice %arg11[%dma_wait3A_243, %dma_wait3A_246, %dma_wait3A_247] : memref<2x128x128xf32, #tpu.memory_space<vmem>> -> memref<1x128x128xf32, #tpu.memory_space<vmem>>
        %dma_wait3A_249 = tpu.memref_squeeze %dma_wait3A_248 : memref<1x128x128xf32, #tpu.memory_space<vmem>> -> memref<128x128xf32, #tpu.memory_space<vmem>>
        %dma_wait3A_250 = arith.constant 0 : i32
        %dma_wait3A_251 = tpu.memref_slice %arg10[%dma_wait3A_244, %dma_wait3A_245, %dma_wait3A_250] : memref<2x2x128xi32, #tpu.memory_space<vmem>> -> memref<1x1x128xi32, #tpu.memory_space<vmem>>
        %dma_wait3A_252 = tpu.memref_squeeze %dma_wait3A_251 : memref<1x1x128xi32, #tpu.memory_space<vmem>> -> memref<128xi32, #tpu.memory_space<vmem>>
        %dma_wait3A_253 = arith.constant 0 : i32
        %dma_wait3A_254 = arith.constant 0 : i32
        %dma_wait3A_255 = tpu.memref_slice %arg8[%dma_wait3A_253, %dma_wait3A_254] : memref<10240x128xf32, #tpu.memory_space<vmem_shared>> -> memref<10240x128xf32, #tpu.memory_space<vmem_shared>>
        tpu.wait_indirect_dma semaphore(%arg13 : memref<!tpu.dma_semaphore, #tpu.memory_space<semaphore_mem>>) src(%dma_wait3A_249 : memref<128x128xf32, #tpu.memory_space<vmem>>) dst(%dma_wait3A_255 : memref<10240x128xf32, #tpu.memory_space<vmem_shared>>)
        %dma_start3A_256 = arith.constant 0 : i32
        %dma_start3A_257 = arith.constant 0 : i32
        %dma_start3A_258 = arith.constant 0 : i32
        %dma_start3A_259 = arith.constant 0 : i32
        %dma_start3A_260 = tpu.memref_slice %arg11[%dma_start3A_257, %dma_start3A_258, %dma_start3A_259] : memref<2x128x128xf32, #tpu.memory_space<vmem>> -> memref<1x128x128xf32, #tpu.memory_space<vmem>>
        %dma_start3A_261 = tpu.memref_squeeze %dma_start3A_260 : memref<1x128x128xf32, #tpu.memory_space<vmem>> -> memref<128x128xf32, #tpu.memory_space<vmem>>
        %dma_start3A_262 = arith.constant 0 : i32
        %dma_start3A_263 = tpu.memref_slice %arg9[%sub3A_163, %dma_start3A_256, %dma_start3A_262] : memref<2x2x128xi32, #tpu.memory_space<vmem>> -> memref<1x1x128xi32, #tpu.memory_space<vmem>>
        %dma_start3A_264 = tpu.memref_squeeze %dma_start3A_263 : memref<1x1x128xi32, #tpu.memory_space<vmem>> -> memref<128xi32, #tpu.memory_space<vmem>>
        %dma_start3A_265 = arith.constant 0 : i32
        %dma_start3A_266 = arith.constant 0 : i32
        %dma_start3A_267 = tpu.memref_slice %arg2[%dma_start3A_265, %dma_start3A_266] : memref<10240x128xf32, #tpu.memory_space<hbm>> -> memref<10240x128xf32, #tpu.memory_space<hbm>>
        tpu.enqueue_indirect_dma source(%dma_start3A_267 : memref<10240x128xf32, #tpu.memory_space<hbm>>) target(%dma_start3A_261 : memref<128x128xf32, #tpu.memory_space<vmem>>) offsets(%dma_start3A_264 : memref<128xi32, #tpu.memory_space<vmem>>) semaphore(%arg12 : memref<!tpu.dma_semaphore, #tpu.memory_space<semaphore_mem>>)
        %dma_wait3A_268 = arith.constant 1 : i32
        %dma_wait3A_269 = arith.constant 0 : i32
        %dma_wait3A_270 = arith.constant 0 : i32
        %dma_wait3A_271 = arith.constant 0 : i32
        %dma_wait3A_272 = arith.constant 0 : i32
        %dma_wait3A_273 = tpu.memref_slice %arg11[%dma_wait3A_268, %dma_wait3A_271, %dma_wait3A_272] : memref<2x128x128xf32, #tpu.memory_space<vmem>> -> memref<1x128x128xf32, #tpu.memory_space<vmem>>
        %dma_wait3A_274 = tpu.memref_squeeze %dma_wait3A_273 : memref<1x128x128xf32, #tpu.memory_space<vmem>> -> memref<128x128xf32, #tpu.memory_space<vmem>>
        %dma_wait3A_275 = arith.constant 0 : i32
        %dma_wait3A_276 = tpu.memref_slice %arg10[%dma_wait3A_269, %dma_wait3A_270, %dma_wait3A_275] : memref<2x2x128xi32, #tpu.memory_space<vmem>> -> memref<1x1x128xi32, #tpu.memory_space<vmem>>
        %dma_wait3A_277 = tpu.memref_squeeze %dma_wait3A_276 : memref<1x1x128xi32, #tpu.memory_space<vmem>> -> memref<128xi32, #tpu.memory_space<vmem>>
        %dma_wait3A_278 = arith.constant 0 : i32
        %dma_wait3A_279 = arith.constant 0 : i32
        %dma_wait3A_280 = tpu.memref_slice %arg8[%dma_wait3A_278, %dma_wait3A_279] : memref<10240x128xf32, #tpu.memory_space<vmem_shared>> -> memref<10240x128xf32, #tpu.memory_space<vmem_shared>>
        tpu.wait_indirect_dma semaphore(%arg13 : memref<!tpu.dma_semaphore, #tpu.memory_space<semaphore_mem>>) src(%dma_wait3A_274 : memref<128x128xf32, #tpu.memory_space<vmem>>) dst(%dma_wait3A_280 : memref<10240x128xf32, #tpu.memory_space<vmem_shared>>)
        %dma_start3A_281 = arith.constant 1 : i32
        %dma_start3A_282 = arith.constant 1 : i32
        %dma_start3A_283 = arith.constant 0 : i32
        %dma_start3A_284 = arith.constant 0 : i32
        %dma_start3A_285 = tpu.memref_slice %arg11[%dma_start3A_282, %dma_start3A_283, %dma_start3A_284] : memref<2x128x128xf32, #tpu.memory_space<vmem>> -> memref<1x128x128xf32, #tpu.memory_space<vmem>>
        %dma_start3A_286 = tpu.memref_squeeze %dma_start3A_285 : memref<1x128x128xf32, #tpu.memory_space<vmem>> -> memref<128x128xf32, #tpu.memory_space<vmem>>
        %dma_start3A_287 = arith.constant 0 : i32
        %dma_start3A_288 = tpu.memref_slice %arg9[%sub3A_163, %dma_start3A_281, %dma_start3A_287] : memref<2x2x128xi32, #tpu.memory_space<vmem>> -> memref<1x1x128xi32, #tpu.memory_space<vmem>>
        %dma_start3A_289 = tpu.memref_squeeze %dma_start3A_288 : memref<1x1x128xi32, #tpu.memory_space<vmem>> -> memref<128xi32, #tpu.memory_space<vmem>>
        %dma_start3A_290 = arith.constant 0 : i32
        %dma_start3A_291 = arith.constant 0 : i32
        %dma_start3A_292 = tpu.memref_slice %arg2[%dma_start3A_290, %dma_start3A_291] : memref<10240x128xf32, #tpu.memory_space<hbm>> -> memref<10240x128xf32, #tpu.memory_space<hbm>>
        tpu.enqueue_indirect_dma source(%dma_start3A_292 : memref<10240x128xf32, #tpu.memory_space<hbm>>) target(%dma_start3A_286 : memref<128x128xf32, #tpu.memory_space<vmem>>) offsets(%dma_start3A_289 : memref<128xi32, #tpu.memory_space<vmem>>) semaphore(%arg12 : memref<!tpu.dma_semaphore, #tpu.memory_space<semaphore_mem>>)
        %add3A_293 = arith.constant 2 : i32
        %add3A_294 = arith.addi %while3A_161, %add3A_293 : i32
        %lt3A_295 = arith.cmpi slt, %add3A_294, %select_n3A_10 : i32
        %convert_element_type3A_296 = arith.extui %lt3A_295 : i1 to i32
        %cond3A_297 = arith.constant 0 : i32
        %cond3A_298 = arith.cmpi ne, %convert_element_type3A_296, %cond3A_297 : i32
        scf.if %cond3A_298 {
          %add3A_299 = arith.constant 2 : i32
          %add3A_300 = arith.addi %while3A_161, %add3A_299 : i32
          %mul3A_301 = arith.constant 2 : i32
          %mul3A_302 = arith.muli %add3A_300, %mul3A_301 : i32
          %add3A_303 = arith.addi %select_n3A, %mul3A_302 : i32
          %dma_start3A_304 = arith.constant 0 : i32
          %dma_start3A_305 = arith.constant 0 : i32
          %dma_start3A_306 = tpu.memref_slice %arg9[%rem3A_162, %dma_start3A_304, %dma_start3A_305] : memref<2x2x128xi32, #tpu.memory_space<vmem>> -> memref<1x2x128xi32, #tpu.memory_space<vmem>>
          %dma_start3A_307 = tpu.memref_squeeze %dma_start3A_306 : memref<1x2x128xi32, #tpu.memory_space<vmem>> -> memref<2x128xi32, #tpu.memory_space<vmem>>
          %dma_start3A_308 = arith.constant 0 : i32
          %dma_start3A_309 = tpu.memref_slice %arg3[%add3A_303, %dma_start3A_308] : memref<5024x128xi32, #tpu.memory_space<hbm>> -> memref<2x128xi32, #tpu.memory_space<hbm>>
          %dma_start3A_310 = arith.constant 0 : i32
          %dma_start3A_311 = arith.constant 0 : i32
          %dma_start3A_312 = tpu.memref_slice %arg9[%rem3A_162, %dma_start3A_310, %dma_start3A_311] : memref<2x2x128xi32, #tpu.memory_space<vmem>> -> memref<1x2x128xi32, #tpu.memory_space<vmem>>
          %dma_start3A_313 = tpu.memref_squeeze %dma_start3A_312 : memref<1x2x128xi32, #tpu.memory_space<vmem>> -> memref<2x128xi32, #tpu.memory_space<vmem>>
          %dma_start3A_314 = arith.constant 0 : i32
          %dma_start3A_315 = tpu.memref_slice %arg3[%add3A_303, %dma_start3A_314] : memref<5024x128xi32, #tpu.memory_space<hbm>> -> memref<2x128xi32, #tpu.memory_space<hbm>>
          tpu.enqueue_dma source(%dma_start3A_315 : memref<2x128xi32, #tpu.memory_space<hbm>>) target(%dma_start3A_313 : memref<2x128xi32, #tpu.memory_space<vmem>>) target_semaphore(%arg14 : memref<!tpu.dma_semaphore, #tpu.memory_space<semaphore_mem>>)
          %dma_start3A_316 = arith.constant 0 : i32
          %dma_start3A_317 = arith.constant 0 : i32
          %dma_start3A_318 = tpu.memref_slice %arg10[%rem3A_162, %dma_start3A_316, %dma_start3A_317] : memref<2x2x128xi32, #tpu.memory_space<vmem>> -> memref<1x2x128xi32, #tpu.memory_space<vmem>>
          %dma_start3A_319 = tpu.memref_squeeze %dma_start3A_318 : memref<1x2x128xi32, #tpu.memory_space<vmem>> -> memref<2x128xi32, #tpu.memory_space<vmem>>
          %dma_start3A_320 = arith.constant 0 : i32
          %dma_start3A_321 = tpu.memref_slice %arg4[%add3A_303, %dma_start3A_320] : memref<5024x128xi32, #tpu.memory_space<hbm>> -> memref<2x128xi32, #tpu.memory_space<hbm>>
          %dma_start3A_322 = arith.constant 0 : i32
          %dma_start3A_323 = arith.constant 0 : i32
          %dma_start3A_324 = tpu.memref_slice %arg10[%rem3A_162, %dma_start3A_322, %dma_start3A_323] : memref<2x2x128xi32, #tpu.memory_space<vmem>> -> memref<1x2x128xi32, #tpu.memory_space<vmem>>
          %dma_start3A_325 = tpu.memref_squeeze %dma_start3A_324 : memref<1x2x128xi32, #tpu.memory_space<vmem>> -> memref<2x128xi32, #tpu.memory_space<vmem>>
          %dma_start3A_326 = arith.constant 0 : i32
          %dma_start3A_327 = tpu.memref_slice %arg4[%add3A_303, %dma_start3A_326] : memref<5024x128xi32, #tpu.memory_space<hbm>> -> memref<2x128xi32, #tpu.memory_space<hbm>>
          tpu.enqueue_dma source(%dma_start3A_327 : memref<2x128xi32, #tpu.memory_space<hbm>>) target(%dma_start3A_325 : memref<2x128xi32, #tpu.memory_space<vmem>>) target_semaphore(%arg14 : memref<!tpu.dma_semaphore, #tpu.memory_space<semaphore_mem>>)
        } else {
        }
      } else {
      }
    }
    %while3A_125 = arith.constant 1 : i32
    scf.for %while3A_161 = %while3A_123 to %while3A_119 step %while3A_125  : i32 {
      %rem3A = arith.constant 2 : i32
      %rem3A_162 = arith.remsi %while3A_161, %rem3A : i32
      %sub3A = arith.constant 1 : i32
      %sub3A_163 = arith.subi %sub3A, %rem3A_162 : i32
      %dma_wait3A_164 = arith.constant 0 : i32
      %dma_wait3A_165 = arith.constant 0 : i32
      %dma_wait3A_166 = arith.constant 0 : i32
      %dma_wait3A_167 = arith.constant 0 : i32
      %dma_wait3A_168 = arith.constant 0 : i32
      %dma_wait3A_169 = tpu.memref_slice %arg11[%dma_wait3A_166, %dma_wait3A_167, %dma_wait3A_168] : memref<2x128x128xf32, #tpu.memory_space<vmem>> -> memref<1x128x128xf32, #tpu.memory_space<vmem>>
      %dma_wait3A_170 = tpu.memref_squeeze %dma_wait3A_169 : memref<1x128x128xf32, #tpu.memory_space<vmem>> -> memref<128x128xf32, #tpu.memory_space<vmem>>
      %dma_wait3A_171 = arith.constant 0 : i32
      %dma_wait3A_172 = tpu.memref_slice %arg9[%dma_wait3A_164, %dma_wait3A_165, %dma_wait3A_171] : memref<2x2x128xi32, #tpu.memory_space<vmem>> -> memref<1x1x128xi32, #tpu.memory_space<vmem>>
      %dma_wait3A_173 = tpu.memref_squeeze %dma_wait3A_172 : memref<1x1x128xi32, #tpu.memory_space<vmem>> -> memref<128xi32, #tpu.memory_space<vmem>>
      %dma_wait3A_174 = arith.constant 0 : i32
      %dma_wait3A_175 = arith.constant 0 : i32
      %dma_wait3A_176 = tpu.memref_slice %arg2[%dma_wait3A_174, %dma_wait3A_175] : memref<10240x128xf32, #tpu.memory_space<hbm>> -> memref<10240x128xf32, #tpu.memory_space<hbm>>
      tpu.wait_indirect_dma semaphore(%arg12 : memref<!tpu.dma_semaphore, #tpu.memory_space<semaphore_mem>>) src(%dma_wait3A_176 : memref<10240x128xf32, #tpu.memory_space<hbm>>) dst(%dma_wait3A_170 : memref<128x128xf32, #tpu.memory_space<vmem>>)
      %dma_start3A_177 = arith.constant 0 : i32
      %dma_start3A_178 = arith.constant 0 : i32
      %dma_start3A_179 = arith.constant 0 : i32
      %dma_start3A_180 = arith.constant 0 : i32
      %dma_start3A_181 = tpu.memref_slice %arg11[%dma_start3A_177, %dma_start3A_179, %dma_start3A_180] : memref<2x128x128xf32, #tpu.memory_space<vmem>> -> memref<1x128x128xf32, #tpu.memory_space<vmem>>
      %dma_start3A_182 = tpu.memref_squeeze %dma_start3A_181 : memref<1x128x128xf32, #tpu.memory_space<vmem>> -> memref<128x128xf32, #tpu.memory_space<vmem>>
      %dma_start3A_183 = arith.constant 0 : i32
      %dma_start3A_184 = tpu.memref_slice %arg10[%rem3A_162, %dma_start3A_178, %dma_start3A_183] : memref<2x2x128xi32, #tpu.memory_space<vmem>> -> memref<1x1x128xi32, #tpu.memory_space<vmem>>
      %dma_start3A_185 = tpu.memref_squeeze %dma_start3A_184 : memref<1x1x128xi32, #tpu.memory_space<vmem>> -> memref<128xi32, #tpu.memory_space<vmem>>
      %dma_start3A_186 = arith.constant 0 : i32
      %dma_start3A_187 = arith.constant 0 : i32
      %dma_start3A_188 = tpu.memref_slice %arg8[%dma_start3A_186, %dma_start3A_187] : memref<10240x128xf32, #tpu.memory_space<vmem_shared>> -> memref<10240x128xf32, #tpu.memory_space<vmem_shared>>
      tpu.enqueue_indirect_dma source(%dma_start3A_182 : memref<128x128xf32, #tpu.memory_space<vmem>>) target(%dma_start3A_188 : memref<10240x128xf32, #tpu.memory_space<vmem_shared>>) offsets(%dma_start3A_185 : memref<128xi32, #tpu.memory_space<vmem>>) semaphore(%arg13 : memref<!tpu.dma_semaphore, #tpu.memory_space<semaphore_mem>>) {add = true}
      %dma_wait3A_189 = arith.constant 0 : i32
      %dma_wait3A_190 = arith.constant 0 : i32
      %dma_wait3A_191 = arith.constant 1 : i32
      %dma_wait3A_192 = arith.constant 0 : i32
      %dma_wait3A_193 = arith.constant 0 : i32
      %dma_wait3A_194 = tpu.memref_slice %arg11[%dma_wait3A_191, %dma_wait3A_192, %dma_wait3A_193] : memref<2x128x128xf32, #tpu.memory_space<vmem>> -> memref<1x128x128xf32, #tpu.memory_space<vmem>>
      %dma_wait3A_195 = tpu.memref_squeeze %dma_wait3A_194 : memref<1x128x128xf32, #tpu.memory_space<vmem>> -> memref<128x128xf32, #tpu.memory_space<vmem>>
      %dma_wait3A_196 = arith.constant 0 : i32
      %dma_wait3A_197 = tpu.memref_slice %arg9[%dma_wait3A_189, %dma_wait3A_190, %dma_wait3A_196] : memref<2x2x128xi32, #tpu.memory_space<vmem>> -> memref<1x1x128xi32, #tpu.memory_space<vmem>>
      %dma_wait3A_198 = tpu.memref_squeeze %dma_wait3A_197 : memref<1x1x128xi32, #tpu.memory_space<vmem>> -> memref<128xi32, #tpu.memory_space<vmem>>
      %dma_wait3A_199 = arith.constant 0 : i32
      %dma_wait3A_200 = arith.constant 0 : i32
      %dma_wait3A_201 = tpu.memref_slice %arg2[%dma_wait3A_199, %dma_wait3A_200] : memref<10240x128xf32, #tpu.memory_space<hbm>> -> memref<10240x128xf32, #tpu.memory_space<hbm>>
      tpu.wait_indirect_dma semaphore(%arg12 : memref<!tpu.dma_semaphore, #tpu.memory_space<semaphore_mem>>) src(%dma_wait3A_201 : memref<10240x128xf32, #tpu.memory_space<hbm>>) dst(%dma_wait3A_195 : memref<128x128xf32, #tpu.memory_space<vmem>>)
      %dma_start3A_202 = arith.constant 1 : i32
      %dma_start3A_203 = arith.constant 1 : i32
      %dma_start3A_204 = arith.constant 0 : i32
      %dma_start3A_205 = arith.constant 0 : i32
      %dma_start3A_206 = tpu.memref_slice %arg11[%dma_start3A_202, %dma_start3A_204, %dma_start3A_205] : memref<2x128x128xf32, #tpu.memory_space<vmem>> -> memref<1x128x128xf32, #tpu.memory_space<vmem>>
      %dma_start3A_207 = tpu.memref_squeeze %dma_start3A_206 : memref<1x128x128xf32, #tpu.memory_space<vmem>> -> memref<128x128xf32, #tpu.memory_space<vmem>>
      %dma_start3A_208 = arith.constant 0 : i32
      %dma_start3A_209 = tpu.memref_slice %arg10[%rem3A_162, %dma_start3A_203, %dma_start3A_208] : memref<2x2x128xi32, #tpu.memory_space<vmem>> -> memref<1x1x128xi32, #tpu.memory_space<vmem>>
      %dma_start3A_210 = tpu.memref_squeeze %dma_start3A_209 : memref<1x1x128xi32, #tpu.memory_space<vmem>> -> memref<128xi32, #tpu.memory_space<vmem>>
      %dma_start3A_211 = arith.constant 0 : i32
      %dma_start3A_212 = arith.constant 0 : i32
      %dma_start3A_213 = tpu.memref_slice %arg8[%dma_start3A_211, %dma_start3A_212] : memref<10240x128xf32, #tpu.memory_space<vmem_shared>> -> memref<10240x128xf32, #tpu.memory_space<vmem_shared>>
      tpu.enqueue_indirect_dma source(%dma_start3A_207 : memref<128x128xf32, #tpu.memory_space<vmem>>) target(%dma_start3A_213 : memref<10240x128xf32, #tpu.memory_space<vmem_shared>>) offsets(%dma_start3A_210 : memref<128xi32, #tpu.memory_space<vmem>>) semaphore(%arg13 : memref<!tpu.dma_semaphore, #tpu.memory_space<semaphore_mem>>) {add = true}
      %add3A_214 = arith.constant 1 : i32
      %add3A_215 = arith.addi %while3A_161, %add3A_214 : i32
      %lt3A = arith.cmpi slt, %add3A_215, %select_n3A_10 : i32
      %convert_element_type3A_216 = arith.extui %lt3A : i1 to i32
      %cond3A_217 = arith.constant 0 : i32
      %cond3A_218 = arith.cmpi ne, %convert_element_type3A_216, %cond3A_217 : i32
      scf.if %cond3A_218 {
        %dma_wait3A_219 = arith.constant 0 : i32
        %dma_wait3A_220 = arith.constant 0 : i32
        %dma_wait3A_221 = tpu.memref_slice %arg9[%sub3A_163, %dma_wait3A_219, %dma_wait3A_220] : memref<2x2x128xi32, #tpu.memory_space<vmem>> -> memref<1x2x128xi32, #tpu.memory_space<vmem>>
        %dma_wait3A_222 = tpu.memref_squeeze %dma_wait3A_221 : memref<1x2x128xi32, #tpu.memory_space<vmem>> -> memref<2x128xi32, #tpu.memory_space<vmem>>
        %dma_wait3A_223 = arith.constant 0 : i32
        %dma_wait3A_224 = tpu.memref_slice %arg3[%select_n3A, %dma_wait3A_223] : memref<5024x128xi32, #tpu.memory_space<hbm>> -> memref<2x128xi32, #tpu.memory_space<hbm>>
        %dma_wait3A_225 = arith.constant 0 : i32
        %dma_wait3A_226 = arith.constant 0 : i32
        %dma_wait3A_227 = tpu.memref_slice %arg9[%sub3A_163, %dma_wait3A_225, %dma_wait3A_226] : memref<2x2x128xi32, #tpu.memory_space<vmem>> -> memref<1x2x128xi32, #tpu.memory_space<vmem>>
        %dma_wait3A_228 = tpu.memref_squeeze %dma_wait3A_227 : memref<1x2x128xi32, #tpu.memory_space<vmem>> -> memref<2x128xi32, #tpu.memory_space<vmem>>
        %dma_wait3A_229 = arith.constant 0 : i32
        %dma_wait3A_230 = tpu.memref_slice %arg3[%select_n3A, %dma_wait3A_229] : memref<5024x128xi32, #tpu.memory_space<hbm>> -> memref<2x128xi32, #tpu.memory_space<hbm>>
        tpu.wait_dma2 semaphore(%arg14 : memref<!tpu.dma_semaphore, #tpu.memory_space<semaphore_mem>>) src(%dma_wait3A_230 : memref<2x128xi32, #tpu.memory_space<hbm>>) dst(%dma_wait3A_228 : memref<2x128xi32, #tpu.memory_space<vmem>>)
        %dma_wait3A_231 = arith.constant 0 : i32
        %dma_wait3A_232 = arith.constant 0 : i32
        %dma_wait3A_233 = tpu.memref_slice %arg10[%sub3A_163, %dma_wait3A_231, %dma_wait3A_232] : memref<2x2x128xi32, #tpu.memory_space<vmem>> -> memref<1x2x128xi32, #tpu.memory_space<vmem>>
        %dma_wait3A_234 = tpu.memref_squeeze %dma_wait3A_233 : memref<1x2x128xi32, #tpu.memory_space<vmem>> -> memref<2x128xi32, #tpu.memory_space<vmem>>
        %dma_wait3A_235 = arith.constant 0 : i32
        %dma_wait3A_236 = tpu.memref_slice %arg4[%select_n3A, %dma_wait3A_235] : memref<5024x128xi32, #tpu.memory_space<hbm>> -> memref<2x128xi32, #tpu.memory_space<hbm>>
        %dma_wait3A_237 = arith.constant 0 : i32
        %dma_wait3A_238 = arith.constant 0 : i32
        %dma_wait3A_239 = tpu.memref_slice %arg10[%sub3A_163, %dma_wait3A_237, %dma_wait3A_238] : memref<2x2x128xi32, #tpu.memory_space<vmem>> -> memref<1x2x128xi32, #tpu.memory_space<vmem>>
        %dma_wait3A_240 = tpu.memref_squeeze %dma_wait3A_239 : memref<1x2x128xi32, #tpu.memory_space<vmem>> -> memref<2x128xi32, #tpu.memory_space<vmem>>
        %dma_wait3A_241 = arith.constant 0 : i32
        %dma_wait3A_242 = tpu.memref_slice %arg4[%select_n3A, %dma_wait3A_241] : memref<5024x128xi32, #tpu.memory_space<hbm>> -> memref<2x128xi32, #tpu.memory_space<hbm>>
        tpu.wait_dma2 semaphore(%arg14 : memref<!tpu.dma_semaphore, #tpu.memory_space<semaphore_mem>>) src(%dma_wait3A_242 : memref<2x128xi32, #tpu.memory_space<hbm>>) dst(%dma_wait3A_240 : memref<2x128xi32, #tpu.memory_space<vmem>>)
        %dma_wait3A_243 = arith.constant 0 : i32
        %dma_wait3A_244 = arith.constant 0 : i32
        %dma_wait3A_245 = arith.constant 0 : i32
        %dma_wait3A_246 = arith.constant 0 : i32
        %dma_wait3A_247 = arith.constant 0 : i32
        %dma_wait3A_248 = tpu.memref_slice %arg11[%dma_wait3A_243, %dma_wait3A_246, %dma_wait3A_247] : memref<2x128x128xf32, #tpu.memory_space<vmem>> -> memref<1x128x128xf32, #tpu.memory_space<vmem>>
        %dma_wait3A_249 = tpu.memref_squeeze %dma_wait3A_248 : memref<1x128x128xf32, #tpu.memory_space<vmem>> -> memref<128x128xf32, #tpu.memory_space<vmem>>
        %dma_wait3A_250 = arith.constant 0 : i32
        %dma_wait3A_251 = tpu.memref_slice %arg10[%dma_wait3A_244, %dma_wait3A_245, %dma_wait3A_250] : memref<2x2x128xi32, #tpu.memory_space<vmem>> -> memref<1x1x128xi32, #tpu.memory_space<vmem>>
        %dma_wait3A_252 = tpu.memref_squeeze %dma_wait3A_251 : memref<1x1x128xi32, #tpu.memory_space<vmem>> -> memref<128xi32, #tpu.memory_space<vmem>>
        %dma_wait3A_253 = arith.constant 0 : i32
        %dma_wait3A_254 = arith.constant 0 : i32
        %dma_wait3A_255 = tpu.memref_slice %arg8[%dma_wait3A_253, %dma_wait3A_254] : memref<10240x128xf32, #tpu.memory_space<vmem_shared>> -> memref<10240x128xf32, #tpu.memory_space<vmem_shared>>
        tpu.wait_indirect_dma semaphore(%arg13 : memref<!tpu.dma_semaphore, #tpu.memory_space<semaphore_mem>>) src(%dma_wait3A_249 : memref<128x128xf32, #tpu.memory_space<vmem>>) dst(%dma_wait3A_255 : memref<10240x128xf32, #tpu.memory_space<vmem_shared>>)
        %dma_start3A_256 = arith.constant 0 : i32
        %dma_start3A_257 = arith.constant 0 : i32
        %dma_start3A_258 = arith.constant 0 : i32
        %dma_start3A_259 = arith.constant 0 : i32
        %dma_start3A_260 = tpu.memref_slice %arg11[%dma_start3A_257, %dma_start3A_258, %dma_start3A_259] : memref<2x128x128xf32, #tpu.memory_space<vmem>> -> memref<1x128x128xf32, #tpu.memory_space<vmem>>
        %dma_start3A_261 = tpu.memref_squeeze %dma_start3A_260 : memref<1x128x128xf32, #tpu.memory_space<vmem>> -> memref<128x128xf32, #tpu.memory_space<vmem>>
        %dma_start3A_262 = arith.constant 0 : i32
        %dma_start3A_263 = tpu.memref_slice %arg9[%sub3A_163, %dma_start3A_256, %dma_start3A_262] : memref<2x2x128xi32, #tpu.memory_space<vmem>> -> memref<1x1x128xi32, #tpu.memory_space<vmem>>
        %dma_start3A_264 = tpu.memref_squeeze %dma_start3A_263 : memref<1x1x128xi32, #tpu.memory_space<vmem>> -> memref<128xi32, #tpu.memory_space<vmem>>
        %dma_start3A_265 = arith.constant 0 : i32
        %dma_start3A_266 = arith.constant 0 : i32
        %dma_start3A_267 = tpu.memref_slice %arg2[%dma_start3A_265, %dma_start3A_266] : memref<10240x128xf32, #tpu.memory_space<hbm>> -> memref<10240x128xf32, #tpu.memory_space<hbm>>
        tpu.enqueue_indirect_dma source(%dma_start3A_267 : memref<10240x128xf32, #tpu.memory_space<hbm>>) target(%dma_start3A_261 : memref<128x128xf32, #tpu.memory_space<vmem>>) offsets(%dma_start3A_264 : memref<128xi32, #tpu.memory_space<vmem>>) semaphore(%arg12 : memref<!tpu.dma_semaphore, #tpu.memory_space<semaphore_mem>>)
        %dma_wait3A_268 = arith.constant 1 : i32
        %dma_wait3A_269 = arith.constant 0 : i32
        %dma_wait3A_270 = arith.constant 0 : i32
        %dma_wait3A_271 = arith.constant 0 : i32
        %dma_wait3A_272 = arith.constant 0 : i32
        %dma_wait3A_273 = tpu.memref_slice %arg11[%dma_wait3A_268, %dma_wait3A_271, %dma_wait3A_272] : memref<2x128x128xf32, #tpu.memory_space<vmem>> -> memref<1x128x128xf32, #tpu.memory_space<vmem>>
        %dma_wait3A_274 = tpu.memref_squeeze %dma_wait3A_273 : memref<1x128x128xf32, #tpu.memory_space<vmem>> -> memref<128x128xf32, #tpu.memory_space<vmem>>
        %dma_wait3A_275 = arith.constant 0 : i32
        %dma_wait3A_276 = tpu.memref_slice %arg10[%dma_wait3A_269, %dma_wait3A_270, %dma_wait3A_275] : memref<2x2x128xi32, #tpu.memory_space<vmem>> -> memref<1x1x128xi32, #tpu.memory_space<vmem>>
        %dma_wait3A_277 = tpu.memref_squeeze %dma_wait3A_276 : memref<1x1x128xi32, #tpu.memory_space<vmem>> -> memref<128xi32, #tpu.memory_space<vmem>>
        %dma_wait3A_278 = arith.constant 0 : i32
        %dma_wait3A_279 = arith.constant 0 : i32
        %dma_wait3A_280 = tpu.memref_slice %arg8[%dma_wait3A_278, %dma_wait3A_279] : memref<10240x128xf32, #tpu.memory_space<vmem_shared>> -> memref<10240x128xf32, #tpu.memory_space<vmem_shared>>
        tpu.wait_indirect_dma semaphore(%arg13 : memref<!tpu.dma_semaphore, #tpu.memory_space<semaphore_mem>>) src(%dma_wait3A_274 : memref<128x128xf32, #tpu.memory_space<vmem>>) dst(%dma_wait3A_280 : memref<10240x128xf32, #tpu.memory_space<vmem_shared>>)
        %dma_start3A_281 = arith.constant 1 : i32
        %dma_start3A_282 = arith.constant 1 : i32
        %dma_start3A_283 = arith.constant 0 : i32
        %dma_start3A_284 = arith.constant 0 : i32
        %dma_start3A_285 = tpu.memref_slice %arg11[%dma_start3A_282, %dma_start3A_283, %dma_start3A_284] : memref<2x128x128xf32, #tpu.memory_space<vmem>> -> memref<1x128x128xf32, #tpu.memory_space<vmem>>
        %dma_start3A_286 = tpu.memref_squeeze %dma_start3A_285 : memref<1x128x128xf32, #tpu.memory_space<vmem>> -> memref<128x128xf32, #tpu.memory_space<vmem>>
        %dma_start3A_287 = arith.constant 0 : i32
        %dma_start3A_288 = tpu.memref_slice %arg9[%sub3A_163, %dma_start3A_281, %dma_start3A_287] : memref<2x2x128xi32, #tpu.memory_space<vmem>> -> memref<1x1x128xi32, #tpu.memory_space<vmem>>
        %dma_start3A_289 = tpu.memref_squeeze %dma_start3A_288 : memref<1x1x128xi32, #tpu.memory_space<vmem>> -> memref<128xi32, #tpu.memory_space<vmem>>
        %dma_start3A_290 = arith.constant 0 : i32
        %dma_start3A_291 = arith.constant 0 : i32
        %dma_start3A_292 = tpu.memref_slice %arg2[%dma_start3A_290, %dma_start3A_291] : memref<10240x128xf32, #tpu.memory_space<hbm>> -> memref<10240x128xf32, #tpu.memory_space<hbm>>
        tpu.enqueue_indirect_dma source(%dma_start3A_292 : memref<10240x128xf32, #tpu.memory_space<hbm>>) target(%dma_start3A_286 : memref<128x128xf32, #tpu.memory_space<vmem>>) offsets(%dma_start3A_289 : memref<128xi32, #tpu.memory_space<vmem>>) semaphore(%arg12 : memref<!tpu.dma_semaphore, #tpu.memory_space<semaphore_mem>>)
        %add3A_293 = arith.constant 2 : i32
        %add3A_294 = arith.addi %while3A_161, %add3A_293 : i32
        %lt3A_295 = arith.cmpi slt, %add3A_294, %select_n3A_10 : i32
        %convert_element_type3A_296 = arith.extui %lt3A_295 : i1 to i32
        %cond3A_297 = arith.constant 0 : i32
        %cond3A_298 = arith.cmpi ne, %convert_element_type3A_296, %cond3A_297 : i32
        scf.if %cond3A_298 {
          %add3A_299 = arith.constant 2 : i32
          %add3A_300 = arith.addi %while3A_161, %add3A_299 : i32
          %mul3A_301 = arith.constant 2 : i32
          %mul3A_302 = arith.muli %add3A_300, %mul3A_301 : i32
          %add3A_303 = arith.addi %select_n3A, %mul3A_302 : i32
          %dma_start3A_304 = arith.constant 0 : i32
          %dma_start3A_305 = arith.constant 0 : i32
          %dma_start3A_306 = tpu.memref_slice %arg9[%rem3A_162, %dma_start3A_304, %dma_start3A_305] : memref<2x2x128xi32, #tpu.memory_space<vmem>> -> memref<1x2x128xi32, #tpu.memory_space<vmem>>
          %dma_start3A_307 = tpu.memref_squeeze %dma_start3A_306 : memref<1x2x128xi32, #tpu.memory_space<vmem>> -> memref<2x128xi32, #tpu.memory_space<vmem>>
          %dma_start3A_308 = arith.constant 0 : i32
          %dma_start3A_309 = tpu.memref_slice %arg3[%add3A_303, %dma_start3A_308] : memref<5024x128xi32, #tpu.memory_space<hbm>> -> memref<2x128xi32, #tpu.memory_space<hbm>>
          %dma_start3A_310 = arith.constant 0 : i32
          %dma_start3A_311 = arith.constant 0 : i32
          %dma_start3A_312 = tpu.memref_slice %arg9[%rem3A_162, %dma_start3A_310, %dma_start3A_311] : memref<2x2x128xi32, #tpu.memory_space<vmem>> -> memref<1x2x128xi32, #tpu.memory_space<vmem>>
          %dma_start3A_313 = tpu.memref_squeeze %dma_start3A_312 : memref<1x2x128xi32, #tpu.memory_space<vmem>> -> memref<2x128xi32, #tpu.memory_space<vmem>>
          %dma_start3A_314 = arith.constant 0 : i32
          %dma_start3A_315 = tpu.memref_slice %arg3[%add3A_303, %dma_start3A_314] : memref<5024x128xi32, #tpu.memory_space<hbm>> -> memref<2x128xi32, #tpu.memory_space<hbm>>
          tpu.enqueue_dma source(%dma_start3A_315 : memref<2x128xi32, #tpu.memory_space<hbm>>) target(%dma_start3A_313 : memref<2x128xi32, #tpu.memory_space<vmem>>) target_semaphore(%arg14 : memref<!tpu.dma_semaphore, #tpu.memory_space<semaphore_mem>>)
          %dma_start3A_316 = arith.constant 0 : i32
          %dma_start3A_317 = arith.constant 0 : i32
          %dma_start3A_318 = tpu.memref_slice %arg10[%rem3A_162, %dma_start3A_316, %dma_start3A_317] : memref<2x2x128xi32, #tpu.memory_space<vmem>> -> memref<1x2x128xi32, #tpu.memory_space<vmem>>
          %dma_start3A_319 = tpu.memref_squeeze %dma_start3A_318 : memref<1x2x128xi32, #tpu.memory_space<vmem>> -> memref<2x128xi32, #tpu.memory_space<vmem>>
          %dma_start3A_320 = arith.constant 0 : i32
          %dma_start3A_321 = tpu.memref_slice %arg4[%add3A_303, %dma_start3A_320] : memref<5024x128xi32, #tpu.memory_space<hbm>> -> memref<2x128xi32, #tpu.memory_space<hbm>>
          %dma_start3A_322 = arith.constant 0 : i32
          %dma_start3A_323 = arith.constant 0 : i32
          %dma_start3A_324 = tpu.memref_slice %arg10[%rem3A_162, %dma_start3A_322, %dma_start3A_323] : memref<2x2x128xi32, #tpu.memory_space<vmem>> -> memref<1x2x128xi32, #tpu.memory_space<vmem>>
          %dma_start3A_325 = tpu.memref_squeeze %dma_start3A_324 : memref<1x2x128xi32, #tpu.memory_space<vmem>> -> memref<2x128xi32, #tpu.memory_space<vmem>>
          %dma_start3A_326 = arith.constant 0 : i32
          %dma_start3A_327 = tpu.memref_slice %arg4[%add3A_303, %dma_start3A_326] : memref<5024x128xi32, #tpu.memory_space<hbm>> -> memref<2x128xi32, #tpu.memory_space<hbm>>
          tpu.enqueue_dma source(%dma_start3A_327 : memref<2x128xi32, #tpu.memory_space<hbm>>) target(%dma_start3A_325 : memref<2x128xi32, #tpu.memory_space<vmem>>) target_semaphore(%arg14 : memref<!tpu.dma_semaphore, #tpu.memory_space<semaphore_mem>>)
        } else {
        }
      } else {
      }
    }
    %dma_wait3A_126 = arith.constant 0 : i32
    %dma_wait3A_127 = arith.constant 0 : i32
    %dma_wait3A_128 = arith.constant 0 : i32
    %dma_wait3A_129 = arith.constant 0 : i32
    %dma_wait3A_130 = arith.constant 0 : i32
    %dma_wait3A_131 = tpu.memref_slice %arg11[%dma_wait3A_126, %dma_wait3A_129, %dma_wait3A_130] : memref<2x128x128xf32, #tpu.memory_space<vmem>> -> memref<1x128x128xf32, #tpu.memory_space<vmem>>
    %dma_wait3A_132 = tpu.memref_squeeze %dma_wait3A_131 : memref<1x128x128xf32, #tpu.memory_space<vmem>> -> memref<128x128xf32, #tpu.memory_space<vmem>>
    %dma_wait3A_133 = arith.constant 0 : i32
    %dma_wait3A_134 = tpu.memref_slice %arg10[%dma_wait3A_127, %dma_wait3A_128, %dma_wait3A_133] : memref<2x2x128xi32, #tpu.memory_space<vmem>> -> memref<1x1x128xi32, #tpu.memory_space<vmem>>
    %dma_wait3A_135 = tpu.memref_squeeze %dma_wait3A_134 : memref<1x1x128xi32, #tpu.memory_space<vmem>> -> memref<128xi32, #tpu.memory_space<vmem>>
    %dma_wait3A_136 = arith.constant 0 : i32
    %dma_wait3A_137 = arith.constant 0 : i32
    %dma_wait3A_138 = tpu.memref_slice %arg8[%dma_wait3A_136, %dma_wait3A_137] : memref<10240x128xf32, #tpu.memory_space<vmem_shared>> -> memref<10240x128xf32, #tpu.memory_space<vmem_shared>>
    tpu.wait_indirect_dma semaphore(%arg13 : memref<!tpu.dma_semaphore, #tpu.memory_space<semaphore_mem>>) src(%dma_wait3A_132 : memref<128x128xf32, #tpu.memory_space<vmem>>) dst(%dma_wait3A_138 : memref<10240x128xf32, #tpu.memory_space<vmem_shared>>)
    %dma_wait3A_139 = arith.constant 1 : i32
    %dma_wait3A_140 = arith.constant 0 : i32
    %dma_wait3A_141 = arith.constant 0 : i32
    %dma_wait3A_142 = arith.constant 0 : i32
    %dma_wait3A_143 = arith.constant 0 : i32
    %dma_wait3A_144 = tpu.memref_slice %arg11[%dma_wait3A_139, %dma_wait3A_142, %dma_wait3A_143] : memref<2x128x128xf32, #tpu.memory_space<vmem>> -> memref<1x128x128xf32, #tpu.memory_space<vmem>>
    %dma_wait3A_145 = tpu.memref_squeeze %dma_wait3A_144 : memref<1x128x128xf32, #tpu.memory_space<vmem>> -> memref<128x128xf32, #tpu.memory_space<vmem>>
    %dma_wait3A_146 = arith.constant 0 : i32
    %dma_wait3A_147 = tpu.memref_slice %arg10[%dma_wait3A_140, %dma_wait3A_141, %dma_wait3A_146] : memref<2x2x128xi32, #tpu.memory_space<vmem>> -> memref<1x1x128xi32, #tpu.memory_space<vmem>>
    %dma_wait3A_148 = tpu.memref_squeeze %dma_wait3A_147 : memref<1x1x128xi32, #tpu.memory_space<vmem>> -> memref<128xi32, #tpu.memory_space<vmem>>
    %dma_wait3A_149 = arith.constant 0 : i32
    %dma_wait3A_150 = arith.constant 0 : i32
    %dma_wait3A_151 = tpu.memref_slice %arg8[%dma_wait3A_149, %dma_wait3A_150] : memref<10240x128xf32, #tpu.memory_space<vmem_shared>> -> memref<10240x128xf32, #tpu.memory_space<vmem_shared>>
    tpu.wait_indirect_dma semaphore(%arg13 : memref<!tpu.dma_semaphore, #tpu.memory_space<semaphore_mem>>) src(%dma_wait3A_145 : memref<128x128xf32, #tpu.memory_space<vmem>>) dst(%dma_wait3A_151 : memref<10240x128xf32, #tpu.memory_space<vmem_shared>>)
    %barrier3A_152 = arith.constant 0 : index
    tpu.barrier barrier_id(%barrier3A_152)
    %eq3A_153 = arith.constant 0 : i32
    %eq3A_154 = arith.cmpi eq, %arg0, %eq3A_153 : i32
    %convert_element_type3A = arith.extui %eq3A_154 : i1 to i32
    %cond3A = arith.constant 0 : i32
    %cond3A_155 = arith.cmpi ne, %convert_element_type3A, %cond3A : i32
    scf.if %cond3A_155 {
      "tpu.region"() ({
        %run_scoped3A = tpu.sem_alloc : memref<!tpu.dma_semaphore, #tpu.memory_space<semaphore_mem>>
        %dma_start3A_161 = arith.constant 0 : i32
        %dma_start3A_162 = tpu.memref_slice %arg6[%mul3A_0, %dma_start3A_161] : memref<10240x128xf32, #tpu.memory_space<hbm>> -> memref<640x128xf32, #tpu.memory_space<hbm>>
        %dma_start3A_163 = arith.constant 0 : i32
        %dma_start3A_164 = tpu.memref_slice %arg8[%mul3A_0, %dma_start3A_163] : memref<10240x128xf32, #tpu.memory_space<vmem_shared>> -> memref<640x128xf32, #tpu.memory_space<vmem_shared>>
        tpu.enqueue_dma source(%dma_start3A_164 : memref<640x128xf32, #tpu.memory_space<vmem_shared>>) target(%dma_start3A_162 : memref<640x128xf32, #tpu.memory_space<hbm>>) target_semaphore(%run_scoped3A : memref<!tpu.dma_semaphore, #tpu.memory_space<semaphore_mem>>)
        %dma_wait3A_165 = arith.constant 0 : i32
        %dma_wait3A_166 = tpu.memref_slice %arg6[%mul3A_0, %dma_wait3A_165] : memref<10240x128xf32, #tpu.memory_space<hbm>> -> memref<640x128xf32, #tpu.memory_space<hbm>>
        %dma_wait3A_167 = arith.constant 0 : i32
        %dma_wait3A_168 = tpu.memref_slice %arg8[%mul3A_0, %dma_wait3A_167] : memref<10240x128xf32, #tpu.memory_space<vmem_shared>> -> memref<640x128xf32, #tpu.memory_space<vmem_shared>>
        tpu.wait_dma2 semaphore(%run_scoped3A : memref<!tpu.dma_semaphore, #tpu.memory_space<semaphore_mem>>) src(%dma_wait3A_168 : memref<640x128xf32, #tpu.memory_space<vmem_shared>>) dst(%dma_wait3A_166 : memref<640x128xf32, #tpu.memory_space<hbm>>)
        tpu.yield
      }) : () -> ()
    } else {
    }
    %eq3A_156 = arith.constant 1 : i32
    %eq3A_157 = arith.cmpi eq, %arg0, %eq3A_156 : i32
    %convert_element_type3A_158 = arith.extui %eq3A_157 : i1 to i32
    %cond3A_159 = arith.constant 0 : i32
    %cond3A_160 = arith.cmpi ne, %convert_element_type3A_158, %cond3A_159 : i32
    scf.if %cond3A_160 {
      "tpu.region"() ({
        %run_scoped3A = tpu.sem_alloc : memref<!tpu.dma_semaphore, #tpu.memory_space<semaphore_mem>>
        %dma_start3A_161 = arith.constant 0 : i32
        %dma_start3A_162 = tpu.memref_slice %arg7[%mul3A_0, %dma_start3A_161] : memref<10240x128xf32, #tpu.memory_space<hbm>> -> memref<640x128xf32, #tpu.memory_space<hbm>>
        %dma_start3A_163 = arith.constant 0 : i32
        %dma_start3A_164 = tpu.memref_slice %arg8[%mul3A_0, %dma_start3A_163] : memref<10240x128xf32, #tpu.memory_space<vmem_shared>> -> memref<640x128xf32, #tpu.memory_space<vmem_shared>>
        tpu.enqueue_dma source(%dma_start3A_164 : memref<640x128xf32, #tpu.memory_space<vmem_shared>>) target(%dma_start3A_162 : memref<640x128xf32, #tpu.memory_space<hbm>>) target_semaphore(%run_scoped3A : memref<!tpu.dma_semaphore, #tpu.memory_space<semaphore_mem>>)
        %dma_wait3A_165 = arith.constant 0 : i32
        %dma_wait3A_166 = tpu.memref_slice %arg7[%mul3A_0, %dma_wait3A_165] : memref<10240x128xf32, #tpu.memory_space<hbm>> -> memref<640x128xf32, #tpu.memory_space<hbm>>
        %dma_wait3A_167 = arith.constant 0 : i32
        %dma_wait3A_168 = tpu.memref_slice %arg8[%mul3A_0, %dma_wait3A_167] : memref<10240x128xf32, #tpu.memory_space<vmem_shared>> -> memref<640x128xf32, #tpu.memory_space<vmem_shared>>
        tpu.wait_dma2 semaphore(%run_scoped3A : memref<!tpu.dma_semaphore, #tpu.memory_space<semaphore_mem>>) src(%dma_wait3A_168 : memref<640x128xf32, #tpu.memory_space<vmem_shared>>) dst(%dma_wait3A_166 : memref<640x128xf32, #tpu.memory_space<hbm>>)
        tpu.yield
      }) : () -> ()
    } else {
    }
    return
  }
}

module attributes {stable_mosaic.version = 14 : i64} {
  func.func @_layer1_body(%arg0: i32, %arg1: memref<512x32xf32, #tpu.memory_space<vmem>>, %arg2: memref<512x32xf32, #tpu.memory_space<vmem>>, %arg3: memref<512x32xf32, #tpu.memory_space<vmem>>, %arg4: memref<6x32x128xf32, #tpu.memory_space<vmem>>, %arg5: memref<6x128xf32, #tpu.memory_space<vmem>>, %arg6: memref<6x32x128xf32, #tpu.memory_space<vmem>>, %arg7: memref<512x128xf32, #tpu.memory_space<vmem>>, %arg8: memref<512x128xf32, #tpu.memory_space<vmem>>) attributes {dimension_semantics = [#tpu.dimension_semantics<arbitrary>], iteration_bounds = array<i64: 20>, scalar_prefetch = 0 : i64, scratch_operands = 0 : i64, tpu.core_type = #tpu.core_type<tc>, window_params = [{transform_indices = @transform_0, window_bounds = array<i64: 512, 32>}, {transform_indices = @transform_1, window_bounds = array<i64: 512, 32>}, {transform_indices = @transform_2, window_bounds = array<i64: 512, 32>}, {pipeline_mode = #tpu.pipeline_mode<synchronous>, transform_indices = @transform_3, window_bounds = array<i64: 6, 32, 128>}, {pipeline_mode = #tpu.pipeline_mode<synchronous>, transform_indices = @transform_4, window_bounds = array<i64: 6, 128>}, {pipeline_mode = #tpu.pipeline_mode<synchronous>, transform_indices = @transform_5, window_bounds = array<i64: 6, 32, 128>}, {transform_indices = @transform_6, window_bounds = array<i64: 512, 128>}, {transform_indices = @transform_7, window_bounds = array<i64: 512, 128>}]} {
    %get3A = arith.constant 0 : index
    %get3A_0 = arith.constant 0 : index
    %get3A_1 = vector.load %arg1[%get3A, %get3A_0] : memref<512x32xf32, #tpu.memory_space<vmem>>, vector<512x32xf32>
    %get3A_2 = arith.constant 0 : index
    %get3A_3 = arith.constant 0 : index
    %get3A_4 = vector.load %arg2[%get3A_2, %get3A_3] : memref<512x32xf32, #tpu.memory_space<vmem>>, vector<512x32xf32>
    %add3A = arith.addf %get3A_1, %get3A_4 : vector<512x32xf32>
    %slice3A = vector.extract_strided_slice %add3A {offsets = [0, 29], sizes = [512, 1], strides = [1, 1]} : vector<512x32xf32> to vector<512x1xf32>
    %min3A = arith.constant 5.000000e+00 : f32
    %min3A_5 = vector.broadcast %min3A : f32 to vector<512x1xf32>
    %min3A_6 = arith.minimumf %slice3A, %min3A_5 : vector<512x1xf32>
    %broadcast_in_dim3A = vector.shape_cast %min3A_6 : vector<512x1xf32> to vector<512x1xf32>
    %broadcast_in_dim3A_7 = vector.broadcast %broadcast_in_dim3A : vector<512x1xf32> to vector<512x128xf32>
    %get3A_8 = arith.constant 0 : index
    %get3A_9 = arith.constant 0 : index
    %get3A_10 = vector.load %arg3[%get3A_8, %get3A_9] : memref<512x32xf32, #tpu.memory_space<vmem>>, vector<512x32xf32>
    %broadcast_in_dim3A_11 = arith.constant 0.000000e+00 : f32
    %broadcast_in_dim3A_12 = vector.broadcast %broadcast_in_dim3A_11 : f32 to vector<512x128xf32>
    %get3A_13 = arith.constant 0 : index
    %get3A_14 = arith.constant 0 : index
    %get3A_15 = arith.constant 0 : index
    %get3A_16 = vector.load %arg4[%get3A_13, %get3A_14, %get3A_15] : memref<6x32x128xf32, #tpu.memory_space<vmem>>, vector<1x32x128xf32>
    %get3A_17 = vector.shape_cast %get3A_16 : vector<1x32x128xf32> to vector<32x128xf32>
    %dot_general3A = arith.constant dense<0.000000e+00> : vector<512x128xf32>
    %dot_general3A_18 = tpu.matmul %add3A, %get3A_17, %dot_general3A {dimension_numbers = #tpu.dot_dimension_numbers<[1], [0], [0], [1], [0, 0, 1, 1], [], []>, transpose_lhs_hint = false} : vector<512x32xf32>, vector<32x128xf32>, vector<512x128xf32> -> vector<512x128xf32>
    %get3A_19 = arith.constant 0 : index
    %get3A_20 = arith.constant 0 : index
    %get3A_21 = arith.constant 0 : index
    %get3A_22 = vector.load %arg6[%get3A_19, %get3A_20, %get3A_21] : memref<6x32x128xf32, #tpu.memory_space<vmem>>, vector<1x32x128xf32>
    %get3A_23 = vector.shape_cast %get3A_22 : vector<1x32x128xf32> to vector<32x128xf32>
    %dot_general3A_24 = arith.constant dense<0.000000e+00> : vector<512x128xf32>
    %dot_general3A_25 = tpu.matmul %get3A_10, %get3A_23, %dot_general3A_24 {dimension_numbers = #tpu.dot_dimension_numbers<[1], [0], [0], [1], [0, 0, 1, 1], [], []>, transpose_lhs_hint = false} : vector<512x32xf32>, vector<32x128xf32>, vector<512x128xf32> -> vector<512x128xf32>
    %add3A_26 = arith.addf %dot_general3A_18, %dot_general3A_25 : vector<512x128xf32>
    %get3A_27 = arith.constant 0 : index
    %get3A_28 = arith.constant 0 : index
    %get3A_29 = vector.load %arg5[%get3A_27, %get3A_28] : memref<6x128xf32, #tpu.memory_space<vmem>>, vector<1x128xf32>
    %get3A_30 = vector.shape_cast %get3A_29 : vector<1x128xf32> to vector<128xf32>
    %broadcast_in_dim3A_31 = vector.shape_cast %get3A_30 : vector<128xf32> to vector<1x128xf32>
    %add3A_32 = vector.broadcast %broadcast_in_dim3A_31 : vector<1x128xf32> to vector<512x128xf32>
    %add3A_33 = arith.addf %add3A_26, %add3A_32 : vector<512x128xf32>
    %eq3A = arith.constant 0.000000e+00 : f32
    %eq3A_34 = vector.broadcast %eq3A : f32 to vector<512x128xf32>
    %eq3A_35 = arith.cmpf oeq, %broadcast_in_dim3A_7, %eq3A_34 : vector<512x128xf32>
    %select_n3A = arith.select %eq3A_35, %add3A_33, %broadcast_in_dim3A_12 : vector<512x128xi1>, vector<512x128xf32>
    %get3A_36 = arith.constant 1 : index
    %get3A_37 = arith.constant 0 : index
    %get3A_38 = arith.constant 0 : index
    %get3A_39 = vector.load %arg4[%get3A_36, %get3A_37, %get3A_38] : memref<6x32x128xf32, #tpu.memory_space<vmem>>, vector<1x32x128xf32>
    %get3A_40 = vector.shape_cast %get3A_39 : vector<1x32x128xf32> to vector<32x128xf32>
    %dot_general3A_41 = arith.constant dense<0.000000e+00> : vector<512x128xf32>
    %dot_general3A_42 = tpu.matmul %add3A, %get3A_40, %dot_general3A_41 {dimension_numbers = #tpu.dot_dimension_numbers<[1], [0], [0], [1], [0, 0, 1, 1], [], []>, transpose_lhs_hint = false} : vector<512x32xf32>, vector<32x128xf32>, vector<512x128xf32> -> vector<512x128xf32>
    %get3A_43 = arith.constant 1 : index
    %get3A_44 = arith.constant 0 : index
    %get3A_45 = arith.constant 0 : index
    %get3A_46 = vector.load %arg6[%get3A_43, %get3A_44, %get3A_45] : memref<6x32x128xf32, #tpu.memory_space<vmem>>, vector<1x32x128xf32>
    %get3A_47 = vector.shape_cast %get3A_46 : vector<1x32x128xf32> to vector<32x128xf32>
    %dot_general3A_48 = arith.constant dense<0.000000e+00> : vector<512x128xf32>
    %dot_general3A_49 = tpu.matmul %get3A_10, %get3A_47, %dot_general3A_48 {dimension_numbers = #tpu.dot_dimension_numbers<[1], [0], [0], [1], [0, 0, 1, 1], [], []>, transpose_lhs_hint = false} : vector<512x32xf32>, vector<32x128xf32>, vector<512x128xf32> -> vector<512x128xf32>
    %add3A_50 = arith.addf %dot_general3A_42, %dot_general3A_49 : vector<512x128xf32>
    %get3A_51 = arith.constant 1 : index
    %get3A_52 = arith.constant 0 : index
    %get3A_53 = vector.load %arg5[%get3A_51, %get3A_52] : memref<6x128xf32, #tpu.memory_space<vmem>>, vector<1x128xf32>
    %get3A_54 = vector.shape_cast %get3A_53 : vector<1x128xf32> to vector<128xf32>
    %broadcast_in_dim3A_55 = vector.shape_cast %get3A_54 : vector<128xf32> to vector<1x128xf32>
    %add3A_56 = vector.broadcast %broadcast_in_dim3A_55 : vector<1x128xf32> to vector<512x128xf32>
    %add3A_57 = arith.addf %add3A_50, %add3A_56 : vector<512x128xf32>
    %eq3A_58 = arith.constant 1.000000e+00 : f32
    %eq3A_59 = vector.broadcast %eq3A_58 : f32 to vector<512x128xf32>
    %eq3A_60 = arith.cmpf oeq, %broadcast_in_dim3A_7, %eq3A_59 : vector<512x128xf32>
    %select_n3A_61 = arith.select %eq3A_60, %add3A_57, %select_n3A : vector<512x128xi1>, vector<512x128xf32>
    %get3A_62 = arith.constant 2 : index
    %get3A_63 = arith.constant 0 : index
    %get3A_64 = arith.constant 0 : index
    %get3A_65 = vector.load %arg4[%get3A_62, %get3A_63, %get3A_64] : memref<6x32x128xf32, #tpu.memory_space<vmem>>, vector<1x32x128xf32>
    %get3A_66 = vector.shape_cast %get3A_65 : vector<1x32x128xf32> to vector<32x128xf32>
    %dot_general3A_67 = arith.constant dense<0.000000e+00> : vector<512x128xf32>
    %dot_general3A_68 = tpu.matmul %add3A, %get3A_66, %dot_general3A_67 {dimension_numbers = #tpu.dot_dimension_numbers<[1], [0], [0], [1], [0, 0, 1, 1], [], []>, transpose_lhs_hint = false} : vector<512x32xf32>, vector<32x128xf32>, vector<512x128xf32> -> vector<512x128xf32>
    %get3A_69 = arith.constant 2 : index
    %get3A_70 = arith.constant 0 : index
    %get3A_71 = arith.constant 0 : index
    %get3A_72 = vector.load %arg6[%get3A_69, %get3A_70, %get3A_71] : memref<6x32x128xf32, #tpu.memory_space<vmem>>, vector<1x32x128xf32>
    %get3A_73 = vector.shape_cast %get3A_72 : vector<1x32x128xf32> to vector<32x128xf32>
    %dot_general3A_74 = arith.constant dense<0.000000e+00> : vector<512x128xf32>
    %dot_general3A_75 = tpu.matmul %get3A_10, %get3A_73, %dot_general3A_74 {dimension_numbers = #tpu.dot_dimension_numbers<[1], [0], [0], [1], [0, 0, 1, 1], [], []>, transpose_lhs_hint = false} : vector<512x32xf32>, vector<32x128xf32>, vector<512x128xf32> -> vector<512x128xf32>
    %add3A_76 = arith.addf %dot_general3A_68, %dot_general3A_75 : vector<512x128xf32>
    %get3A_77 = arith.constant 2 : index
    %get3A_78 = arith.constant 0 : index
    %get3A_79 = vector.load %arg5[%get3A_77, %get3A_78] : memref<6x128xf32, #tpu.memory_space<vmem>>, vector<1x128xf32>
    %get3A_80 = vector.shape_cast %get3A_79 : vector<1x128xf32> to vector<128xf32>
    %broadcast_in_dim3A_81 = vector.shape_cast %get3A_80 : vector<128xf32> to vector<1x128xf32>
    %add3A_82 = vector.broadcast %broadcast_in_dim3A_81 : vector<1x128xf32> to vector<512x128xf32>
    %add3A_83 = arith.addf %add3A_76, %add3A_82 : vector<512x128xf32>
    %eq3A_84 = arith.constant 2.000000e+00 : f32
    %eq3A_85 = vector.broadcast %eq3A_84 : f32 to vector<512x128xf32>
    %eq3A_86 = arith.cmpf oeq, %broadcast_in_dim3A_7, %eq3A_85 : vector<512x128xf32>
    %select_n3A_87 = arith.select %eq3A_86, %add3A_83, %select_n3A_61 : vector<512x128xi1>, vector<512x128xf32>
    %get3A_88 = arith.constant 3 : index
    %get3A_89 = arith.constant 0 : index
    %get3A_90 = arith.constant 0 : index
    %get3A_91 = vector.load %arg4[%get3A_88, %get3A_89, %get3A_90] : memref<6x32x128xf32, #tpu.memory_space<vmem>>, vector<1x32x128xf32>
    %get3A_92 = vector.shape_cast %get3A_91 : vector<1x32x128xf32> to vector<32x128xf32>
    %dot_general3A_93 = arith.constant dense<0.000000e+00> : vector<512x128xf32>
    %dot_general3A_94 = tpu.matmul %add3A, %get3A_92, %dot_general3A_93 {dimension_numbers = #tpu.dot_dimension_numbers<[1], [0], [0], [1], [0, 0, 1, 1], [], []>, transpose_lhs_hint = false} : vector<512x32xf32>, vector<32x128xf32>, vector<512x128xf32> -> vector<512x128xf32>
    %get3A_95 = arith.constant 3 : index
    %get3A_96 = arith.constant 0 : index
    %get3A_97 = arith.constant 0 : index
    %get3A_98 = vector.load %arg6[%get3A_95, %get3A_96, %get3A_97] : memref<6x32x128xf32, #tpu.memory_space<vmem>>, vector<1x32x128xf32>
    %get3A_99 = vector.shape_cast %get3A_98 : vector<1x32x128xf32> to vector<32x128xf32>
    %dot_general3A_100 = arith.constant dense<0.000000e+00> : vector<512x128xf32>
    %dot_general3A_101 = tpu.matmul %get3A_10, %get3A_99, %dot_general3A_100 {dimension_numbers = #tpu.dot_dimension_numbers<[1], [0], [0], [1], [0, 0, 1, 1], [], []>, transpose_lhs_hint = false} : vector<512x32xf32>, vector<32x128xf32>, vector<512x128xf32> -> vector<512x128xf32>
    %add3A_102 = arith.addf %dot_general3A_94, %dot_general3A_101 : vector<512x128xf32>
    %get3A_103 = arith.constant 3 : index
    %get3A_104 = arith.constant 0 : index
    %get3A_105 = vector.load %arg5[%get3A_103, %get3A_104] : memref<6x128xf32, #tpu.memory_space<vmem>>, vector<1x128xf32>
    %get3A_106 = vector.shape_cast %get3A_105 : vector<1x128xf32> to vector<128xf32>
    %broadcast_in_dim3A_107 = vector.shape_cast %get3A_106 : vector<128xf32> to vector<1x128xf32>
    %add3A_108 = vector.broadcast %broadcast_in_dim3A_107 : vector<1x128xf32> to vector<512x128xf32>
    %add3A_109 = arith.addf %add3A_102, %add3A_108 : vector<512x128xf32>
    %eq3A_110 = arith.constant 3.000000e+00 : f32
    %eq3A_111 = vector.broadcast %eq3A_110 : f32 to vector<512x128xf32>
    %eq3A_112 = arith.cmpf oeq, %broadcast_in_dim3A_7, %eq3A_111 : vector<512x128xf32>
    %select_n3A_113 = arith.select %eq3A_112, %add3A_109, %select_n3A_87 : vector<512x128xi1>, vector<512x128xf32>
    %get3A_114 = arith.constant 4 : index
    %get3A_115 = arith.constant 0 : index
    %get3A_116 = arith.constant 0 : index
    %get3A_117 = vector.load %arg4[%get3A_114, %get3A_115, %get3A_116] : memref<6x32x128xf32, #tpu.memory_space<vmem>>, vector<1x32x128xf32>
    %get3A_118 = vector.shape_cast %get3A_117 : vector<1x32x128xf32> to vector<32x128xf32>
    %dot_general3A_119 = arith.constant dense<0.000000e+00> : vector<512x128xf32>
    %dot_general3A_120 = tpu.matmul %add3A, %get3A_118, %dot_general3A_119 {dimension_numbers = #tpu.dot_dimension_numbers<[1], [0], [0], [1], [0, 0, 1, 1], [], []>, transpose_lhs_hint = false} : vector<512x32xf32>, vector<32x128xf32>, vector<512x128xf32> -> vector<512x128xf32>
    %get3A_121 = arith.constant 4 : index
    %get3A_122 = arith.constant 0 : index
    %get3A_123 = arith.constant 0 : index
    %get3A_124 = vector.load %arg6[%get3A_121, %get3A_122, %get3A_123] : memref<6x32x128xf32, #tpu.memory_space<vmem>>, vector<1x32x128xf32>
    %get3A_125 = vector.shape_cast %get3A_124 : vector<1x32x128xf32> to vector<32x128xf32>
    %dot_general3A_126 = arith.constant dense<0.000000e+00> : vector<512x128xf32>
    %dot_general3A_127 = tpu.matmul %get3A_10, %get3A_125, %dot_general3A_126 {dimension_numbers = #tpu.dot_dimension_numbers<[1], [0], [0], [1], [0, 0, 1, 1], [], []>, transpose_lhs_hint = false} : vector<512x32xf32>, vector<32x128xf32>, vector<512x128xf32> -> vector<512x128xf32>
    %add3A_128 = arith.addf %dot_general3A_120, %dot_general3A_127 : vector<512x128xf32>
    %get3A_129 = arith.constant 4 : index
    %get3A_130 = arith.constant 0 : index
    %get3A_131 = vector.load %arg5[%get3A_129, %get3A_130] : memref<6x128xf32, #tpu.memory_space<vmem>>, vector<1x128xf32>
    %get3A_132 = vector.shape_cast %get3A_131 : vector<1x128xf32> to vector<128xf32>
    %broadcast_in_dim3A_133 = vector.shape_cast %get3A_132 : vector<128xf32> to vector<1x128xf32>
    %add3A_134 = vector.broadcast %broadcast_in_dim3A_133 : vector<1x128xf32> to vector<512x128xf32>
    %add3A_135 = arith.addf %add3A_128, %add3A_134 : vector<512x128xf32>
    %eq3A_136 = arith.constant 4.000000e+00 : f32
    %eq3A_137 = vector.broadcast %eq3A_136 : f32 to vector<512x128xf32>
    %eq3A_138 = arith.cmpf oeq, %broadcast_in_dim3A_7, %eq3A_137 : vector<512x128xf32>
    %select_n3A_139 = arith.select %eq3A_138, %add3A_135, %select_n3A_113 : vector<512x128xi1>, vector<512x128xf32>
    %get3A_140 = arith.constant 5 : index
    %get3A_141 = arith.constant 0 : index
    %get3A_142 = arith.constant 0 : index
    %get3A_143 = vector.load %arg4[%get3A_140, %get3A_141, %get3A_142] : memref<6x32x128xf32, #tpu.memory_space<vmem>>, vector<1x32x128xf32>
    %get3A_144 = vector.shape_cast %get3A_143 : vector<1x32x128xf32> to vector<32x128xf32>
    %dot_general3A_145 = arith.constant dense<0.000000e+00> : vector<512x128xf32>
    %dot_general3A_146 = tpu.matmul %add3A, %get3A_144, %dot_general3A_145 {dimension_numbers = #tpu.dot_dimension_numbers<[1], [0], [0], [1], [0, 0, 1, 1], [], []>, transpose_lhs_hint = false} : vector<512x32xf32>, vector<32x128xf32>, vector<512x128xf32> -> vector<512x128xf32>
    %get3A_147 = arith.constant 5 : index
    %get3A_148 = arith.constant 0 : index
    %get3A_149 = arith.constant 0 : index
    %get3A_150 = vector.load %arg6[%get3A_147, %get3A_148, %get3A_149] : memref<6x32x128xf32, #tpu.memory_space<vmem>>, vector<1x32x128xf32>
    %get3A_151 = vector.shape_cast %get3A_150 : vector<1x32x128xf32> to vector<32x128xf32>
    %dot_general3A_152 = arith.constant dense<0.000000e+00> : vector<512x128xf32>
    %dot_general3A_153 = tpu.matmul %get3A_10, %get3A_151, %dot_general3A_152 {dimension_numbers = #tpu.dot_dimension_numbers<[1], [0], [0], [1], [0, 0, 1, 1], [], []>, transpose_lhs_hint = false} : vector<512x32xf32>, vector<32x128xf32>, vector<512x128xf32> -> vector<512x128xf32>
    %add3A_154 = arith.addf %dot_general3A_146, %dot_general3A_153 : vector<512x128xf32>
    %get3A_155 = arith.constant 5 : index
    %get3A_156 = arith.constant 0 : index
    %get3A_157 = vector.load %arg5[%get3A_155, %get3A_156] : memref<6x128xf32, #tpu.memory_space<vmem>>, vector<1x128xf32>
    %get3A_158 = vector.shape_cast %get3A_157 : vector<1x128xf32> to vector<128xf32>
    %broadcast_in_dim3A_159 = vector.shape_cast %get3A_158 : vector<128xf32> to vector<1x128xf32>
    %add3A_160 = vector.broadcast %broadcast_in_dim3A_159 : vector<1x128xf32> to vector<512x128xf32>
    %add3A_161 = arith.addf %add3A_154, %add3A_160 : vector<512x128xf32>
    %eq3A_162 = arith.constant 5.000000e+00 : f32
    %eq3A_163 = vector.broadcast %eq3A_162 : f32 to vector<512x128xf32>
    %eq3A_164 = arith.cmpf oeq, %broadcast_in_dim3A_7, %eq3A_163 : vector<512x128xf32>
    %select_n3A_165 = arith.select %eq3A_164, %add3A_161, %select_n3A_139 : vector<512x128xi1>, vector<512x128xf32>
    %swap3A = arith.constant 0 : index
    %swap3A_166 = arith.constant 0 : index
    %swap3A_167 = vector.load %arg7[%swap3A, %swap3A_166] : memref<512x128xf32, #tpu.memory_space<vmem>>, vector<512x128xf32>
    tpu.vector_store %arg7[%swap3A, %swap3A_166], %select_n3A_165 {strides = array<i32>} : memref<512x128xf32, #tpu.memory_space<vmem>>, vector<512x128xf32>,
    %swap3A_168 = arith.constant 0 : index
    %swap3A_169 = arith.constant 0 : index
    %swap3A_170 = vector.load %arg8[%swap3A_168, %swap3A_169] : memref<512x128xf32, #tpu.memory_space<vmem>>, vector<512x128xf32>
    tpu.vector_store %arg8[%swap3A_168, %swap3A_169], %broadcast_in_dim3A_7 {strides = array<i32>} : memref<512x128xf32, #tpu.memory_space<vmem>>, vector<512x128xf32>,
    return
  }
  func.func @transform_0(%arg0: i32) -> (i32, i32) {
    %c0_i32 = arith.constant 0 : i32
    %c0_i32_0 = arith.constant 0 : i32
    return %arg0, %c0_i32 : i32, i32
  }
  func.func @transform_1(%arg0: i32) -> (i32, i32) {
    %c0_i32 = arith.constant 0 : i32
    %c0_i32_0 = arith.constant 0 : i32
    return %arg0, %c0_i32 : i32, i32
  }
  func.func @transform_2(%arg0: i32) -> (i32, i32) {
    %c0_i32 = arith.constant 0 : i32
    %c0_i32_0 = arith.constant 0 : i32
    return %arg0, %c0_i32 : i32, i32
  }
  func.func @transform_3(%arg0: i32) -> (i32, i32, i32) {
    %c0_i32 = arith.constant 0 : i32
    %c0_i32_0 = arith.constant 0 : i32
    %c0_i32_1 = arith.constant 0 : i32
    %c0_i32_2 = arith.constant 0 : i32
    return %c0_i32, %c0_i32_0, %c0_i32_1 : i32, i32, i32
  }
  func.func @transform_4(%arg0: i32) -> (i32, i32) {
    %c0_i32 = arith.constant 0 : i32
    %c0_i32_0 = arith.constant 0 : i32
    %c0_i32_1 = arith.constant 0 : i32
    return %c0_i32, %c0_i32_0 : i32, i32
  }
  func.func @transform_5(%arg0: i32) -> (i32, i32, i32) {
    %c0_i32 = arith.constant 0 : i32
    %c0_i32_0 = arith.constant 0 : i32
    %c0_i32_1 = arith.constant 0 : i32
    %c0_i32_2 = arith.constant 0 : i32
    return %c0_i32, %c0_i32_0, %c0_i32_1 : i32, i32, i32
  }
  func.func @transform_6(%arg0: i32) -> (i32, i32) {
    %c0_i32 = arith.constant 0 : i32
    %c0_i32_0 = arith.constant 0 : i32
    return %arg0, %c0_i32 : i32, i32
  }
  func.func @transform_7(%arg0: i32) -> (i32, i32) {
    %c0_i32 = arith.constant 0 : i32
    %c0_i32_0 = arith.constant 0 : i32
    return %arg0, %c0_i32 : i32, i32
  }
}

module attributes {stable_mosaic.version = 14 : i64} {
  func.func @_layer_mid_body(%arg0: i32, %arg1: memref<512x128xf32, #tpu.memory_space<vmem>>, %arg2: memref<512x128xf32, #tpu.memory_space<vmem>>, %arg3: memref<512x128xf32, #tpu.memory_space<vmem>>, %arg4: memref<512x128xf32, #tpu.memory_space<vmem>>, %arg5: memref<6x128x128xf32, #tpu.memory_space<vmem>>, %arg6: memref<6x128xf32, #tpu.memory_space<vmem>>, %arg7: memref<6x128x128xf32, #tpu.memory_space<vmem>>, %arg8: memref<512x128xf32, #tpu.memory_space<vmem>>) attributes {dimension_semantics = [#tpu.dimension_semantics<arbitrary>], iteration_bounds = array<i64: 20>, scalar_prefetch = 0 : i64, scratch_operands = 0 : i64, tpu.core_type = #tpu.core_type<tc>, window_params = [{transform_indices = @transform_0, window_bounds = array<i64: 512, 128>}, {transform_indices = @transform_1, window_bounds = array<i64: 512, 128>}, {transform_indices = @transform_2, window_bounds = array<i64: 512, 128>}, {transform_indices = @transform_3, window_bounds = array<i64: 512, 128>}, {pipeline_mode = #tpu.pipeline_mode<synchronous>, transform_indices = @transform_4, window_bounds = array<i64: 6, 128, 128>}, {pipeline_mode = #tpu.pipeline_mode<synchronous>, transform_indices = @transform_5, window_bounds = array<i64: 6, 128>}, {pipeline_mode = #tpu.pipeline_mode<synchronous>, transform_indices = @transform_6, window_bounds = array<i64: 6, 128, 128>}, {transform_indices = @transform_7, window_bounds = array<i64: 512, 128>}]} {
    %get3A = arith.constant 0 : index
    %get3A_0 = arith.constant 0 : index
    %get3A_1 = vector.load %arg1[%get3A, %get3A_0] : memref<512x128xf32, #tpu.memory_space<vmem>>, vector<512x128xf32>
    %get3A_2 = arith.constant 0 : index
    %get3A_3 = arith.constant 0 : index
    %get3A_4 = vector.load %arg2[%get3A_2, %get3A_3] : memref<512x128xf32, #tpu.memory_space<vmem>>, vector<512x128xf32>
    %add3A = arith.addf %get3A_1, %get3A_4 : vector<512x128xf32>
    %get3A_5 = arith.constant 0 : index
    %get3A_6 = arith.constant 0 : index
    %get3A_7 = vector.load %arg3[%get3A_5, %get3A_6] : memref<512x128xf32, #tpu.memory_space<vmem>>, vector<512x128xf32>
    %get3A_8 = arith.constant 0 : index
    %get3A_9 = arith.constant 0 : index
    %get3A_10 = vector.load %arg4[%get3A_8, %get3A_9] : memref<512x128xf32, #tpu.memory_space<vmem>>, vector<512x128xf32>
    %broadcast_in_dim3A = arith.constant 0.000000e+00 : f32
    %broadcast_in_dim3A_11 = vector.broadcast %broadcast_in_dim3A : f32 to vector<512x128xf32>
    %get3A_12 = arith.constant 0 : index
    %get3A_13 = arith.constant 0 : index
    %get3A_14 = arith.constant 0 : index
    %get3A_15 = vector.load %arg5[%get3A_12, %get3A_13, %get3A_14] : memref<6x128x128xf32, #tpu.memory_space<vmem>>, vector<1x128x128xf32>
    %get3A_16 = vector.shape_cast %get3A_15 : vector<1x128x128xf32> to vector<128x128xf32>
    %dot_general3A = arith.constant dense<0.000000e+00> : vector<512x128xf32>
    %dot_general3A_17 = tpu.matmul %add3A, %get3A_16, %dot_general3A {dimension_numbers = #tpu.dot_dimension_numbers<[1], [0], [0], [1], [0, 0, 1, 1], [], []>, transpose_lhs_hint = false} : vector<512x128xf32>, vector<128x128xf32>, vector<512x128xf32> -> vector<512x128xf32>
    %get3A_18 = arith.constant 0 : index
    %get3A_19 = arith.constant 0 : index
    %get3A_20 = arith.constant 0 : index
    %get3A_21 = vector.load %arg7[%get3A_18, %get3A_19, %get3A_20] : memref<6x128x128xf32, #tpu.memory_space<vmem>>, vector<1x128x128xf32>
    %get3A_22 = vector.shape_cast %get3A_21 : vector<1x128x128xf32> to vector<128x128xf32>
    %dot_general3A_23 = arith.constant dense<0.000000e+00> : vector<512x128xf32>
    %dot_general3A_24 = tpu.matmul %get3A_7, %get3A_22, %dot_general3A_23 {dimension_numbers = #tpu.dot_dimension_numbers<[1], [0], [0], [1], [0, 0, 1, 1], [], []>, transpose_lhs_hint = false} : vector<512x128xf32>, vector<128x128xf32>, vector<512x128xf32> -> vector<512x128xf32>
    %add3A_25 = arith.addf %dot_general3A_17, %dot_general3A_24 : vector<512x128xf32>
    %get3A_26 = arith.constant 0 : index
    %get3A_27 = arith.constant 0 : index
    %get3A_28 = vector.load %arg6[%get3A_26, %get3A_27] : memref<6x128xf32, #tpu.memory_space<vmem>>, vector<1x128xf32>
    %get3A_29 = vector.shape_cast %get3A_28 : vector<1x128xf32> to vector<128xf32>
    %broadcast_in_dim3A_30 = vector.shape_cast %get3A_29 : vector<128xf32> to vector<1x128xf32>
    %add3A_31 = vector.broadcast %broadcast_in_dim3A_30 : vector<1x128xf32> to vector<512x128xf32>
    %add3A_32 = arith.addf %add3A_25, %add3A_31 : vector<512x128xf32>
    %eq3A = arith.constant 0.000000e+00 : f32
    %eq3A_33 = vector.broadcast %eq3A : f32 to vector<512x128xf32>
    %eq3A_34 = arith.cmpf oeq, %get3A_10, %eq3A_33 : vector<512x128xf32>
    %select_n3A = arith.select %eq3A_34, %add3A_32, %broadcast_in_dim3A_11 : vector<512x128xi1>, vector<512x128xf32>
    %get3A_35 = arith.constant 1 : index
    %get3A_36 = arith.constant 0 : index
    %get3A_37 = arith.constant 0 : index
    %get3A_38 = vector.load %arg5[%get3A_35, %get3A_36, %get3A_37] : memref<6x128x128xf32, #tpu.memory_space<vmem>>, vector<1x128x128xf32>
    %get3A_39 = vector.shape_cast %get3A_38 : vector<1x128x128xf32> to vector<128x128xf32>
    %dot_general3A_40 = arith.constant dense<0.000000e+00> : vector<512x128xf32>
    %dot_general3A_41 = tpu.matmul %add3A, %get3A_39, %dot_general3A_40 {dimension_numbers = #tpu.dot_dimension_numbers<[1], [0], [0], [1], [0, 0, 1, 1], [], []>, transpose_lhs_hint = false} : vector<512x128xf32>, vector<128x128xf32>, vector<512x128xf32> -> vector<512x128xf32>
    %get3A_42 = arith.constant 1 : index
    %get3A_43 = arith.constant 0 : index
    %get3A_44 = arith.constant 0 : index
    %get3A_45 = vector.load %arg7[%get3A_42, %get3A_43, %get3A_44] : memref<6x128x128xf32, #tpu.memory_space<vmem>>, vector<1x128x128xf32>
    %get3A_46 = vector.shape_cast %get3A_45 : vector<1x128x128xf32> to vector<128x128xf32>
    %dot_general3A_47 = arith.constant dense<0.000000e+00> : vector<512x128xf32>
    %dot_general3A_48 = tpu.matmul %get3A_7, %get3A_46, %dot_general3A_47 {dimension_numbers = #tpu.dot_dimension_numbers<[1], [0], [0], [1], [0, 0, 1, 1], [], []>, transpose_lhs_hint = false} : vector<512x128xf32>, vector<128x128xf32>, vector<512x128xf32> -> vector<512x128xf32>
    %add3A_49 = arith.addf %dot_general3A_41, %dot_general3A_48 : vector<512x128xf32>
    %get3A_50 = arith.constant 1 : index
    %get3A_51 = arith.constant 0 : index
    %get3A_52 = vector.load %arg6[%get3A_50, %get3A_51] : memref<6x128xf32, #tpu.memory_space<vmem>>, vector<1x128xf32>
    %get3A_53 = vector.shape_cast %get3A_52 : vector<1x128xf32> to vector<128xf32>
    %broadcast_in_dim3A_54 = vector.shape_cast %get3A_53 : vector<128xf32> to vector<1x128xf32>
    %add3A_55 = vector.broadcast %broadcast_in_dim3A_54 : vector<1x128xf32> to vector<512x128xf32>
    %add3A_56 = arith.addf %add3A_49, %add3A_55 : vector<512x128xf32>
    %eq3A_57 = arith.constant 1.000000e+00 : f32
    %eq3A_58 = vector.broadcast %eq3A_57 : f32 to vector<512x128xf32>
    %eq3A_59 = arith.cmpf oeq, %get3A_10, %eq3A_58 : vector<512x128xf32>
    %select_n3A_60 = arith.select %eq3A_59, %add3A_56, %select_n3A : vector<512x128xi1>, vector<512x128xf32>
    %get3A_61 = arith.constant 2 : index
    %get3A_62 = arith.constant 0 : index
    %get3A_63 = arith.constant 0 : index
    %get3A_64 = vector.load %arg5[%get3A_61, %get3A_62, %get3A_63] : memref<6x128x128xf32, #tpu.memory_space<vmem>>, vector<1x128x128xf32>
    %get3A_65 = vector.shape_cast %get3A_64 : vector<1x128x128xf32> to vector<128x128xf32>
    %dot_general3A_66 = arith.constant dense<0.000000e+00> : vector<512x128xf32>
    %dot_general3A_67 = tpu.matmul %add3A, %get3A_65, %dot_general3A_66 {dimension_numbers = #tpu.dot_dimension_numbers<[1], [0], [0], [1], [0, 0, 1, 1], [], []>, transpose_lhs_hint = false} : vector<512x128xf32>, vector<128x128xf32>, vector<512x128xf32> -> vector<512x128xf32>
    %get3A_68 = arith.constant 2 : index
    %get3A_69 = arith.constant 0 : index
    %get3A_70 = arith.constant 0 : index
    %get3A_71 = vector.load %arg7[%get3A_68, %get3A_69, %get3A_70] : memref<6x128x128xf32, #tpu.memory_space<vmem>>, vector<1x128x128xf32>
    %get3A_72 = vector.shape_cast %get3A_71 : vector<1x128x128xf32> to vector<128x128xf32>
    %dot_general3A_73 = arith.constant dense<0.000000e+00> : vector<512x128xf32>
    %dot_general3A_74 = tpu.matmul %get3A_7, %get3A_72, %dot_general3A_73 {dimension_numbers = #tpu.dot_dimension_numbers<[1], [0], [0], [1], [0, 0, 1, 1], [], []>, transpose_lhs_hint = false} : vector<512x128xf32>, vector<128x128xf32>, vector<512x128xf32> -> vector<512x128xf32>
    %add3A_75 = arith.addf %dot_general3A_67, %dot_general3A_74 : vector<512x128xf32>
    %get3A_76 = arith.constant 2 : index
    %get3A_77 = arith.constant 0 : index
    %get3A_78 = vector.load %arg6[%get3A_76, %get3A_77] : memref<6x128xf32, #tpu.memory_space<vmem>>, vector<1x128xf32>
    %get3A_79 = vector.shape_cast %get3A_78 : vector<1x128xf32> to vector<128xf32>
    %broadcast_in_dim3A_80 = vector.shape_cast %get3A_79 : vector<128xf32> to vector<1x128xf32>
    %add3A_81 = vector.broadcast %broadcast_in_dim3A_80 : vector<1x128xf32> to vector<512x128xf32>
    %add3A_82 = arith.addf %add3A_75, %add3A_81 : vector<512x128xf32>
    %eq3A_83 = arith.constant 2.000000e+00 : f32
    %eq3A_84 = vector.broadcast %eq3A_83 : f32 to vector<512x128xf32>
    %eq3A_85 = arith.cmpf oeq, %get3A_10, %eq3A_84 : vector<512x128xf32>
    %select_n3A_86 = arith.select %eq3A_85, %add3A_82, %select_n3A_60 : vector<512x128xi1>, vector<512x128xf32>
    %get3A_87 = arith.constant 3 : index
    %get3A_88 = arith.constant 0 : index
    %get3A_89 = arith.constant 0 : index
    %get3A_90 = vector.load %arg5[%get3A_87, %get3A_88, %get3A_89] : memref<6x128x128xf32, #tpu.memory_space<vmem>>, vector<1x128x128xf32>
    %get3A_91 = vector.shape_cast %get3A_90 : vector<1x128x128xf32> to vector<128x128xf32>
    %dot_general3A_92 = arith.constant dense<0.000000e+00> : vector<512x128xf32>
    %dot_general3A_93 = tpu.matmul %add3A, %get3A_91, %dot_general3A_92 {dimension_numbers = #tpu.dot_dimension_numbers<[1], [0], [0], [1], [0, 0, 1, 1], [], []>, transpose_lhs_hint = false} : vector<512x128xf32>, vector<128x128xf32>, vector<512x128xf32> -> vector<512x128xf32>
    %get3A_94 = arith.constant 3 : index
    %get3A_95 = arith.constant 0 : index
    %get3A_96 = arith.constant 0 : index
    %get3A_97 = vector.load %arg7[%get3A_94, %get3A_95, %get3A_96] : memref<6x128x128xf32, #tpu.memory_space<vmem>>, vector<1x128x128xf32>
    %get3A_98 = vector.shape_cast %get3A_97 : vector<1x128x128xf32> to vector<128x128xf32>
    %dot_general3A_99 = arith.constant dense<0.000000e+00> : vector<512x128xf32>
    %dot_general3A_100 = tpu.matmul %get3A_7, %get3A_98, %dot_general3A_99 {dimension_numbers = #tpu.dot_dimension_numbers<[1], [0], [0], [1], [0, 0, 1, 1], [], []>, transpose_lhs_hint = false} : vector<512x128xf32>, vector<128x128xf32>, vector<512x128xf32> -> vector<512x128xf32>
    %add3A_101 = arith.addf %dot_general3A_93, %dot_general3A_100 : vector<512x128xf32>
    %get3A_102 = arith.constant 3 : index
    %get3A_103 = arith.constant 0 : index
    %get3A_104 = vector.load %arg6[%get3A_102, %get3A_103] : memref<6x128xf32, #tpu.memory_space<vmem>>, vector<1x128xf32>
    %get3A_105 = vector.shape_cast %get3A_104 : vector<1x128xf32> to vector<128xf32>
    %broadcast_in_dim3A_106 = vector.shape_cast %get3A_105 : vector<128xf32> to vector<1x128xf32>
    %add3A_107 = vector.broadcast %broadcast_in_dim3A_106 : vector<1x128xf32> to vector<512x128xf32>
    %add3A_108 = arith.addf %add3A_101, %add3A_107 : vector<512x128xf32>
    %eq3A_109 = arith.constant 3.000000e+00 : f32
    %eq3A_110 = vector.broadcast %eq3A_109 : f32 to vector<512x128xf32>
    %eq3A_111 = arith.cmpf oeq, %get3A_10, %eq3A_110 : vector<512x128xf32>
    %select_n3A_112 = arith.select %eq3A_111, %add3A_108, %select_n3A_86 : vector<512x128xi1>, vector<512x128xf32>
    %get3A_113 = arith.constant 4 : index
    %get3A_114 = arith.constant 0 : index
    %get3A_115 = arith.constant 0 : index
    %get3A_116 = vector.load %arg5[%get3A_113, %get3A_114, %get3A_115] : memref<6x128x128xf32, #tpu.memory_space<vmem>>, vector<1x128x128xf32>
    %get3A_117 = vector.shape_cast %get3A_116 : vector<1x128x128xf32> to vector<128x128xf32>
    %dot_general3A_118 = arith.constant dense<0.000000e+00> : vector<512x128xf32>
    %dot_general3A_119 = tpu.matmul %add3A, %get3A_117, %dot_general3A_118 {dimension_numbers = #tpu.dot_dimension_numbers<[1], [0], [0], [1], [0, 0, 1, 1], [], []>, transpose_lhs_hint = false} : vector<512x128xf32>, vector<128x128xf32>, vector<512x128xf32> -> vector<512x128xf32>
    %get3A_120 = arith.constant 4 : index
    %get3A_121 = arith.constant 0 : index
    %get3A_122 = arith.constant 0 : index
    %get3A_123 = vector.load %arg7[%get3A_120, %get3A_121, %get3A_122] : memref<6x128x128xf32, #tpu.memory_space<vmem>>, vector<1x128x128xf32>
    %get3A_124 = vector.shape_cast %get3A_123 : vector<1x128x128xf32> to vector<128x128xf32>
    %dot_general3A_125 = arith.constant dense<0.000000e+00> : vector<512x128xf32>
    %dot_general3A_126 = tpu.matmul %get3A_7, %get3A_124, %dot_general3A_125 {dimension_numbers = #tpu.dot_dimension_numbers<[1], [0], [0], [1], [0, 0, 1, 1], [], []>, transpose_lhs_hint = false} : vector<512x128xf32>, vector<128x128xf32>, vector<512x128xf32> -> vector<512x128xf32>
    %add3A_127 = arith.addf %dot_general3A_119, %dot_general3A_126 : vector<512x128xf32>
    %get3A_128 = arith.constant 4 : index
    %get3A_129 = arith.constant 0 : index
    %get3A_130 = vector.load %arg6[%get3A_128, %get3A_129] : memref<6x128xf32, #tpu.memory_space<vmem>>, vector<1x128xf32>
    %get3A_131 = vector.shape_cast %get3A_130 : vector<1x128xf32> to vector<128xf32>
    %broadcast_in_dim3A_132 = vector.shape_cast %get3A_131 : vector<128xf32> to vector<1x128xf32>
    %add3A_133 = vector.broadcast %broadcast_in_dim3A_132 : vector<1x128xf32> to vector<512x128xf32>
    %add3A_134 = arith.addf %add3A_127, %add3A_133 : vector<512x128xf32>
    %eq3A_135 = arith.constant 4.000000e+00 : f32
    %eq3A_136 = vector.broadcast %eq3A_135 : f32 to vector<512x128xf32>
    %eq3A_137 = arith.cmpf oeq, %get3A_10, %eq3A_136 : vector<512x128xf32>
    %select_n3A_138 = arith.select %eq3A_137, %add3A_134, %select_n3A_112 : vector<512x128xi1>, vector<512x128xf32>
    %get3A_139 = arith.constant 5 : index
    %get3A_140 = arith.constant 0 : index
    %get3A_141 = arith.constant 0 : index
    %get3A_142 = vector.load %arg5[%get3A_139, %get3A_140, %get3A_141] : memref<6x128x128xf32, #tpu.memory_space<vmem>>, vector<1x128x128xf32>
    %get3A_143 = vector.shape_cast %get3A_142 : vector<1x128x128xf32> to vector<128x128xf32>
    %dot_general3A_144 = arith.constant dense<0.000000e+00> : vector<512x128xf32>
    %dot_general3A_145 = tpu.matmul %add3A, %get3A_143, %dot_general3A_144 {dimension_numbers = #tpu.dot_dimension_numbers<[1], [0], [0], [1], [0, 0, 1, 1], [], []>, transpose_lhs_hint = false} : vector<512x128xf32>, vector<128x128xf32>, vector<512x128xf32> -> vector<512x128xf32>
    %get3A_146 = arith.constant 5 : index
    %get3A_147 = arith.constant 0 : index
    %get3A_148 = arith.constant 0 : index
    %get3A_149 = vector.load %arg7[%get3A_146, %get3A_147, %get3A_148] : memref<6x128x128xf32, #tpu.memory_space<vmem>>, vector<1x128x128xf32>
    %get3A_150 = vector.shape_cast %get3A_149 : vector<1x128x128xf32> to vector<128x128xf32>
    %dot_general3A_151 = arith.constant dense<0.000000e+00> : vector<512x128xf32>
    %dot_general3A_152 = tpu.matmul %get3A_7, %get3A_150, %dot_general3A_151 {dimension_numbers = #tpu.dot_dimension_numbers<[1], [0], [0], [1], [0, 0, 1, 1], [], []>, transpose_lhs_hint = false} : vector<512x128xf32>, vector<128x128xf32>, vector<512x128xf32> -> vector<512x128xf32>
    %add3A_153 = arith.addf %dot_general3A_145, %dot_general3A_152 : vector<512x128xf32>
    %get3A_154 = arith.constant 5 : index
    %get3A_155 = arith.constant 0 : index
    %get3A_156 = vector.load %arg6[%get3A_154, %get3A_155] : memref<6x128xf32, #tpu.memory_space<vmem>>, vector<1x128xf32>
    %get3A_157 = vector.shape_cast %get3A_156 : vector<1x128xf32> to vector<128xf32>
    %broadcast_in_dim3A_158 = vector.shape_cast %get3A_157 : vector<128xf32> to vector<1x128xf32>
    %add3A_159 = vector.broadcast %broadcast_in_dim3A_158 : vector<1x128xf32> to vector<512x128xf32>
    %add3A_160 = arith.addf %add3A_153, %add3A_159 : vector<512x128xf32>
    %eq3A_161 = arith.constant 5.000000e+00 : f32
    %eq3A_162 = vector.broadcast %eq3A_161 : f32 to vector<512x128xf32>
    %eq3A_163 = arith.cmpf oeq, %get3A_10, %eq3A_162 : vector<512x128xf32>
    %select_n3A_164 = arith.select %eq3A_163, %add3A_160, %select_n3A_138 : vector<512x128xi1>, vector<512x128xf32>
    %swap3A = arith.constant 0 : index
    %swap3A_165 = arith.constant 0 : index
    %swap3A_166 = vector.load %arg8[%swap3A, %swap3A_165] : memref<512x128xf32, #tpu.memory_space<vmem>>, vector<512x128xf32>
    tpu.vector_store %arg8[%swap3A, %swap3A_165], %select_n3A_164 {strides = array<i32>} : memref<512x128xf32, #tpu.memory_space<vmem>>, vector<512x128xf32>,
    return
  }
  func.func @transform_0(%arg0: i32) -> (i32, i32) {
    %c0_i32 = arith.constant 0 : i32
    %c0_i32_0 = arith.constant 0 : i32
    return %arg0, %c0_i32 : i32, i32
  }
  func.func @transform_1(%arg0: i32) -> (i32, i32) {
    %c0_i32 = arith.constant 0 : i32
    %c0_i32_0 = arith.constant 0 : i32
    return %arg0, %c0_i32 : i32, i32
  }
  func.func @transform_2(%arg0: i32) -> (i32, i32) {
    %c0_i32 = arith.constant 0 : i32
    %c0_i32_0 = arith.constant 0 : i32
    return %arg0, %c0_i32 : i32, i32
  }
  func.func @transform_3(%arg0: i32) -> (i32, i32) {
    %c0_i32 = arith.constant 0 : i32
    %c0_i32_0 = arith.constant 0 : i32
    return %arg0, %c0_i32 : i32, i32
  }
  func.func @transform_4(%arg0: i32) -> (i32, i32, i32) {
    %c0_i32 = arith.constant 0 : i32
    %c0_i32_0 = arith.constant 0 : i32
    %c0_i32_1 = arith.constant 0 : i32
    %c0_i32_2 = arith.constant 0 : i32
    return %c0_i32, %c0_i32_0, %c0_i32_1 : i32, i32, i32
  }
  func.func @transform_5(%arg0: i32) -> (i32, i32) {
    %c0_i32 = arith.constant 0 : i32
    %c0_i32_0 = arith.constant 0 : i32
    %c0_i32_1 = arith.constant 0 : i32
    return %c0_i32, %c0_i32_0 : i32, i32
  }
  func.func @transform_6(%arg0: i32) -> (i32, i32, i32) {
    %c0_i32 = arith.constant 0 : i32
    %c0_i32_0 = arith.constant 0 : i32
    %c0_i32_1 = arith.constant 0 : i32
    %c0_i32_2 = arith.constant 0 : i32
    return %c0_i32, %c0_i32_0, %c0_i32_1 : i32, i32, i32
  }
  func.func @transform_7(%arg0: i32) -> (i32, i32) {
    %c0_i32 = arith.constant 0 : i32
    %c0_i32_0 = arith.constant 0 : i32
    return %arg0, %c0_i32 : i32, i32
  }
}

module attributes {stable_mosaic.version = 14 : i64} {
  func.func @_layer4_body(%arg0: i32, %arg1: memref<512x128xf32, #tpu.memory_space<vmem>>, %arg2: memref<512x128xf32, #tpu.memory_space<vmem>>, %arg3: memref<512x128xf32, #tpu.memory_space<vmem>>, %arg4: memref<512x128xf32, #tpu.memory_space<vmem>>, %arg5: memref<512x128xf32, #tpu.memory_space<vmem>>, %arg6: memref<6x128x128xf32, #tpu.memory_space<vmem>>, %arg7: memref<6x128xf32, #tpu.memory_space<vmem>>, %arg8: memref<6x128x128xf32, #tpu.memory_space<vmem>>, %arg9: memref<128x128xf32, #tpu.memory_space<vmem>>, %arg10: memref<1x128xf32, #tpu.memory_space<vmem>>, %arg11: memref<128x128xf32, #tpu.memory_space<vmem>>, %arg12: memref<1x128xf32, #tpu.memory_space<vmem>>, %arg13: memref<512x128xf32, #tpu.memory_space<vmem>>) attributes {dimension_semantics = [#tpu.dimension_semantics<arbitrary>], iteration_bounds = array<i64: 20>, scalar_prefetch = 0 : i64, scratch_operands = 0 : i64, tpu.core_type = #tpu.core_type<tc>, window_params = [{transform_indices = @transform_0, window_bounds = array<i64: 512, 128>}, {transform_indices = @transform_1, window_bounds = array<i64: 512, 128>}, {transform_indices = @transform_2, window_bounds = array<i64: 512, 128>}, {transform_indices = @transform_3, window_bounds = array<i64: 512, 128>}, {transform_indices = @transform_4, window_bounds = array<i64: 512, 128>}, {pipeline_mode = #tpu.pipeline_mode<synchronous>, transform_indices = @transform_5, window_bounds = array<i64: 6, 128, 128>}, {pipeline_mode = #tpu.pipeline_mode<synchronous>, transform_indices = @transform_6, window_bounds = array<i64: 6, 128>}, {pipeline_mode = #tpu.pipeline_mode<synchronous>, transform_indices = @transform_7, window_bounds = array<i64: 6, 128, 128>}, {pipeline_mode = #tpu.pipeline_mode<synchronous>, transform_indices = @transform_8, window_bounds = array<i64: 128, 128>}, {pipeline_mode = #tpu.pipeline_mode<synchronous>, transform_indices = @transform_9, window_bounds = array<i64: 1, 128>}, {pipeline_mode = #tpu.pipeline_mode<synchronous>, transform_indices = @transform_10, window_bounds = array<i64: 128, 128>}, {pipeline_mode = #tpu.pipeline_mode<synchronous>, transform_indices = @transform_11, window_bounds = array<i64: 1, 128>}, {transform_indices = @transform_12, window_bounds = array<i64: 512, 128>}]} {
    %get3A = arith.constant 0 : index
    %get3A_0 = arith.constant 0 : index
    %get3A_1 = vector.load %arg1[%get3A, %get3A_0] : memref<512x128xf32, #tpu.memory_space<vmem>>, vector<512x128xf32>
    %get3A_2 = arith.constant 0 : index
    %get3A_3 = arith.constant 0 : index
    %get3A_4 = vector.load %arg2[%get3A_2, %get3A_3] : memref<512x128xf32, #tpu.memory_space<vmem>>, vector<512x128xf32>
    %add3A = arith.addf %get3A_1, %get3A_4 : vector<512x128xf32>
    %get3A_5 = arith.constant 0 : index
    %get3A_6 = arith.constant 0 : index
    %get3A_7 = vector.load %arg3[%get3A_5, %get3A_6] : memref<512x128xf32, #tpu.memory_space<vmem>>, vector<512x128xf32>
    %get3A_8 = arith.constant 0 : index
    %get3A_9 = arith.constant 0 : index
    %get3A_10 = vector.load %arg4[%get3A_8, %get3A_9] : memref<512x128xf32, #tpu.memory_space<vmem>>, vector<512x128xf32>
    %broadcast_in_dim3A = arith.constant 0.000000e+00 : f32
    %broadcast_in_dim3A_11 = vector.broadcast %broadcast_in_dim3A : f32 to vector<512x128xf32>
    %get3A_12 = arith.constant 0 : index
    %get3A_13 = arith.constant 0 : index
    %get3A_14 = arith.constant 0 : index
    %get3A_15 = vector.load %arg6[%get3A_12, %get3A_13, %get3A_14] : memref<6x128x128xf32, #tpu.memory_space<vmem>>, vector<1x128x128xf32>
    %get3A_16 = vector.shape_cast %get3A_15 : vector<1x128x128xf32> to vector<128x128xf32>
    %dot_general3A = arith.constant dense<0.000000e+00> : vector<512x128xf32>
    %dot_general3A_17 = tpu.matmul %add3A, %get3A_16, %dot_general3A {dimension_numbers = #tpu.dot_dimension_numbers<[1], [0], [0], [1], [0, 0, 1, 1], [], []>, transpose_lhs_hint = false} : vector<512x128xf32>, vector<128x128xf32>, vector<512x128xf32> -> vector<512x128xf32>
    %get3A_18 = arith.constant 0 : index
    %get3A_19 = arith.constant 0 : index
    %get3A_20 = arith.constant 0 : index
    %get3A_21 = vector.load %arg8[%get3A_18, %get3A_19, %get3A_20] : memref<6x128x128xf32, #tpu.memory_space<vmem>>, vector<1x128x128xf32>
    %get3A_22 = vector.shape_cast %get3A_21 : vector<1x128x128xf32> to vector<128x128xf32>
    %dot_general3A_23 = arith.constant dense<0.000000e+00> : vector<512x128xf32>
    %dot_general3A_24 = tpu.matmul %get3A_7, %get3A_22, %dot_general3A_23 {dimension_numbers = #tpu.dot_dimension_numbers<[1], [0], [0], [1], [0, 0, 1, 1], [], []>, transpose_lhs_hint = false} : vector<512x128xf32>, vector<128x128xf32>, vector<512x128xf32> -> vector<512x128xf32>
    %add3A_25 = arith.addf %dot_general3A_17, %dot_general3A_24 : vector<512x128xf32>
    %get3A_26 = arith.constant 0 : index
    %get3A_27 = arith.constant 0 : index
    %get3A_28 = vector.load %arg7[%get3A_26, %get3A_27] : memref<6x128xf32, #tpu.memory_space<vmem>>, vector<1x128xf32>
    %get3A_29 = vector.shape_cast %get3A_28 : vector<1x128xf32> to vector<128xf32>
    %broadcast_in_dim3A_30 = vector.shape_cast %get3A_29 : vector<128xf32> to vector<1x128xf32>
    %add3A_31 = vector.broadcast %broadcast_in_dim3A_30 : vector<1x128xf32> to vector<512x128xf32>
    %add3A_32 = arith.addf %add3A_25, %add3A_31 : vector<512x128xf32>
    %eq3A = arith.constant 0.000000e+00 : f32
    %eq3A_33 = vector.broadcast %eq3A : f32 to vector<512x128xf32>
    %eq3A_34 = arith.cmpf oeq, %get3A_10, %eq3A_33 : vector<512x128xf32>
    %select_n3A = arith.select %eq3A_34, %add3A_32, %broadcast_in_dim3A_11 : vector<512x128xi1>, vector<512x128xf32>
    %get3A_35 = arith.constant 1 : index
    %get3A_36 = arith.constant 0 : index
    %get3A_37 = arith.constant 0 : index
    %get3A_38 = vector.load %arg6[%get3A_35, %get3A_36, %get3A_37] : memref<6x128x128xf32, #tpu.memory_space<vmem>>, vector<1x128x128xf32>
    %get3A_39 = vector.shape_cast %get3A_38 : vector<1x128x128xf32> to vector<128x128xf32>
    %dot_general3A_40 = arith.constant dense<0.000000e+00> : vector<512x128xf32>
    %dot_general3A_41 = tpu.matmul %add3A, %get3A_39, %dot_general3A_40 {dimension_numbers = #tpu.dot_dimension_numbers<[1], [0], [0], [1], [0, 0, 1, 1], [], []>, transpose_lhs_hint = false} : vector<512x128xf32>, vector<128x128xf32>, vector<512x128xf32> -> vector<512x128xf32>
    %get3A_42 = arith.constant 1 : index
    %get3A_43 = arith.constant 0 : index
    %get3A_44 = arith.constant 0 : index
    %get3A_45 = vector.load %arg8[%get3A_42, %get3A_43, %get3A_44] : memref<6x128x128xf32, #tpu.memory_space<vmem>>, vector<1x128x128xf32>
    %get3A_46 = vector.shape_cast %get3A_45 : vector<1x128x128xf32> to vector<128x128xf32>
    %dot_general3A_47 = arith.constant dense<0.000000e+00> : vector<512x128xf32>
    %dot_general3A_48 = tpu.matmul %get3A_7, %get3A_46, %dot_general3A_47 {dimension_numbers = #tpu.dot_dimension_numbers<[1], [0], [0], [1], [0, 0, 1, 1], [], []>, transpose_lhs_hint = false} : vector<512x128xf32>, vector<128x128xf32>, vector<512x128xf32> -> vector<512x128xf32>
    %add3A_49 = arith.addf %dot_general3A_41, %dot_general3A_48 : vector<512x128xf32>
    %get3A_50 = arith.constant 1 : index
    %get3A_51 = arith.constant 0 : index
    %get3A_52 = vector.load %arg7[%get3A_50, %get3A_51] : memref<6x128xf32, #tpu.memory_space<vmem>>, vector<1x128xf32>
    %get3A_53 = vector.shape_cast %get3A_52 : vector<1x128xf32> to vector<128xf32>
    %broadcast_in_dim3A_54 = vector.shape_cast %get3A_53 : vector<128xf32> to vector<1x128xf32>
    %add3A_55 = vector.broadcast %broadcast_in_dim3A_54 : vector<1x128xf32> to vector<512x128xf32>
    %add3A_56 = arith.addf %add3A_49, %add3A_55 : vector<512x128xf32>
    %eq3A_57 = arith.constant 1.000000e+00 : f32
    %eq3A_58 = vector.broadcast %eq3A_57 : f32 to vector<512x128xf32>
    %eq3A_59 = arith.cmpf oeq, %get3A_10, %eq3A_58 : vector<512x128xf32>
    %select_n3A_60 = arith.select %eq3A_59, %add3A_56, %select_n3A : vector<512x128xi1>, vector<512x128xf32>
    %get3A_61 = arith.constant 2 : index
    %get3A_62 = arith.constant 0 : index
    %get3A_63 = arith.constant 0 : index
    %get3A_64 = vector.load %arg6[%get3A_61, %get3A_62, %get3A_63] : memref<6x128x128xf32, #tpu.memory_space<vmem>>, vector<1x128x128xf32>
    %get3A_65 = vector.shape_cast %get3A_64 : vector<1x128x128xf32> to vector<128x128xf32>
    %dot_general3A_66 = arith.constant dense<0.000000e+00> : vector<512x128xf32>
    %dot_general3A_67 = tpu.matmul %add3A, %get3A_65, %dot_general3A_66 {dimension_numbers = #tpu.dot_dimension_numbers<[1], [0], [0], [1], [0, 0, 1, 1], [], []>, transpose_lhs_hint = false} : vector<512x128xf32>, vector<128x128xf32>, vector<512x128xf32> -> vector<512x128xf32>
    %get3A_68 = arith.constant 2 : index
    %get3A_69 = arith.constant 0 : index
    %get3A_70 = arith.constant 0 : index
    %get3A_71 = vector.load %arg8[%get3A_68, %get3A_69, %get3A_70] : memref<6x128x128xf32, #tpu.memory_space<vmem>>, vector<1x128x128xf32>
    %get3A_72 = vector.shape_cast %get3A_71 : vector<1x128x128xf32> to vector<128x128xf32>
    %dot_general3A_73 = arith.constant dense<0.000000e+00> : vector<512x128xf32>
    %dot_general3A_74 = tpu.matmul %get3A_7, %get3A_72, %dot_general3A_73 {dimension_numbers = #tpu.dot_dimension_numbers<[1], [0], [0], [1], [0, 0, 1, 1], [], []>, transpose_lhs_hint = false} : vector<512x128xf32>, vector<128x128xf32>, vector<512x128xf32> -> vector<512x128xf32>
    %add3A_75 = arith.addf %dot_general3A_67, %dot_general3A_74 : vector<512x128xf32>
    %get3A_76 = arith.constant 2 : index
    %get3A_77 = arith.constant 0 : index
    %get3A_78 = vector.load %arg7[%get3A_76, %get3A_77] : memref<6x128xf32, #tpu.memory_space<vmem>>, vector<1x128xf32>
    %get3A_79 = vector.shape_cast %get3A_78 : vector<1x128xf32> to vector<128xf32>
    %broadcast_in_dim3A_80 = vector.shape_cast %get3A_79 : vector<128xf32> to vector<1x128xf32>
    %add3A_81 = vector.broadcast %broadcast_in_dim3A_80 : vector<1x128xf32> to vector<512x128xf32>
    %add3A_82 = arith.addf %add3A_75, %add3A_81 : vector<512x128xf32>
    %eq3A_83 = arith.constant 2.000000e+00 : f32
    %eq3A_84 = vector.broadcast %eq3A_83 : f32 to vector<512x128xf32>
    %eq3A_85 = arith.cmpf oeq, %get3A_10, %eq3A_84 : vector<512x128xf32>
    %select_n3A_86 = arith.select %eq3A_85, %add3A_82, %select_n3A_60 : vector<512x128xi1>, vector<512x128xf32>
    %get3A_87 = arith.constant 3 : index
    %get3A_88 = arith.constant 0 : index
    %get3A_89 = arith.constant 0 : index
    %get3A_90 = vector.load %arg6[%get3A_87, %get3A_88, %get3A_89] : memref<6x128x128xf32, #tpu.memory_space<vmem>>, vector<1x128x128xf32>
    %get3A_91 = vector.shape_cast %get3A_90 : vector<1x128x128xf32> to vector<128x128xf32>
    %dot_general3A_92 = arith.constant dense<0.000000e+00> : vector<512x128xf32>
    %dot_general3A_93 = tpu.matmul %add3A, %get3A_91, %dot_general3A_92 {dimension_numbers = #tpu.dot_dimension_numbers<[1], [0], [0], [1], [0, 0, 1, 1], [], []>, transpose_lhs_hint = false} : vector<512x128xf32>, vector<128x128xf32>, vector<512x128xf32> -> vector<512x128xf32>
    %get3A_94 = arith.constant 3 : index
    %get3A_95 = arith.constant 0 : index
    %get3A_96 = arith.constant 0 : index
    %get3A_97 = vector.load %arg8[%get3A_94, %get3A_95, %get3A_96] : memref<6x128x128xf32, #tpu.memory_space<vmem>>, vector<1x128x128xf32>
    %get3A_98 = vector.shape_cast %get3A_97 : vector<1x128x128xf32> to vector<128x128xf32>
    %dot_general3A_99 = arith.constant dense<0.000000e+00> : vector<512x128xf32>
    %dot_general3A_100 = tpu.matmul %get3A_7, %get3A_98, %dot_general3A_99 {dimension_numbers = #tpu.dot_dimension_numbers<[1], [0], [0], [1], [0, 0, 1, 1], [], []>, transpose_lhs_hint = false} : vector<512x128xf32>, vector<128x128xf32>, vector<512x128xf32> -> vector<512x128xf32>
    %add3A_101 = arith.addf %dot_general3A_93, %dot_general3A_100 : vector<512x128xf32>
    %get3A_102 = arith.constant 3 : index
    %get3A_103 = arith.constant 0 : index
    %get3A_104 = vector.load %arg7[%get3A_102, %get3A_103] : memref<6x128xf32, #tpu.memory_space<vmem>>, vector<1x128xf32>
    %get3A_105 = vector.shape_cast %get3A_104 : vector<1x128xf32> to vector<128xf32>
    %broadcast_in_dim3A_106 = vector.shape_cast %get3A_105 : vector<128xf32> to vector<1x128xf32>
    %add3A_107 = vector.broadcast %broadcast_in_dim3A_106 : vector<1x128xf32> to vector<512x128xf32>
    %add3A_108 = arith.addf %add3A_101, %add3A_107 : vector<512x128xf32>
    %eq3A_109 = arith.constant 3.000000e+00 : f32
    %eq3A_110 = vector.broadcast %eq3A_109 : f32 to vector<512x128xf32>
    %eq3A_111 = arith.cmpf oeq, %get3A_10, %eq3A_110 : vector<512x128xf32>
    %select_n3A_112 = arith.select %eq3A_111, %add3A_108, %select_n3A_86 : vector<512x128xi1>, vector<512x128xf32>
    %get3A_113 = arith.constant 4 : index
    %get3A_114 = arith.constant 0 : index
    %get3A_115 = arith.constant 0 : index
    %get3A_116 = vector.load %arg6[%get3A_113, %get3A_114, %get3A_115] : memref<6x128x128xf32, #tpu.memory_space<vmem>>, vector<1x128x128xf32>
    %get3A_117 = vector.shape_cast %get3A_116 : vector<1x128x128xf32> to vector<128x128xf32>
    %dot_general3A_118 = arith.constant dense<0.000000e+00> : vector<512x128xf32>
    %dot_general3A_119 = tpu.matmul %add3A, %get3A_117, %dot_general3A_118 {dimension_numbers = #tpu.dot_dimension_numbers<[1], [0], [0], [1], [0, 0, 1, 1], [], []>, transpose_lhs_hint = false} : vector<512x128xf32>, vector<128x128xf32>, vector<512x128xf32> -> vector<512x128xf32>
    %get3A_120 = arith.constant 4 : index
    %get3A_121 = arith.constant 0 : index
    %get3A_122 = arith.constant 0 : index
    %get3A_123 = vector.load %arg8[%get3A_120, %get3A_121, %get3A_122] : memref<6x128x128xf32, #tpu.memory_space<vmem>>, vector<1x128x128xf32>
    %get3A_124 = vector.shape_cast %get3A_123 : vector<1x128x128xf32> to vector<128x128xf32>
    %dot_general3A_125 = arith.constant dense<0.000000e+00> : vector<512x128xf32>
    %dot_general3A_126 = tpu.matmul %get3A_7, %get3A_124, %dot_general3A_125 {dimension_numbers = #tpu.dot_dimension_numbers<[1], [0], [0], [1], [0, 0, 1, 1], [], []>, transpose_lhs_hint = false} : vector<512x128xf32>, vector<128x128xf32>, vector<512x128xf32> -> vector<512x128xf32>
    %add3A_127 = arith.addf %dot_general3A_119, %dot_general3A_126 : vector<512x128xf32>
    %get3A_128 = arith.constant 4 : index
    %get3A_129 = arith.constant 0 : index
    %get3A_130 = vector.load %arg7[%get3A_128, %get3A_129] : memref<6x128xf32, #tpu.memory_space<vmem>>, vector<1x128xf32>
    %get3A_131 = vector.shape_cast %get3A_130 : vector<1x128xf32> to vector<128xf32>
    %broadcast_in_dim3A_132 = vector.shape_cast %get3A_131 : vector<128xf32> to vector<1x128xf32>
    %add3A_133 = vector.broadcast %broadcast_in_dim3A_132 : vector<1x128xf32> to vector<512x128xf32>
    %add3A_134 = arith.addf %add3A_127, %add3A_133 : vector<512x128xf32>
    %eq3A_135 = arith.constant 4.000000e+00 : f32
    %eq3A_136 = vector.broadcast %eq3A_135 : f32 to vector<512x128xf32>
    %eq3A_137 = arith.cmpf oeq, %get3A_10, %eq3A_136 : vector<512x128xf32>
    %select_n3A_138 = arith.select %eq3A_137, %add3A_134, %select_n3A_112 : vector<512x128xi1>, vector<512x128xf32>
    %get3A_139 = arith.constant 5 : index
    %get3A_140 = arith.constant 0 : index
    %get3A_141 = arith.constant 0 : index
    %get3A_142 = vector.load %arg6[%get3A_139, %get3A_140, %get3A_141] : memref<6x128x128xf32, #tpu.memory_space<vmem>>, vector<1x128x128xf32>
    %get3A_143 = vector.shape_cast %get3A_142 : vector<1x128x128xf32> to vector<128x128xf32>
    %dot_general3A_144 = arith.constant dense<0.000000e+00> : vector<512x128xf32>
    %dot_general3A_145 = tpu.matmul %add3A, %get3A_143, %dot_general3A_144 {dimension_numbers = #tpu.dot_dimension_numbers<[1], [0], [0], [1], [0, 0, 1, 1], [], []>, transpose_lhs_hint = false} : vector<512x128xf32>, vector<128x128xf32>, vector<512x128xf32> -> vector<512x128xf32>
    %get3A_146 = arith.constant 5 : index
    %get3A_147 = arith.constant 0 : index
    %get3A_148 = arith.constant 0 : index
    %get3A_149 = vector.load %arg8[%get3A_146, %get3A_147, %get3A_148] : memref<6x128x128xf32, #tpu.memory_space<vmem>>, vector<1x128x128xf32>
    %get3A_150 = vector.shape_cast %get3A_149 : vector<1x128x128xf32> to vector<128x128xf32>
    %dot_general3A_151 = arith.constant dense<0.000000e+00> : vector<512x128xf32>
    %dot_general3A_152 = tpu.matmul %get3A_7, %get3A_150, %dot_general3A_151 {dimension_numbers = #tpu.dot_dimension_numbers<[1], [0], [0], [1], [0, 0, 1, 1], [], []>, transpose_lhs_hint = false} : vector<512x128xf32>, vector<128x128xf32>, vector<512x128xf32> -> vector<512x128xf32>
    %add3A_153 = arith.addf %dot_general3A_145, %dot_general3A_152 : vector<512x128xf32>
    %get3A_154 = arith.constant 5 : index
    %get3A_155 = arith.constant 0 : index
    %get3A_156 = vector.load %arg7[%get3A_154, %get3A_155] : memref<6x128xf32, #tpu.memory_space<vmem>>, vector<1x128xf32>
    %get3A_157 = vector.shape_cast %get3A_156 : vector<1x128xf32> to vector<128xf32>
    %broadcast_in_dim3A_158 = vector.shape_cast %get3A_157 : vector<128xf32> to vector<1x128xf32>
    %add3A_159 = vector.broadcast %broadcast_in_dim3A_158 : vector<1x128xf32> to vector<512x128xf32>
    %add3A_160 = arith.addf %add3A_153, %add3A_159 : vector<512x128xf32>
    %eq3A_161 = arith.constant 5.000000e+00 : f32
    %eq3A_162 = vector.broadcast %eq3A_161 : f32 to vector<512x128xf32>
    %eq3A_163 = arith.cmpf oeq, %get3A_10, %eq3A_162 : vector<512x128xf32>
    %select_n3A_164 = arith.select %eq3A_163, %add3A_160, %select_n3A_138 : vector<512x128xi1>, vector<512x128xf32>
    %get3A_165 = arith.constant 0 : index
    %get3A_166 = arith.constant 0 : index
    %get3A_167 = vector.load %arg3[%get3A_165, %get3A_166] : memref<512x128xf32, #tpu.memory_space<vmem>>, vector<512x128xf32>
    %add3A_168 = arith.addf %select_n3A_164, %get3A_167 : vector<512x128xf32>
    %get3A_169 = arith.constant 0 : index
    %get3A_170 = arith.constant 0 : index
    %get3A_171 = vector.load %arg5[%get3A_169, %get3A_170] : memref<512x128xf32, #tpu.memory_space<vmem>>, vector<512x128xf32>
    %add3A_172 = arith.addf %add3A_168, %get3A_171 : vector<512x128xf32>
    %get3A_173 = arith.constant 0 : index
    %get3A_174 = arith.constant 0 : index
    %get3A_175 = vector.load %arg9[%get3A_173, %get3A_174] : memref<128x128xf32, #tpu.memory_space<vmem>>, vector<128x128xf32>
    %dot_general3A_176 = arith.constant dense<0.000000e+00> : vector<512x128xf32>
    %dot_general3A_177 = tpu.matmul %add3A_172, %get3A_175, %dot_general3A_176 {dimension_numbers = #tpu.dot_dimension_numbers<[1], [0], [0], [1], [0, 0, 1, 1], [], []>, transpose_lhs_hint = false} : vector<512x128xf32>, vector<128x128xf32>, vector<512x128xf32> -> vector<512x128xf32>
    %get3A_178 = arith.constant 0 : index
    %get3A_179 = arith.constant 0 : index
    %get3A_180 = vector.load %arg10[%get3A_178, %get3A_179] : memref<1x128xf32, #tpu.memory_space<vmem>>, vector<1x128xf32>
    %add3A_181 = vector.broadcast %get3A_180 : vector<1x128xf32> to vector<512x128xf32>
    %add3A_182 = arith.addf %dot_general3A_177, %add3A_181 : vector<512x128xf32>
    %max3A = arith.constant 0.000000e+00 : f32
    %max3A_183 = vector.broadcast %max3A : f32 to vector<512x128xf32>
    %max3A_184 = arith.maximumf %add3A_182, %max3A_183 : vector<512x128xf32>
    %get3A_185 = arith.constant 0 : index
    %get3A_186 = arith.constant 0 : index
    %get3A_187 = vector.load %arg11[%get3A_185, %get3A_186] : memref<128x128xf32, #tpu.memory_space<vmem>>, vector<128x128xf32>
    %dot_general3A_188 = arith.constant dense<0.000000e+00> : vector<512x128xf32>
    %dot_general3A_189 = tpu.matmul %max3A_184, %get3A_187, %dot_general3A_188 {dimension_numbers = #tpu.dot_dimension_numbers<[1], [0], [0], [1], [0, 0, 1, 1], [], []>, transpose_lhs_hint = false} : vector<512x128xf32>, vector<128x128xf32>, vector<512x128xf32> -> vector<512x128xf32>
    %get3A_190 = arith.constant 0 : index
    %get3A_191 = arith.constant 0 : index
    %get3A_192 = vector.load %arg12[%get3A_190, %get3A_191] : memref<1x128xf32, #tpu.memory_space<vmem>>, vector<1x128xf32>
    %add3A_193 = vector.broadcast %get3A_192 : vector<1x128xf32> to vector<512x128xf32>
    %add3A_194 = arith.addf %dot_general3A_189, %add3A_193 : vector<512x128xf32>
    %swap3A = arith.constant 0 : index
    %swap3A_195 = arith.constant 0 : index
    %swap3A_196 = vector.load %arg13[%swap3A, %swap3A_195] : memref<512x128xf32, #tpu.memory_space<vmem>>, vector<512x128xf32>
    tpu.vector_store %arg13[%swap3A, %swap3A_195], %add3A_194 {strides = array<i32>} : memref<512x128xf32, #tpu.memory_space<vmem>>, vector<512x128xf32>,
    return
  }
  func.func @transform_0(%arg0: i32) -> (i32, i32) {
    %c0_i32 = arith.constant 0 : i32
    %c0_i32_0 = arith.constant 0 : i32
    return %arg0, %c0_i32 : i32, i32
  }
  func.func @transform_1(%arg0: i32) -> (i32, i32) {
    %c0_i32 = arith.constant 0 : i32
    %c0_i32_0 = arith.constant 0 : i32
    return %arg0, %c0_i32 : i32, i32
  }
  func.func @transform_2(%arg0: i32) -> (i32, i32) {
    %c0_i32 = arith.constant 0 : i32
    %c0_i32_0 = arith.constant 0 : i32
    return %arg0, %c0_i32 : i32, i32
  }
  func.func @transform_3(%arg0: i32) -> (i32, i32) {
    %c0_i32 = arith.constant 0 : i32
    %c0_i32_0 = arith.constant 0 : i32
    return %arg0, %c0_i32 : i32, i32
  }
  func.func @transform_4(%arg0: i32) -> (i32, i32) {
    %c0_i32 = arith.constant 0 : i32
    %c0_i32_0 = arith.constant 0 : i32
    return %arg0, %c0_i32 : i32, i32
  }
  func.func @transform_5(%arg0: i32) -> (i32, i32, i32) {
    %c0_i32 = arith.constant 0 : i32
    %c0_i32_0 = arith.constant 0 : i32
    %c0_i32_1 = arith.constant 0 : i32
    %c0_i32_2 = arith.constant 0 : i32
    return %c0_i32, %c0_i32_0, %c0_i32_1 : i32, i32, i32
  }
  func.func @transform_6(%arg0: i32) -> (i32, i32) {
    %c0_i32 = arith.constant 0 : i32
    %c0_i32_0 = arith.constant 0 : i32
    %c0_i32_1 = arith.constant 0 : i32
    return %c0_i32, %c0_i32_0 : i32, i32
  }
  func.func @transform_7(%arg0: i32) -> (i32, i32, i32) {
    %c0_i32 = arith.constant 0 : i32
    %c0_i32_0 = arith.constant 0 : i32
    %c0_i32_1 = arith.constant 0 : i32
    %c0_i32_2 = arith.constant 0 : i32
    return %c0_i32, %c0_i32_0, %c0_i32_1 : i32, i32, i32
  }
  func.func @transform_8(%arg0: i32) -> (i32, i32) {
    %c0_i32 = arith.constant 0 : i32
    %c0_i32_0 = arith.constant 0 : i32
    %c0_i32_1 = arith.constant 0 : i32
    return %c0_i32, %c0_i32_0 : i32, i32
  }
  func.func @transform_9(%arg0: i32) -> (i32, i32) {
    %c0_i32 = arith.constant 0 : i32
    %c0_i32_0 = arith.constant 0 : i32
    %c0_i32_1 = arith.constant 0 : i32
    return %c0_i32, %c0_i32_0 : i32, i32
  }
  func.func @transform_10(%arg0: i32) -> (i32, i32) {
    %c0_i32 = arith.constant 0 : i32
    %c0_i32_0 = arith.constant 0 : i32
    %c0_i32_1 = arith.constant 0 : i32
    return %c0_i32, %c0_i32_0 : i32, i32
  }
  func.func @transform_11(%arg0: i32) -> (i32, i32) {
    %c0_i32 = arith.constant 0 : i32
    %c0_i32_0 = arith.constant 0 : i32
    %c0_i32_1 = arith.constant 0 : i32
    return %c0_i32, %c0_i32_0 : i32, i32
  }
  func.func @transform_12(%arg0: i32) -> (i32, i32) {
    %c0_i32 = arith.constant 0 : i32
    %c0_i32_0 = arith.constant 0 : i32
    return %arg0, %c0_i32 : i32, i32
  }
}

</mosaic_0001>

<sc_bundles>
// kernel: kernel.10.cloned.1.call-start
scs
__scs_entry_jumppad:
0x0: {  	(pc) =	sbr.rel $0x88, $3  }
0x1: {  	(tag) =	ssettag $0x0;
	lr =	simm.s32 $0x1  }
0x2: {  	[smem:$0x3F8F] =	sst lr;
	_ =	strace $0xD0000000  }
0x3: {  	_ = 	snop  }
0x4: {  	_ = 	snop  }
0x5: {  	_ = 	snop  }
0x6: {  	_ = 	snop  }
0x7: {  	_ = 	snop  }
__scs_overlays_trampoline_lowered:
0x8: {  	[smem:$0x3F9E] =	sst s0  }
0x9: {  	[smem:$0x3F9F] =	sst s1  }
0xa: {  	[smem:$0x3FA0] =	sst s2  }
0xb: {  	[smem:$0x3FA1] =	sst s3  }
0xc: {  	[smem:$0x3FA2] =	sst s4  }
0xd: {  	[smem:$0x3FA3] =	sst s5  }
0xe: {  	[smem:$0x3FA4] =	sst s6  }
0xf: {  	[smem:$0x3FA5] =	sst s7  }
0x10: {  	[smem:$0x3FA6] =	sst s8  }
0x11: {  	[smem:$0x3FA7] =	sst s9;
	s0 =	simm.s32 @!p0 $0x0  }
0x12: {  	s1 =	sld [smem:$0x3F8D];
	s0 =	simm.s32 @p0 $0x1  }
0x13: {  	[smem:$0x3FA8] =	sst s0;
	s0 =	simm.s32 @!p1 $0x0  }
0x14: {  	s2 =	sld [smem:$0x3F8C];
	s0 =	simm.s32 @p1 $0x1  }
0x15: {  	[smem:$0x3FA9] =	sst s0;
	s0 =	simm.s32 @!p2 $0x0  }
0x16: {  	s3 =	sld [smem:$0x3FDB];
	s0 =	simm.s32 @p2 $0x1  }
0x17: {  	s4 =	simm.s32 $0x1BF5;
	[smem:$0x3FAB] =	sst s0  }
0x18: {  	s0 =	sld [smem:$0x3F8E];
	_ =	swait.ge [sflag:s4], $0x0  }
0x19: {  	s7 =	sld [smem:$0x3F8F]  }
0x1a: {  	s8 =	sadd.s32 $0xFFFFE003, lr  }
0x1b: {  	s9 =	sadd.s32 $0xFFFFFEF7, lr;
	s5 =	simm.s32 $0xFFFFFFFF;
	p2 =	slt.u32 s8, $0xFFFFF086  }
0x1c: {  	p1 =	slt.u32 s9, $0xF7A;
	s5 =	simm.s32 @!p2 $0x0  }
0x1d: {  	s5 =	simm.s32 @p1 $0x1;
	p0 =	seq.s32 s7, s2  }
0x1e: {  	s7 =	smul.u32 @!p0 $0xF7A, s2;
	p2 =	seq.s32 @!p0 s5, $0x0  }
0x1f: {  	s9 =	smul.u32 $0xF7A, s1;
	s8 =	simm.s32 @!p0 $0x1BF5;
	p2 =	por !p2, p0  }
0x20: {  	[sflag:s8] =	ssyncset.s32 @!p0 $0xFFFFF086;
	s6 =	sadd.s32 @!p0 s3, s7;
	s7 =	simm.s32 @!p0 $0x108  }
0x21: {  	s3 =	sadd.s32 s3, s9;
	s6 =	sadd.s32 @!p0 $0x88, s6;
	s7 =	simm.s32 @p2 $0x1082  }
0x22: {  	[simem:s7], [sflag:s8] =	dma.local @!p0 [hbm:s6], $0xF7A  }
0x23: {  	s9 =	sor.u32 $0xD0000000, s2;
	s6 =	simm.s32 $0x108;
	_ =	swait.ge @!p0 [sflag:s8], $0x0  }
0x24: {  	s3 =	sadd.s32 $0x88, s3;
	s6 =	simm.s32 @!p1 $0x1082;
	[sflag:s4] =	ssyncset.s32 $0xFFFFF086  }
0x25: {  	[simem:s6], [sflag:s4] =	dma.local [hbm:s3], $0xF7A  }
0x26: {  	[smem:$0x3F8F] =	sst s1;
	(tag) =	ssettag s2;
	_ =	strace s9  }
0x27: {  	s1 =	sld [smem:$0x3F9F]  }
0x28: {  	s2 =	sld [smem:$0x3FA0]  }
0x29: {  	s4 =	sld [smem:$0x3FA2]  }
0x2a: {  	p0 =	seq.s32 s5, $0x0;
	s5 =	sld [smem:$0x3FA3]  }
0x2b: {  	s6 =	sld [smem:$0x3FA4]  }
0x2c: {  	s7 =	sld [smem:$0x3FA5]  }
0x2d: {  	s3 =	simm.s32 $0x108;
	s8 =	sld [smem:$0x3FA6]  }
0x2e: {  	s3 =	simm.s32 @!p0 $0x1082;
	s9 =	sld [smem:$0x3FA7]  }
0x2f: {  	lr =	sadd.s32 s0, s3;
	s0 =	sld [smem:$0x3F9E]  }
0x30: {  	s3 =	sld [smem:$0x3FA1]  }
0x31: {  	[smem:$0x3FAA] =	sst s10  }
0x32: {  	s10 =	sld [smem:$0x3FA8];
	_ =	sdelay $0x3  }
0x33: {  	p0 =	seq.s32 s10, $0x1;
	s10 =	sld [smem:$0x3FAA];
	_ =	sdelay $0x3  }
0x34: {  	[smem:$0x3FAA] =	sst s10  }
0x35: {  	s10 =	sld [smem:$0x3FA9];
	_ =	sdelay $0x3  }
0x36: {  	p1 =	seq.s32 s10, $0x1;
	s10 =	sld [smem:$0x3FAA];
	_ =	sdelay $0x3  }
0x37: {  	[smem:$0x3FAA] =	sst s10  }
0x38: {  	s10 =	sld [smem:$0x3FAB]  }
0x39: {  	_ = 	snop;
	(pc) =	sbr.ind lr, $3  }
0x3a: {  	_ = 	snop  }
0x3b: {  	_ = 	snop  }
0x3c: {  	p2 =	seq.s32 s10, $0x1;
	s10 =	sld [smem:$0x3FAA]  }
0x3d: {  	_ =	shalt  }
0x3e: {  	_ =	shalt  }
0x3f: {  	_ =	shalt  }
0x40: {  	_ =	shalt  }
0x41: {  	_ =	shalt  }
0x42: {  	_ =	shalt  }
0x43: {  	_ =	shalt  }
0x44: {  	_ =	shalt  }
0x45: {  	_ =	shalt  }
0x46: {  	_ =	shalt  }
0x47: {  	_ =	shalt  }
0x48: {  	_ =	shalt  }
0x49: {  	_ =	shalt  }
0x4a: {  	_ =	shalt  }
0x4b: {  	_ =	shalt  }
0x4c: {  	_ =	shalt  }
0x4d: {  	_ =	shalt  }
0x4e: {  	_ =	shalt  }
0x4f: {  	_ =	shalt  }
0x50: {  	_ =	shalt  }
0x51: {  	_ =	shalt  }
0x52: {  	_ =	shalt  }
0x53: {  	_ =	shalt  }
0x54: {  	_ =	shalt  }
0x55: {  	_ =	shalt  }
0x56: {  	_ =	shalt  }
0x57: {  	_ =	shalt  }
0x58: {  	_ =	shalt  }
0x59: {  	_ =	shalt  }
0x5a: {  	_ =	shalt  }
0x5b: {  	_ =	shalt  }
0x5c: {  	_ =	shalt  }
0x5d: {  	_ =	shalt  }
0x5e: {  	_ =	shalt  }
0x5f: {  	_ =	shalt  }
0x60: {  	_ =	shalt  }
0x61: {  	_ =	shalt  }
0x62: {  	_ =	shalt  }
0x63: {  	_ =	shalt  }
0x64: {  	_ =	shalt  }
0x65: {  	_ =	shalt  }
0x66: {  	_ =	shalt  }
0x67: {  	_ =	shalt  }
0x68: {  	_ =	shalt  }
0x69: {  	_ =	shalt  }
0x6a: {  	_ =	shalt  }
0x6b: {  	_ =	shalt  }
0x6c: {  	_ =	shalt  }
0x6d: {  	_ =	shalt  }
0x6e: {  	_ =	shalt  }
0x6f: {  	_ =	shalt  }
0x70: {  	_ =	shalt  }
0x71: {  	_ =	shalt  }
0x72: {  	_ =	shalt  }
0x73: {  	_ =	shalt  }
0x74: {  	_ =	shalt  }
0x75: {  	_ =	shalt  }
0x76: {  	_ =	shalt  }
0x77: {  	_ =	shalt  }
0x78: {  	_ =	shalt  }
0x79: {  	_ =	shalt  }
0x7a: {  	_ =	shalt  }
0x7b: {  	_ =	shalt  }
0x7c: {  	_ =	shalt  }
0x7d: {  	_ =	shalt  }
0x7e: {  	_ =	shalt  }
0x7f: {  	_ =	shalt  }
0x80: {  	_ =	shalt  }
0x81: {  	_ =	shalt  }
0x82: {  	_ =	shalt  }
0x83: {  	_ =	shalt  }
0x84: {  	_ =	shalt  }
0x85: {  	_ =	shalt  }
0x86: {  	_ =	shalt  }
0x87: {  	_ =	shalt  }
.Lfunc_end0:
.L_simem_size_0:
called_computation_lowered:
.L_overlay_start_0:
0x88: {  	s2 =	sld [smem:$0x3FD9]  }
0x89: {  	s3 =	sld [smem:$0x3FFE];
	_ =	sdelay $0x1  }
0x8a: {  	s1 =	srdreg.scid  }
0x8b: {  	s0 =	sand.u32 $0x1, s1  }
0x8c: {  	s16 =	sshll.u32 s0, $0xA;
	s2 =	sadd.s32 s3, s2  }
0x8d: {  	s2 =	sadd.s32 s2, s16  }
0x8e: {  	[smem:$0x3FB6] =	sst s2  }
0x8f: {  	_ = 	snop  }
0x90: {  	(tm) =	ssettm $0x1  }
0x91: {  	s17 =	sld [smem:$0x3FFB];
	_ =	sdelay $0x3  }
0x92: {  	_ =	strace s17  }
0x93: {  	s2 =	sld [smem:$0x3FFC];
	_ =	sdelay $0x3  }
0x94: {  	_ =	strace s2  }
0x95: {  	s2 =	sld [smem:$0x3FFD];
	_ =	sdelay $0x3  }
0x96: {  	_ =	strace s2  }
0x97: {  	_ =	strace $0x8FFFFFFF  }
0x98: {  	s18 =	sld [smem:$0x3FDB];
	_ =	sdelay $0x1  }
0x99: {  	s19 =	simm.s32 $_scs_section_size  }
0x9a: {  	s4 =	simm.s32 $_size__tile_overlayer_lowered;
	s5 =	simm.s32 $_tile_overlayer_lowered  }
0x9b: {  	s22 =	simm.s32 $0x1BFF;
	s21 =	sshll.u32 s5, $0x1;
	s2 =	sadd.s32 s19, s18  }
0x9c: {  	s6 =	simm.s32 $0x0;
	s20 =	sshll.u32 s4, $0x1;
	s4 =	sadd.s32 s21, s2  }
0x9d: {  	[timem:s6], [sflag:s22] =	dma.local [hbm:s4], s20  }
0x9e: {  	_ =	swait.ge [sflag:s22], s20  }
0x9f: {  	s3 =	ssub.s32 $0x0, s20;
	[sflag:s22] =	ssyncset.done $0x0  }
0xa0: {  	[sflag:s22] =	ssyncadd.s32 s3;
	_ =	sdelay $0x1  }
0xa1: {  	s23 =	simm.s32 $0x1B8B  }
0xa2: {  	_ =	swait.ge [sflag:s23], $0x1  }
0xa3: {  	[sflag:s23] =	ssyncset.done $0x0  }
0xa4: {  	s25 =	simm.s32 $0x1B8E;
	s24 =	sld [smem:$0x3FFE];
	[sflag:s23] =	ssyncadd.s32 $0xFFFFFFFF  }
0xa5: {  	s26 =	simm.s32 $execute0_lowered;
	[smem:$0x3FD2] =	sst s25  }
0xa6: {  	s4 =	sshll.u32 s26, $0x1;
	_ =	strace $0x80000046;
	[dreg:$0x1] =	wrdreg $0xFFFFFFFF  }
0xa7: {  	s28 =	simm.s32 $_size_execute0_lowered;
	s2 =	sadd.s32 s2, s4;
	[dreg:$0x0] =	wrdreg $0x0  }
0xa8: {  	s4 =	sshll.u32 s28, $0x1;
	[dreg:$0x2] =	wrdreg s2  }
0xa9: {  	[dreg:$0x3] =	wrdreg s4  }
0xaa: {  	[dreg:$0x4] =	wrdreg $0xC0  }
0xab: {  	_ =	task [dreg:s6], $0x5FFFF  }
0xac: {  	[dreg:$0x1] =	wrdreg $0xFFFFFFFF  }
0xad: {  	[dreg:$0x0] =	wrdreg $0x60  }
0xae: {  	[dreg:$0x2] =	wrdreg s24  }
0xaf: {  	[dreg:$0x3] =	wrdreg $0x0  }
0xb0: {  	[dreg:$0x4] =	wrdreg $0x9  }
0xb1: {  	_ =	task.clear_ibuf [dreg:s6], $0x5FFFF;
	_ =	strace $0x90000046  }
0xb2: {  	s29 =	simm.s32 $0x9;
	_ =	strace $0x80000048  }
0xb3: {  	_ =	swait.ge [sflag:s29], $0x1  }
0xb4: {  	[sflag:s29] =	ssyncadd.s32 $0xFFFFFFFF  }
0xb5: {  	_ =	strace $0x90000048  }
0xb6: {  	_ =	sfence  }
0xb7: {  	s30 =	sld [smem:$0x0];
	_ =	sdelay $0x2  }
0xb8: {  	s31 =	sshll.u32 s1, $0xD;
	s1 =	sshrl.u32 s1, $0x2  }
0xb9: {  	s3 =	sand.u32 $0x4000, s31;
	s1 =	sadd.s32 s1, s30  }
0xba: {  	s0 =	sor.u32 s3, s0;
	s1 =	sshll.u32 s1, $0x11  }
0xbb: {  	s0 =	sor.u32 s1, s0  }
0xbc: {  	s0 =	sadd.s32 $0x8F2B, s0  }
0xbd: {  	[sflag:s0] =	ssyncadd.remote.s32 $0x1  }
0xbe: {  	_ =	sfence.sel $0xFFFF  }
0xbf: {  	[dreg:$0x0] =	wrdreg $0xFFFFFFFF;
	(pc) =	sbr.abs _section_cstart, $3  }
0xc0: {  	[dreg:$0x1] =	wrdreg $0xFFFFFFFF  }
0xc1: {  	_ =	task.clear_ibuf [dreg:s6], $0x2FFFF;
	_ =	strace $0x9FFFFFFF  }
0xc2: {  	(tm) =	ssettm $0x7FFFFFFF  }
0xc3: {  	_ =	shalt  }
tec
execute0_lowered:
.L_overlay_start_1:
0x0: {  	(tag) =	ssettag $0x1  }
0x1: {  	s0 =	rddreg [dreg:$0x0]  }
0x2: {  	s2 =	rddreg [dreg:$0x1]  }
0x3: {  	s3 =	simm.s32 $0x0;
	s15 =	stileid.u32;
	s5 =	srdreg.scid  }
0x4: {  	s17 =	simm.s32 $0x4;
	s18 =	simm.s32 $0x5000;
	s20 =	simm.s32 $0x80  }
0x5: {  	s21 =	simm.s32 $0x5400;
	s28 =	simm.s32 $0x3;
	s29 =	simm.s32 $0x2  }
0x6: {  	s30 =	simm.s32 $0x0;
	[smem:$0x7FF] =	sst s3;
	s1 =	smul.u32 $0x5000, s15  }
0x7: {  	s4 =	sadd.s32 $0x2E400, s0;
	s6 =	sadd.s32 $0x4BE00, s0;
	s11 =	sadd.s32 $0x38400, s0  }
0x8: {  	s5 =	sand.u32 $0x1, s5;
	s13 =	sadd.s32 $0x73800, s0;
	s9 =	smul.u32 $0x7E, s15  }
0x9: {  	s14 =	smul.u32 $0xBC, s15;
	s23 =	sshll.u32 s15, $0x6;
	_ =	strace $0x80000047  }
0xa: {  	s8 =	ssub.s32 $0x2, s5;
	p0 =	seq.s32 s5, $0x0;
	s5 =	simm.s32 $0x5E  }
0xb: {  	s10 =	sshrl.u32 s1, $0x3;
	s12 =	sshrl.u32 s8, $0x1;
	s9 =	sadd.s32 $0xBC0, s9  }
0xc: {  	s5 =	simm.s32 @!p0 $0x3F;
	s1 =	sadd.s32 s1, s2;
	s7 =	sadd.s32 s10, s0  }
0xd: {  	s0 =	sadd.s32 $0x69800, s0;
	s12 =	ssub.s32 s8, s12;
	s9 =	smov.u32 @p0 s14  }
0xe: {  	s31 =	sshll.u32 s5, $0x5;
	s16 =	sshrl.u32 s1, $0x3;
	s9 =	sshll.u32 s9, $0x4  }
0xf: {  	s7 =	sadd.s32 $0x5F800, s7;
	s26 =	smax.u32 s12, $0x1;
	s0 =	smov.u32 @p0 s13  }
0x10: {  	s13 =	sadd.s32 $0xFFFFFFFE, s5;
	s15 =	sadd.s32 $0xFFFFFFC0, s31;
	[dreg:$0x3] =	wrdreg s7  }
0x11: {  	s7 =	sor.u32 $0x1C04, s23;
	s24 =	sadd.s32 $0x20, s9;
	s8 =	sadd.s32 s6, s9  }
0x12: {  	s9 =	sadd.s32 s11, s9;
	[dreg:$0x6] =	wrdreg s26;
	s6 =	sadd.s32 s6, s24  }
0x13: {  	s14 =	sadd.s32 s0, s10;
	s25 =	sadd.s32 s11, s24;
	[dreg:$0x4] =	wrdreg s6  }
0x14: {  	s23 =	simm.s32 $0x6400;
	s26 =	simm.s32 $0x1;
	[dreg:$0x5] =	wrdreg s25  }
.LBB2_1:
0x15: {  	s0 =	rddreg [dreg:$0x3]  }
0x16: {  	[spmem:s16], [sflag:s7] =	dma.local [hbm:s0], $0xA00  }
0x17: {  	_ =	swait.ge [sflag:s17], $0xA00  }
0x18: {  	[sflag:s17] =	ssyncset.done $0x0  }
0x19: {  	[sflag:s17] =	ssyncadd.s32 $0xFFFFF600  }
0x1a: {  	[bflag:$0x0] =	sbarrier.arrive $0xFFFF  }
0x1b: {  	[tilespmem:s18], [sflag:$0x3] =	stream.linear.gather [hbm4b:s8+s3], $0x100, $0x38;
	[tilespmem:$0x7400] =	vst v63  }
0x1c: {  	s22 =	simm.s32 $0x5200  }
0x1d: {  	[tilespmem:s22], [sflag:$0x3] =	stream.linear.gather [hbm4b:s9+s3], $0x100, $0x38;
	[tilespmem:$0x7400] =	vst v63  }
0x1e: {  	_ =	swait.ge [sflag:s28], $0x100  }
0x1f: {  	[sflag:s28] =	ssyncset.done $0x0  }
0x20: {  	[sflag:s28] =	ssyncadd.s32 $0xFFFFFF00  }
0x21: {  	_ =	swait.ge [sflag:s28], $0x100  }
0x22: {  	[sflag:s28] =	ssyncset.done $0x0  }
0x23: {  	[sflag:s28] =	ssyncadd.s32 $0xFFFFFF00  }
0x24: {  	[tilespmem:s21], [sflag:$0x1] =	stream.indirect.gather [hbm4b:s4+s20], $0x20, s18, s20, $0xb8;
	[tilespmem:$0x7400] =	vst v63  }
0x25: {  	s24 =	simm.s32 $0x5080  }
0x26: {  	[tilespmem:s23], [sflag:$0x1] =	stream.indirect.gather [hbm4b:s4+s20], $0x20, s24, s20, $0xb8;
	[tilespmem:$0x7400] =	vst v63  }
0x27: {  	s1 =	simm.s32 $0x5100;
	s25 =	rddreg [dreg:$0x4]  }
0x28: {  	[tilespmem:s1], [sflag:$0x3] =	stream.linear.gather [hbm4b:s25+s3], $0x100, $0x38;
	[tilespmem:$0x7400] =	vst v63  }
0x29: {  	s6 =	simm.s32 $0x5300;
	s1 =	rddreg [dreg:$0x5]  }
0x2a: {  	[tilespmem:s6], [sflag:$0x3] =	stream.linear.gather [hbm4b:s1+s3], $0x100, $0x38;
	[tilespmem:$0x7400] =	vst v63  }
0x2b: {  	_ =	swait.ge [sflag:s26], $0x1000  }
0x2c: {  	s10 =	sand.u32 $0x100, s3;
	[sflag:s26] =	ssyncset.done $0x0  }
0x2d: {  	s31 =	sor.u32 $0x5200, s10;
	[sflag:s26] =	ssyncadd.s32 $0xFFFFF000  }
0x2e: {  	[spmem:s2] =	stream.indirect.scatter.add.f32 [tilespmem:s21], [sflag:$0x2], $0x20, s31, s20, $0xb8;
	[tilespmem:$0x7400] =	vst v63  }
0x2f: {  	_ =	swait.ge [sflag:s26], $0x1000  }
0x30: {  	[sflag:s26] =	ssyncset.done $0x0  }
0x31: {  	s19 =	sor.u32 $0x5280, s10;
	[sflag:s26] =	ssyncadd.s32 $0xFFFFF000  }
0x32: {  	[spmem:s2] =	stream.indirect.scatter.add.f32 [tilespmem:s23], [sflag:$0x2], $0x20, s19, s20, $0xb8;
	[tilespmem:$0x7400] =	vst v63  }
0x33: {  	_ =	swait.ge [sflag:s28], $0x100  }
0x34: {  	[sflag:s28] =	ssyncset.done $0x0  }
0x35: {  	[sflag:s28] =	ssyncadd.s32 $0xFFFFFF00  }
0x36: {  	_ =	swait.ge [sflag:s28], $0x100  }
0x37: {  	[sflag:s28] =	ssyncset.done $0x0  }
0x38: {  	[sflag:s28] =	ssyncadd.s32 $0xFFFFFF00  }
0x39: {  	_ =	swait.ge [sflag:s29], $0x1000  }
0x3a: {  	s11 =	sadd.s32 $0x0, s8;
	p0 =	sne.s32 s15, $0x20;
	[sflag:s29] =	ssyncset.done $0x0  }
0x3b: {  	s12 =	sadd.s32 $0x40, s11;
	s22 =	sxor.u32 $0x5100, s10;
	[sflag:s29] =	ssyncadd.s32 $0xFFFFF000  }
0x3c: {  	[tilespmem:s21], [sflag:$0x1] =	stream.indirect.gather [hbm4b:s4+s20], $0x20, s22, s20, $0xb8;
	[tilespmem:$0x7400] =	vst v63  }
0x3d: {  	s0 =	simm.s32 $0x20;
	s24 =	sadd.s32 $0x0, s9;
	_ =	swait.ge [sflag:s29], $0x1000  }
.Ltmp0:
0x3e: {  	s11 =	sadd.s32 $0x40, s24;
	[sflag:s29] =	ssyncset.done $0x0;
	(pc) =	sbr.rel @!p0 .LBB2_3-.Ltmp0, $4  }
0x3f: {  	s24 =	simm.s32 $0x3;
	s25 =	sxor.u32 $0x5180, s10;
	[sflag:s29] =	ssyncadd.s32 $0xFFFFF000  }
0x40: {  	[tilespmem:s23], [sflag:$0x1] =	stream.indirect.gather [hbm4b:s4+s20], $0x20, s25, s20, $0xb8;
	[tilespmem:$0x7400] =	vst v63  }
0x41: {  	s6 =	sor.u32 $0x5000, s10;
	s1 =	simm.s32 $0x4;
	s10 =	simm.s32 $0x100  }
0x42: {  	[tilespmem:s6], [sflag:$0x3] =	stream.linear.gather [hbm4b:s12+s3], $0x100, $0x38;
	[tilespmem:$0x7400] =	vst v63  }
.LBB2_2:
0x43: {  	s24 =	smov.u32 s1  }
0x44: {  	[tilespmem:s31], [sflag:$0x3] =	stream.linear.gather [hbm4b:s11+s3], $0x100, $0x38;
	[tilespmem:$0x7400] =	vst v63  }
0x45: {  	s11 =	smov.u32 s0;
	s0 =	sadd.s32 $0x20, s0;
	_ =	swait.ge [sflag:s26], $0x1000  }
0x46: {  	s6 =	sand.u32 $0x100, s10;
	p0 =	sne.s32 s15, s0;
	[sflag:s26] =	ssyncset.done $0x0  }
0x47: {  	s31 =	sor.u32 $0x5200, s6;
	[sflag:s26] =	ssyncadd.s32 $0xFFFFF000  }
0x48: {  	[spmem:s2] =	stream.indirect.scatter.add.f32 [tilespmem:s21], [sflag:$0x2], $0x20, s31, s20, $0xb8;
	[tilespmem:$0x7400] =	vst v63  }
0x49: {  	_ =	swait.ge [sflag:s26], $0x1000  }
0x4a: {  	[sflag:s26] =	ssyncset.done $0x0  }
0x4b: {  	s19 =	sor.u32 $0x5280, s6;
	[sflag:s26] =	ssyncadd.s32 $0xFFFFF000  }
0x4c: {  	[spmem:s2] =	stream.indirect.scatter.add.f32 [tilespmem:s23], [sflag:$0x2], $0x20, s19, s20, $0xb8;
	[tilespmem:$0x7400] =	vst v63  }
0x4d: {  	_ =	swait.ge [sflag:s28], $0x100  }
0x4e: {  	[sflag:s28] =	ssyncset.done $0x0  }
0x4f: {  	[sflag:s28] =	ssyncadd.s32 $0xFFFFFF00  }
0x50: {  	_ =	swait.ge [sflag:s28], $0x100  }
0x51: {  	[sflag:s28] =	ssyncset.done $0x0  }
0x52: {  	[sflag:s28] =	ssyncadd.s32 $0xFFFFFF00  }
0x53: {  	_ =	swait.ge [sflag:s29], $0x1000  }
0x54: {  	[sflag:s29] =	ssyncset.done $0x0  }
0x55: {  	s22 =	sxor.u32 $0x5100, s6;
	[sflag:s29] =	ssyncadd.s32 $0xFFFFF000  }
0x56: {  	[tilespmem:s21], [sflag:$0x1] =	stream.indirect.gather [hbm4b:s4+s20], $0x20, s22, s20, $0xb8;
	[tilespmem:$0x7400] =	vst v63  }
0x57: {  	_ =	swait.ge [sflag:s29], $0x1000  }
0x58: {  	s12 =	sadd.s32 s11, s8;
	[sflag:s29] =	ssyncset.done $0x0  }
.Ltmp1:
0x59: {  	s25 =	sxor.u32 $0x5180, s6;
	[sflag:s29] =	ssyncadd.s32 $0xFFFFF000;
	(pc) =	sbr.rel @p0 .LBB2_2-.Ltmp1, $4  }
0x5a: {  	[tilespmem:s23], [sflag:$0x1] =	stream.indirect.gather [hbm4b:s4+s20], $0x20, s25, s20, $0xb8;
	[tilespmem:$0x7400] =	vst v63  }
0x5b: {  	s6 =	sor.u32 $0x5000, s6;
	s11 =	sadd.s32 s11, s9;
	s12 =	sadd.s32 $0x40, s12  }
0x5c: {  	[tilespmem:s6], [sflag:$0x3] =	stream.linear.gather [hbm4b:s12+s3], $0x100, $0x38;
	[tilespmem:$0x7400] =	vst v63  }
0x5d: {  	s1 =	sadd.s32 $0x1, s1;
	s10 =	sadd.s32 $0x100, s10;
	s11 =	sadd.s32 $0x40, s11  }
.LBB2_3:
0x5e: {  	[tilespmem:s31], [sflag:$0x3] =	stream.linear.gather [hbm4b:s11+s3], $0x100, $0x38;
	[tilespmem:$0x7400] =	vst v63  }
0x5f: {  	_ =	swait.ge [sflag:s26], $0x1000  }
0x60: {  	s10 =	sand.u32 $0x100, s10;
	[sflag:s26] =	ssyncset.done $0x0  }
0x61: {  	s11 =	sor.u32 $0x5200, s10;
	[sflag:s26] =	ssyncadd.s32 $0xFFFFF000  }
0x62: {  	[spmem:s2] =	stream.indirect.scatter.add.f32 [tilespmem:s21], [sflag:$0x2], $0x20, s11, s20, $0xb8;
	[tilespmem:$0x7400] =	vst v63  }
0x63: {  	_ =	swait.ge [sflag:s26], $0x1000  }
0x64: {  	[sflag:s26] =	ssyncset.done $0x0  }
0x65: {  	s12 =	sor.u32 $0x5280, s10;
	[sflag:s26] =	ssyncadd.s32 $0xFFFFF000  }
0x66: {  	[spmem:s2] =	stream.indirect.scatter.add.f32 [tilespmem:s23], [sflag:$0x2], $0x20, s12, s20, $0xb8;
	[tilespmem:$0x7400] =	vst v63  }
0x67: {  	_ =	swait.ge [sflag:s28], $0x100  }
0x68: {  	[sflag:s28] =	ssyncset.done $0x0  }
0x69: {  	[sflag:s28] =	ssyncadd.s32 $0xFFFFFF00  }
0x6a: {  	_ =	swait.ge [sflag:s28], $0x100  }
0x6b: {  	[sflag:s28] =	ssyncset.done $0x0  }
0x6c: {  	[sflag:s28] =	ssyncadd.s32 $0xFFFFFF00  }
0x6d: {  	_ =	swait.ge [sflag:s29], $0x1000  }
0x6e: {  	[sflag:s29] =	ssyncset.done $0x0  }
0x6f: {  	s12 =	sxor.u32 $0x5100, s10;
	[sflag:s29] =	ssyncadd.s32 $0xFFFFF000  }
0x70: {  	[tilespmem:s21], [sflag:$0x1] =	stream.indirect.gather [hbm4b:s4+s20], $0x20, s12, s20, $0xb8;
	[tilespmem:$0x7400] =	vst v63  }
0x71: {  	_ =	swait.ge [sflag:s29], $0x1000  }
0x72: {  	[sflag:s29] =	ssyncset.done $0x0  }
0x73: {  	p0 =	sge.u32 s24, s5;
	s12 =	sxor.u32 $0x5180, s10;
	[sflag:s29] =	ssyncadd.s32 $0xFFFFF000  }
0x74: {  	[tilespmem:s23], [sflag:$0x1] =	stream.indirect.gather [hbm4b:s4+s20], $0x20, s12, s20, $0xb8;
	[tilespmem:$0x7400] =	vst v63  }
0x75: {  	s12 =	sadd.s32 @!p0 s0, s8  }
0x76: {  	s24 =	simm.s32 @!p0 $0x0;
	s10 =	sor.u32 @!p0 $0x5000, s10;
	s12 =	sadd.s32 @!p0 $0x40, s12  }
0x77: {  	[tilespmem:s10], [sflag:$0x3] =	stream.linear.gather @!p0 [hbm4b:s12+s24], $0x100, $0x38;
	[tilespmem:$0x7400] =	vst v63  }
0x78: {  	s10 =	sadd.s32 @!p0 s0, s9  }
0x79: {  	s10 =	sadd.s32 @!p0 $0x40, s10  }
0x7a: {  	[tilespmem:s11], [sflag:$0x3] =	stream.linear.gather @!p0 [hbm4b:s10+s24], $0x100, $0x38;
	[tilespmem:$0x7400] =	vst v63  }
0x7b: {  	_ =	swait.ge [sflag:s26], $0x1000  }
0x7c: {  	[sflag:s26] =	ssyncset.done $0x0  }
0x7d: {  	[sflag:s26] =	ssyncadd.s32 $0xFFFFF000  }
0x7e: {  	[spmem:s2] =	stream.indirect.scatter.add.f32 [tilespmem:s21], [sflag:$0x2], $0x20, s31, s20, $0xb8;
	[tilespmem:$0x7400] =	vst v63  }
0x7f: {  	s24 =	sadd.s32 $0xFFFFFFFD, s1;
	_ =	swait.ge [sflag:s26], $0x1000  }
0x80: {  	p0 =	sge.u32 s24, s13;
	[sflag:s26] =	ssyncset.done $0x0  }
0x81: {  	s10 =	simm.s32 @!p0 $0x3;
	[sflag:s26] =	ssyncadd.s32 $0xFFFFF000  }
0x82: {  	[spmem:s2] =	stream.indirect.scatter.add.f32 [tilespmem:s23], [sflag:$0x2], $0x20, s19, s20, $0xb8;
	[tilespmem:$0x7400] =	vst v63  }
0x83: {  	_ =	swait.ge @!p0 [sflag:s10], $0x100  }
0x84: {  	[sflag:s10] =	ssyncset.done @!p0 $0x0  }
0x85: {  	[sflag:s10] =	ssyncadd.s32 @!p0 $0xFFFFFF00  }
0x86: {  	_ =	swait.ge @!p0 [sflag:s10], $0x100  }
0x87: {  	[sflag:s10] =	ssyncset.done @!p0 $0x0  }
0x88: {  	[sflag:s10] =	ssyncadd.s32 @!p0 $0xFFFFFF00;
	s10 =	simm.s32 @!p0 $0x2  }
0x89: {  	_ =	swait.ge @!p0 [sflag:s10], $0x1000  }
0x8a: {  	[sflag:s10] =	ssyncset.done @!p0 $0x0  }
0x8b: {  	s11 =	simm.s32 @!p0 $0x80;
	s12 =	simm.s32 @!p0 $0x5400;
	[sflag:s10] =	ssyncadd.s32 @!p0 $0xFFFFF000  }
0x8c: {  	[tilespmem:s12], [sflag:$0x1] =	stream.indirect.gather @!p0 [hbm4b:s4+s11], $0x20, s22, s11, $0xb8;
	[tilespmem:$0x7400] =	vst v63  }
0x8d: {  	_ =	swait.ge @!p0 [sflag:s10], $0x1000  }
0x8e: {  	[sflag:s10] =	ssyncset.done @!p0 $0x0  }
0x8f: {  	p1 =	sge.u32 @!p0 s1, s5;
	[sflag:s10] =	ssyncadd.s32 @!p0 $0xFFFFF000;
	s10 =	simm.s32 @!p0 $0x6400  }
0x90: {  	[tilespmem:s10], [sflag:$0x1] =	stream.indirect.gather @!p0 [hbm4b:s4+s11], $0x20, s25, s11, $0xb8;
	[tilespmem:$0x7400] =	vst v63  }
0x91: {  	p0 =	por p1, p0  }
0x92: {  	s1 =	sadd.s32 @!p0 s0, s8  }
0x93: {  	s10 =	simm.s32 @!p0 $0x0;
	s0 =	sadd.s32 @!p0 s0, s9;
	s1 =	sadd.s32 @!p0 $0x60, s1  }
0x94: {  	[tilespmem:s6], [sflag:$0x3] =	stream.linear.gather @!p0 [hbm4b:s1+s10], $0x100, $0x38;
	[tilespmem:$0x7400] =	vst v63  }
0x95: {  	s0 =	sadd.s32 @!p0 $0x60, s0  }
0x96: {  	[tilespmem:s31], [sflag:$0x3] =	stream.linear.gather @!p0 [hbm4b:s0+s10], $0x100, $0x38;
	[tilespmem:$0x7400] =	vst v63  }
0x97: {  	_ =	swait.ge [sflag:s29], $0x1000  }
0x98: {  	[sflag:s29] =	ssyncset.done $0x0  }
0x99: {  	[sflag:s29] =	ssyncadd.s32 $0xFFFFF000  }
0x9a: {  	_ =	swait.ge [sflag:s29], $0x1000  }
0x9b: {  	[sflag:s29] =	ssyncset.done $0x0  }
0x9c: {  	[sflag:s29] =	ssyncadd.s32 $0xFFFFF000  }
0x9d: {  	[bflag:$0x0] =	sbarrier.arrive $0xFFFF  }
0x9e: {  	[hbm:s14], [sflag:s7] =	dma.local [spmem:s16], $0xA00  }
0x9f: {  	_ =	swait.ge [sflag:s17], $0xA00  }
0xa0: {  	s30 =	sadd.s32 $0x1, s30;
	s31 =	rddreg [dreg:$0x6]  }
0xa1: {  	p0 =	sne.s32 s30, s31  }
.Ltmp2:
0xa2: {  	_ = 	snop;
	(pc) =	sbr.rel @p0 .LBB2_1-.Ltmp2, $3  }
0xa3: {  	_ =	sdelay $0x1  }
0xa4: {  	[sflag:s17] =	ssyncset.done $0x0  }
0xa5: {  	[sflag:s17] =	ssyncadd.s32 $0xFFFFF600  }
0xa6: {  	_ =	sfence.sel $0x180000  }
0xa7: {  	[bflag:$0x0] =	sbarrier.arrive $0xFFFF  }
0xa8: {  	_ =	strace $0x90000047  }
0xa9: {  	s0 =	stileid.u32;
	[bflag:$0x2] =	sbarrier.arrive $0xFFFF  }
0xaa: {  	p0 =	sne.s32 s0, $0x0;
	s0 =	rddreg [dreg:$0x2]  }
0xab: {  	s0 =	sadd.s32 @!p0 $0x100000, s0  }
0xac: {  	[sflag:s0] =	ssyncadd.tile.s32 @!p0 $0x1;
	_ =	shalt  }
.Lfunc_end2:
_tile_overlayer_lowered:
.L_overlay_start_2:
0xad: {  	(tag) =	ssettag $0x2  }
0xae: {  	s0 =	rddreg [dreg:$0x0];
	s2 =	stileid.u32  }
0xaf: {  	s1 =	rddreg [dreg:$0x1];
	p0 =	sne.s32 s2, $0x0  }
0xb0: {  	s3 =	rddreg [dreg:$0x2];
	[bflag:$0x3] =	sbarrier.arrive $0xFFFF;
	s2 =	simm.s32 @!p0 $0x1C04  }
0xb1: {  	[timem:s3], [sflag:s2] =	dma.local @!p0 [hbm:s0], s1  }
0xb2: {  	s0 =	simm.s32 @!p0 $0x4  }
0xb3: {  	_ =	swait.ge @!p0 [sflag:s0], s1  }
0xb4: {  	s1 =	ssub.s32 @!p0 $0x0, s1;
	[sflag:s0] =	ssyncset.done @!p0 $0x0  }
0xb5: {  	[sflag:s0] =	ssyncadd.s32 @!p0 s1  }
0xb6: {  	[bflag:$0x3] =	sbarrier.arrive $0xFFFF  }
0xb7: {  	_ =	shalt  }

// kernel: kernel.13.cloned.1.call-start
scs
__scs_entry_jumppad:
0x0: {  	(pc) =	sbr.rel $0x88, $3  }
0x1: {  	(tag) =	ssettag $0x0;
	lr =	simm.s32 $0x1  }
0x2: {  	[smem:$0x3F8F] =	sst lr;
	_ =	strace $0xD0000000  }
0x3: {  	_ = 	snop  }
0x4: {  	_ = 	snop  }
0x5: {  	_ = 	snop  }
0x6: {  	_ = 	snop  }
0x7: {  	_ = 	snop  }
__scs_overlays_trampoline_lowered:
0x8: {  	[smem:$0x3F9E] =	sst s0  }
0x9: {  	[smem:$0x3F9F] =	sst s1  }
0xa: {  	[smem:$0x3FA0] =	sst s2  }
0xb: {  	[smem:$0x3FA1] =	sst s3  }
0xc: {  	[smem:$0x3FA2] =	sst s4  }
0xd: {  	[smem:$0x3FA3] =	sst s5  }
0xe: {  	[smem:$0x3FA4] =	sst s6  }
0xf: {  	[smem:$0x3FA5] =	sst s7  }
0x10: {  	[smem:$0x3FA6] =	sst s8  }
0x11: {  	[smem:$0x3FA7] =	sst s9;
	s0 =	simm.s32 @!p0 $0x0  }
0x12: {  	s1 =	sld [smem:$0x3F8D];
	s0 =	simm.s32 @p0 $0x1  }
0x13: {  	[smem:$0x3FA8] =	sst s0;
	s0 =	simm.s32 @!p1 $0x0  }
0x14: {  	s2 =	sld [smem:$0x3F8C];
	s0 =	simm.s32 @p1 $0x1  }
0x15: {  	[smem:$0x3FA9] =	sst s0;
	s0 =	simm.s32 @!p2 $0x0  }
0x16: {  	s3 =	sld [smem:$0x3FDB];
	s0 =	simm.s32 @p2 $0x1  }
0x17: {  	s4 =	simm.s32 $0x1BF5;
	[smem:$0x3FAB] =	sst s0  }
0x18: {  	s0 =	sld [smem:$0x3F8E];
	_ =	swait.ge [sflag:s4], $0x0  }
0x19: {  	s7 =	sld [smem:$0x3F8F]  }
0x1a: {  	s8 =	sadd.s32 $0xFFFFE003, lr  }
0x1b: {  	s9 =	sadd.s32 $0xFFFFFEF7, lr;
	s5 =	simm.s32 $0xFFFFFFFF;
	p2 =	slt.u32 s8, $0xFFFFF086  }
0x1c: {  	p1 =	slt.u32 s9, $0xF7A;
	s5 =	simm.s32 @!p2 $0x0  }
0x1d: {  	s5 =	simm.s32 @p1 $0x1;
	p0 =	seq.s32 s7, s2  }
0x1e: {  	s7 =	smul.u32 @!p0 $0xF7A, s2;
	p2 =	seq.s32 @!p0 s5, $0x0  }
0x1f: {  	s9 =	smul.u32 $0xF7A, s1;
	s8 =	simm.s32 @!p0 $0x1BF5;
	p2 =	por !p2, p0  }
0x20: {  	[sflag:s8] =	ssyncset.s32 @!p0 $0xFFFFF086;
	s6 =	sadd.s32 @!p0 s3, s7;
	s7 =	simm.s32 @!p0 $0x108  }
0x21: {  	s3 =	sadd.s32 s3, s9;
	s6 =	sadd.s32 @!p0 $0x88, s6;
	s7 =	simm.s32 @p2 $0x1082  }
0x22: {  	[simem:s7], [sflag:s8] =	dma.local @!p0 [hbm:s6], $0xF7A  }
0x23: {  	s9 =	sor.u32 $0xD0000000, s2;
	s6 =	simm.s32 $0x108;
	_ =	swait.ge @!p0 [sflag:s8], $0x0  }
0x24: {  	s3 =	sadd.s32 $0x88, s3;
	s6 =	simm.s32 @!p1 $0x1082;
	[sflag:s4] =	ssyncset.s32 $0xFFFFF086  }
0x25: {  	[simem:s6], [sflag:s4] =	dma.local [hbm:s3], $0xF7A  }
0x26: {  	[smem:$0x3F8F] =	sst s1;
	(tag) =	ssettag s2;
	_ =	strace s9  }
0x27: {  	s1 =	sld [smem:$0x3F9F]  }
0x28: {  	s2 =	sld [smem:$0x3FA0]  }
0x29: {  	s4 =	sld [smem:$0x3FA2]  }
0x2a: {  	p0 =	seq.s32 s5, $0x0;
	s5 =	sld [smem:$0x3FA3]  }
0x2b: {  	s6 =	sld [smem:$0x3FA4]  }
0x2c: {  	s7 =	sld [smem:$0x3FA5]  }
0x2d: {  	s3 =	simm.s32 $0x108;
	s8 =	sld [smem:$0x3FA6]  }
0x2e: {  	s3 =	simm.s32 @!p0 $0x1082;
	s9 =	sld [smem:$0x3FA7]  }
0x2f: {  	lr =	sadd.s32 s0, s3;
	s0 =	sld [smem:$0x3F9E]  }
0x30: {  	s3 =	sld [smem:$0x3FA1]  }
0x31: {  	[smem:$0x3FAA] =	sst s10  }
0x32: {  	s10 =	sld [smem:$0x3FA8];
	_ =	sdelay $0x3  }
0x33: {  	p0 =	seq.s32 s10, $0x1;
	s10 =	sld [smem:$0x3FAA];
	_ =	sdelay $0x3  }
0x34: {  	[smem:$0x3FAA] =	sst s10  }
0x35: {  	s10 =	sld [smem:$0x3FA9];
	_ =	sdelay $0x3  }
0x36: {  	p1 =	seq.s32 s10, $0x1;
	s10 =	sld [smem:$0x3FAA];
	_ =	sdelay $0x3  }
0x37: {  	[smem:$0x3FAA] =	sst s10  }
0x38: {  	s10 =	sld [smem:$0x3FAB]  }
0x39: {  	_ = 	snop;
	(pc) =	sbr.ind lr, $3  }
0x3a: {  	_ = 	snop  }
0x3b: {  	_ = 	snop  }
0x3c: {  	p2 =	seq.s32 s10, $0x1;
	s10 =	sld [smem:$0x3FAA]  }
0x3d: {  	_ =	shalt  }
0x3e: {  	_ =	shalt  }
0x3f: {  	_ =	shalt  }
0x40: {  	_ =	shalt  }
0x41: {  	_ =	shalt  }
0x42: {  	_ =	shalt  }
0x43: {  	_ =	shalt  }
0x44: {  	_ =	shalt  }
0x45: {  	_ =	shalt  }
0x46: {  	_ =	shalt  }
0x47: {  	_ =	shalt  }
0x48: {  	_ =	shalt  }
0x49: {  	_ =	shalt  }
0x4a: {  	_ =	shalt  }
0x4b: {  	_ =	shalt  }
0x4c: {  	_ =	shalt  }
0x4d: {  	_ =	shalt  }
0x4e: {  	_ =	shalt  }
0x4f: {  	_ =	shalt  }
0x50: {  	_ =	shalt  }
0x51: {  	_ =	shalt  }
0x52: {  	_ =	shalt  }
0x53: {  	_ =	shalt  }
0x54: {  	_ =	shalt  }
0x55: {  	_ =	shalt  }
0x56: {  	_ =	shalt  }
0x57: {  	_ =	shalt  }
0x58: {  	_ =	shalt  }
0x59: {  	_ =	shalt  }
0x5a: {  	_ =	shalt  }
0x5b: {  	_ =	shalt  }
0x5c: {  	_ =	shalt  }
0x5d: {  	_ =	shalt  }
0x5e: {  	_ =	shalt  }
0x5f: {  	_ =	shalt  }
0x60: {  	_ =	shalt  }
0x61: {  	_ =	shalt  }
0x62: {  	_ =	shalt  }
0x63: {  	_ =	shalt  }
0x64: {  	_ =	shalt  }
0x65: {  	_ =	shalt  }
0x66: {  	_ =	shalt  }
0x67: {  	_ =	shalt  }
0x68: {  	_ =	shalt  }
0x69: {  	_ =	shalt  }
0x6a: {  	_ =	shalt  }
0x6b: {  	_ =	shalt  }
0x6c: {  	_ =	shalt  }
0x6d: {  	_ =	shalt  }
0x6e: {  	_ =	shalt  }
0x6f: {  	_ =	shalt  }
0x70: {  	_ =	shalt  }
0x71: {  	_ =	shalt  }
0x72: {  	_ =	shalt  }
0x73: {  	_ =	shalt  }
0x74: {  	_ =	shalt  }
0x75: {  	_ =	shalt  }
0x76: {  	_ =	shalt  }
0x77: {  	_ =	shalt  }
0x78: {  	_ =	shalt  }
0x79: {  	_ =	shalt  }
0x7a: {  	_ =	shalt  }
0x7b: {  	_ =	shalt  }
0x7c: {  	_ =	shalt  }
0x7d: {  	_ =	shalt  }
0x7e: {  	_ =	shalt  }
0x7f: {  	_ =	shalt  }
0x80: {  	_ =	shalt  }
0x81: {  	_ =	shalt  }
0x82: {  	_ =	shalt  }
0x83: {  	_ =	shalt  }
0x84: {  	_ =	shalt  }
0x85: {  	_ =	shalt  }
0x86: {  	_ =	shalt  }
0x87: {  	_ =	shalt  }
.Lfunc_end0:
.L_simem_size_0:
called_computation.1_lowered:
.L_overlay_start_0:
0x88: {  	s2 =	sld [smem:$0x3FD9]  }
0x89: {  	s3 =	sld [smem:$0x3FFE];
	_ =	sdelay $0x1  }
0x8a: {  	s1 =	srdreg.scid  }
0x8b: {  	s0 =	sand.u32 $0x1, s1  }
0x8c: {  	s16 =	sshll.u32 s0, $0xA;
	s2 =	sadd.s32 s3, s2  }
0x8d: {  	s2 =	sadd.s32 s2, s16  }
0x8e: {  	[smem:$0x3FB6] =	sst s2  }
0x8f: {  	_ = 	snop  }
0x90: {  	(tm) =	ssettm $0x1  }
0x91: {  	s17 =	sld [smem:$0x3FFB];
	_ =	sdelay $0x3  }
0x92: {  	_ =	strace s17  }
0x93: {  	s2 =	sld [smem:$0x3FFC];
	_ =	sdelay $0x3  }
0x94: {  	_ =	strace s2  }
0x95: {  	s2 =	sld [smem:$0x3FFD];
	_ =	sdelay $0x3  }
0x96: {  	_ =	strace s2  }
0x97: {  	_ =	strace $0x8FFFFFFF  }
0x98: {  	s18 =	sld [smem:$0x3FDB];
	_ =	sdelay $0x1  }
0x99: {  	s19 =	simm.s32 $_scs_section_size  }
0x9a: {  	s4 =	simm.s32 $_size__tile_overlayer_lowered;
	s5 =	simm.s32 $_tile_overlayer_lowered  }
0x9b: {  	s22 =	simm.s32 $0x1BFF;
	s21 =	sshll.u32 s5, $0x1;
	s2 =	sadd.s32 s19, s18  }
0x9c: {  	s6 =	simm.s32 $0x0;
	s20 =	sshll.u32 s4, $0x1;
	s4 =	sadd.s32 s21, s2  }
0x9d: {  	[timem:s6], [sflag:s22] =	dma.local [hbm:s4], s20  }
0x9e: {  	_ =	swait.ge [sflag:s22], s20  }
0x9f: {  	s3 =	ssub.s32 $0x0, s20;
	[sflag:s22] =	ssyncset.done $0x0  }
0xa0: {  	[sflag:s22] =	ssyncadd.s32 s3;
	_ =	sdelay $0x1  }
0xa1: {  	s23 =	simm.s32 $0x1B8B  }
0xa2: {  	_ =	swait.ge [sflag:s23], $0x1  }
0xa3: {  	[sflag:s23] =	ssyncset.done $0x0  }
0xa4: {  	s25 =	simm.s32 $0x1B8E;
	s24 =	sld [smem:$0x3FFE];
	[sflag:s23] =	ssyncadd.s32 $0xFFFFFFFF  }
0xa5: {  	s26 =	simm.s32 $execute0_lowered;
	[smem:$0x3FD2] =	sst s25  }
0xa6: {  	s4 =	sshll.u32 s26, $0x1;
	_ =	strace $0x80000049;
	[dreg:$0x1] =	wrdreg $0xFFFFFFFF  }
0xa7: {  	s28 =	simm.s32 $_size_execute0_lowered;
	s2 =	sadd.s32 s2, s4;
	[dreg:$0x0] =	wrdreg $0x0  }
0xa8: {  	s4 =	sshll.u32 s28, $0x1;
	[dreg:$0x2] =	wrdreg s2  }
0xa9: {  	[dreg:$0x3] =	wrdreg s4  }
0xaa: {  	[dreg:$0x4] =	wrdreg $0xC0  }
0xab: {  	_ =	task [dreg:s6], $0x5FFFF  }
0xac: {  	[dreg:$0x1] =	wrdreg $0xFFFFFFFF  }
0xad: {  	[dreg:$0x0] =	wrdreg $0x60  }
0xae: {  	[dreg:$0x2] =	wrdreg s24  }
0xaf: {  	[dreg:$0x3] =	wrdreg $0x0  }
0xb0: {  	[dreg:$0x4] =	wrdreg $0x9  }
0xb1: {  	_ =	task.clear_ibuf [dreg:s6], $0x5FFFF;
	_ =	strace $0x90000049  }
0xb2: {  	s29 =	simm.s32 $0x9;
	_ =	strace $0x8000004B  }
0xb3: {  	_ =	swait.ge [sflag:s29], $0x1  }
0xb4: {  	[sflag:s29] =	ssyncadd.s32 $0xFFFFFFFF  }
0xb5: {  	_ =	strace $0x9000004B  }
0xb6: {  	_ =	sfence  }
0xb7: {  	s30 =	sld [smem:$0x0];
	_ =	sdelay $0x2  }
0xb8: {  	s31 =	sshll.u32 s1, $0xD;
	s1 =	sshrl.u32 s1, $0x2  }
0xb9: {  	s3 =	sand.u32 $0x4000, s31;
	s1 =	sadd.s32 s1, s30  }
0xba: {  	s0 =	sor.u32 s3, s0;
	s1 =	sshll.u32 s1, $0x11  }
0xbb: {  	s0 =	sor.u32 s1, s0  }
0xbc: {  	s0 =	sadd.s32 $0x8F2B, s0  }
0xbd: {  	[sflag:s0] =	ssyncadd.remote.s32 $0x1  }
0xbe: {  	_ =	sfence.sel $0xFFFF  }
0xbf: {  	[dreg:$0x0] =	wrdreg $0xFFFFFFFF;
	(pc) =	sbr.abs _section_cstart, $3  }
0xc0: {  	[dreg:$0x1] =	wrdreg $0xFFFFFFFF  }
0xc1: {  	_ =	task.clear_ibuf [dreg:s6], $0x2FFFF;
	_ =	strace $0x9FFFFFFF  }
0xc2: {  	(tm) =	ssettm $0x7FFFFFFF  }
0xc3: {  	_ =	shalt  }
tec
execute0_lowered:
.L_overlay_start_1:
0x0: {  	(tag) =	ssettag $0x1  }
0x1: {  	s0 =	rddreg [dreg:$0x0]  }
0x2: {  	s2 =	rddreg [dreg:$0x1]  }
0x3: {  	s3 =	simm.s32 $0x0;
	s15 =	stileid.u32;
	s5 =	srdreg.scid  }
0x4: {  	s17 =	simm.s32 $0x4;
	s18 =	simm.s32 $0x14000;
	s20 =	simm.s32 $0x80  }
0x5: {  	s21 =	simm.s32 $0x14400;
	s28 =	simm.s32 $0x3;
	s29 =	simm.s32 $0x2  }
0x6: {  	s30 =	simm.s32 $0x0;
	[smem:$0x7FF] =	sst s3;
	s1 =	smul.u32 $0x14000, s15  }
0x7: {  	s4 =	sadd.s32 $0x6400, s0;
	s6 =	sadd.s32 $0x4BE00, s0;
	s11 =	sadd.s32 $0x38400, s0  }
0x8: {  	s5 =	sand.u32 $0x1, s5;
	s13 =	sadd.s32 $0xAF800, s0;
	s9 =	smul.u32 $0x5C, s15  }
0x9: {  	s14 =	smul.u32 $0xDE, s15;
	s23 =	sshll.u32 s15, $0x6;
	_ =	strace $0x8000004A  }
0xa: {  	s8 =	ssub.s32 $0x2, s5;
	p0 =	seq.s32 s5, $0x0;
	s5 =	simm.s32 $0x6F  }
0xb: {  	s10 =	sshrl.u32 s1, $0x3;
	s12 =	sshrl.u32 s8, $0x1;
	s9 =	sadd.s32 $0xDE0, s9  }
0xc: {  	s5 =	simm.s32 @!p0 $0x2E;
	s1 =	sadd.s32 s1, s2;
	s7 =	sadd.s32 s10, s0  }
0xd: {  	s0 =	sadd.s32 $0xD7800, s0;
	s12 =	ssub.s32 s8, s12;
	s9 =	smov.u32 @p0 s14  }
0xe: {  	s31 =	sshll.u32 s5, $0x5;
	s16 =	sshrl.u32 s1, $0x3;
	s9 =	sshll.u32 s9, $0x4  }
0xf: {  	s7 =	sadd.s32 $0x87800, s7;
	s26 =	smax.u32 s12, $0x1;
	s0 =	smov.u32 @p0 s13  }
0x10: {  	s13 =	sadd.s32 $0xFFFFFFFE, s5;
	s15 =	sadd.s32 $0xFFFFFFC0, s31;
	[dreg:$0x3] =	wrdreg s7  }
0x11: {  	s7 =	sor.u32 $0x1C04, s23;
	s24 =	sadd.s32 $0x20, s9;
	s8 =	sadd.s32 s6, s9  }
0x12: {  	s9 =	sadd.s32 s11, s9;
	[dreg:$0x6] =	wrdreg s26;
	s6 =	sadd.s32 s6, s24  }
0x13: {  	s14 =	sadd.s32 s0, s10;
	s25 =	sadd.s32 s11, s24;
	[dreg:$0x4] =	wrdreg s6  }
0x14: {  	s23 =	simm.s32 $0x18400;
	s26 =	simm.s32 $0x1;
	[dreg:$0x5] =	wrdreg s25  }
.LBB2_1:
0x15: {  	s0 =	rddreg [dreg:$0x3]  }
0x16: {  	[spmem:s16], [sflag:s7] =	dma.local [hbm:s0], $0x2800  }
0x17: {  	_ =	swait.ge [sflag:s17], $0x2800  }
0x18: {  	[sflag:s17] =	ssyncset.done $0x0  }
0x19: {  	[sflag:s17] =	ssyncadd.s32 $0xFFFFD800  }
0x1a: {  	[bflag:$0x0] =	sbarrier.arrive $0xFFFF  }
0x1b: {  	[tilespmem:s18], [sflag:$0x3] =	stream.linear.gather [hbm4b:s8+s3], $0x100, $0x38;
	[tilespmem:$0x1C400] =	vst v63  }
0x1c: {  	s22 =	simm.s32 $0x14200  }
0x1d: {  	[tilespmem:s22], [sflag:$0x3] =	stream.linear.gather [hbm4b:s9+s3], $0x100, $0x38;
	[tilespmem:$0x1C400] =	vst v63  }
0x1e: {  	_ =	swait.ge [sflag:s28], $0x100  }
0x1f: {  	[sflag:s28] =	ssyncset.done $0x0  }
0x20: {  	[sflag:s28] =	ssyncadd.s32 $0xFFFFFF00  }
0x21: {  	_ =	swait.ge [sflag:s28], $0x100  }
0x22: {  	[sflag:s28] =	ssyncset.done $0x0  }
0x23: {  	[sflag:s28] =	ssyncadd.s32 $0xFFFFFF00  }
0x24: {  	[tilespmem:s21], [sflag:$0x1] =	stream.indirect.gather [hbm4b:s4+s20], $0x80, s18, s20, $0xb8;
	[tilespmem:$0x1C400] =	vst v63  }
0x25: {  	s24 =	simm.s32 $0x14080  }
0x26: {  	[tilespmem:s23], [sflag:$0x1] =	stream.indirect.gather [hbm4b:s4+s20], $0x80, s24, s20, $0xb8;
	[tilespmem:$0x1C400] =	vst v63  }
0x27: {  	s1 =	simm.s32 $0x14100;
	s25 =	rddreg [dreg:$0x4]  }
0x28: {  	[tilespmem:s1], [sflag:$0x3] =	stream.linear.gather [hbm4b:s25+s3], $0x100, $0x38;
	[tilespmem:$0x1C400] =	vst v63  }
0x29: {  	s6 =	simm.s32 $0x14300;
	s1 =	rddreg [dreg:$0x5]  }
0x2a: {  	[tilespmem:s6], [sflag:$0x3] =	stream.linear.gather [hbm4b:s1+s3], $0x100, $0x38;
	[tilespmem:$0x1C400] =	vst v63  }
0x2b: {  	_ =	swait.ge [sflag:s26], $0x4000  }
0x2c: {  	s10 =	sand.u32 $0x100, s3;
	[sflag:s26] =	ssyncset.done $0x0  }
0x2d: {  	s31 =	sor.u32 $0x14200, s10;
	[sflag:s26] =	ssyncadd.s32 $0xFFFFC000  }
0x2e: {  	[spmem:s2] =	stream.indirect.scatter.add.f32 [tilespmem:s21], [sflag:$0x2], $0x80, s31, s20, $0xb8;
	[tilespmem:$0x1C400] =	vst v63  }
0x2f: {  	_ =	swait.ge [sflag:s26], $0x4000  }
0x30: {  	[sflag:s26] =	ssyncset.done $0x0  }
0x31: {  	s19 =	sor.u32 $0x14280, s10;
	[sflag:s26] =	ssyncadd.s32 $0xFFFFC000  }
0x32: {  	[spmem:s2] =	stream.indirect.scatter.add.f32 [tilespmem:s23], [sflag:$0x2], $0x80, s19, s20, $0xb8;
	[tilespmem:$0x1C400] =	vst v63  }
0x33: {  	_ =	swait.ge [sflag:s28], $0x100  }
0x34: {  	[sflag:s28] =	ssyncset.done $0x0  }
0x35: {  	[sflag:s28] =	ssyncadd.s32 $0xFFFFFF00  }
0x36: {  	_ =	swait.ge [sflag:s28], $0x100  }
0x37: {  	[sflag:s28] =	ssyncset.done $0x0  }
0x38: {  	[sflag:s28] =	ssyncadd.s32 $0xFFFFFF00  }
0x39: {  	_ =	swait.ge [sflag:s29], $0x4000  }
0x3a: {  	s11 =	sadd.s32 $0x0, s8;
	p0 =	sne.s32 s15, $0x20;
	[sflag:s29] =	ssyncset.done $0x0  }
0x3b: {  	s12 =	sadd.s32 $0x40, s11;
	s22 =	sxor.u32 $0x14100, s10;
	[sflag:s29] =	ssyncadd.s32 $0xFFFFC000  }
0x3c: {  	[tilespmem:s21], [sflag:$0x1] =	stream.indirect.gather [hbm4b:s4+s20], $0x80, s22, s20, $0xb8;
	[tilespmem:$0x1C400] =	vst v63  }
0x3d: {  	s0 =	simm.s32 $0x20;
	s24 =	sadd.s32 $0x0, s9;
	_ =	swait.ge [sflag:s29], $0x4000  }
.Ltmp0:
0x3e: {  	s11 =	sadd.s32 $0x40, s24;
	[sflag:s29] =	ssyncset.done $0x0;
	(pc) =	sbr.rel @!p0 .LBB2_3-.Ltmp0, $4  }
0x3f: {  	s24 =	simm.s32 $0x3;
	s25 =	sxor.u32 $0x14180, s10;
	[sflag:s29] =	ssyncadd.s32 $0xFFFFC000  }
0x40: {  	[tilespmem:s23], [sflag:$0x1] =	stream.indirect.gather [hbm4b:s4+s20], $0x80, s25, s20, $0xb8;
	[tilespmem:$0x1C400] =	vst v63  }
0x41: {  	s6 =	sor.u32 $0x14000, s10;
	s1 =	simm.s32 $0x4;
	s10 =	simm.s32 $0x100  }
0x42: {  	[tilespmem:s6], [sflag:$0x3] =	stream.linear.gather [hbm4b:s12+s3], $0x100, $0x38;
	[tilespmem:$0x1C400] =	vst v63  }
.LBB2_2:
0x43: {  	s24 =	smov.u32 s1  }
0x44: {  	[tilespmem:s31], [sflag:$0x3] =	stream.linear.gather [hbm4b:s11+s3], $0x100, $0x38;
	[tilespmem:$0x1C400] =	vst v63  }
0x45: {  	s11 =	smov.u32 s0;
	s0 =	sadd.s32 $0x20, s0;
	_ =	swait.ge [sflag:s26], $0x4000  }
0x46: {  	s6 =	sand.u32 $0x100, s10;
	p0 =	sne.s32 s15, s0;
	[sflag:s26] =	ssyncset.done $0x0  }
0x47: {  	s31 =	sor.u32 $0x14200, s6;
	[sflag:s26] =	ssyncadd.s32 $0xFFFFC000  }
0x48: {  	[spmem:s2] =	stream.indirect.scatter.add.f32 [tilespmem:s21], [sflag:$0x2], $0x80, s31, s20, $0xb8;
	[tilespmem:$0x1C400] =	vst v63  }
0x49: {  	_ =	swait.ge [sflag:s26], $0x4000  }
0x4a: {  	[sflag:s26] =	ssyncset.done $0x0  }
0x4b: {  	s19 =	sor.u32 $0x14280, s6;
	[sflag:s26] =	ssyncadd.s32 $0xFFFFC000  }
0x4c: {  	[spmem:s2] =	stream.indirect.scatter.add.f32 [tilespmem:s23], [sflag:$0x2], $0x80, s19, s20, $0xb8;
	[tilespmem:$0x1C400] =	vst v63  }
0x4d: {  	_ =	swait.ge [sflag:s28], $0x100  }
0x4e: {  	[sflag:s28] =	ssyncset.done $0x0  }
0x4f: {  	[sflag:s28] =	ssyncadd.s32 $0xFFFFFF00  }
0x50: {  	_ =	swait.ge [sflag:s28], $0x100  }
0x51: {  	[sflag:s28] =	ssyncset.done $0x0  }
0x52: {  	[sflag:s28] =	ssyncadd.s32 $0xFFFFFF00  }
0x53: {  	_ =	swait.ge [sflag:s29], $0x4000  }
0x54: {  	[sflag:s29] =	ssyncset.done $0x0  }
0x55: {  	s22 =	sxor.u32 $0x14100, s6;
	[sflag:s29] =	ssyncadd.s32 $0xFFFFC000  }
0x56: {  	[tilespmem:s21], [sflag:$0x1] =	stream.indirect.gather [hbm4b:s4+s20], $0x80, s22, s20, $0xb8;
	[tilespmem:$0x1C400] =	vst v63  }
0x57: {  	_ =	swait.ge [sflag:s29], $0x4000  }
0x58: {  	s12 =	sadd.s32 s11, s8;
	[sflag:s29] =	ssyncset.done $0x0  }
.Ltmp1:
0x59: {  	s25 =	sxor.u32 $0x14180, s6;
	[sflag:s29] =	ssyncadd.s32 $0xFFFFC000;
	(pc) =	sbr.rel @p0 .LBB2_2-.Ltmp1, $4  }
0x5a: {  	[tilespmem:s23], [sflag:$0x1] =	stream.indirect.gather [hbm4b:s4+s20], $0x80, s25, s20, $0xb8;
	[tilespmem:$0x1C400] =	vst v63  }
0x5b: {  	s6 =	sor.u32 $0x14000, s6;
	s11 =	sadd.s32 s11, s9;
	s12 =	sadd.s32 $0x40, s12  }
0x5c: {  	[tilespmem:s6], [sflag:$0x3] =	stream.linear.gather [hbm4b:s12+s3], $0x100, $0x38;
	[tilespmem:$0x1C400] =	vst v63  }
0x5d: {  	s1 =	sadd.s32 $0x1, s1;
	s10 =	sadd.s32 $0x100, s10;
	s11 =	sadd.s32 $0x40, s11  }
.LBB2_3:
0x5e: {  	[tilespmem:s31], [sflag:$0x3] =	stream.linear.gather [hbm4b:s11+s3], $0x100, $0x38;
	[tilespmem:$0x1C400] =	vst v63  }
0x5f: {  	_ =	swait.ge [sflag:s26], $0x4000  }
0x60: {  	s10 =	sand.u32 $0x100, s10;
	[sflag:s26] =	ssyncset.done $0x0  }
0x61: {  	s11 =	sor.u32 $0x14200, s10;
	[sflag:s26] =	ssyncadd.s32 $0xFFFFC000  }
0x62: {  	[spmem:s2] =	stream.indirect.scatter.add.f32 [tilespmem:s21], [sflag:$0x2], $0x80, s11, s20, $0xb8;
	[tilespmem:$0x1C400] =	vst v63  }
0x63: {  	_ =	swait.ge [sflag:s26], $0x4000  }
0x64: {  	[sflag:s26] =	ssyncset.done $0x0  }
0x65: {  	s12 =	sor.u32 $0x14280, s10;
	[sflag:s26] =	ssyncadd.s32 $0xFFFFC000  }
0x66: {  	[spmem:s2] =	stream.indirect.scatter.add.f32 [tilespmem:s23], [sflag:$0x2], $0x80, s12, s20, $0xb8;
	[tilespmem:$0x1C400] =	vst v63  }
0x67: {  	_ =	swait.ge [sflag:s28], $0x100  }
0x68: {  	[sflag:s28] =	ssyncset.done $0x0  }
0x69: {  	[sflag:s28] =	ssyncadd.s32 $0xFFFFFF00  }
0x6a: {  	_ =	swait.ge [sflag:s28], $0x100  }
0x6b: {  	[sflag:s28] =	ssyncset.done $0x0  }
0x6c: {  	[sflag:s28] =	ssyncadd.s32 $0xFFFFFF00  }
0x6d: {  	_ =	swait.ge [sflag:s29], $0x4000  }
0x6e: {  	[sflag:s29] =	ssyncset.done $0x0  }
0x6f: {  	s12 =	sxor.u32 $0x14100, s10;
	[sflag:s29] =	ssyncadd.s32 $0xFFFFC000  }
0x70: {  	[tilespmem:s21], [sflag:$0x1] =	stream.indirect.gather [hbm4b:s4+s20], $0x80, s12, s20, $0xb8;
	[tilespmem:$0x1C400] =	vst v63  }
0x71: {  	_ =	swait.ge [sflag:s29], $0x4000  }
0x72: {  	[sflag:s29] =	ssyncset.done $0x0  }
0x73: {  	p0 =	sge.u32 s24, s5;
	s12 =	sxor.u32 $0x14180, s10;
	[sflag:s29] =	ssyncadd.s32 $0xFFFFC000  }
0x74: {  	[tilespmem:s23], [sflag:$0x1] =	stream.indirect.gather [hbm4b:s4+s20], $0x80, s12, s20, $0xb8;
	[tilespmem:$0x1C400] =	vst v63  }
0x75: {  	s12 =	sadd.s32 @!p0 s0, s8  }
0x76: {  	s24 =	simm.s32 @!p0 $0x0;
	s10 =	sor.u32 @!p0 $0x14000, s10;
	s12 =	sadd.s32 @!p0 $0x40, s12  }
0x77: {  	[tilespmem:s10], [sflag:$0x3] =	stream.linear.gather @!p0 [hbm4b:s12+s24], $0x100, $0x38;
	[tilespmem:$0x1C400] =	vst v63  }
0x78: {  	s10 =	sadd.s32 @!p0 s0, s9  }
0x79: {  	s10 =	sadd.s32 @!p0 $0x40, s10  }
0x7a: {  	[tilespmem:s11], [sflag:$0x3] =	stream.linear.gather @!p0 [hbm4b:s10+s24], $0x100, $0x38;
	[tilespmem:$0x1C400] =	vst v63  }
0x7b: {  	_ =	swait.ge [sflag:s26], $0x4000  }
0x7c: {  	[sflag:s26] =	ssyncset.done $0x0  }
0x7d: {  	[sflag:s26] =	ssyncadd.s32 $0xFFFFC000  }
0x7e: {  	[spmem:s2] =	stream.indirect.scatter.add.f32 [tilespmem:s21], [sflag:$0x2], $0x80, s31, s20, $0xb8;
	[tilespmem:$0x1C400] =	vst v63  }
0x7f: {  	s24 =	sadd.s32 $0xFFFFFFFD, s1;
	_ =	swait.ge [sflag:s26], $0x4000  }
0x80: {  	p0 =	sge.u32 s24, s13;
	[sflag:s26] =	ssyncset.done $0x0  }
0x81: {  	s10 =	simm.s32 @!p0 $0x3;
	[sflag:s26] =	ssyncadd.s32 $0xFFFFC000  }
0x82: {  	[spmem:s2] =	stream.indirect.scatter.add.f32 [tilespmem:s23], [sflag:$0x2], $0x80, s19, s20, $0xb8;
	[tilespmem:$0x1C400] =	vst v63  }
0x83: {  	_ =	swait.ge @!p0 [sflag:s10], $0x100  }
0x84: {  	[sflag:s10] =	ssyncset.done @!p0 $0x0  }
0x85: {  	[sflag:s10] =	ssyncadd.s32 @!p0 $0xFFFFFF00  }
0x86: {  	_ =	swait.ge @!p0 [sflag:s10], $0x100  }
0x87: {  	[sflag:s10] =	ssyncset.done @!p0 $0x0  }
0x88: {  	[sflag:s10] =	ssyncadd.s32 @!p0 $0xFFFFFF00;
	s10 =	simm.s32 @!p0 $0x2  }
0x89: {  	_ =	swait.ge @!p0 [sflag:s10], $0x4000  }
0x8a: {  	[sflag:s10] =	ssyncset.done @!p0 $0x0  }
0x8b: {  	s11 =	simm.s32 @!p0 $0x80;
	s12 =	simm.s32 @!p0 $0x14400;
	[sflag:s10] =	ssyncadd.s32 @!p0 $0xFFFFC000  }
0x8c: {  	[tilespmem:s12], [sflag:$0x1] =	stream.indirect.gather @!p0 [hbm4b:s4+s11], $0x80, s22, s11, $0xb8;
	[tilespmem:$0x1C400] =	vst v63  }
0x8d: {  	_ =	swait.ge @!p0 [sflag:s10], $0x4000  }
0x8e: {  	[sflag:s10] =	ssyncset.done @!p0 $0x0  }
0x8f: {  	p1 =	sge.u32 @!p0 s1, s5;
	[sflag:s10] =	ssyncadd.s32 @!p0 $0xFFFFC000;
	s10 =	simm.s32 @!p0 $0x18400  }
0x90: {  	[tilespmem:s10], [sflag:$0x1] =	stream.indirect.gather @!p0 [hbm4b:s4+s11], $0x80, s25, s11, $0xb8;
	[tilespmem:$0x1C400] =	vst v63  }
0x91: {  	p0 =	por p1, p0  }
0x92: {  	s1 =	sadd.s32 @!p0 s0, s8  }
0x93: {  	s10 =	simm.s32 @!p0 $0x0;
	s0 =	sadd.s32 @!p0 s0, s9;
	s1 =	sadd.s32 @!p0 $0x60, s1  }
0x94: {  	[tilespmem:s6], [sflag:$0x3] =	stream.linear.gather @!p0 [hbm4b:s1+s10], $0x100, $0x38;
	[tilespmem:$0x1C400] =	vst v63  }
0x95: {  	s0 =	sadd.s32 @!p0 $0x60, s0  }
0x96: {  	[tilespmem:s31], [sflag:$0x3] =	stream.linear.gather @!p0 [hbm4b:s0+s10], $0x100, $0x38;
	[tilespmem:$0x1C400] =	vst v63  }
0x97: {  	_ =	swait.ge [sflag:s29], $0x4000  }
0x98: {  	[sflag:s29] =	ssyncset.done $0x0  }
0x99: {  	[sflag:s29] =	ssyncadd.s32 $0xFFFFC000  }
0x9a: {  	_ =	swait.ge [sflag:s29], $0x4000  }
0x9b: {  	[sflag:s29] =	ssyncset.done $0x0  }
0x9c: {  	[sflag:s29] =	ssyncadd.s32 $0xFFFFC000  }
0x9d: {  	[bflag:$0x0] =	sbarrier.arrive $0xFFFF  }
0x9e: {  	[hbm:s14], [sflag:s7] =	dma.local [spmem:s16], $0x2800  }
0x9f: {  	_ =	swait.ge [sflag:s17], $0x2800  }
0xa0: {  	s30 =	sadd.s32 $0x1, s30;
	s31 =	rddreg [dreg:$0x6]  }
0xa1: {  	p0 =	sne.s32 s30, s31  }
.Ltmp2:
0xa2: {  	_ = 	snop;
	(pc) =	sbr.rel @p0 .LBB2_1-.Ltmp2, $3  }
0xa3: {  	_ =	sdelay $0x1  }
0xa4: {  	[sflag:s17] =	ssyncset.done $0x0  }
0xa5: {  	[sflag:s17] =	ssyncadd.s32 $0xFFFFD800  }
0xa6: {  	_ =	sfence.sel $0x180000  }
0xa7: {  	[bflag:$0x0] =	sbarrier.arrive $0xFFFF  }
0xa8: {  	_ =	strace $0x9000004A  }
0xa9: {  	s0 =	stileid.u32;
	[bflag:$0x2] =	sbarrier.arrive $0xFFFF  }
0xaa: {  	p0 =	sne.s32 s0, $0x0;
	s0 =	rddreg [dreg:$0x2]  }
0xab: {  	s0 =	sadd.s32 @!p0 $0x100000, s0  }
0xac: {  	[sflag:s0] =	ssyncadd.tile.s32 @!p0 $0x1;
	_ =	shalt  }
.Lfunc_end2:
_tile_overlayer_lowered:
.L_overlay_start_2:
0xad: {  	(tag) =	ssettag $0x2  }
0xae: {  	s0 =	rddreg [dreg:$0x0];
	s2 =	stileid.u32  }
0xaf: {  	s1 =	rddreg [dreg:$0x1];
	p0 =	sne.s32 s2, $0x0  }
0xb0: {  	s3 =	rddreg [dreg:$0x2];
	[bflag:$0x3] =	sbarrier.arrive $0xFFFF;
	s2 =	simm.s32 @!p0 $0x1C04  }
0xb1: {  	[timem:s3], [sflag:s2] =	dma.local @!p0 [hbm:s0], s1  }
0xb2: {  	s0 =	simm.s32 @!p0 $0x4  }
0xb3: {  	_ =	swait.ge @!p0 [sflag:s0], s1  }
0xb4: {  	s1 =	ssub.s32 @!p0 $0x0, s1;
	[sflag:s0] =	ssyncset.done @!p0 $0x0  }
0xb5: {  	[sflag:s0] =	ssyncadd.s32 @!p0 s1  }
0xb6: {  	[bflag:$0x3] =	sbarrier.arrive $0xFFFF  }
0xb7: {  	_ =	shalt  }

// kernel: kernel.16.cloned.1.call-start
scs
__scs_entry_jumppad:
0x0: {  	(pc) =	sbr.rel $0x88, $3  }
0x1: {  	(tag) =	ssettag $0x0;
	lr =	simm.s32 $0x1  }
0x2: {  	[smem:$0x3F8F] =	sst lr;
	_ =	strace $0xD0000000  }
0x3: {  	_ = 	snop  }
0x4: {  	_ = 	snop  }
0x5: {  	_ = 	snop  }
0x6: {  	_ = 	snop  }
0x7: {  	_ = 	snop  }
__scs_overlays_trampoline_lowered:
0x8: {  	[smem:$0x3F9E] =	sst s0  }
0x9: {  	[smem:$0x3F9F] =	sst s1  }
0xa: {  	[smem:$0x3FA0] =	sst s2  }
0xb: {  	[smem:$0x3FA1] =	sst s3  }
0xc: {  	[smem:$0x3FA2] =	sst s4  }
0xd: {  	[smem:$0x3FA3] =	sst s5  }
0xe: {  	[smem:$0x3FA4] =	sst s6  }
0xf: {  	[smem:$0x3FA5] =	sst s7  }
0x10: {  	[smem:$0x3FA6] =	sst s8  }
0x11: {  	[smem:$0x3FA7] =	sst s9;
	s0 =	simm.s32 @!p0 $0x0  }
0x12: {  	s1 =	sld [smem:$0x3F8D];
	s0 =	simm.s32 @p0 $0x1  }
0x13: {  	[smem:$0x3FA8] =	sst s0;
	s0 =	simm.s32 @!p1 $0x0  }
0x14: {  	s2 =	sld [smem:$0x3F8C];
	s0 =	simm.s32 @p1 $0x1  }
0x15: {  	[smem:$0x3FA9] =	sst s0;
	s0 =	simm.s32 @!p2 $0x0  }
0x16: {  	s3 =	sld [smem:$0x3FDB];
	s0 =	simm.s32 @p2 $0x1  }
0x17: {  	s4 =	simm.s32 $0x1BF5;
	[smem:$0x3FAB] =	sst s0  }
0x18: {  	s0 =	sld [smem:$0x3F8E];
	_ =	swait.ge [sflag:s4], $0x0  }
0x19: {  	s7 =	sld [smem:$0x3F8F]  }
0x1a: {  	s8 =	sadd.s32 $0xFFFFE003, lr  }
0x1b: {  	s9 =	sadd.s32 $0xFFFFFEF7, lr;
	s5 =	simm.s32 $0xFFFFFFFF;
	p2 =	slt.u32 s8, $0xFFFFF086  }
0x1c: {  	p1 =	slt.u32 s9, $0xF7A;
	s5 =	simm.s32 @!p2 $0x0  }
0x1d: {  	s5 =	simm.s32 @p1 $0x1;
	p0 =	seq.s32 s7, s2  }
0x1e: {  	s7 =	smul.u32 @!p0 $0xF7A, s2;
	p2 =	seq.s32 @!p0 s5, $0x0  }
0x1f: {  	s9 =	smul.u32 $0xF7A, s1;
	s8 =	simm.s32 @!p0 $0x1BF5;
	p2 =	por !p2, p0  }
0x20: {  	[sflag:s8] =	ssyncset.s32 @!p0 $0xFFFFF086;
	s6 =	sadd.s32 @!p0 s3, s7;
	s7 =	simm.s32 @!p0 $0x108  }
0x21: {  	s3 =	sadd.s32 s3, s9;
	s6 =	sadd.s32 @!p0 $0x88, s6;
	s7 =	simm.s32 @p2 $0x1082  }
0x22: {  	[simem:s7], [sflag:s8] =	dma.local @!p0 [hbm:s6], $0xF7A  }
0x23: {  	s9 =	sor.u32 $0xD0000000, s2;
	s6 =	simm.s32 $0x108;
	_ =	swait.ge @!p0 [sflag:s8], $0x0  }
0x24: {  	s3 =	sadd.s32 $0x88, s3;
	s6 =	simm.s32 @!p1 $0x1082;
	[sflag:s4] =	ssyncset.s32 $0xFFFFF086  }
0x25: {  	[simem:s6], [sflag:s4] =	dma.local [hbm:s3], $0xF7A  }
0x26: {  	[smem:$0x3F8F] =	sst s1;
	(tag) =	ssettag s2;
	_ =	strace s9  }
0x27: {  	s1 =	sld [smem:$0x3F9F]  }
0x28: {  	s2 =	sld [smem:$0x3FA0]  }
0x29: {  	s4 =	sld [smem:$0x3FA2]  }
0x2a: {  	p0 =	seq.s32 s5, $0x0;
	s5 =	sld [smem:$0x3FA3]  }
0x2b: {  	s6 =	sld [smem:$0x3FA4]  }
0x2c: {  	s7 =	sld [smem:$0x3FA5]  }
0x2d: {  	s3 =	simm.s32 $0x108;
	s8 =	sld [smem:$0x3FA6]  }
0x2e: {  	s3 =	simm.s32 @!p0 $0x1082;
	s9 =	sld [smem:$0x3FA7]  }
0x2f: {  	lr =	sadd.s32 s0, s3;
	s0 =	sld [smem:$0x3F9E]  }
0x30: {  	s3 =	sld [smem:$0x3FA1]  }
0x31: {  	[smem:$0x3FAA] =	sst s10  }
0x32: {  	s10 =	sld [smem:$0x3FA8];
	_ =	sdelay $0x3  }
0x33: {  	p0 =	seq.s32 s10, $0x1;
	s10 =	sld [smem:$0x3FAA];
	_ =	sdelay $0x3  }
0x34: {  	[smem:$0x3FAA] =	sst s10  }
0x35: {  	s10 =	sld [smem:$0x3FA9];
	_ =	sdelay $0x3  }
0x36: {  	p1 =	seq.s32 s10, $0x1;
	s10 =	sld [smem:$0x3FAA];
	_ =	sdelay $0x3  }
0x37: {  	[smem:$0x3FAA] =	sst s10  }
0x38: {  	s10 =	sld [smem:$0x3FAB]  }
0x39: {  	_ = 	snop;
	(pc) =	sbr.ind lr, $3  }
0x3a: {  	_ = 	snop  }
0x3b: {  	_ = 	snop  }
0x3c: {  	p2 =	seq.s32 s10, $0x1;
	s10 =	sld [smem:$0x3FAA]  }
0x3d: {  	_ =	shalt  }
0x3e: {  	_ =	shalt  }
0x3f: {  	_ =	shalt  }
0x40: {  	_ =	shalt  }
0x41: {  	_ =	shalt  }
0x42: {  	_ =	shalt  }
0x43: {  	_ =	shalt  }
0x44: {  	_ =	shalt  }
0x45: {  	_ =	shalt  }
0x46: {  	_ =	shalt  }
0x47: {  	_ =	shalt  }
0x48: {  	_ =	shalt  }
0x49: {  	_ =	shalt  }
0x4a: {  	_ =	shalt  }
0x4b: {  	_ =	shalt  }
0x4c: {  	_ =	shalt  }
0x4d: {  	_ =	shalt  }
0x4e: {  	_ =	shalt  }
0x4f: {  	_ =	shalt  }
0x50: {  	_ =	shalt  }
0x51: {  	_ =	shalt  }
0x52: {  	_ =	shalt  }
0x53: {  	_ =	shalt  }
0x54: {  	_ =	shalt  }
0x55: {  	_ =	shalt  }
0x56: {  	_ =	shalt  }
0x57: {  	_ =	shalt  }
0x58: {  	_ =	shalt  }
0x59: {  	_ =	shalt  }
0x5a: {  	_ =	shalt  }
0x5b: {  	_ =	shalt  }
0x5c: {  	_ =	shalt  }
0x5d: {  	_ =	shalt  }
0x5e: {  	_ =	shalt  }
0x5f: {  	_ =	shalt  }
0x60: {  	_ =	shalt  }
0x61: {  	_ =	shalt  }
0x62: {  	_ =	shalt  }
0x63: {  	_ =	shalt  }
0x64: {  	_ =	shalt  }
0x65: {  	_ =	shalt  }
0x66: {  	_ =	shalt  }
0x67: {  	_ =	shalt  }
0x68: {  	_ =	shalt  }
0x69: {  	_ =	shalt  }
0x6a: {  	_ =	shalt  }
0x6b: {  	_ =	shalt  }
0x6c: {  	_ =	shalt  }
0x6d: {  	_ =	shalt  }
0x6e: {  	_ =	shalt  }
0x6f: {  	_ =	shalt  }
0x70: {  	_ =	shalt  }
0x71: {  	_ =	shalt  }
0x72: {  	_ =	shalt  }
0x73: {  	_ =	shalt  }
0x74: {  	_ =	shalt  }
0x75: {  	_ =	shalt  }
0x76: {  	_ =	shalt  }
0x77: {  	_ =	shalt  }
0x78: {  	_ =	shalt  }
0x79: {  	_ =	shalt  }
0x7a: {  	_ =	shalt  }
0x7b: {  	_ =	shalt  }
0x7c: {  	_ =	shalt  }
0x7d: {  	_ =	shalt  }
0x7e: {  	_ =	shalt  }
0x7f: {  	_ =	shalt  }
0x80: {  	_ =	shalt  }
0x81: {  	_ =	shalt  }
0x82: {  	_ =	shalt  }
0x83: {  	_ =	shalt  }
0x84: {  	_ =	shalt  }
0x85: {  	_ =	shalt  }
0x86: {  	_ =	shalt  }
0x87: {  	_ =	shalt  }
.Lfunc_end0:
.L_simem_size_0:
called_computation.2_lowered:
.L_overlay_start_0:
0x88: {  	s2 =	sld [smem:$0x3FD9]  }
0x89: {  	s3 =	sld [smem:$0x3FFE];
	_ =	sdelay $0x1  }
0x8a: {  	s1 =	srdreg.scid  }
0x8b: {  	s0 =	sand.u32 $0x1, s1  }
0x8c: {  	s16 =	sshll.u32 s0, $0xA;
	s2 =	sadd.s32 s3, s2  }
0x8d: {  	s2 =	sadd.s32 s2, s16  }
0x8e: {  	[smem:$0x3FB6] =	sst s2  }
0x8f: {  	_ = 	snop  }
0x90: {  	(tm) =	ssettm $0x1  }
0x91: {  	s17 =	sld [smem:$0x3FFB];
	_ =	sdelay $0x3  }
0x92: {  	_ =	strace s17  }
0x93: {  	s2 =	sld [smem:$0x3FFC];
	_ =	sdelay $0x3  }
0x94: {  	_ =	strace s2  }
0x95: {  	s2 =	sld [smem:$0x3FFD];
	_ =	sdelay $0x3  }
0x96: {  	_ =	strace s2  }
0x97: {  	_ =	strace $0x8FFFFFFF  }
0x98: {  	s18 =	sld [smem:$0x3FDB];
	_ =	sdelay $0x1  }
0x99: {  	s19 =	simm.s32 $_scs_section_size  }
0x9a: {  	s4 =	simm.s32 $_size__tile_overlayer_lowered;
	s5 =	simm.s32 $_tile_overlayer_lowered  }
0x9b: {  	s22 =	simm.s32 $0x1BFF;
	s21 =	sshll.u32 s5, $0x1;
	s2 =	sadd.s32 s19, s18  }
0x9c: {  	s6 =	simm.s32 $0x0;
	s20 =	sshll.u32 s4, $0x1;
	s4 =	sadd.s32 s21, s2  }
0x9d: {  	[timem:s6], [sflag:s22] =	dma.local [hbm:s4], s20  }
0x9e: {  	_ =	swait.ge [sflag:s22], s20  }
0x9f: {  	s3 =	ssub.s32 $0x0, s20;
	[sflag:s22] =	ssyncset.done $0x0  }
0xa0: {  	[sflag:s22] =	ssyncadd.s32 s3;
	_ =	sdelay $0x1  }
0xa1: {  	s23 =	simm.s32 $0x1B8B  }
0xa2: {  	_ =	swait.ge [sflag:s23], $0x1  }
0xa3: {  	[sflag:s23] =	ssyncset.done $0x0  }
0xa4: {  	s25 =	simm.s32 $0x1B8E;
	s24 =	sld [smem:$0x3FFE];
	[sflag:s23] =	ssyncadd.s32 $0xFFFFFFFF  }
0xa5: {  	s26 =	simm.s32 $execute0_lowered;
	[smem:$0x3FD2] =	sst s25  }
0xa6: {  	s4 =	sshll.u32 s26, $0x1;
	_ =	strace $0x8000004C;
	[dreg:$0x1] =	wrdreg $0xFFFFFFFF  }
0xa7: {  	s28 =	simm.s32 $_size_execute0_lowered;
	s2 =	sadd.s32 s2, s4;
	[dreg:$0x0] =	wrdreg $0x0  }
0xa8: {  	s4 =	sshll.u32 s28, $0x1;
	[dreg:$0x2] =	wrdreg s2  }
0xa9: {  	[dreg:$0x3] =	wrdreg s4  }
0xaa: {  	[dreg:$0x4] =	wrdreg $0xC0  }
0xab: {  	_ =	task [dreg:s6], $0x5FFFF  }
0xac: {  	[dreg:$0x1] =	wrdreg $0xFFFFFFFF  }
0xad: {  	[dreg:$0x0] =	wrdreg $0x60  }
0xae: {  	[dreg:$0x2] =	wrdreg s24  }
0xaf: {  	[dreg:$0x3] =	wrdreg $0x0  }
0xb0: {  	[dreg:$0x4] =	wrdreg $0x9  }
0xb1: {  	_ =	task.clear_ibuf [dreg:s6], $0x5FFFF;
	_ =	strace $0x9000004C  }
0xb2: {  	s29 =	simm.s32 $0x9;
	_ =	strace $0x8000004E  }
0xb3: {  	_ =	swait.ge [sflag:s29], $0x1  }
0xb4: {  	[sflag:s29] =	ssyncadd.s32 $0xFFFFFFFF  }
0xb5: {  	_ =	strace $0x9000004E  }
0xb6: {  	_ =	sfence  }
0xb7: {  	s30 =	sld [smem:$0x0];
	_ =	sdelay $0x2  }
0xb8: {  	s31 =	sshll.u32 s1, $0xD;
	s1 =	sshrl.u32 s1, $0x2  }
0xb9: {  	s3 =	sand.u32 $0x4000, s31;
	s1 =	sadd.s32 s1, s30  }
0xba: {  	s0 =	sor.u32 s3, s0;
	s1 =	sshll.u32 s1, $0x11  }
0xbb: {  	s0 =	sor.u32 s1, s0  }
0xbc: {  	s0 =	sadd.s32 $0x8F2B, s0  }
0xbd: {  	[sflag:s0] =	ssyncadd.remote.s32 $0x1  }
0xbe: {  	_ =	sfence.sel $0xFFFF  }
0xbf: {  	[dreg:$0x0] =	wrdreg $0xFFFFFFFF;
	(pc) =	sbr.abs _section_cstart, $3  }
0xc0: {  	[dreg:$0x1] =	wrdreg $0xFFFFFFFF  }
0xc1: {  	_ =	task.clear_ibuf [dreg:s6], $0x2FFFF;
	_ =	strace $0x9FFFFFFF  }
0xc2: {  	(tm) =	ssettm $0x7FFFFFFF  }
0xc3: {  	_ =	shalt  }
tec
execute0_lowered:
.L_overlay_start_1:
0x0: {  	(tag) =	ssettag $0x1  }
0x1: {  	s0 =	rddreg [dreg:$0x0]  }
0x2: {  	s2 =	rddreg [dreg:$0x1]  }
0x3: {  	s3 =	simm.s32 $0x0;
	s15 =	stileid.u32;
	s5 =	srdreg.scid  }
0x4: {  	s17 =	simm.s32 $0x4;
	s18 =	simm.s32 $0x14000;
	s20 =	simm.s32 $0x80  }
0x5: {  	s21 =	simm.s32 $0x14400;
	s28 =	simm.s32 $0x3;
	s29 =	simm.s32 $0x2  }
0x6: {  	s30 =	simm.s32 $0x0;
	[smem:$0x7FF] =	sst s3;
	s1 =	smul.u32 $0x14000, s15  }
0x7: {  	s4 =	sadd.s32 $0x6400, s0;
	s6 =	sadd.s32 $0x4BE00, s0;
	s11 =	sadd.s32 $0x38400, s0  }
0x8: {  	s5 =	sand.u32 $0x1, s5;
	s13 =	sadd.s32 $0xAF800, s0;
	s9 =	smul.u32 $0x5C, s15  }
0x9: {  	s14 =	smul.u32 $0xDE, s15;
	s23 =	sshll.u32 s15, $0x6;
	_ =	strace $0x8000004D  }
0xa: {  	s8 =	ssub.s32 $0x2, s5;
	p0 =	seq.s32 s5, $0x0;
	s5 =	simm.s32 $0x6F  }
0xb: {  	s10 =	sshrl.u32 s1, $0x3;
	s12 =	sshrl.u32 s8, $0x1;
	s9 =	sadd.s32 $0xDE0, s9  }
0xc: {  	s5 =	simm.s32 @!p0 $0x2E;
	s1 =	sadd.s32 s1, s2;
	s7 =	sadd.s32 s10, s0  }
0xd: {  	s0 =	sadd.s32 $0xD7800, s0;
	s12 =	ssub.s32 s8, s12;
	s9 =	smov.u32 @p0 s14  }
0xe: {  	s31 =	sshll.u32 s5, $0x5;
	s16 =	sshrl.u32 s1, $0x3;
	s9 =	sshll.u32 s9, $0x4  }
0xf: {  	s7 =	sadd.s32 $0x87800, s7;
	s26 =	smax.u32 s12, $0x1;
	s0 =	smov.u32 @p0 s13  }
0x10: {  	s13 =	sadd.s32 $0xFFFFFFFE, s5;
	s15 =	sadd.s32 $0xFFFFFFC0, s31;
	[dreg:$0x3] =	wrdreg s7  }
0x11: {  	s7 =	sor.u32 $0x1C04, s23;
	s24 =	sadd.s32 $0x20, s9;
	s8 =	sadd.s32 s6, s9  }
0x12: {  	s9 =	sadd.s32 s11, s9;
	[dreg:$0x6] =	wrdreg s26;
	s6 =	sadd.s32 s6, s24  }
0x13: {  	s14 =	sadd.s32 s0, s10;
	s25 =	sadd.s32 s11, s24;
	[dreg:$0x4] =	wrdreg s6  }
0x14: {  	s23 =	simm.s32 $0x18400;
	s26 =	simm.s32 $0x1;
	[dreg:$0x5] =	wrdreg s25  }
.LBB2_1:
0x15: {  	s0 =	rddreg [dreg:$0x3]  }
0x16: {  	[spmem:s16], [sflag:s7] =	dma.local [hbm:s0], $0x2800  }
0x17: {  	_ =	swait.ge [sflag:s17], $0x2800  }
0x18: {  	[sflag:s17] =	ssyncset.done $0x0  }
0x19: {  	[sflag:s17] =	ssyncadd.s32 $0xFFFFD800  }
0x1a: {  	[bflag:$0x0] =	sbarrier.arrive $0xFFFF  }
0x1b: {  	[tilespmem:s18], [sflag:$0x3] =	stream.linear.gather [hbm4b:s8+s3], $0x100, $0x38;
	[tilespmem:$0x1C400] =	vst v63  }
0x1c: {  	s22 =	simm.s32 $0x14200  }
0x1d: {  	[tilespmem:s22], [sflag:$0x3] =	stream.linear.gather [hbm4b:s9+s3], $0x100, $0x38;
	[tilespmem:$0x1C400] =	vst v63  }
0x1e: {  	_ =	swait.ge [sflag:s28], $0x100  }
0x1f: {  	[sflag:s28] =	ssyncset.done $0x0  }
0x20: {  	[sflag:s28] =	ssyncadd.s32 $0xFFFFFF00  }
0x21: {  	_ =	swait.ge [sflag:s28], $0x100  }
0x22: {  	[sflag:s28] =	ssyncset.done $0x0  }
0x23: {  	[sflag:s28] =	ssyncadd.s32 $0xFFFFFF00  }
0x24: {  	[tilespmem:s21], [sflag:$0x1] =	stream.indirect.gather [hbm4b:s4+s20], $0x80, s18, s20, $0xb8;
	[tilespmem:$0x1C400] =	vst v63  }
0x25: {  	s24 =	simm.s32 $0x14080  }
0x26: {  	[tilespmem:s23], [sflag:$0x1] =	stream.indirect.gather [hbm4b:s4+s20], $0x80, s24, s20, $0xb8;
	[tilespmem:$0x1C400] =	vst v63  }
0x27: {  	s1 =	simm.s32 $0x14100;
	s25 =	rddreg [dreg:$0x4]  }
0x28: {  	[tilespmem:s1], [sflag:$0x3] =	stream.linear.gather [hbm4b:s25+s3], $0x100, $0x38;
	[tilespmem:$0x1C400] =	vst v63  }
0x29: {  	s6 =	simm.s32 $0x14300;
	s1 =	rddreg [dreg:$0x5]  }
0x2a: {  	[tilespmem:s6], [sflag:$0x3] =	stream.linear.gather [hbm4b:s1+s3], $0x100, $0x38;
	[tilespmem:$0x1C400] =	vst v63  }
0x2b: {  	_ =	swait.ge [sflag:s26], $0x4000  }
0x2c: {  	s10 =	sand.u32 $0x100, s3;
	[sflag:s26] =	ssyncset.done $0x0  }
0x2d: {  	s31 =	sor.u32 $0x14200, s10;
	[sflag:s26] =	ssyncadd.s32 $0xFFFFC000  }
0x2e: {  	[spmem:s2] =	stream.indirect.scatter.add.f32 [tilespmem:s21], [sflag:$0x2], $0x80, s31, s20, $0xb8;
	[tilespmem:$0x1C400] =	vst v63  }
0x2f: {  	_ =	swait.ge [sflag:s26], $0x4000  }
0x30: {  	[sflag:s26] =	ssyncset.done $0x0  }
0x31: {  	s19 =	sor.u32 $0x14280, s10;
	[sflag:s26] =	ssyncadd.s32 $0xFFFFC000  }
0x32: {  	[spmem:s2] =	stream.indirect.scatter.add.f32 [tilespmem:s23], [sflag:$0x2], $0x80, s19, s20, $0xb8;
	[tilespmem:$0x1C400] =	vst v63  }
0x33: {  	_ =	swait.ge [sflag:s28], $0x100  }
0x34: {  	[sflag:s28] =	ssyncset.done $0x0  }
0x35: {  	[sflag:s28] =	ssyncadd.s32 $0xFFFFFF00  }
0x36: {  	_ =	swait.ge [sflag:s28], $0x100  }
0x37: {  	[sflag:s28] =	ssyncset.done $0x0  }
0x38: {  	[sflag:s28] =	ssyncadd.s32 $0xFFFFFF00  }
0x39: {  	_ =	swait.ge [sflag:s29], $0x4000  }
0x3a: {  	s11 =	sadd.s32 $0x0, s8;
	p0 =	sne.s32 s15, $0x20;
	[sflag:s29] =	ssyncset.done $0x0  }
0x3b: {  	s12 =	sadd.s32 $0x40, s11;
	s22 =	sxor.u32 $0x14100, s10;
	[sflag:s29] =	ssyncadd.s32 $0xFFFFC000  }
0x3c: {  	[tilespmem:s21], [sflag:$0x1] =	stream.indirect.gather [hbm4b:s4+s20], $0x80, s22, s20, $0xb8;
	[tilespmem:$0x1C400] =	vst v63  }
0x3d: {  	s0 =	simm.s32 $0x20;
	s24 =	sadd.s32 $0x0, s9;
	_ =	swait.ge [sflag:s29], $0x4000  }
.Ltmp0:
0x3e: {  	s11 =	sadd.s32 $0x40, s24;
	[sflag:s29] =	ssyncset.done $0x0;
	(pc) =	sbr.rel @!p0 .LBB2_3-.Ltmp0, $4  }
0x3f: {  	s24 =	simm.s32 $0x3;
	s25 =	sxor.u32 $0x14180, s10;
	[sflag:s29] =	ssyncadd.s32 $0xFFFFC000  }
0x40: {  	[tilespmem:s23], [sflag:$0x1] =	stream.indirect.gather [hbm4b:s4+s20], $0x80, s25, s20, $0xb8;
	[tilespmem:$0x1C400] =	vst v63  }
0x41: {  	s6 =	sor.u32 $0x14000, s10;
	s1 =	simm.s32 $0x4;
	s10 =	simm.s32 $0x100  }
0x42: {  	[tilespmem:s6], [sflag:$0x3] =	stream.linear.gather [hbm4b:s12+s3], $0x100, $0x38;
	[tilespmem:$0x1C400] =	vst v63  }
.LBB2_2:
0x43: {  	s24 =	smov.u32 s1  }
0x44: {  	[tilespmem:s31], [sflag:$0x3] =	stream.linear.gather [hbm4b:s11+s3], $0x100, $0x38;
	[tilespmem:$0x1C400] =	vst v63  }
0x45: {  	s11 =	smov.u32 s0;
	s0 =	sadd.s32 $0x20, s0;
	_ =	swait.ge [sflag:s26], $0x4000  }
0x46: {  	s6 =	sand.u32 $0x100, s10;
	p0 =	sne.s32 s15, s0;
	[sflag:s26] =	ssyncset.done $0x0  }
0x47: {  	s31 =	sor.u32 $0x14200, s6;
	[sflag:s26] =	ssyncadd.s32 $0xFFFFC000  }
0x48: {  	[spmem:s2] =	stream.indirect.scatter.add.f32 [tilespmem:s21], [sflag:$0x2], $0x80, s31, s20, $0xb8;
	[tilespmem:$0x1C400] =	vst v63  }
0x49: {  	_ =	swait.ge [sflag:s26], $0x4000  }
0x4a: {  	[sflag:s26] =	ssyncset.done $0x0  }
0x4b: {  	s19 =	sor.u32 $0x14280, s6;
	[sflag:s26] =	ssyncadd.s32 $0xFFFFC000  }
0x4c: {  	[spmem:s2] =	stream.indirect.scatter.add.f32 [tilespmem:s23], [sflag:$0x2], $0x80, s19, s20, $0xb8;
	[tilespmem:$0x1C400] =	vst v63  }
0x4d: {  	_ =	swait.ge [sflag:s28], $0x100  }
0x4e: {  	[sflag:s28] =	ssyncset.done $0x0  }
0x4f: {  	[sflag:s28] =	ssyncadd.s32 $0xFFFFFF00  }
0x50: {  	_ =	swait.ge [sflag:s28], $0x100  }
0x51: {  	[sflag:s28] =	ssyncset.done $0x0  }
0x52: {  	[sflag:s28] =	ssyncadd.s32 $0xFFFFFF00  }
0x53: {  	_ =	swait.ge [sflag:s29], $0x4000  }
0x54: {  	[sflag:s29] =	ssyncset.done $0x0  }
0x55: {  	s22 =	sxor.u32 $0x14100, s6;
	[sflag:s29] =	ssyncadd.s32 $0xFFFFC000  }
0x56: {  	[tilespmem:s21], [sflag:$0x1] =	stream.indirect.gather [hbm4b:s4+s20], $0x80, s22, s20, $0xb8;
	[tilespmem:$0x1C400] =	vst v63  }
0x57: {  	_ =	swait.ge [sflag:s29], $0x4000  }
0x58: {  	s12 =	sadd.s32 s11, s8;
	[sflag:s29] =	ssyncset.done $0x0  }
.Ltmp1:
0x59: {  	s25 =	sxor.u32 $0x14180, s6;
	[sflag:s29] =	ssyncadd.s32 $0xFFFFC000;
	(pc) =	sbr.rel @p0 .LBB2_2-.Ltmp1, $4  }
0x5a: {  	[tilespmem:s23], [sflag:$0x1] =	stream.indirect.gather [hbm4b:s4+s20], $0x80, s25, s20, $0xb8;
	[tilespmem:$0x1C400] =	vst v63  }
0x5b: {  	s6 =	sor.u32 $0x14000, s6;
	s11 =	sadd.s32 s11, s9;
	s12 =	sadd.s32 $0x40, s12  }
0x5c: {  	[tilespmem:s6], [sflag:$0x3] =	stream.linear.gather [hbm4b:s12+s3], $0x100, $0x38;
	[tilespmem:$0x1C400] =	vst v63  }
0x5d: {  	s1 =	sadd.s32 $0x1, s1;
	s10 =	sadd.s32 $0x100, s10;
	s11 =	sadd.s32 $0x40, s11  }
.LBB2_3:
0x5e: {  	[tilespmem:s31], [sflag:$0x3] =	stream.linear.gather [hbm4b:s11+s3], $0x100, $0x38;
	[tilespmem:$0x1C400] =	vst v63  }
0x5f: {  	_ =	swait.ge [sflag:s26], $0x4000  }
0x60: {  	s10 =	sand.u32 $0x100, s10;
	[sflag:s26] =	ssyncset.done $0x0  }
0x61: {  	s11 =	sor.u32 $0x14200, s10;
	[sflag:s26] =	ssyncadd.s32 $0xFFFFC000  }
0x62: {  	[spmem:s2] =	stream.indirect.scatter.add.f32 [tilespmem:s21], [sflag:$0x2], $0x80, s11, s20, $0xb8;
	[tilespmem:$0x1C400] =	vst v63  }
0x63: {  	_ =	swait.ge [sflag:s26], $0x4000  }
0x64: {  	[sflag:s26] =	ssyncset.done $0x0  }
0x65: {  	s12 =	sor.u32 $0x14280, s10;
	[sflag:s26] =	ssyncadd.s32 $0xFFFFC000  }
0x66: {  	[spmem:s2] =	stream.indirect.scatter.add.f32 [tilespmem:s23], [sflag:$0x2], $0x80, s12, s20, $0xb8;
	[tilespmem:$0x1C400] =	vst v63  }
0x67: {  	_ =	swait.ge [sflag:s28], $0x100  }
0x68: {  	[sflag:s28] =	ssyncset.done $0x0  }
0x69: {  	[sflag:s28] =	ssyncadd.s32 $0xFFFFFF00  }
0x6a: {  	_ =	swait.ge [sflag:s28], $0x100  }
0x6b: {  	[sflag:s28] =	ssyncset.done $0x0  }
0x6c: {  	[sflag:s28] =	ssyncadd.s32 $0xFFFFFF00  }
0x6d: {  	_ =	swait.ge [sflag:s29], $0x4000  }
0x6e: {  	[sflag:s29] =	ssyncset.done $0x0  }
0x6f: {  	s12 =	sxor.u32 $0x14100, s10;
	[sflag:s29] =	ssyncadd.s32 $0xFFFFC000  }
0x70: {  	[tilespmem:s21], [sflag:$0x1] =	stream.indirect.gather [hbm4b:s4+s20], $0x80, s12, s20, $0xb8;
	[tilespmem:$0x1C400] =	vst v63  }
0x71: {  	_ =	swait.ge [sflag:s29], $0x4000  }
0x72: {  	[sflag:s29] =	ssyncset.done $0x0  }
0x73: {  	p0 =	sge.u32 s24, s5;
	s12 =	sxor.u32 $0x14180, s10;
	[sflag:s29] =	ssyncadd.s32 $0xFFFFC000  }
0x74: {  	[tilespmem:s23], [sflag:$0x1] =	stream.indirect.gather [hbm4b:s4+s20], $0x80, s12, s20, $0xb8;
	[tilespmem:$0x1C400] =	vst v63  }
0x75: {  	s12 =	sadd.s32 @!p0 s0, s8  }
0x76: {  	s24 =	simm.s32 @!p0 $0x0;
	s10 =	sor.u32 @!p0 $0x14000, s10;
	s12 =	sadd.s32 @!p0 $0x40, s12  }
0x77: {  	[tilespmem:s10], [sflag:$0x3] =	stream.linear.gather @!p0 [hbm4b:s12+s24], $0x100, $0x38;
	[tilespmem:$0x1C400] =	vst v63  }
0x78: {  	s10 =	sadd.s32 @!p0 s0, s9  }
0x79: {  	s10 =	sadd.s32 @!p0 $0x40, s10  }
0x7a: {  	[tilespmem:s11], [sflag:$0x3] =	stream.linear.gather @!p0 [hbm4b:s10+s24], $0x100, $0x38;
	[tilespmem:$0x1C400] =	vst v63  }
0x7b: {  	_ =	swait.ge [sflag:s26], $0x4000  }
0x7c: {  	[sflag:s26] =	ssyncset.done $0x0  }
0x7d: {  	[sflag:s26] =	ssyncadd.s32 $0xFFFFC000  }
0x7e: {  	[spmem:s2] =	stream.indirect.scatter.add.f32 [tilespmem:s21], [sflag:$0x2], $0x80, s31, s20, $0xb8;
	[tilespmem:$0x1C400] =	vst v63  }
0x7f: {  	s24 =	sadd.s32 $0xFFFFFFFD, s1;
	_ =	swait.ge [sflag:s26], $0x4000  }
0x80: {  	p0 =	sge.u32 s24, s13;
	[sflag:s26] =	ssyncset.done $0x0  }
0x81: {  	s10 =	simm.s32 @!p0 $0x3;
	[sflag:s26] =	ssyncadd.s32 $0xFFFFC000  }
0x82: {  	[spmem:s2] =	stream.indirect.scatter.add.f32 [tilespmem:s23], [sflag:$0x2], $0x80, s19, s20, $0xb8;
	[tilespmem:$0x1C400] =	vst v63  }
0x83: {  	_ =	swait.ge @!p0 [sflag:s10], $0x100  }
0x84: {  	[sflag:s10] =	ssyncset.done @!p0 $0x0  }
0x85: {  	[sflag:s10] =	ssyncadd.s32 @!p0 $0xFFFFFF00  }
0x86: {  	_ =	swait.ge @!p0 [sflag:s10], $0x100  }
0x87: {  	[sflag:s10] =	ssyncset.done @!p0 $0x0  }
0x88: {  	[sflag:s10] =	ssyncadd.s32 @!p0 $0xFFFFFF00;
	s10 =	simm.s32 @!p0 $0x2  }
0x89: {  	_ =	swait.ge @!p0 [sflag:s10], $0x4000  }
0x8a: {  	[sflag:s10] =	ssyncset.done @!p0 $0x0  }
0x8b: {  	s11 =	simm.s32 @!p0 $0x80;
	s12 =	simm.s32 @!p0 $0x14400;
	[sflag:s10] =	ssyncadd.s32 @!p0 $0xFFFFC000  }
0x8c: {  	[tilespmem:s12], [sflag:$0x1] =	stream.indirect.gather @!p0 [hbm4b:s4+s11], $0x80, s22, s11, $0xb8;
	[tilespmem:$0x1C400] =	vst v63  }
0x8d: {  	_ =	swait.ge @!p0 [sflag:s10], $0x4000  }
0x8e: {  	[sflag:s10] =	ssyncset.done @!p0 $0x0  }
0x8f: {  	p1 =	sge.u32 @!p0 s1, s5;
	[sflag:s10] =	ssyncadd.s32 @!p0 $0xFFFFC000;
	s10 =	simm.s32 @!p0 $0x18400  }
0x90: {  	[tilespmem:s10], [sflag:$0x1] =	stream.indirect.gather @!p0 [hbm4b:s4+s11], $0x80, s25, s11, $0xb8;
	[tilespmem:$0x1C400] =	vst v63  }
0x91: {  	p0 =	por p1, p0  }
0x92: {  	s1 =	sadd.s32 @!p0 s0, s8  }
0x93: {  	s10 =	simm.s32 @!p0 $0x0;
	s0 =	sadd.s32 @!p0 s0, s9;
	s1 =	sadd.s32 @!p0 $0x60, s1  }
0x94: {  	[tilespmem:s6], [sflag:$0x3] =	stream.linear.gather @!p0 [hbm4b:s1+s10], $0x100, $0x38;
	[tilespmem:$0x1C400] =	vst v63  }
0x95: {  	s0 =	sadd.s32 @!p0 $0x60, s0  }
0x96: {  	[tilespmem:s31], [sflag:$0x3] =	stream.linear.gather @!p0 [hbm4b:s0+s10], $0x100, $0x38;
	[tilespmem:$0x1C400] =	vst v63  }
0x97: {  	_ =	swait.ge [sflag:s29], $0x4000  }
0x98: {  	[sflag:s29] =	ssyncset.done $0x0  }
0x99: {  	[sflag:s29] =	ssyncadd.s32 $0xFFFFC000  }
0x9a: {  	_ =	swait.ge [sflag:s29], $0x4000  }
0x9b: {  	[sflag:s29] =	ssyncset.done $0x0  }
0x9c: {  	[sflag:s29] =	ssyncadd.s32 $0xFFFFC000  }
0x9d: {  	[bflag:$0x0] =	sbarrier.arrive $0xFFFF  }
0x9e: {  	[hbm:s14], [sflag:s7] =	dma.local [spmem:s16], $0x2800  }
0x9f: {  	_ =	swait.ge [sflag:s17], $0x2800  }
0xa0: {  	s30 =	sadd.s32 $0x1, s30;
	s31 =	rddreg [dreg:$0x6]  }
0xa1: {  	p0 =	sne.s32 s30, s31  }
.Ltmp2:
0xa2: {  	_ = 	snop;
	(pc) =	sbr.rel @p0 .LBB2_1-.Ltmp2, $3  }
0xa3: {  	_ =	sdelay $0x1  }
0xa4: {  	[sflag:s17] =	ssyncset.done $0x0  }
0xa5: {  	[sflag:s17] =	ssyncadd.s32 $0xFFFFD800  }
0xa6: {  	_ =	sfence.sel $0x180000  }
0xa7: {  	[bflag:$0x0] =	sbarrier.arrive $0xFFFF  }
0xa8: {  	_ =	strace $0x9000004D  }
0xa9: {  	s0 =	stileid.u32;
	[bflag:$0x2] =	sbarrier.arrive $0xFFFF  }
0xaa: {  	p0 =	sne.s32 s0, $0x0;
	s0 =	rddreg [dreg:$0x2]  }
0xab: {  	s0 =	sadd.s32 @!p0 $0x100000, s0  }
0xac: {  	[sflag:s0] =	ssyncadd.tile.s32 @!p0 $0x1;
	_ =	shalt  }
.Lfunc_end2:
_tile_overlayer_lowered:
.L_overlay_start_2:
0xad: {  	(tag) =	ssettag $0x2  }
0xae: {  	s0 =	rddreg [dreg:$0x0];
	s2 =	stileid.u32  }
0xaf: {  	s1 =	rddreg [dreg:$0x1];
	p0 =	sne.s32 s2, $0x0  }
0xb0: {  	s3 =	rddreg [dreg:$0x2];
	[bflag:$0x3] =	sbarrier.arrive $0xFFFF;
	s2 =	simm.s32 @!p0 $0x1C04  }
0xb1: {  	[timem:s3], [sflag:s2] =	dma.local @!p0 [hbm:s0], s1  }
0xb2: {  	s0 =	simm.s32 @!p0 $0x4  }
0xb3: {  	_ =	swait.ge @!p0 [sflag:s0], s1  }
0xb4: {  	s1 =	ssub.s32 @!p0 $0x0, s1;
	[sflag:s0] =	ssyncset.done @!p0 $0x0  }
0xb5: {  	[sflag:s0] =	ssyncadd.s32 @!p0 s1  }
0xb6: {  	[bflag:$0x3] =	sbarrier.arrive $0xFFFF  }
0xb7: {  	_ =	shalt  }

// kernel: kernel.19.cloned.1.call-start
scs
__scs_entry_jumppad:
0x0: {  	(pc) =	sbr.rel $0x88, $3  }
0x1: {  	(tag) =	ssettag $0x0;
	lr =	simm.s32 $0x1  }
0x2: {  	[smem:$0x3F8F] =	sst lr;
	_ =	strace $0xD0000000  }
0x3: {  	_ = 	snop  }
0x4: {  	_ = 	snop  }
0x5: {  	_ = 	snop  }
0x6: {  	_ = 	snop  }
0x7: {  	_ = 	snop  }
__scs_overlays_trampoline_lowered:
0x8: {  	[smem:$0x3F9E] =	sst s0  }
0x9: {  	[smem:$0x3F9F] =	sst s1  }
0xa: {  	[smem:$0x3FA0] =	sst s2  }
0xb: {  	[smem:$0x3FA1] =	sst s3  }
0xc: {  	[smem:$0x3FA2] =	sst s4  }
0xd: {  	[smem:$0x3FA3] =	sst s5  }
0xe: {  	[smem:$0x3FA4] =	sst s6  }
0xf: {  	[smem:$0x3FA5] =	sst s7  }
0x10: {  	[smem:$0x3FA6] =	sst s8  }
0x11: {  	[smem:$0x3FA7] =	sst s9;
	s0 =	simm.s32 @!p0 $0x0  }
0x12: {  	s1 =	sld [smem:$0x3F8D];
	s0 =	simm.s32 @p0 $0x1  }
0x13: {  	[smem:$0x3FA8] =	sst s0;
	s0 =	simm.s32 @!p1 $0x0  }
0x14: {  	s2 =	sld [smem:$0x3F8C];
	s0 =	simm.s32 @p1 $0x1  }
0x15: {  	[smem:$0x3FA9] =	sst s0;
	s0 =	simm.s32 @!p2 $0x0  }
0x16: {  	s3 =	sld [smem:$0x3FDB];
	s0 =	simm.s32 @p2 $0x1  }
0x17: {  	s4 =	simm.s32 $0x1BF5;
	[smem:$0x3FAB] =	sst s0  }
0x18: {  	s0 =	sld [smem:$0x3F8E];
	_ =	swait.ge [sflag:s4], $0x0  }
0x19: {  	s7 =	sld [smem:$0x3F8F]  }
0x1a: {  	s8 =	sadd.s32 $0xFFFFE003, lr  }
0x1b: {  	s9 =	sadd.s32 $0xFFFFFEF7, lr;
	s5 =	simm.s32 $0xFFFFFFFF;
	p2 =	slt.u32 s8, $0xFFFFF086  }
0x1c: {  	p1 =	slt.u32 s9, $0xF7A;
	s5 =	simm.s32 @!p2 $0x0  }
0x1d: {  	s5 =	simm.s32 @p1 $0x1;
	p0 =	seq.s32 s7, s2  }
0x1e: {  	s7 =	smul.u32 @!p0 $0xF7A, s2;
	p2 =	seq.s32 @!p0 s5, $0x0  }
0x1f: {  	s9 =	smul.u32 $0xF7A, s1;
	s8 =	simm.s32 @!p0 $0x1BF5;
	p2 =	por !p2, p0  }
0x20: {  	[sflag:s8] =	ssyncset.s32 @!p0 $0xFFFFF086;
	s6 =	sadd.s32 @!p0 s3, s7;
	s7 =	simm.s32 @!p0 $0x108  }
0x21: {  	s3 =	sadd.s32 s3, s9;
	s6 =	sadd.s32 @!p0 $0x88, s6;
	s7 =	simm.s32 @p2 $0x1082  }
0x22: {  	[simem:s7], [sflag:s8] =	dma.local @!p0 [hbm:s6], $0xF7A  }
0x23: {  	s9 =	sor.u32 $0xD0000000, s2;
	s6 =	simm.s32 $0x108;
	_ =	swait.ge @!p0 [sflag:s8], $0x0  }
0x24: {  	s3 =	sadd.s32 $0x88, s3;
	s6 =	simm.s32 @!p1 $0x1082;
	[sflag:s4] =	ssyncset.s32 $0xFFFFF086  }
0x25: {  	[simem:s6], [sflag:s4] =	dma.local [hbm:s3], $0xF7A  }
0x26: {  	[smem:$0x3F8F] =	sst s1;
	(tag) =	ssettag s2;
	_ =	strace s9  }
0x27: {  	s1 =	sld [smem:$0x3F9F]  }
0x28: {  	s2 =	sld [smem:$0x3FA0]  }
0x29: {  	s4 =	sld [smem:$0x3FA2]  }
0x2a: {  	p0 =	seq.s32 s5, $0x0;
	s5 =	sld [smem:$0x3FA3]  }
0x2b: {  	s6 =	sld [smem:$0x3FA4]  }
0x2c: {  	s7 =	sld [smem:$0x3FA5]  }
0x2d: {  	s3 =	simm.s32 $0x108;
	s8 =	sld [smem:$0x3FA6]  }
0x2e: {  	s3 =	simm.s32 @!p0 $0x1082;
	s9 =	sld [smem:$0x3FA7]  }
0x2f: {  	lr =	sadd.s32 s0, s3;
	s0 =	sld [smem:$0x3F9E]  }
0x30: {  	s3 =	sld [smem:$0x3FA1]  }
0x31: {  	[smem:$0x3FAA] =	sst s10  }
0x32: {  	s10 =	sld [smem:$0x3FA8];
	_ =	sdelay $0x3  }
0x33: {  	p0 =	seq.s32 s10, $0x1;
	s10 =	sld [smem:$0x3FAA];
	_ =	sdelay $0x3  }
0x34: {  	[smem:$0x3FAA] =	sst s10  }
0x35: {  	s10 =	sld [smem:$0x3FA9];
	_ =	sdelay $0x3  }
0x36: {  	p1 =	seq.s32 s10, $0x1;
	s10 =	sld [smem:$0x3FAA];
	_ =	sdelay $0x3  }
0x37: {  	[smem:$0x3FAA] =	sst s10  }
0x38: {  	s10 =	sld [smem:$0x3FAB]  }
0x39: {  	_ = 	snop;
	(pc) =	sbr.ind lr, $3  }
0x3a: {  	_ = 	snop  }
0x3b: {  	_ = 	snop  }
0x3c: {  	p2 =	seq.s32 s10, $0x1;
	s10 =	sld [smem:$0x3FAA]  }
0x3d: {  	_ =	shalt  }
0x3e: {  	_ =	shalt  }
0x3f: {  	_ =	shalt  }
0x40: {  	_ =	shalt  }
0x41: {  	_ =	shalt  }
0x42: {  	_ =	shalt  }
0x43: {  	_ =	shalt  }
0x44: {  	_ =	shalt  }
0x45: {  	_ =	shalt  }
0x46: {  	_ =	shalt  }
0x47: {  	_ =	shalt  }
0x48: {  	_ =	shalt  }
0x49: {  	_ =	shalt  }
0x4a: {  	_ =	shalt  }
0x4b: {  	_ =	shalt  }
0x4c: {  	_ =	shalt  }
0x4d: {  	_ =	shalt  }
0x4e: {  	_ =	shalt  }
0x4f: {  	_ =	shalt  }
0x50: {  	_ =	shalt  }
0x51: {  	_ =	shalt  }
0x52: {  	_ =	shalt  }
0x53: {  	_ =	shalt  }
0x54: {  	_ =	shalt  }
0x55: {  	_ =	shalt  }
0x56: {  	_ =	shalt  }
0x57: {  	_ =	shalt  }
0x58: {  	_ =	shalt  }
0x59: {  	_ =	shalt  }
0x5a: {  	_ =	shalt  }
0x5b: {  	_ =	shalt  }
0x5c: {  	_ =	shalt  }
0x5d: {  	_ =	shalt  }
0x5e: {  	_ =	shalt  }
0x5f: {  	_ =	shalt  }
0x60: {  	_ =	shalt  }
0x61: {  	_ =	shalt  }
0x62: {  	_ =	shalt  }
0x63: {  	_ =	shalt  }
0x64: {  	_ =	shalt  }
0x65: {  	_ =	shalt  }
0x66: {  	_ =	shalt  }
0x67: {  	_ =	shalt  }
0x68: {  	_ =	shalt  }
0x69: {  	_ =	shalt  }
0x6a: {  	_ =	shalt  }
0x6b: {  	_ =	shalt  }
0x6c: {  	_ =	shalt  }
0x6d: {  	_ =	shalt  }
0x6e: {  	_ =	shalt  }
0x6f: {  	_ =	shalt  }
0x70: {  	_ =	shalt  }
0x71: {  	_ =	shalt  }
0x72: {  	_ =	shalt  }
0x73: {  	_ =	shalt  }
0x74: {  	_ =	shalt  }
0x75: {  	_ =	shalt  }
0x76: {  	_ =	shalt  }
0x77: {  	_ =	shalt  }
0x78: {  	_ =	shalt  }
0x79: {  	_ =	shalt  }
0x7a: {  	_ =	shalt  }
0x7b: {  	_ =	shalt  }
0x7c: {  	_ =	shalt  }
0x7d: {  	_ =	shalt  }
0x7e: {  	_ =	shalt  }
0x7f: {  	_ =	shalt  }
0x80: {  	_ =	shalt  }
0x81: {  	_ =	shalt  }
0x82: {  	_ =	shalt  }
0x83: {  	_ =	shalt  }
0x84: {  	_ =	shalt  }
0x85: {  	_ =	shalt  }
0x86: {  	_ =	shalt  }
0x87: {  	_ =	shalt  }
.Lfunc_end0:
.L_simem_size_0:
called_computation.3_lowered:
.L_overlay_start_0:
0x88: {  	s2 =	sld [smem:$0x3FD9]  }
0x89: {  	s3 =	sld [smem:$0x3FFE];
	_ =	sdelay $0x1  }
0x8a: {  	s1 =	srdreg.scid  }
0x8b: {  	s0 =	sand.u32 $0x1, s1  }
0x8c: {  	s16 =	sshll.u32 s0, $0xA;
	s2 =	sadd.s32 s3, s2  }
0x8d: {  	s2 =	sadd.s32 s2, s16  }
0x8e: {  	[smem:$0x3FB6] =	sst s2  }
0x8f: {  	_ = 	snop  }
0x90: {  	(tm) =	ssettm $0x1  }
0x91: {  	s17 =	sld [smem:$0x3FFB];
	_ =	sdelay $0x3  }
0x92: {  	_ =	strace s17  }
0x93: {  	s2 =	sld [smem:$0x3FFC];
	_ =	sdelay $0x3  }
0x94: {  	_ =	strace s2  }
0x95: {  	s2 =	sld [smem:$0x3FFD];
	_ =	sdelay $0x3  }
0x96: {  	_ =	strace s2  }
0x97: {  	_ =	strace $0x8FFFFFFF  }
0x98: {  	s18 =	sld [smem:$0x3FDB];
	_ =	sdelay $0x1  }
0x99: {  	s19 =	simm.s32 $_scs_section_size  }
0x9a: {  	s4 =	simm.s32 $_size__tile_overlayer_lowered;
	s5 =	simm.s32 $_tile_overlayer_lowered  }
0x9b: {  	s22 =	simm.s32 $0x1BFF;
	s21 =	sshll.u32 s5, $0x1;
	s2 =	sadd.s32 s19, s18  }
0x9c: {  	s6 =	simm.s32 $0x0;
	s20 =	sshll.u32 s4, $0x1;
	s4 =	sadd.s32 s21, s2  }
0x9d: {  	[timem:s6], [sflag:s22] =	dma.local [hbm:s4], s20  }
0x9e: {  	_ =	swait.ge [sflag:s22], s20  }
0x9f: {  	s3 =	ssub.s32 $0x0, s20;
	[sflag:s22] =	ssyncset.done $0x0  }
0xa0: {  	[sflag:s22] =	ssyncadd.s32 s3;
	_ =	sdelay $0x1  }
0xa1: {  	s23 =	simm.s32 $0x1B8B  }
0xa2: {  	_ =	swait.ge [sflag:s23], $0x1  }
0xa3: {  	[sflag:s23] =	ssyncset.done $0x0  }
0xa4: {  	s25 =	simm.s32 $0x1B8E;
	s24 =	sld [smem:$0x3FFE];
	[sflag:s23] =	ssyncadd.s32 $0xFFFFFFFF  }
0xa5: {  	s26 =	simm.s32 $execute0_lowered;
	[smem:$0x3FD2] =	sst s25  }
0xa6: {  	s4 =	sshll.u32 s26, $0x1;
	_ =	strace $0x8000004F;
	[dreg:$0x1] =	wrdreg $0xFFFFFFFF  }
0xa7: {  	s28 =	simm.s32 $_size_execute0_lowered;
	s2 =	sadd.s32 s2, s4;
	[dreg:$0x0] =	wrdreg $0x0  }
0xa8: {  	s4 =	sshll.u32 s28, $0x1;
	[dreg:$0x2] =	wrdreg s2  }
0xa9: {  	[dreg:$0x3] =	wrdreg s4  }
0xaa: {  	[dreg:$0x4] =	wrdreg $0xC0  }
0xab: {  	_ =	task [dreg:s6], $0x5FFFF  }
0xac: {  	[dreg:$0x1] =	wrdreg $0xFFFFFFFF  }
0xad: {  	[dreg:$0x0] =	wrdreg $0x60  }
0xae: {  	[dreg:$0x2] =	wrdreg s24  }
0xaf: {  	[dreg:$0x3] =	wrdreg $0x0  }
0xb0: {  	[dreg:$0x4] =	wrdreg $0x9  }
0xb1: {  	_ =	task.clear_ibuf [dreg:s6], $0x5FFFF;
	_ =	strace $0x9000004F  }
0xb2: {  	s29 =	simm.s32 $0x9;
	_ =	strace $0x80000051  }
0xb3: {  	_ =	swait.ge [sflag:s29], $0x1  }
0xb4: {  	[sflag:s29] =	ssyncadd.s32 $0xFFFFFFFF  }
0xb5: {  	_ =	strace $0x90000051  }
0xb6: {  	_ =	sfence  }
0xb7: {  	s30 =	sld [smem:$0x0];
	_ =	sdelay $0x2  }
0xb8: {  	s31 =	sshll.u32 s1, $0xD;
	s1 =	sshrl.u32 s1, $0x2  }
0xb9: {  	s3 =	sand.u32 $0x4000, s31;
	s1 =	sadd.s32 s1, s30  }
0xba: {  	s0 =	sor.u32 s3, s0;
	s1 =	sshll.u32 s1, $0x11  }
0xbb: {  	s0 =	sor.u32 s1, s0  }
0xbc: {  	s0 =	sadd.s32 $0x8F2B, s0  }
0xbd: {  	[sflag:s0] =	ssyncadd.remote.s32 $0x1  }
0xbe: {  	_ =	sfence.sel $0xFFFF  }
0xbf: {  	[dreg:$0x0] =	wrdreg $0xFFFFFFFF;
	(pc) =	sbr.abs _section_cstart, $3  }
0xc0: {  	[dreg:$0x1] =	wrdreg $0xFFFFFFFF  }
0xc1: {  	_ =	task.clear_ibuf [dreg:s6], $0x2FFFF;
	_ =	strace $0x9FFFFFFF  }
0xc2: {  	(tm) =	ssettm $0x7FFFFFFF  }
0xc3: {  	_ =	shalt  }
tec
execute0_lowered:
.L_overlay_start_1:
0x0: {  	(tag) =	ssettag $0x1  }
0x1: {  	s0 =	rddreg [dreg:$0x0]  }
0x2: {  	s2 =	rddreg [dreg:$0x1]  }
0x3: {  	s3 =	simm.s32 $0x0;
	s15 =	stileid.u32;
	s5 =	srdreg.scid  }
0x4: {  	s17 =	simm.s32 $0x4;
	s18 =	simm.s32 $0x14000;
	s20 =	simm.s32 $0x80  }
0x5: {  	s21 =	simm.s32 $0x14400;
	s28 =	simm.s32 $0x3;
	s29 =	simm.s32 $0x2  }
0x6: {  	s30 =	simm.s32 $0x0;
	[smem:$0x7FF] =	sst s3;
	s1 =	smul.u32 $0x14000, s15  }
0x7: {  	s4 =	sadd.s32 $0xAF800, s0;
	s6 =	sadd.s32 $0x4BE00, s0;
	s11 =	sadd.s32 $0x38400, s0  }
0x8: {  	s5 =	sand.u32 $0x1, s5;
	s13 =	sadd.s32 $0xD7800, s0;
	s9 =	smul.u32 $0x5C, s15  }
0x9: {  	s14 =	smul.u32 $0xDE, s15;
	s23 =	sshll.u32 s15, $0x6;
	_ =	strace $0x80000050  }
0xa: {  	s8 =	ssub.s32 $0x2, s5;
	p0 =	seq.s32 s5, $0x0;
	s5 =	simm.s32 $0x6F  }
0xb: {  	s10 =	sshrl.u32 s1, $0x3;
	s12 =	sshrl.u32 s8, $0x1;
	s9 =	sadd.s32 $0xDE0, s9  }
0xc: {  	s5 =	simm.s32 @!p0 $0x2E;
	s1 =	sadd.s32 s1, s2;
	s7 =	sadd.s32 s10, s0  }
0xd: {  	s0 =	sadd.s32 $0xFF800, s0;
	s12 =	ssub.s32 s8, s12;
	s9 =	smov.u32 @p0 s14  }
0xe: {  	s31 =	sshll.u32 s5, $0x5;
	s16 =	sshrl.u32 s1, $0x3;
	s9 =	sshll.u32 s9, $0x4  }
0xf: {  	s7 =	sadd.s32 $0x87800, s7;
	s26 =	smax.u32 s12, $0x1;
	s0 =	smov.u32 @p0 s13  }
0x10: {  	s13 =	sadd.s32 $0xFFFFFFFE, s5;
	s15 =	sadd.s32 $0xFFFFFFC0, s31;
	[dreg:$0x3] =	wrdreg s7  }
0x11: {  	s7 =	sor.u32 $0x1C04, s23;
	s24 =	sadd.s32 $0x20, s9;
	s8 =	sadd.s32 s6, s9  }
0x12: {  	s9 =	sadd.s32 s11, s9;
	[dreg:$0x6] =	wrdreg s26;
	s6 =	sadd.s32 s6, s24  }
0x13: {  	s14 =	sadd.s32 s0, s10;
	s25 =	sadd.s32 s11, s24;
	[dreg:$0x4] =	wrdreg s6  }
0x14: {  	s23 =	simm.s32 $0x18400;
	s26 =	simm.s32 $0x1;
	[dreg:$0x5] =	wrdreg s25  }
.LBB2_1:
0x15: {  	s0 =	rddreg [dreg:$0x3]  }
0x16: {  	[spmem:s16], [sflag:s7] =	dma.local [hbm:s0], $0x2800  }
0x17: {  	_ =	swait.ge [sflag:s17], $0x2800  }
0x18: {  	[sflag:s17] =	ssyncset.done $0x0  }
0x19: {  	[sflag:s17] =	ssyncadd.s32 $0xFFFFD800  }
0x1a: {  	[bflag:$0x0] =	sbarrier.arrive $0xFFFF  }
0x1b: {  	[tilespmem:s18], [sflag:$0x3] =	stream.linear.gather [hbm4b:s8+s3], $0x100, $0x38;
	[tilespmem:$0x1C400] =	vst v63  }
0x1c: {  	s22 =	simm.s32 $0x14200  }
0x1d: {  	[tilespmem:s22], [sflag:$0x3] =	stream.linear.gather [hbm4b:s9+s3], $0x100, $0x38;
	[tilespmem:$0x1C400] =	vst v63  }
0x1e: {  	_ =	swait.ge [sflag:s28], $0x100  }
0x1f: {  	[sflag:s28] =	ssyncset.done $0x0  }
0x20: {  	[sflag:s28] =	ssyncadd.s32 $0xFFFFFF00  }
0x21: {  	_ =	swait.ge [sflag:s28], $0x100  }
0x22: {  	[sflag:s28] =	ssyncset.done $0x0  }
0x23: {  	[sflag:s28] =	ssyncadd.s32 $0xFFFFFF00  }
0x24: {  	[tilespmem:s21], [sflag:$0x1] =	stream.indirect.gather [hbm4b:s4+s20], $0x80, s18, s20, $0xb8;
	[tilespmem:$0x1C400] =	vst v63  }
0x25: {  	s24 =	simm.s32 $0x14080  }
0x26: {  	[tilespmem:s23], [sflag:$0x1] =	stream.indirect.gather [hbm4b:s4+s20], $0x80, s24, s20, $0xb8;
	[tilespmem:$0x1C400] =	vst v63  }
0x27: {  	s1 =	simm.s32 $0x14100;
	s25 =	rddreg [dreg:$0x4]  }
0x28: {  	[tilespmem:s1], [sflag:$0x3] =	stream.linear.gather [hbm4b:s25+s3], $0x100, $0x38;
	[tilespmem:$0x1C400] =	vst v63  }
0x29: {  	s6 =	simm.s32 $0x14300;
	s1 =	rddreg [dreg:$0x5]  }
0x2a: {  	[tilespmem:s6], [sflag:$0x3] =	stream.linear.gather [hbm4b:s1+s3], $0x100, $0x38;
	[tilespmem:$0x1C400] =	vst v63  }
0x2b: {  	_ =	swait.ge [sflag:s26], $0x4000  }
0x2c: {  	s10 =	sand.u32 $0x100, s3;
	[sflag:s26] =	ssyncset.done $0x0  }
0x2d: {  	s31 =	sor.u32 $0x14200, s10;
	[sflag:s26] =	ssyncadd.s32 $0xFFFFC000  }
0x2e: {  	[spmem:s2] =	stream.indirect.scatter.add.f32 [tilespmem:s21], [sflag:$0x2], $0x80, s31, s20, $0xb8;
	[tilespmem:$0x1C400] =	vst v63  }
0x2f: {  	_ =	swait.ge [sflag:s26], $0x4000  }
0x30: {  	[sflag:s26] =	ssyncset.done $0x0  }
0x31: {  	s19 =	sor.u32 $0x14280, s10;
	[sflag:s26] =	ssyncadd.s32 $0xFFFFC000  }
0x32: {  	[spmem:s2] =	stream.indirect.scatter.add.f32 [tilespmem:s23], [sflag:$0x2], $0x80, s19, s20, $0xb8;
	[tilespmem:$0x1C400] =	vst v63  }
0x33: {  	_ =	swait.ge [sflag:s28], $0x100  }
0x34: {  	[sflag:s28] =	ssyncset.done $0x0  }
0x35: {  	[sflag:s28] =	ssyncadd.s32 $0xFFFFFF00  }
0x36: {  	_ =	swait.ge [sflag:s28], $0x100  }
0x37: {  	[sflag:s28] =	ssyncset.done $0x0  }
0x38: {  	[sflag:s28] =	ssyncadd.s32 $0xFFFFFF00  }
0x39: {  	_ =	swait.ge [sflag:s29], $0x4000  }
0x3a: {  	s11 =	sadd.s32 $0x0, s8;
	p0 =	sne.s32 s15, $0x20;
	[sflag:s29] =	ssyncset.done $0x0  }
0x3b: {  	s12 =	sadd.s32 $0x40, s11;
	s22 =	sxor.u32 $0x14100, s10;
	[sflag:s29] =	ssyncadd.s32 $0xFFFFC000  }
0x3c: {  	[tilespmem:s21], [sflag:$0x1] =	stream.indirect.gather [hbm4b:s4+s20], $0x80, s22, s20, $0xb8;
	[tilespmem:$0x1C400] =	vst v63  }
0x3d: {  	s0 =	simm.s32 $0x20;
	s24 =	sadd.s32 $0x0, s9;
	_ =	swait.ge [sflag:s29], $0x4000  }
.Ltmp0:
0x3e: {  	s11 =	sadd.s32 $0x40, s24;
	[sflag:s29] =	ssyncset.done $0x0;
	(pc) =	sbr.rel @!p0 .LBB2_3-.Ltmp0, $4  }
0x3f: {  	s24 =	simm.s32 $0x3;
	s25 =	sxor.u32 $0x14180, s10;
	[sflag:s29] =	ssyncadd.s32 $0xFFFFC000  }
0x40: {  	[tilespmem:s23], [sflag:$0x1] =	stream.indirect.gather [hbm4b:s4+s20], $0x80, s25, s20, $0xb8;
	[tilespmem:$0x1C400] =	vst v63  }
0x41: {  	s6 =	sor.u32 $0x14000, s10;
	s1 =	simm.s32 $0x4;
	s10 =	simm.s32 $0x100  }
0x42: {  	[tilespmem:s6], [sflag:$0x3] =	stream.linear.gather [hbm4b:s12+s3], $0x100, $0x38;
	[tilespmem:$0x1C400] =	vst v63  }
.LBB2_2:
0x43: {  	s24 =	smov.u32 s1  }
0x44: {  	[tilespmem:s31], [sflag:$0x3] =	stream.linear.gather [hbm4b:s11+s3], $0x100, $0x38;
	[tilespmem:$0x1C400] =	vst v63  }
0x45: {  	s11 =	smov.u32 s0;
	s0 =	sadd.s32 $0x20, s0;
	_ =	swait.ge [sflag:s26], $0x4000  }
0x46: {  	s6 =	sand.u32 $0x100, s10;
	p0 =	sne.s32 s15, s0;
	[sflag:s26] =	ssyncset.done $0x0  }
0x47: {  	s31 =	sor.u32 $0x14200, s6;
	[sflag:s26] =	ssyncadd.s32 $0xFFFFC000  }
0x48: {  	[spmem:s2] =	stream.indirect.scatter.add.f32 [tilespmem:s21], [sflag:$0x2], $0x80, s31, s20, $0xb8;
	[tilespmem:$0x1C400] =	vst v63  }
0x49: {  	_ =	swait.ge [sflag:s26], $0x4000  }
0x4a: {  	[sflag:s26] =	ssyncset.done $0x0  }
0x4b: {  	s19 =	sor.u32 $0x14280, s6;
	[sflag:s26] =	ssyncadd.s32 $0xFFFFC000  }
0x4c: {  	[spmem:s2] =	stream.indirect.scatter.add.f32 [tilespmem:s23], [sflag:$0x2], $0x80, s19, s20, $0xb8;
	[tilespmem:$0x1C400] =	vst v63  }
0x4d: {  	_ =	swait.ge [sflag:s28], $0x100  }
0x4e: {  	[sflag:s28] =	ssyncset.done $0x0  }
0x4f: {  	[sflag:s28] =	ssyncadd.s32 $0xFFFFFF00  }
0x50: {  	_ =	swait.ge [sflag:s28], $0x100  }
0x51: {  	[sflag:s28] =	ssyncset.done $0x0  }
0x52: {  	[sflag:s28] =	ssyncadd.s32 $0xFFFFFF00  }
0x53: {  	_ =	swait.ge [sflag:s29], $0x4000  }
0x54: {  	[sflag:s29] =	ssyncset.done $0x0  }
0x55: {  	s22 =	sxor.u32 $0x14100, s6;
	[sflag:s29] =	ssyncadd.s32 $0xFFFFC000  }
0x56: {  	[tilespmem:s21], [sflag:$0x1] =	stream.indirect.gather [hbm4b:s4+s20], $0x80, s22, s20, $0xb8;
	[tilespmem:$0x1C400] =	vst v63  }
0x57: {  	_ =	swait.ge [sflag:s29], $0x4000  }
0x58: {  	s12 =	sadd.s32 s11, s8;
	[sflag:s29] =	ssyncset.done $0x0  }
.Ltmp1:
0x59: {  	s25 =	sxor.u32 $0x14180, s6;
	[sflag:s29] =	ssyncadd.s32 $0xFFFFC000;
	(pc) =	sbr.rel @p0 .LBB2_2-.Ltmp1, $4  }
0x5a: {  	[tilespmem:s23], [sflag:$0x1] =	stream.indirect.gather [hbm4b:s4+s20], $0x80, s25, s20, $0xb8;
	[tilespmem:$0x1C400] =	vst v63  }
0x5b: {  	s6 =	sor.u32 $0x14000, s6;
	s11 =	sadd.s32 s11, s9;
	s12 =	sadd.s32 $0x40, s12  }
0x5c: {  	[tilespmem:s6], [sflag:$0x3] =	stream.linear.gather [hbm4b:s12+s3], $0x100, $0x38;
	[tilespmem:$0x1C400] =	vst v63  }
0x5d: {  	s1 =	sadd.s32 $0x1, s1;
	s10 =	sadd.s32 $0x100, s10;
	s11 =	sadd.s32 $0x40, s11  }
.LBB2_3:
0x5e: {  	[tilespmem:s31], [sflag:$0x3] =	stream.linear.gather [hbm4b:s11+s3], $0x100, $0x38;
	[tilespmem:$0x1C400] =	vst v63  }
0x5f: {  	_ =	swait.ge [sflag:s26], $0x4000  }
0x60: {  	s10 =	sand.u32 $0x100, s10;
	[sflag:s26] =	ssyncset.done $0x0  }
0x61: {  	s11 =	sor.u32 $0x14200, s10;
	[sflag:s26] =	ssyncadd.s32 $0xFFFFC000  }
0x62: {  	[spmem:s2] =	stream.indirect.scatter.add.f32 [tilespmem:s21], [sflag:$0x2], $0x80, s11, s20, $0xb8;
	[tilespmem:$0x1C400] =	vst v63  }
0x63: {  	_ =	swait.ge [sflag:s26], $0x4000  }
0x64: {  	[sflag:s26] =	ssyncset.done $0x0  }
0x65: {  	s12 =	sor.u32 $0x14280, s10;
	[sflag:s26] =	ssyncadd.s32 $0xFFFFC000  }
0x66: {  	[spmem:s2] =	stream.indirect.scatter.add.f32 [tilespmem:s23], [sflag:$0x2], $0x80, s12, s20, $0xb8;
	[tilespmem:$0x1C400] =	vst v63  }
0x67: {  	_ =	swait.ge [sflag:s28], $0x100  }
0x68: {  	[sflag:s28] =	ssyncset.done $0x0  }
0x69: {  	[sflag:s28] =	ssyncadd.s32 $0xFFFFFF00  }
0x6a: {  	_ =	swait.ge [sflag:s28], $0x100  }
0x6b: {  	[sflag:s28] =	ssyncset.done $0x0  }
0x6c: {  	[sflag:s28] =	ssyncadd.s32 $0xFFFFFF00  }
0x6d: {  	_ =	swait.ge [sflag:s29], $0x4000  }
0x6e: {  	[sflag:s29] =	ssyncset.done $0x0  }
0x6f: {  	s12 =	sxor.u32 $0x14100, s10;
	[sflag:s29] =	ssyncadd.s32 $0xFFFFC000  }
0x70: {  	[tilespmem:s21], [sflag:$0x1] =	stream.indirect.gather [hbm4b:s4+s20], $0x80, s12, s20, $0xb8;
	[tilespmem:$0x1C400] =	vst v63  }
0x71: {  	_ =	swait.ge [sflag:s29], $0x4000  }
0x72: {  	[sflag:s29] =	ssyncset.done $0x0  }
0x73: {  	p0 =	sge.u32 s24, s5;
	s12 =	sxor.u32 $0x14180, s10;
	[sflag:s29] =	ssyncadd.s32 $0xFFFFC000  }
0x74: {  	[tilespmem:s23], [sflag:$0x1] =	stream.indirect.gather [hbm4b:s4+s20], $0x80, s12, s20, $0xb8;
	[tilespmem:$0x1C400] =	vst v63  }
0x75: {  	s12 =	sadd.s32 @!p0 s0, s8  }
0x76: {  	s24 =	simm.s32 @!p0 $0x0;
	s10 =	sor.u32 @!p0 $0x14000, s10;
	s12 =	sadd.s32 @!p0 $0x40, s12  }
0x77: {  	[tilespmem:s10], [sflag:$0x3] =	stream.linear.gather @!p0 [hbm4b:s12+s24], $0x100, $0x38;
	[tilespmem:$0x1C400] =	vst v63  }
0x78: {  	s10 =	sadd.s32 @!p0 s0, s9  }
0x79: {  	s10 =	sadd.s32 @!p0 $0x40, s10  }
0x7a: {  	[tilespmem:s11], [sflag:$0x3] =	stream.linear.gather @!p0 [hbm4b:s10+s24], $0x100, $0x38;
	[tilespmem:$0x1C400] =	vst v63  }
0x7b: {  	_ =	swait.ge [sflag:s26], $0x4000  }
0x7c: {  	[sflag:s26] =	ssyncset.done $0x0  }
0x7d: {  	[sflag:s26] =	ssyncadd.s32 $0xFFFFC000  }
0x7e: {  	[spmem:s2] =	stream.indirect.scatter.add.f32 [tilespmem:s21], [sflag:$0x2], $0x80, s31, s20, $0xb8;
	[tilespmem:$0x1C400] =	vst v63  }
0x7f: {  	s24 =	sadd.s32 $0xFFFFFFFD, s1;
	_ =	swait.ge [sflag:s26], $0x4000  }
0x80: {  	p0 =	sge.u32 s24, s13;
	[sflag:s26] =	ssyncset.done $0x0  }
0x81: {  	s10 =	simm.s32 @!p0 $0x3;
	[sflag:s26] =	ssyncadd.s32 $0xFFFFC000  }
0x82: {  	[spmem:s2] =	stream.indirect.scatter.add.f32 [tilespmem:s23], [sflag:$0x2], $0x80, s19, s20, $0xb8;
	[tilespmem:$0x1C400] =	vst v63  }
0x83: {  	_ =	swait.ge @!p0 [sflag:s10], $0x100  }
0x84: {  	[sflag:s10] =	ssyncset.done @!p0 $0x0  }
0x85: {  	[sflag:s10] =	ssyncadd.s32 @!p0 $0xFFFFFF00  }
0x86: {  	_ =	swait.ge @!p0 [sflag:s10], $0x100  }
0x87: {  	[sflag:s10] =	ssyncset.done @!p0 $0x0  }
0x88: {  	[sflag:s10] =	ssyncadd.s32 @!p0 $0xFFFFFF00;
	s10 =	simm.s32 @!p0 $0x2  }
0x89: {  	_ =	swait.ge @!p0 [sflag:s10], $0x4000  }
0x8a: {  	[sflag:s10] =	ssyncset.done @!p0 $0x0  }
0x8b: {  	s11 =	simm.s32 @!p0 $0x80;
	s12 =	simm.s32 @!p0 $0x14400;
	[sflag:s10] =	ssyncadd.s32 @!p0 $0xFFFFC000  }
0x8c: {  	[tilespmem:s12], [sflag:$0x1] =	stream.indirect.gather @!p0 [hbm4b:s4+s11], $0x80, s22, s11, $0xb8;
	[tilespmem:$0x1C400] =	vst v63  }
0x8d: {  	_ =	swait.ge @!p0 [sflag:s10], $0x4000  }
0x8e: {  	[sflag:s10] =	ssyncset.done @!p0 $0x0  }
0x8f: {  	p1 =	sge.u32 @!p0 s1, s5;
	[sflag:s10] =	ssyncadd.s32 @!p0 $0xFFFFC000;
	s10 =	simm.s32 @!p0 $0x18400  }
0x90: {  	[tilespmem:s10], [sflag:$0x1] =	stream.indirect.gather @!p0 [hbm4b:s4+s11], $0x80, s25, s11, $0xb8;
	[tilespmem:$0x1C400] =	vst v63  }
0x91: {  	p0 =	por p1, p0  }
0x92: {  	s1 =	sadd.s32 @!p0 s0, s8  }
0x93: {  	s10 =	simm.s32 @!p0 $0x0;
	s0 =	sadd.s32 @!p0 s0, s9;
	s1 =	sadd.s32 @!p0 $0x60, s1  }
0x94: {  	[tilespmem:s6], [sflag:$0x3] =	stream.linear.gather @!p0 [hbm4b:s1+s10], $0x100, $0x38;
	[tilespmem:$0x1C400] =	vst v63  }
0x95: {  	s0 =	sadd.s32 @!p0 $0x60, s0  }
0x96: {  	[tilespmem:s31], [sflag:$0x3] =	stream.linear.gather @!p0 [hbm4b:s0+s10], $0x100, $0x38;
	[tilespmem:$0x1C400] =	vst v63  }
0x97: {  	_ =	swait.ge [sflag:s29], $0x4000  }
0x98: {  	[sflag:s29] =	ssyncset.done $0x0  }
0x99: {  	[sflag:s29] =	ssyncadd.s32 $0xFFFFC000  }
0x9a: {  	_ =	swait.ge [sflag:s29], $0x4000  }
0x9b: {  	[sflag:s29] =	ssyncset.done $0x0  }
0x9c: {  	[sflag:s29] =	ssyncadd.s32 $0xFFFFC000  }
0x9d: {  	[bflag:$0x0] =	sbarrier.arrive $0xFFFF  }
0x9e: {  	[hbm:s14], [sflag:s7] =	dma.local [spmem:s16], $0x2800  }
0x9f: {  	_ =	swait.ge [sflag:s17], $0x2800  }
0xa0: {  	s30 =	sadd.s32 $0x1, s30;
	s31 =	rddreg [dreg:$0x6]  }
0xa1: {  	p0 =	sne.s32 s30, s31  }
.Ltmp2:
0xa2: {  	_ = 	snop;
	(pc) =	sbr.rel @p0 .LBB2_1-.Ltmp2, $3  }
0xa3: {  	_ =	sdelay $0x1  }
0xa4: {  	[sflag:s17] =	ssyncset.done $0x0  }
0xa5: {  	[sflag:s17] =	ssyncadd.s32 $0xFFFFD800  }
0xa6: {  	_ =	sfence.sel $0x180000  }
0xa7: {  	[bflag:$0x0] =	sbarrier.arrive $0xFFFF  }
0xa8: {  	_ =	strace $0x90000050  }
0xa9: {  	s0 =	stileid.u32;
	[bflag:$0x2] =	sbarrier.arrive $0xFFFF  }
0xaa: {  	p0 =	sne.s32 s0, $0x0;
	s0 =	rddreg [dreg:$0x2]  }
0xab: {  	s0 =	sadd.s32 @!p0 $0x100000, s0  }
0xac: {  	[sflag:s0] =	ssyncadd.tile.s32 @!p0 $0x1;
	_ =	shalt  }
.Lfunc_end2:
_tile_overlayer_lowered:
.L_overlay_start_2:
0xad: {  	(tag) =	ssettag $0x2  }
0xae: {  	s0 =	rddreg [dreg:$0x0];
	s2 =	stileid.u32  }
0xaf: {  	s1 =	rddreg [dreg:$0x1];
	p0 =	sne.s32 s2, $0x0  }
0xb0: {  	s3 =	rddreg [dreg:$0x2];
	[bflag:$0x3] =	sbarrier.arrive $0xFFFF;
	s2 =	simm.s32 @!p0 $0x1C04  }
0xb1: {  	[timem:s3], [sflag:s2] =	dma.local @!p0 [hbm:s0], s1  }
0xb2: {  	s0 =	simm.s32 @!p0 $0x4  }
0xb3: {  	_ =	swait.ge @!p0 [sflag:s0], s1  }
0xb4: {  	s1 =	ssub.s32 @!p0 $0x0, s1;
	[sflag:s0] =	ssyncset.done @!p0 $0x0  }
0xb5: {  	[sflag:s0] =	ssyncadd.s32 @!p0 s1  }
0xb6: {  	[bflag:$0x3] =	sbarrier.arrive $0xFFFF  }
0xb7: {  	_ =	shalt  }

</sc_bundles>
